<compile_context>
chip_gen: v7x
topology: tpu7x:2x2x1
jax: 0.10.2.dev20260603
libtpu: 0.0.44.dev20260713+nightly
codegen_flags: <defaults>
</compile_context>

<pallas_src>
import functools

import jax
import jax.numpy as jnp
from jax import lax
from jax.experimental import pallas as pl
from jax.experimental.pallas import tpu as pltpu
from jax.experimental.pallas import tpu_sc as plsc

N_NODES = 10000
N_PAD = 10240
D_FEAT = 128
HID = 16
NUM_CLASSES = 10
NUM_GRAPHS = 16
NC = 2
NS = 16
NW = NC * NS
CHUNK = 128
ROWS_PER_TILE = N_PAD // NS


def _wid(c, s):
    return s * NC + c


def _make_deg_kernel(tpw):
    mesh = plsc.VectorSubcoreMesh(core_axis_name="c", subcore_axis_name="s")

    @functools.partial(
        pl.kernel,
        out_type=jax.ShapeDtypeStruct((NW, N_PAD), jnp.float32),
        mesh=mesh,
        scratch_types=[
            pltpu.VMEM((tpw,), jnp.int32),
            pltpu.VMEM((N_PAD,), jnp.float32),
        ],
        compiler_params=pltpu.CompilerParams(needs_layout_passes=False),
    )
    def deg_kernel(dst_hbm, out_hbm, dst_v, hist_v):
        w = _wid(lax.axis_index("c"), lax.axis_index("s"))
        pltpu.sync_copy(dst_hbm.at[w], dst_v)
        zeros16 = jnp.zeros((16,), jnp.float32)

        def zbody(i, _):
            hist_v[pl.ds(i * 16, 16)] = zeros16
            return _

        lax.fori_loop(0, N_PAD // 16, zbody, None, unroll=8)
        ones16 = jnp.ones((16,), jnp.float32)

        def cbody(k, _):
            idx = dst_v[pl.ds(k * 16, 16)]
            plsc.addupdate_scatter(hist_v, [idx], ones16)
            return _

        lax.fori_loop(0, tpw // 16, cbody, None, unroll=8)
        pltpu.sync_copy(hist_v, out_hbm.at[w])

    return deg_kernel


NBUF = 8
LOOK = 4


def _make_agg_kernel(tpw):
    nch = tpw // CHUNK
    assert nch % NBUF == 0 and nch // NBUF >= 3
    n_grp = nch // NBUF
    mesh = plsc.VectorSubcoreMesh(core_axis_name="c", subcore_axis_name="s")

    @functools.partial(
        pl.kernel,
        out_type=jax.ShapeDtypeStruct((NC, N_PAD, HID), jnp.float32),
        mesh=mesh,
        scratch_types=(
            [pltpu.VMEM((tpw // CHUNK, CHUNK), jnp.int32)] * 2
            + [pltpu.VMEM((CHUNK, HID), jnp.float32)] * NBUF
            + [pltpu.VMEM_SHARED((N_PAD, HID), jnp.float32)]
            + [pltpu.SemaphoreType.DMA] * (2 * NBUF)
        ),
        compiler_params=pltpu.CompilerParams(
            needs_layout_passes=False, use_tc_tiling_on_sc=False),
    )
    def agg_kernel(g_hbm, src_hbm, dst_hbm, out_hbm, src_v, dst_v, *rest):
        rows_v = rest[:NBUF]
        acc_sh = rest[NBUF]
        gsem = rest[NBUF + 1:NBUF + 1 + NBUF]
        ssem = rest[NBUF + 1 + NBUF:]
        c = lax.axis_index("c")
        s = lax.axis_index("s")
        w = _wid(c, s)
        pltpu.sync_copy(src_hbm.at[w], src_v)
        pltpu.sync_copy(dst_hbm.at[w], dst_v)

        zeros16 = jnp.zeros((16,), jnp.float32)

        def zbody(i, _):
            rows_v[0][i, :] = zeros16
            return _

        lax.fori_loop(0, CHUNK, zbody, None, unroll=8)
        base = s * ROWS_PER_TILE
        for k in range(ROWS_PER_TILE // CHUNK):
            pltpu.sync_copy(rows_v[0], acc_sh.at[pl.ds(base + k * CHUNK, CHUNK)])
        plsc.subcore_barrier()

        def gather_start(j, b):
            pltpu.async_copy(g_hbm.at[src_v.at[j]], rows_v[b], gsem[b])

        def gather_wait(j, b):
            pltpu.make_async_copy(g_hbm.at[src_v.at[j]], rows_v[b],
                                  gsem[b]).wait()

        def scatter_start(j, b):
            pltpu.async_copy(rows_v[b], acc_sh.at[dst_v.at[j]], ssem[b],
                             add=True)

        def scatter_wait(j, b):
            pltpu.make_async_copy(rows_v[b], acc_sh.at[dst_v.at[j]],
                                  ssem[b]).wait()

        def consume(j, b):
            gather_wait(j, b)
            scatter_start(j, b)

        for b in range(LOOK):
            gather_start(jnp.int32(b), b)
        for b in range(NBUF):
            j = jnp.int32(b)
            consume(j, b)
            if b >= LOOK:
                scatter_wait(j - LOOK, (b + LOOK) % NBUF)
            gather_start(j + LOOK, (b + LOOK) % NBUF)

        def group(jo, _):
            for b in range(NBUF):
                j = jo * NBUF + b
                consume(j, b)
                scatter_wait(j - LOOK, (b + LOOK) % NBUF)
                gather_start(j + LOOK, (b + LOOK) % NBUF)
            return _

        lax.fori_loop(1, n_grp - 1, group, None)
        for b in range(NBUF):
            j = jnp.int32((n_grp - 1) * NBUF + b)
            consume(j, b)
            scatter_wait(j - LOOK, (b + LOOK) % NBUF)
            if b < NBUF - LOOK:
                gather_start(j + LOOK, (b + LOOK) % NBUF)
        for b in range(LOOK):
            scatter_wait(jnp.int32(nch - LOOK + b), (NBUF - LOOK + b) % NBUF)

        plsc.subcore_barrier()
        pltpu.sync_copy(acc_sh.at[pl.ds(base, ROWS_PER_TILE)],
                        out_hbm.at[c, pl.ds(base, ROWS_PER_TILE)])

    return agg_kernel


_NB = 2048
_NR = _NB // 8


def _a_body(xg_ref, w_ref, deg_ref, am_ref, bm_ref, g_ref, dinv_ref):
    deg_col = lax.dot_general(
        deg_ref[...], jnp.ones((NW, 1), jnp.float32),
        (((0,), (0,)), ((), ())), preferred_element_type=jnp.float32)
    dinv_col = lax.rsqrt(deg_col + 1.0)
    dinv128 = jnp.dot(am_ref[...], dinv_col * bm_ref[...],
                      preferred_element_type=jnp.float32)
    h128 = jnp.dot(xg_ref[...], w_ref[...],
                   preferred_element_type=jnp.float32)
    g_ref[...] = h128 * dinv128
    dinv_ref[...] = dinv128


def _c_body(acc_ref, g1_ref, dinv_ref, w_ref, b_ref, g2_ref):
    dinv = dinv_ref[...]
    srow = acc_ref[0] + acc_ref[1] + g1_ref[...]
    out1 = jnp.maximum(dinv * srow + b_ref[...], 0.0)
    h2 = jnp.dot(out1, w_ref[...], preferred_element_type=jnp.float32)
    g2_ref[...] = h2 * dinv


def _e_body(acc_ref, g2_ref, dinv_ref, b_ref, batch_ref, out_ref):
    dinv = dinv_ref[...]
    srow = acc_ref[0] + acc_ref[1] + g2_ref[...]
    out2 = dinv * srow + b_ref[...]
    gid = lax.broadcasted_iota(jnp.int32, (NUM_GRAPHS, N_PAD // 8), 0)
    sums = jnp.zeros((NUM_GRAPHS, HID), jnp.float32)
    counts = jnp.zeros((NUM_GRAPHS, 1), jnp.float32)
    for j in range(8):
        oh = (gid == batch_ref[pl.ds(j, 1), :]).astype(jnp.float32)
        sums = sums + jnp.dot(oh, out2[:, j * HID:(j + 1) * HID],
                              preferred_element_type=jnp.float32)
        counts = counts + jnp.sum(oh, axis=1, keepdims=True)
    pooled = sums / jnp.maximum(counts, 1.0)
    logits = pooled[:, :NUM_CLASSES]
    m = jnp.max(logits, axis=1, keepdims=True)
    shifted = logits - m
    out_ref[...] = shifted - jnp.log(
        jnp.sum(jnp.exp(shifted), axis=1, keepdims=True))


def _tc_scale1(xg, W1bd, deg32, amask, bmask):
    return pl.pallas_call(
        _a_body,
        grid=(N_PAD // _NB,),
        in_specs=[
            pl.BlockSpec((_NR, 8 * D_FEAT), lambda i: (i, 0)),
            pl.BlockSpec((8 * D_FEAT, 128), lambda i: (0, 0)),
            pl.BlockSpec((NW, _NB), lambda i: (0, i)),
            pl.BlockSpec((_NR, _NB), lambda i: (0, 0)),
            pl.BlockSpec((_NB, 128), lambda i: (0, 0)),
        ],
        out_specs=[pl.BlockSpec((_NR, 128), lambda i: (i, 0)),
                   pl.BlockSpec((_NR, 128), lambda i: (i, 0))],
        out_shape=[jax.ShapeDtypeStruct((N_PAD // 8, 128), jnp.float32),
                   jax.ShapeDtypeStruct((N_PAD // 8, 128), jnp.float32)],
    )(xg, W1bd, deg32, amask, bmask)


def _tc_scale2(acc1r, g1r, dinvf, W2bd, b1t):
    return pl.pallas_call(
        _c_body,
        grid=(N_PAD // _NB,),
        in_specs=[
            pl.BlockSpec((NC, _NR, 128), lambda i: (0, i, 0)),
            pl.BlockSpec((_NR, 128), lambda i: (i, 0)),
            pl.BlockSpec((_NR, 128), lambda i: (i, 0)),
            pl.BlockSpec((128, 128), lambda i: (0, 0)),
            pl.BlockSpec((1, 128), lambda i: (0, 0)),
        ],
        out_specs=pl.BlockSpec((_NR, 128), lambda i: (i, 0)),
        out_shape=jax.ShapeDtypeStruct((N_PAD // 8, 128), jnp.float32),
    )(acc1r, g1r, dinvf, W2bd, b1t)


def _tc_pool(acc2r, g2r, dinvf, b2t, batchg):
    return pl.pallas_call(
        _e_body,
        in_specs=[
            pl.BlockSpec(acc2r.shape, lambda: (0, 0, 0)),
            pl.BlockSpec(g2r.shape, lambda: (0, 0)),
            pl.BlockSpec(dinvf.shape, lambda: (0, 0)),
            pl.BlockSpec(b2t.shape, lambda: (0, 0)),
            pl.BlockSpec(batchg.shape, lambda: (0, 0)),
        ],
        out_specs=pl.BlockSpec((NUM_GRAPHS, NUM_CLASSES), lambda: (0, 0)),
        out_shape=jax.ShapeDtypeStruct((NUM_GRAPHS, NUM_CLASSES), jnp.float32),
    )(acc2r, g2r, dinvf, b2t, batchg)


def kernel(x, edge_index, batch, W1, b1, W2, b2):
    args = (x.astype(jnp.float32),
            edge_index.astype(jnp.int32),
            batch.astype(jnp.int32),
            W1.astype(jnp.float32), b1.astype(jnp.float32),
            W2.astype(jnp.float32), b2.astype(jnp.float32))
    with jax.enable_x64(False):
        out = _impl(*args)
    return out.astype(jnp.float64)


def _impl(x, edge_index, batch, W1, b1, W2, b2):
    n_edges = edge_index.shape[1]
    e_pad = -(-n_edges // (NW * CHUNK * NBUF)) * (NW * CHUNK * NBUF)
    tpw = e_pad // NW

    pad_idx = (jnp.arange(e_pad - n_edges, dtype=jnp.int32)
               % (N_PAD - N_NODES)) + N_NODES
    dstp = jnp.concatenate([edge_index[1], pad_idx]).reshape(
        NW, tpw // CHUNK, CHUNK)
    src_row, dstp = lax.optimization_barrier((edge_index[0], dstp))
    srcp = jnp.concatenate([src_row, pad_idx]).reshape(
        NW, tpw // CHUNK, CHUNK)

    xp = jnp.pad(x, ((0, N_PAD - N_NODES), (0, 0)))
    xg = xp.reshape(N_PAD // 8, 8 * D_FEAT)
    eye8 = jnp.eye(8, dtype=jnp.float32)
    W1bd = jnp.kron(eye8, W1)
    W2p = jnp.pad(W2, ((0, 0), (0, HID - NUM_CLASSES)))
    W2bd = jnp.kron(eye8, W2p)
    b1t = jnp.tile(b1, 8).reshape(1, 128)
    b2t = jnp.tile(jnp.pad(b2, (0, HID - NUM_CLASSES)), 8).reshape(1, 128)
    batchg = jnp.pad(batch, (0, N_PAD - N_NODES),
                     constant_values=NUM_GRAPHS).reshape(N_PAD // 8, 8).T
    n_ar = jnp.arange(_NB, dtype=jnp.int32)
    amask = (n_ar[None, :] // 8 == jnp.arange(_NR,
             dtype=jnp.int32)[:, None]).astype(jnp.float32)
    bmask = (n_ar[:, None] % 8 == jnp.arange(128,
             dtype=jnp.int32)[None, :] // HID).astype(jnp.float32)

    deg32 = _make_deg_kernel(tpw)(dstp.reshape(NW, tpw))
    g1r, dinvf = _tc_scale1(xg, W1bd, deg32, amask, bmask)
    agg = _make_agg_kernel(tpw)
    acc1 = agg(g1r.reshape(N_PAD, HID), srcp, dstp)
    acc1r = acc1.reshape(NC, N_PAD // 8, 128)
    g2r = _tc_scale2(acc1r, g1r, dinvf, W2bd, b1t)
    acc2 = agg(g2r.reshape(N_PAD, HID), srcp, dstp)
    acc2r = acc2.reshape(NC, N_PAD // 8, 128)
    return _tc_pool(acc2r, g2r, dinvf, b2t, batchg)

# --- scband reference (transcript-rebuilt; emitter-appended) ---
"""Pipeline reference for scband-gcn-70428873720075 (READ-ONLY COPY).

The authoritative reference and input builder live on the scoring server;
editing this copy changes nothing except your own understanding.
"""

import jax
jax.config.update('jax_enable_x64', True)
import jax.numpy as jnp
import numpy as np

N_NODES = 10000
N_EDGES = 320000
D_FEAT = 128
HIDDEN = 16
NUM_CLASSES = 10
NUM_GRAPHS = 16


def setup_inputs(seed: int = 0) -> dict:
    key = jax.random.key(seed)
    k1, k2, k3, k4, k5 = jax.random.split(key, 5)
    x = jax.random.normal(k1, (N_NODES, D_FEAT), dtype=jnp.float32)
    edge_index = jax.random.randint(k2, (2, N_EDGES), 0, N_NODES, dtype=jnp.int64)
    batch = jnp.sort(jax.random.randint(k3, (N_NODES,), 0, NUM_GRAPHS, dtype=jnp.int64))
    W1 = jax.random.normal(k4, (D_FEAT, HIDDEN), dtype=jnp.float32) * (1.0 / np.sqrt(D_FEAT))
    b1 = jnp.zeros((HIDDEN,), dtype=jnp.float32)
    W2 = jax.random.normal(k5, (HIDDEN, NUM_CLASSES), dtype=jnp.float32) * (1.0 / np.sqrt(HIDDEN))
    b2 = jnp.zeros((NUM_CLASSES,), dtype=jnp.float32)
    return {"x": x, "edge_index": edge_index, "batch": batch, "W1": W1, "b1": b1, "W2": W2, "b2": b2}


def _gcn_conv(x, edge_index, W, b, num_nodes):
    # PyG GCNConv: add self-loops, symmetric normalization D^-1/2 A D^-1/2, linear, aggregate, bias
    self_loop = jnp.arange(num_nodes, dtype=edge_index.dtype)
    src = jnp.concatenate([edge_index[0], self_loop])
    dst = jnp.concatenate([edge_index[1], self_loop])
    deg = jax.ops.segment_sum(jnp.ones_like(dst, dtype=x.dtype), dst, num_segments=num_nodes)
    deg_inv_sqrt = jnp.where(deg > 0, jax.lax.rsqrt(jnp.maximum(deg, 1e-12)), 0.0)
    norm = deg_inv_sqrt[src] * deg_inv_sqrt[dst]
    h = x @ W
    msg = h[src] * norm[:, None]
    out = jax.ops.segment_sum(msg, dst, num_segments=num_nodes)
    return out + b


def reference(x, edge_index, batch, W1, b1, W2, b2):
    num_nodes = x.shape[0]
    h = _gcn_conv(x, edge_index, W1, b1, num_nodes)
    h = jax.nn.relu(h)
    h = _gcn_conv(h, edge_index, W2, b2, num_nodes)
    sums = jax.ops.segment_sum(h, batch, num_segments=NUM_GRAPHS)
    counts = jax.ops.segment_sum(jnp.ones((num_nodes,), dtype=h.dtype), batch, num_segments=NUM_GRAPHS)
    pooled = sums / jnp.maximum(counts, 1.0)[:, None]
    return jax.nn.log_softmax(pooled, axis=1)

if __name__ == "__main__":
    import jax
    _d = setup_inputs()
    print(jax.jit(kernel)(*tuple(_d.values())))

</pallas_src>

<mosaic_0001>
#map = affine_map<(d0, d1) -> (0, 0)>
#map1 = affine_map<(d0, d1) -> (0, 0, 0)>
module attributes {stable_mosaic.version = 14 : i64} {
  func.func @agg_kernel(%arg0: i32, %arg1: i32, %arg2: memref<10240x16xf32, #tpu.memory_space<hbm>>, %arg3: memref<32x80x128xi32, #tpu.memory_space<hbm>>, %arg4: memref<32x80x128xi32, #tpu.memory_space<hbm>>, %arg5: memref<2x10240x16xf32, #tpu.memory_space<hbm>>, %arg6: memref<80x128xi32, #tpu.memory_space<vmem>>, %arg7: memref<80x128xi32, #tpu.memory_space<vmem>>, %arg8: memref<128x16xf32, #tpu.memory_space<vmem>>, %arg9: memref<128x16xf32, #tpu.memory_space<vmem>>, %arg10: memref<128x16xf32, #tpu.memory_space<vmem>>, %arg11: memref<128x16xf32, #tpu.memory_space<vmem>>, %arg12: memref<128x16xf32, #tpu.memory_space<vmem>>, %arg13: memref<128x16xf32, #tpu.memory_space<vmem>>, %arg14: memref<128x16xf32, #tpu.memory_space<vmem>>, %arg15: memref<128x16xf32, #tpu.memory_space<vmem>>, %arg16: memref<10240x16xf32, #tpu.memory_space<vmem_shared>>, %arg17: memref<!tpu.dma_semaphore, #tpu.memory_space<semaphore_mem>>, %arg18: memref<!tpu.dma_semaphore, #tpu.memory_space<semaphore_mem>>, %arg19: memref<!tpu.dma_semaphore, #tpu.memory_space<semaphore_mem>>, %arg20: memref<!tpu.dma_semaphore, #tpu.memory_space<semaphore_mem>>, %arg21: memref<!tpu.dma_semaphore, #tpu.memory_space<semaphore_mem>>, %arg22: memref<!tpu.dma_semaphore, #tpu.memory_space<semaphore_mem>>, %arg23: memref<!tpu.dma_semaphore, #tpu.memory_space<semaphore_mem>>, %arg24: memref<!tpu.dma_semaphore, #tpu.memory_space<semaphore_mem>>, %arg25: memref<!tpu.dma_semaphore, #tpu.memory_space<semaphore_mem>>, %arg26: memref<!tpu.dma_semaphore, #tpu.memory_space<semaphore_mem>>, %arg27: memref<!tpu.dma_semaphore, #tpu.memory_space<semaphore_mem>>, %arg28: memref<!tpu.dma_semaphore, #tpu.memory_space<semaphore_mem>>, %arg29: memref<!tpu.dma_semaphore, #tpu.memory_space<semaphore_mem>>, %arg30: memref<!tpu.dma_semaphore, #tpu.memory_space<semaphore_mem>>, %arg31: memref<!tpu.dma_semaphore, #tpu.memory_space<semaphore_mem>>, %arg32: memref<!tpu.dma_semaphore, #tpu.memory_space<semaphore_mem>>) attributes {dimension_semantics = [#tpu.dimension_semantics<core_parallel>, #tpu.dimension_semantics<subcore_parallel>], iteration_bounds = array<i64: 2, 16>, scalar_prefetch = 0 : i64, scratch_operands = 27 : i64, tpu.core_type = #tpu.core_type<sc_vector_subcore>, window_params = [{transform_indices = #map}, {transform_indices = #map1}, {transform_indices = #map1}, {transform_indices = #map1}]} {
    %mul3A = arith.constant 2 : i32
    %mul3A_0 = arith.muli %arg1, %mul3A : i32
    %add3A = arith.addi %mul3A_0, %arg0 : i32
    "tpu.region"() ({
      %run_scoped3A = tpu.sem_alloc : memref<!tpu.dma_semaphore, #tpu.memory_space<semaphore_mem>>
      %dma_start3A_517 = arith.constant 0 : i32
      %dma_start3A_518 = arith.constant 0 : i32
      %dma_start3A_519 = tpu.memref_slice %arg3[%add3A, %dma_start3A_517, %dma_start3A_518] : memref<32x80x128xi32, #tpu.memory_space<hbm>> -> memref<1x80x128xi32, #tpu.memory_space<hbm>>
      %dma_start3A_520 = tpu.memref_squeeze %dma_start3A_519 : memref<1x80x128xi32, #tpu.memory_space<hbm>> -> memref<80x128xi32, #tpu.memory_space<hbm>>
      %dma_start3A_521 = arith.constant 0 : i32
      %dma_start3A_522 = arith.constant 0 : i32
      %dma_start3A_523 = tpu.memref_slice %arg3[%add3A, %dma_start3A_521, %dma_start3A_522] : memref<32x80x128xi32, #tpu.memory_space<hbm>> -> memref<1x80x128xi32, #tpu.memory_space<hbm>>
      %dma_start3A_524 = tpu.memref_squeeze %dma_start3A_523 : memref<1x80x128xi32, #tpu.memory_space<hbm>> -> memref<80x128xi32, #tpu.memory_space<hbm>>
      tpu.enqueue_dma source(%dma_start3A_524 : memref<80x128xi32, #tpu.memory_space<hbm>>) target(%arg6 : memref<80x128xi32, #tpu.memory_space<vmem>>) target_semaphore(%run_scoped3A : memref<!tpu.dma_semaphore, #tpu.memory_space<semaphore_mem>>)
      %dma_wait3A_525 = arith.constant 0 : i32
      %dma_wait3A_526 = arith.constant 0 : i32
      %dma_wait3A_527 = tpu.memref_slice %arg3[%add3A, %dma_wait3A_525, %dma_wait3A_526] : memref<32x80x128xi32, #tpu.memory_space<hbm>> -> memref<1x80x128xi32, #tpu.memory_space<hbm>>
      %dma_wait3A_528 = tpu.memref_squeeze %dma_wait3A_527 : memref<1x80x128xi32, #tpu.memory_space<hbm>> -> memref<80x128xi32, #tpu.memory_space<hbm>>
      %dma_wait3A_529 = arith.constant 0 : i32
      %dma_wait3A_530 = arith.constant 0 : i32
      %dma_wait3A_531 = tpu.memref_slice %arg3[%add3A, %dma_wait3A_529, %dma_wait3A_530] : memref<32x80x128xi32, #tpu.memory_space<hbm>> -> memref<1x80x128xi32, #tpu.memory_space<hbm>>
      %dma_wait3A_532 = tpu.memref_squeeze %dma_wait3A_531 : memref<1x80x128xi32, #tpu.memory_space<hbm>> -> memref<80x128xi32, #tpu.memory_space<hbm>>
      tpu.wait_dma2 semaphore(%run_scoped3A : memref<!tpu.dma_semaphore, #tpu.memory_space<semaphore_mem>>) src(%dma_wait3A_532 : memref<80x128xi32, #tpu.memory_space<hbm>>) dst(%arg6 : memref<80x128xi32, #tpu.memory_space<vmem>>)
      tpu.yield
    }) : () -> ()
    "tpu.region"() ({
      %run_scoped3A = tpu.sem_alloc : memref<!tpu.dma_semaphore, #tpu.memory_space<semaphore_mem>>
      %dma_start3A_517 = arith.constant 0 : i32
      %dma_start3A_518 = arith.constant 0 : i32
      %dma_start3A_519 = tpu.memref_slice %arg4[%add3A, %dma_start3A_517, %dma_start3A_518] : memref<32x80x128xi32, #tpu.memory_space<hbm>> -> memref<1x80x128xi32, #tpu.memory_space<hbm>>
      %dma_start3A_520 = tpu.memref_squeeze %dma_start3A_519 : memref<1x80x128xi32, #tpu.memory_space<hbm>> -> memref<80x128xi32, #tpu.memory_space<hbm>>
      %dma_start3A_521 = arith.constant 0 : i32
      %dma_start3A_522 = arith.constant 0 : i32
      %dma_start3A_523 = tpu.memref_slice %arg4[%add3A, %dma_start3A_521, %dma_start3A_522] : memref<32x80x128xi32, #tpu.memory_space<hbm>> -> memref<1x80x128xi32, #tpu.memory_space<hbm>>
      %dma_start3A_524 = tpu.memref_squeeze %dma_start3A_523 : memref<1x80x128xi32, #tpu.memory_space<hbm>> -> memref<80x128xi32, #tpu.memory_space<hbm>>
      tpu.enqueue_dma source(%dma_start3A_524 : memref<80x128xi32, #tpu.memory_space<hbm>>) target(%arg7 : memref<80x128xi32, #tpu.memory_space<vmem>>) target_semaphore(%run_scoped3A : memref<!tpu.dma_semaphore, #tpu.memory_space<semaphore_mem>>)
      %dma_wait3A_525 = arith.constant 0 : i32
      %dma_wait3A_526 = arith.constant 0 : i32
      %dma_wait3A_527 = tpu.memref_slice %arg4[%add3A, %dma_wait3A_525, %dma_wait3A_526] : memref<32x80x128xi32, #tpu.memory_space<hbm>> -> memref<1x80x128xi32, #tpu.memory_space<hbm>>
      %dma_wait3A_528 = tpu.memref_squeeze %dma_wait3A_527 : memref<1x80x128xi32, #tpu.memory_space<hbm>> -> memref<80x128xi32, #tpu.memory_space<hbm>>
      %dma_wait3A_529 = arith.constant 0 : i32
      %dma_wait3A_530 = arith.constant 0 : i32
      %dma_wait3A_531 = tpu.memref_slice %arg4[%add3A, %dma_wait3A_529, %dma_wait3A_530] : memref<32x80x128xi32, #tpu.memory_space<hbm>> -> memref<1x80x128xi32, #tpu.memory_space<hbm>>
      %dma_wait3A_532 = tpu.memref_squeeze %dma_wait3A_531 : memref<1x80x128xi32, #tpu.memory_space<hbm>> -> memref<80x128xi32, #tpu.memory_space<hbm>>
      tpu.wait_dma2 semaphore(%run_scoped3A : memref<!tpu.dma_semaphore, #tpu.memory_space<semaphore_mem>>) src(%dma_wait3A_532 : memref<80x128xi32, #tpu.memory_space<hbm>>) dst(%arg7 : memref<80x128xi32, #tpu.memory_space<vmem>>)
      tpu.yield
    }) : () -> ()
    %broadcast_in_dim3A = arith.constant 0.000000e+00 : f32
    %broadcast_in_dim3A_1 = vector.broadcast %broadcast_in_dim3A : f32 to vector<16xf32>
    %scan3A = arith.constant 0 : i32
    %scan3A_2 = arith.constant 128 : i32
    %scan3A_3 = arith.addi %scan3A, %scan3A_2 : i32
    %scan3A_4 = arith.constant 8 : i32
    scf.for %scan3A_517 = %scan3A to %scan3A_3 step %scan3A_4  : i32 {
      %swap3A = arith.index_cast %scan3A_517 : i32 to index
      %swap3A_518 = arith.constant 0 : index
      %swap3A_519 = tpu.vector_load %arg8[%swap3A, %swap3A_518] {strides = array<i32>} : memref<128x16xf32, #tpu.memory_space<vmem>>, vector<16xf32>,
      tpu.vector_store %arg8[%swap3A, %swap3A_518], %broadcast_in_dim3A_1 {strides = array<i32>} : memref<128x16xf32, #tpu.memory_space<vmem>>, vector<16xf32>,
      %scan3A_520 = arith.constant 1 : i32
      %scan3A_521 = arith.addi %scan3A_517, %scan3A_520 : i32
      %swap3A_522 = arith.index_cast %scan3A_521 : i32 to index
      %swap3A_523 = arith.constant 0 : index
      %swap3A_524 = tpu.vector_load %arg8[%swap3A_522, %swap3A_523] {strides = array<i32>} : memref<128x16xf32, #tpu.memory_space<vmem>>, vector<16xf32>,
      tpu.vector_store %arg8[%swap3A_522, %swap3A_523], %broadcast_in_dim3A_1 {strides = array<i32>} : memref<128x16xf32, #tpu.memory_space<vmem>>, vector<16xf32>,
      %scan3A_525 = arith.constant 2 : i32
      %scan3A_526 = arith.addi %scan3A_517, %scan3A_525 : i32
      %swap3A_527 = arith.index_cast %scan3A_526 : i32 to index
      %swap3A_528 = arith.constant 0 : index
      %swap3A_529 = tpu.vector_load %arg8[%swap3A_527, %swap3A_528] {strides = array<i32>} : memref<128x16xf32, #tpu.memory_space<vmem>>, vector<16xf32>,
      tpu.vector_store %arg8[%swap3A_527, %swap3A_528], %broadcast_in_dim3A_1 {strides = array<i32>} : memref<128x16xf32, #tpu.memory_space<vmem>>, vector<16xf32>,
      %scan3A_530 = arith.constant 3 : i32
      %scan3A_531 = arith.addi %scan3A_517, %scan3A_530 : i32
      %swap3A_532 = arith.index_cast %scan3A_531 : i32 to index
      %swap3A_533 = arith.constant 0 : index
      %swap3A_534 = tpu.vector_load %arg8[%swap3A_532, %swap3A_533] {strides = array<i32>} : memref<128x16xf32, #tpu.memory_space<vmem>>, vector<16xf32>,
      tpu.vector_store %arg8[%swap3A_532, %swap3A_533], %broadcast_in_dim3A_1 {strides = array<i32>} : memref<128x16xf32, #tpu.memory_space<vmem>>, vector<16xf32>,
      %scan3A_535 = arith.constant 4 : i32
      %scan3A_536 = arith.addi %scan3A_517, %scan3A_535 : i32
      %swap3A_537 = arith.index_cast %scan3A_536 : i32 to index
      %swap3A_538 = arith.constant 0 : index
      %swap3A_539 = tpu.vector_load %arg8[%swap3A_537, %swap3A_538] {strides = array<i32>} : memref<128x16xf32, #tpu.memory_space<vmem>>, vector<16xf32>,
      tpu.vector_store %arg8[%swap3A_537, %swap3A_538], %broadcast_in_dim3A_1 {strides = array<i32>} : memref<128x16xf32, #tpu.memory_space<vmem>>, vector<16xf32>,
      %scan3A_540 = arith.constant 5 : i32
      %scan3A_541 = arith.addi %scan3A_517, %scan3A_540 : i32
      %swap3A_542 = arith.index_cast %scan3A_541 : i32 to index
      %swap3A_543 = arith.constant 0 : index
      %swap3A_544 = tpu.vector_load %arg8[%swap3A_542, %swap3A_543] {strides = array<i32>} : memref<128x16xf32, #tpu.memory_space<vmem>>, vector<16xf32>,
      tpu.vector_store %arg8[%swap3A_542, %swap3A_543], %broadcast_in_dim3A_1 {strides = array<i32>} : memref<128x16xf32, #tpu.memory_space<vmem>>, vector<16xf32>,
      %scan3A_545 = arith.constant 6 : i32
      %scan3A_546 = arith.addi %scan3A_517, %scan3A_545 : i32
      %swap3A_547 = arith.index_cast %scan3A_546 : i32 to index
      %swap3A_548 = arith.constant 0 : index
      %swap3A_549 = tpu.vector_load %arg8[%swap3A_547, %swap3A_548] {strides = array<i32>} : memref<128x16xf32, #tpu.memory_space<vmem>>, vector<16xf32>,
      tpu.vector_store %arg8[%swap3A_547, %swap3A_548], %broadcast_in_dim3A_1 {strides = array<i32>} : memref<128x16xf32, #tpu.memory_space<vmem>>, vector<16xf32>,
      %scan3A_550 = arith.constant 7 : i32
      %scan3A_551 = arith.addi %scan3A_517, %scan3A_550 : i32
      %swap3A_552 = arith.index_cast %scan3A_551 : i32 to index
      %swap3A_553 = arith.constant 0 : index
      %swap3A_554 = tpu.vector_load %arg8[%swap3A_552, %swap3A_553] {strides = array<i32>} : memref<128x16xf32, #tpu.memory_space<vmem>>, vector<16xf32>,
      tpu.vector_store %arg8[%swap3A_552, %swap3A_553], %broadcast_in_dim3A_1 {strides = array<i32>} : memref<128x16xf32, #tpu.memory_space<vmem>>, vector<16xf32>,
    }
    %scan3A_5 = arith.constant 128 : i32
    %mul3A_6 = arith.constant 640 : i32
    %mul3A_7 = arith.muli %arg1, %mul3A_6 : i32
    %add3A_8 = arith.constant 0 : i32
    %add3A_9 = arith.addi %mul3A_7, %add3A_8 : i32
    "tpu.region"() ({
      %run_scoped3A = tpu.sem_alloc : memref<!tpu.dma_semaphore, #tpu.memory_space<semaphore_mem>>
      %dma_start3A_517 = arith.constant 0 : i32
      %dma_start3A_518 = tpu.memref_slice %arg16[%add3A_9, %dma_start3A_517] : memref<10240x16xf32, #tpu.memory_space<vmem_shared>> -> memref<128x16xf32, #tpu.memory_space<vmem_shared>>
      %dma_start3A_519 = arith.constant 0 : i32
      %dma_start3A_520 = tpu.memref_slice %arg16[%add3A_9, %dma_start3A_519] : memref<10240x16xf32, #tpu.memory_space<vmem_shared>> -> memref<128x16xf32, #tpu.memory_space<vmem_shared>>
      tpu.enqueue_dma source(%arg8 : memref<128x16xf32, #tpu.memory_space<vmem>>) target(%dma_start3A_520 : memref<128x16xf32, #tpu.memory_space<vmem_shared>>) target_semaphore(%run_scoped3A : memref<!tpu.dma_semaphore, #tpu.memory_space<semaphore_mem>>)
      %dma_wait3A_521 = arith.constant 0 : i32
      %dma_wait3A_522 = tpu.memref_slice %arg16[%add3A_9, %dma_wait3A_521] : memref<10240x16xf32, #tpu.memory_space<vmem_shared>> -> memref<128x16xf32, #tpu.memory_space<vmem_shared>>
      %dma_wait3A_523 = arith.constant 0 : i32
      %dma_wait3A_524 = tpu.memref_slice %arg16[%add3A_9, %dma_wait3A_523] : memref<10240x16xf32, #tpu.memory_space<vmem_shared>> -> memref<128x16xf32, #tpu.memory_space<vmem_shared>>
      tpu.wait_dma2 semaphore(%run_scoped3A : memref<!tpu.dma_semaphore, #tpu.memory_space<semaphore_mem>>) src(%arg8 : memref<128x16xf32, #tpu.memory_space<vmem>>) dst(%dma_wait3A_524 : memref<128x16xf32, #tpu.memory_space<vmem_shared>>)
      tpu.yield
    }) : () -> ()
    %add3A_10 = arith.constant 128 : i32
    %add3A_11 = arith.addi %mul3A_7, %add3A_10 : i32
    "tpu.region"() ({
      %run_scoped3A = tpu.sem_alloc : memref<!tpu.dma_semaphore, #tpu.memory_space<semaphore_mem>>
      %dma_start3A_517 = arith.constant 0 : i32
      %dma_start3A_518 = tpu.memref_slice %arg16[%add3A_11, %dma_start3A_517] : memref<10240x16xf32, #tpu.memory_space<vmem_shared>> -> memref<128x16xf32, #tpu.memory_space<vmem_shared>>
      %dma_start3A_519 = arith.constant 0 : i32
      %dma_start3A_520 = tpu.memref_slice %arg16[%add3A_11, %dma_start3A_519] : memref<10240x16xf32, #tpu.memory_space<vmem_shared>> -> memref<128x16xf32, #tpu.memory_space<vmem_shared>>
      tpu.enqueue_dma source(%arg8 : memref<128x16xf32, #tpu.memory_space<vmem>>) target(%dma_start3A_520 : memref<128x16xf32, #tpu.memory_space<vmem_shared>>) target_semaphore(%run_scoped3A : memref<!tpu.dma_semaphore, #tpu.memory_space<semaphore_mem>>)
      %dma_wait3A_521 = arith.constant 0 : i32
      %dma_wait3A_522 = tpu.memref_slice %arg16[%add3A_11, %dma_wait3A_521] : memref<10240x16xf32, #tpu.memory_space<vmem_shared>> -> memref<128x16xf32, #tpu.memory_space<vmem_shared>>
      %dma_wait3A_523 = arith.constant 0 : i32
      %dma_wait3A_524 = tpu.memref_slice %arg16[%add3A_11, %dma_wait3A_523] : memref<10240x16xf32, #tpu.memory_space<vmem_shared>> -> memref<128x16xf32, #tpu.memory_space<vmem_shared>>
      tpu.wait_dma2 semaphore(%run_scoped3A : memref<!tpu.dma_semaphore, #tpu.memory_space<semaphore_mem>>) src(%arg8 : memref<128x16xf32, #tpu.memory_space<vmem>>) dst(%dma_wait3A_524 : memref<128x16xf32, #tpu.memory_space<vmem_shared>>)
      tpu.yield
    }) : () -> ()
    %add3A_12 = arith.constant 256 : i32
    %add3A_13 = arith.addi %mul3A_7, %add3A_12 : i32
    "tpu.region"() ({
      %run_scoped3A = tpu.sem_alloc : memref<!tpu.dma_semaphore, #tpu.memory_space<semaphore_mem>>
      %dma_start3A_517 = arith.constant 0 : i32
      %dma_start3A_518 = tpu.memref_slice %arg16[%add3A_13, %dma_start3A_517] : memref<10240x16xf32, #tpu.memory_space<vmem_shared>> -> memref<128x16xf32, #tpu.memory_space<vmem_shared>>
      %dma_start3A_519 = arith.constant 0 : i32
      %dma_start3A_520 = tpu.memref_slice %arg16[%add3A_13, %dma_start3A_519] : memref<10240x16xf32, #tpu.memory_space<vmem_shared>> -> memref<128x16xf32, #tpu.memory_space<vmem_shared>>
      tpu.enqueue_dma source(%arg8 : memref<128x16xf32, #tpu.memory_space<vmem>>) target(%dma_start3A_520 : memref<128x16xf32, #tpu.memory_space<vmem_shared>>) target_semaphore(%run_scoped3A : memref<!tpu.dma_semaphore, #tpu.memory_space<semaphore_mem>>)
      %dma_wait3A_521 = arith.constant 0 : i32
      %dma_wait3A_522 = tpu.memref_slice %arg16[%add3A_13, %dma_wait3A_521] : memref<10240x16xf32, #tpu.memory_space<vmem_shared>> -> memref<128x16xf32, #tpu.memory_space<vmem_shared>>
      %dma_wait3A_523 = arith.constant 0 : i32
      %dma_wait3A_524 = tpu.memref_slice %arg16[%add3A_13, %dma_wait3A_523] : memref<10240x16xf32, #tpu.memory_space<vmem_shared>> -> memref<128x16xf32, #tpu.memory_space<vmem_shared>>
      tpu.wait_dma2 semaphore(%run_scoped3A : memref<!tpu.dma_semaphore, #tpu.memory_space<semaphore_mem>>) src(%arg8 : memref<128x16xf32, #tpu.memory_space<vmem>>) dst(%dma_wait3A_524 : memref<128x16xf32, #tpu.memory_space<vmem_shared>>)
      tpu.yield
    }) : () -> ()
    %add3A_14 = arith.constant 384 : i32
    %add3A_15 = arith.addi %mul3A_7, %add3A_14 : i32
    "tpu.region"() ({
      %run_scoped3A = tpu.sem_alloc : memref<!tpu.dma_semaphore, #tpu.memory_space<semaphore_mem>>
      %dma_start3A_517 = arith.constant 0 : i32
      %dma_start3A_518 = tpu.memref_slice %arg16[%add3A_15, %dma_start3A_517] : memref<10240x16xf32, #tpu.memory_space<vmem_shared>> -> memref<128x16xf32, #tpu.memory_space<vmem_shared>>
      %dma_start3A_519 = arith.constant 0 : i32
      %dma_start3A_520 = tpu.memref_slice %arg16[%add3A_15, %dma_start3A_519] : memref<10240x16xf32, #tpu.memory_space<vmem_shared>> -> memref<128x16xf32, #tpu.memory_space<vmem_shared>>
      tpu.enqueue_dma source(%arg8 : memref<128x16xf32, #tpu.memory_space<vmem>>) target(%dma_start3A_520 : memref<128x16xf32, #tpu.memory_space<vmem_shared>>) target_semaphore(%run_scoped3A : memref<!tpu.dma_semaphore, #tpu.memory_space<semaphore_mem>>)
      %dma_wait3A_521 = arith.constant 0 : i32
      %dma_wait3A_522 = tpu.memref_slice %arg16[%add3A_15, %dma_wait3A_521] : memref<10240x16xf32, #tpu.memory_space<vmem_shared>> -> memref<128x16xf32, #tpu.memory_space<vmem_shared>>
      %dma_wait3A_523 = arith.constant 0 : i32
      %dma_wait3A_524 = tpu.memref_slice %arg16[%add3A_15, %dma_wait3A_523] : memref<10240x16xf32, #tpu.memory_space<vmem_shared>> -> memref<128x16xf32, #tpu.memory_space<vmem_shared>>
      tpu.wait_dma2 semaphore(%run_scoped3A : memref<!tpu.dma_semaphore, #tpu.memory_space<semaphore_mem>>) src(%arg8 : memref<128x16xf32, #tpu.memory_space<vmem>>) dst(%dma_wait3A_524 : memref<128x16xf32, #tpu.memory_space<vmem_shared>>)
      tpu.yield
    }) : () -> ()
    %add3A_16 = arith.constant 512 : i32
    %add3A_17 = arith.addi %mul3A_7, %add3A_16 : i32
    "tpu.region"() ({
      %run_scoped3A = tpu.sem_alloc : memref<!tpu.dma_semaphore, #tpu.memory_space<semaphore_mem>>
      %dma_start3A_517 = arith.constant 0 : i32
      %dma_start3A_518 = tpu.memref_slice %arg16[%add3A_17, %dma_start3A_517] : memref<10240x16xf32, #tpu.memory_space<vmem_shared>> -> memref<128x16xf32, #tpu.memory_space<vmem_shared>>
      %dma_start3A_519 = arith.constant 0 : i32
      %dma_start3A_520 = tpu.memref_slice %arg16[%add3A_17, %dma_start3A_519] : memref<10240x16xf32, #tpu.memory_space<vmem_shared>> -> memref<128x16xf32, #tpu.memory_space<vmem_shared>>
      tpu.enqueue_dma source(%arg8 : memref<128x16xf32, #tpu.memory_space<vmem>>) target(%dma_start3A_520 : memref<128x16xf32, #tpu.memory_space<vmem_shared>>) target_semaphore(%run_scoped3A : memref<!tpu.dma_semaphore, #tpu.memory_space<semaphore_mem>>)
      %dma_wait3A_521 = arith.constant 0 : i32
      %dma_wait3A_522 = tpu.memref_slice %arg16[%add3A_17, %dma_wait3A_521] : memref<10240x16xf32, #tpu.memory_space<vmem_shared>> -> memref<128x16xf32, #tpu.memory_space<vmem_shared>>
      %dma_wait3A_523 = arith.constant 0 : i32
      %dma_wait3A_524 = tpu.memref_slice %arg16[%add3A_17, %dma_wait3A_523] : memref<10240x16xf32, #tpu.memory_space<vmem_shared>> -> memref<128x16xf32, #tpu.memory_space<vmem_shared>>
      tpu.wait_dma2 semaphore(%run_scoped3A : memref<!tpu.dma_semaphore, #tpu.memory_space<semaphore_mem>>) src(%arg8 : memref<128x16xf32, #tpu.memory_space<vmem>>) dst(%dma_wait3A_524 : memref<128x16xf32, #tpu.memory_space<vmem_shared>>)
      tpu.yield
    }) : () -> ()
    %barrier3A = arith.constant 0 : index
    tpu.barrier barrier_id(%barrier3A)
    %dma_start3A = arith.constant 0 : i32
    %dma_start3A_18 = arith.constant 0 : i32
    %dma_start3A_19 = tpu.memref_slice %arg6[%dma_start3A, %dma_start3A_18] : memref<80x128xi32, #tpu.memory_space<vmem>> -> memref<1x128xi32, #tpu.memory_space<vmem>>
    %dma_start3A_20 = tpu.memref_squeeze %dma_start3A_19 : memref<1x128xi32, #tpu.memory_space<vmem>> -> memref<128xi32, #tpu.memory_space<vmem>>
    %dma_start3A_21 = arith.constant 0 : i32
    %dma_start3A_22 = arith.constant 0 : i32
    %dma_start3A_23 = tpu.memref_slice %arg2[%dma_start3A_21, %dma_start3A_22] : memref<10240x16xf32, #tpu.memory_space<hbm>> -> memref<10240x16xf32, #tpu.memory_space<hbm>>
    tpu.enqueue_indirect_dma source(%dma_start3A_23 : memref<10240x16xf32, #tpu.memory_space<hbm>>) target(%arg8 : memref<128x16xf32, #tpu.memory_space<vmem>>) offsets(%dma_start3A_20 : memref<128xi32, #tpu.memory_space<vmem>>) semaphore(%arg17 : memref<!tpu.dma_semaphore, #tpu.memory_space<semaphore_mem>>)
    %dma_start3A_24 = arith.constant 1 : i32
    %dma_start3A_25 = arith.constant 0 : i32
    %dma_start3A_26 = tpu.memref_slice %arg6[%dma_start3A_24, %dma_start3A_25] : memref<80x128xi32, #tpu.memory_space<vmem>> -> memref<1x128xi32, #tpu.memory_space<vmem>>
    %dma_start3A_27 = tpu.memref_squeeze %dma_start3A_26 : memref<1x128xi32, #tpu.memory_space<vmem>> -> memref<128xi32, #tpu.memory_space<vmem>>
    %dma_start3A_28 = arith.constant 0 : i32
    %dma_start3A_29 = arith.constant 0 : i32
    %dma_start3A_30 = tpu.memref_slice %arg2[%dma_start3A_28, %dma_start3A_29] : memref<10240x16xf32, #tpu.memory_space<hbm>> -> memref<10240x16xf32, #tpu.memory_space<hbm>>
    tpu.enqueue_indirect_dma source(%dma_start3A_30 : memref<10240x16xf32, #tpu.memory_space<hbm>>) target(%arg9 : memref<128x16xf32, #tpu.memory_space<vmem>>) offsets(%dma_start3A_27 : memref<128xi32, #tpu.memory_space<vmem>>) semaphore(%arg18 : memref<!tpu.dma_semaphore, #tpu.memory_space<semaphore_mem>>)
    %dma_start3A_31 = arith.constant 2 : i32
    %dma_start3A_32 = arith.constant 0 : i32
    %dma_start3A_33 = tpu.memref_slice %arg6[%dma_start3A_31, %dma_start3A_32] : memref<80x128xi32, #tpu.memory_space<vmem>> -> memref<1x128xi32, #tpu.memory_space<vmem>>
    %dma_start3A_34 = tpu.memref_squeeze %dma_start3A_33 : memref<1x128xi32, #tpu.memory_space<vmem>> -> memref<128xi32, #tpu.memory_space<vmem>>
    %dma_start3A_35 = arith.constant 0 : i32
    %dma_start3A_36 = arith.constant 0 : i32
    %dma_start3A_37 = tpu.memref_slice %arg2[%dma_start3A_35, %dma_start3A_36] : memref<10240x16xf32, #tpu.memory_space<hbm>> -> memref<10240x16xf32, #tpu.memory_space<hbm>>
    tpu.enqueue_indirect_dma source(%dma_start3A_37 : memref<10240x16xf32, #tpu.memory_space<hbm>>) target(%arg10 : memref<128x16xf32, #tpu.memory_space<vmem>>) offsets(%dma_start3A_34 : memref<128xi32, #tpu.memory_space<vmem>>) semaphore(%arg19 : memref<!tpu.dma_semaphore, #tpu.memory_space<semaphore_mem>>)
    %dma_start3A_38 = arith.constant 3 : i32
    %dma_start3A_39 = arith.constant 0 : i32
    %dma_start3A_40 = tpu.memref_slice %arg6[%dma_start3A_38, %dma_start3A_39] : memref<80x128xi32, #tpu.memory_space<vmem>> -> memref<1x128xi32, #tpu.memory_space<vmem>>
    %dma_start3A_41 = tpu.memref_squeeze %dma_start3A_40 : memref<1x128xi32, #tpu.memory_space<vmem>> -> memref<128xi32, #tpu.memory_space<vmem>>
    %dma_start3A_42 = arith.constant 0 : i32
    %dma_start3A_43 = arith.constant 0 : i32
    %dma_start3A_44 = tpu.memref_slice %arg2[%dma_start3A_42, %dma_start3A_43] : memref<10240x16xf32, #tpu.memory_space<hbm>> -> memref<10240x16xf32, #tpu.memory_space<hbm>>
    tpu.enqueue_indirect_dma source(%dma_start3A_44 : memref<10240x16xf32, #tpu.memory_space<hbm>>) target(%arg11 : memref<128x16xf32, #tpu.memory_space<vmem>>) offsets(%dma_start3A_41 : memref<128xi32, #tpu.memory_space<vmem>>) semaphore(%arg20 : memref<!tpu.dma_semaphore, #tpu.memory_space<semaphore_mem>>)
    %dma_wait3A = arith.constant 0 : i32
    %dma_wait3A_45 = arith.constant 0 : i32
    %dma_wait3A_46 = tpu.memref_slice %arg6[%dma_wait3A, %dma_wait3A_45] : memref<80x128xi32, #tpu.memory_space<vmem>> -> memref<1x128xi32, #tpu.memory_space<vmem>>
    %dma_wait3A_47 = tpu.memref_squeeze %dma_wait3A_46 : memref<1x128xi32, #tpu.memory_space<vmem>> -> memref<128xi32, #tpu.memory_space<vmem>>
    %dma_wait3A_48 = arith.constant 0 : i32
    %dma_wait3A_49 = arith.constant 0 : i32
    %dma_wait3A_50 = tpu.memref_slice %arg2[%dma_wait3A_48, %dma_wait3A_49] : memref<10240x16xf32, #tpu.memory_space<hbm>> -> memref<10240x16xf32, #tpu.memory_space<hbm>>
    tpu.wait_indirect_dma semaphore(%arg17 : memref<!tpu.dma_semaphore, #tpu.memory_space<semaphore_mem>>) src(%dma_wait3A_50 : memref<10240x16xf32, #tpu.memory_space<hbm>>) dst(%arg8 : memref<128x16xf32, #tpu.memory_space<vmem>>)
    %dma_start3A_51 = arith.constant 0 : i32
    %dma_start3A_52 = arith.constant 0 : i32
    %dma_start3A_53 = tpu.memref_slice %arg7[%dma_start3A_51, %dma_start3A_52] : memref<80x128xi32, #tpu.memory_space<vmem>> -> memref<1x128xi32, #tpu.memory_space<vmem>>
    %dma_start3A_54 = tpu.memref_squeeze %dma_start3A_53 : memref<1x128xi32, #tpu.memory_space<vmem>> -> memref<128xi32, #tpu.memory_space<vmem>>
    %dma_start3A_55 = arith.constant 0 : i32
    %dma_start3A_56 = arith.constant 0 : i32
    %dma_start3A_57 = tpu.memref_slice %arg16[%dma_start3A_55, %dma_start3A_56] : memref<10240x16xf32, #tpu.memory_space<vmem_shared>> -> memref<10240x16xf32, #tpu.memory_space<vmem_shared>>
    tpu.enqueue_indirect_dma source(%arg8 : memref<128x16xf32, #tpu.memory_space<vmem>>) target(%dma_start3A_57 : memref<10240x16xf32, #tpu.memory_space<vmem_shared>>) offsets(%dma_start3A_54 : memref<128xi32, #tpu.memory_space<vmem>>) semaphore(%arg25 : memref<!tpu.dma_semaphore, #tpu.memory_space<semaphore_mem>>) {add = true}
    %add3A_58 = arith.constant 0 : i32
    %add3A_59 = arith.constant 4 : i32
    %add3A_60 = arith.addi %add3A_58, %add3A_59 : i32
    %dma_start3A_61 = arith.constant 0 : i32
    %dma_start3A_62 = tpu.memref_slice %arg6[%add3A_60, %dma_start3A_61] : memref<80x128xi32, #tpu.memory_space<vmem>> -> memref<1x128xi32, #tpu.memory_space<vmem>>
    %dma_start3A_63 = tpu.memref_squeeze %dma_start3A_62 : memref<1x128xi32, #tpu.memory_space<vmem>> -> memref<128xi32, #tpu.memory_space<vmem>>
    %dma_start3A_64 = arith.constant 0 : i32
    %dma_start3A_65 = arith.constant 0 : i32
    %dma_start3A_66 = tpu.memref_slice %arg2[%dma_start3A_64, %dma_start3A_65] : memref<10240x16xf32, #tpu.memory_space<hbm>> -> memref<10240x16xf32, #tpu.memory_space<hbm>>
    tpu.enqueue_indirect_dma source(%dma_start3A_66 : memref<10240x16xf32, #tpu.memory_space<hbm>>) target(%arg12 : memref<128x16xf32, #tpu.memory_space<vmem>>) offsets(%dma_start3A_63 : memref<128xi32, #tpu.memory_space<vmem>>) semaphore(%arg21 : memref<!tpu.dma_semaphore, #tpu.memory_space<semaphore_mem>>)
    %dma_wait3A_67 = arith.constant 1 : i32
    %dma_wait3A_68 = arith.constant 0 : i32
    %dma_wait3A_69 = tpu.memref_slice %arg6[%dma_wait3A_67, %dma_wait3A_68] : memref<80x128xi32, #tpu.memory_space<vmem>> -> memref<1x128xi32, #tpu.memory_space<vmem>>
    %dma_wait3A_70 = tpu.memref_squeeze %dma_wait3A_69 : memref<1x128xi32, #tpu.memory_space<vmem>> -> memref<128xi32, #tpu.memory_space<vmem>>
    %dma_wait3A_71 = arith.constant 0 : i32
    %dma_wait3A_72 = arith.constant 0 : i32
    %dma_wait3A_73 = tpu.memref_slice %arg2[%dma_wait3A_71, %dma_wait3A_72] : memref<10240x16xf32, #tpu.memory_space<hbm>> -> memref<10240x16xf32, #tpu.memory_space<hbm>>
    tpu.wait_indirect_dma semaphore(%arg18 : memref<!tpu.dma_semaphore, #tpu.memory_space<semaphore_mem>>) src(%dma_wait3A_73 : memref<10240x16xf32, #tpu.memory_space<hbm>>) dst(%arg9 : memref<128x16xf32, #tpu.memory_space<vmem>>)
    %dma_start3A_74 = arith.constant 1 : i32
    %dma_start3A_75 = arith.constant 0 : i32
    %dma_start3A_76 = tpu.memref_slice %arg7[%dma_start3A_74, %dma_start3A_75] : memref<80x128xi32, #tpu.memory_space<vmem>> -> memref<1x128xi32, #tpu.memory_space<vmem>>
    %dma_start3A_77 = tpu.memref_squeeze %dma_start3A_76 : memref<1x128xi32, #tpu.memory_space<vmem>> -> memref<128xi32, #tpu.memory_space<vmem>>
    %dma_start3A_78 = arith.constant 0 : i32
    %dma_start3A_79 = arith.constant 0 : i32
    %dma_start3A_80 = tpu.memref_slice %arg16[%dma_start3A_78, %dma_start3A_79] : memref<10240x16xf32, #tpu.memory_space<vmem_shared>> -> memref<10240x16xf32, #tpu.memory_space<vmem_shared>>
    tpu.enqueue_indirect_dma source(%arg9 : memref<128x16xf32, #tpu.memory_space<vmem>>) target(%dma_start3A_80 : memref<10240x16xf32, #tpu.memory_space<vmem_shared>>) offsets(%dma_start3A_77 : memref<128xi32, #tpu.memory_space<vmem>>) semaphore(%arg26 : memref<!tpu.dma_semaphore, #tpu.memory_space<semaphore_mem>>) {add = true}
    %add3A_81 = arith.constant 1 : i32
    %add3A_82 = arith.constant 4 : i32
    %add3A_83 = arith.addi %add3A_81, %add3A_82 : i32
    %dma_start3A_84 = arith.constant 0 : i32
    %dma_start3A_85 = tpu.memref_slice %arg6[%add3A_83, %dma_start3A_84] : memref<80x128xi32, #tpu.memory_space<vmem>> -> memref<1x128xi32, #tpu.memory_space<vmem>>
    %dma_start3A_86 = tpu.memref_squeeze %dma_start3A_85 : memref<1x128xi32, #tpu.memory_space<vmem>> -> memref<128xi32, #tpu.memory_space<vmem>>
    %dma_start3A_87 = arith.constant 0 : i32
    %dma_start3A_88 = arith.constant 0 : i32
    %dma_start3A_89 = tpu.memref_slice %arg2[%dma_start3A_87, %dma_start3A_88] : memref<10240x16xf32, #tpu.memory_space<hbm>> -> memref<10240x16xf32, #tpu.memory_space<hbm>>
    tpu.enqueue_indirect_dma source(%dma_start3A_89 : memref<10240x16xf32, #tpu.memory_space<hbm>>) target(%arg13 : memref<128x16xf32, #tpu.memory_space<vmem>>) offsets(%dma_start3A_86 : memref<128xi32, #tpu.memory_space<vmem>>) semaphore(%arg22 : memref<!tpu.dma_semaphore, #tpu.memory_space<semaphore_mem>>)
    %dma_wait3A_90 = arith.constant 2 : i32
    %dma_wait3A_91 = arith.constant 0 : i32
    %dma_wait3A_92 = tpu.memref_slice %arg6[%dma_wait3A_90, %dma_wait3A_91] : memref<80x128xi32, #tpu.memory_space<vmem>> -> memref<1x128xi32, #tpu.memory_space<vmem>>
    %dma_wait3A_93 = tpu.memref_squeeze %dma_wait3A_92 : memref<1x128xi32, #tpu.memory_space<vmem>> -> memref<128xi32, #tpu.memory_space<vmem>>
    %dma_wait3A_94 = arith.constant 0 : i32
    %dma_wait3A_95 = arith.constant 0 : i32
    %dma_wait3A_96 = tpu.memref_slice %arg2[%dma_wait3A_94, %dma_wait3A_95] : memref<10240x16xf32, #tpu.memory_space<hbm>> -> memref<10240x16xf32, #tpu.memory_space<hbm>>
    tpu.wait_indirect_dma semaphore(%arg19 : memref<!tpu.dma_semaphore, #tpu.memory_space<semaphore_mem>>) src(%dma_wait3A_96 : memref<10240x16xf32, #tpu.memory_space<hbm>>) dst(%arg10 : memref<128x16xf32, #tpu.memory_space<vmem>>)
    %dma_start3A_97 = arith.constant 2 : i32
    %dma_start3A_98 = arith.constant 0 : i32
    %dma_start3A_99 = tpu.memref_slice %arg7[%dma_start3A_97, %dma_start3A_98] : memref<80x128xi32, #tpu.memory_space<vmem>> -> memref<1x128xi32, #tpu.memory_space<vmem>>
    %dma_start3A_100 = tpu.memref_squeeze %dma_start3A_99 : memref<1x128xi32, #tpu.memory_space<vmem>> -> memref<128xi32, #tpu.memory_space<vmem>>
    %dma_start3A_101 = arith.constant 0 : i32
    %dma_start3A_102 = arith.constant 0 : i32
    %dma_start3A_103 = tpu.memref_slice %arg16[%dma_start3A_101, %dma_start3A_102] : memref<10240x16xf32, #tpu.memory_space<vmem_shared>> -> memref<10240x16xf32, #tpu.memory_space<vmem_shared>>
    tpu.enqueue_indirect_dma source(%arg10 : memref<128x16xf32, #tpu.memory_space<vmem>>) target(%dma_start3A_103 : memref<10240x16xf32, #tpu.memory_space<vmem_shared>>) offsets(%dma_start3A_100 : memref<128xi32, #tpu.memory_space<vmem>>) semaphore(%arg27 : memref<!tpu.dma_semaphore, #tpu.memory_space<semaphore_mem>>) {add = true}
    %add3A_104 = arith.constant 2 : i32
    %add3A_105 = arith.constant 4 : i32
    %add3A_106 = arith.addi %add3A_104, %add3A_105 : i32
    %dma_start3A_107 = arith.constant 0 : i32
    %dma_start3A_108 = tpu.memref_slice %arg6[%add3A_106, %dma_start3A_107] : memref<80x128xi32, #tpu.memory_space<vmem>> -> memref<1x128xi32, #tpu.memory_space<vmem>>
    %dma_start3A_109 = tpu.memref_squeeze %dma_start3A_108 : memref<1x128xi32, #tpu.memory_space<vmem>> -> memref<128xi32, #tpu.memory_space<vmem>>
    %dma_start3A_110 = arith.constant 0 : i32
    %dma_start3A_111 = arith.constant 0 : i32
    %dma_start3A_112 = tpu.memref_slice %arg2[%dma_start3A_110, %dma_start3A_111] : memref<10240x16xf32, #tpu.memory_space<hbm>> -> memref<10240x16xf32, #tpu.memory_space<hbm>>
    tpu.enqueue_indirect_dma source(%dma_start3A_112 : memref<10240x16xf32, #tpu.memory_space<hbm>>) target(%arg14 : memref<128x16xf32, #tpu.memory_space<vmem>>) offsets(%dma_start3A_109 : memref<128xi32, #tpu.memory_space<vmem>>) semaphore(%arg23 : memref<!tpu.dma_semaphore, #tpu.memory_space<semaphore_mem>>)
    %dma_wait3A_113 = arith.constant 3 : i32
    %dma_wait3A_114 = arith.constant 0 : i32
    %dma_wait3A_115 = tpu.memref_slice %arg6[%dma_wait3A_113, %dma_wait3A_114] : memref<80x128xi32, #tpu.memory_space<vmem>> -> memref<1x128xi32, #tpu.memory_space<vmem>>
    %dma_wait3A_116 = tpu.memref_squeeze %dma_wait3A_115 : memref<1x128xi32, #tpu.memory_space<vmem>> -> memref<128xi32, #tpu.memory_space<vmem>>
    %dma_wait3A_117 = arith.constant 0 : i32
    %dma_wait3A_118 = arith.constant 0 : i32
    %dma_wait3A_119 = tpu.memref_slice %arg2[%dma_wait3A_117, %dma_wait3A_118] : memref<10240x16xf32, #tpu.memory_space<hbm>> -> memref<10240x16xf32, #tpu.memory_space<hbm>>
    tpu.wait_indirect_dma semaphore(%arg20 : memref<!tpu.dma_semaphore, #tpu.memory_space<semaphore_mem>>) src(%dma_wait3A_119 : memref<10240x16xf32, #tpu.memory_space<hbm>>) dst(%arg11 : memref<128x16xf32, #tpu.memory_space<vmem>>)
    %dma_start3A_120 = arith.constant 3 : i32
    %dma_start3A_121 = arith.constant 0 : i32
    %dma_start3A_122 = tpu.memref_slice %arg7[%dma_start3A_120, %dma_start3A_121] : memref<80x128xi32, #tpu.memory_space<vmem>> -> memref<1x128xi32, #tpu.memory_space<vmem>>
    %dma_start3A_123 = tpu.memref_squeeze %dma_start3A_122 : memref<1x128xi32, #tpu.memory_space<vmem>> -> memref<128xi32, #tpu.memory_space<vmem>>
    %dma_start3A_124 = arith.constant 0 : i32
    %dma_start3A_125 = arith.constant 0 : i32
    %dma_start3A_126 = tpu.memref_slice %arg16[%dma_start3A_124, %dma_start3A_125] : memref<10240x16xf32, #tpu.memory_space<vmem_shared>> -> memref<10240x16xf32, #tpu.memory_space<vmem_shared>>
    tpu.enqueue_indirect_dma source(%arg11 : memref<128x16xf32, #tpu.memory_space<vmem>>) target(%dma_start3A_126 : memref<10240x16xf32, #tpu.memory_space<vmem_shared>>) offsets(%dma_start3A_123 : memref<128xi32, #tpu.memory_space<vmem>>) semaphore(%arg28 : memref<!tpu.dma_semaphore, #tpu.memory_space<semaphore_mem>>) {add = true}
    %add3A_127 = arith.constant 3 : i32
    %add3A_128 = arith.constant 4 : i32
    %add3A_129 = arith.addi %add3A_127, %add3A_128 : i32
    %dma_start3A_130 = arith.constant 0 : i32
    %dma_start3A_131 = tpu.memref_slice %arg6[%add3A_129, %dma_start3A_130] : memref<80x128xi32, #tpu.memory_space<vmem>> -> memref<1x128xi32, #tpu.memory_space<vmem>>
    %dma_start3A_132 = tpu.memref_squeeze %dma_start3A_131 : memref<1x128xi32, #tpu.memory_space<vmem>> -> memref<128xi32, #tpu.memory_space<vmem>>
    %dma_start3A_133 = arith.constant 0 : i32
    %dma_start3A_134 = arith.constant 0 : i32
    %dma_start3A_135 = tpu.memref_slice %arg2[%dma_start3A_133, %dma_start3A_134] : memref<10240x16xf32, #tpu.memory_space<hbm>> -> memref<10240x16xf32, #tpu.memory_space<hbm>>
    tpu.enqueue_indirect_dma source(%dma_start3A_135 : memref<10240x16xf32, #tpu.memory_space<hbm>>) target(%arg15 : memref<128x16xf32, #tpu.memory_space<vmem>>) offsets(%dma_start3A_132 : memref<128xi32, #tpu.memory_space<vmem>>) semaphore(%arg24 : memref<!tpu.dma_semaphore, #tpu.memory_space<semaphore_mem>>)
    %dma_wait3A_136 = arith.constant 4 : i32
    %dma_wait3A_137 = arith.constant 0 : i32
    %dma_wait3A_138 = tpu.memref_slice %arg6[%dma_wait3A_136, %dma_wait3A_137] : memref<80x128xi32, #tpu.memory_space<vmem>> -> memref<1x128xi32, #tpu.memory_space<vmem>>
    %dma_wait3A_139 = tpu.memref_squeeze %dma_wait3A_138 : memref<1x128xi32, #tpu.memory_space<vmem>> -> memref<128xi32, #tpu.memory_space<vmem>>
    %dma_wait3A_140 = arith.constant 0 : i32
    %dma_wait3A_141 = arith.constant 0 : i32
    %dma_wait3A_142 = tpu.memref_slice %arg2[%dma_wait3A_140, %dma_wait3A_141] : memref<10240x16xf32, #tpu.memory_space<hbm>> -> memref<10240x16xf32, #tpu.memory_space<hbm>>
    tpu.wait_indirect_dma semaphore(%arg21 : memref<!tpu.dma_semaphore, #tpu.memory_space<semaphore_mem>>) src(%dma_wait3A_142 : memref<10240x16xf32, #tpu.memory_space<hbm>>) dst(%arg12 : memref<128x16xf32, #tpu.memory_space<vmem>>)
    %dma_start3A_143 = arith.constant 4 : i32
    %dma_start3A_144 = arith.constant 0 : i32
    %dma_start3A_145 = tpu.memref_slice %arg7[%dma_start3A_143, %dma_start3A_144] : memref<80x128xi32, #tpu.memory_space<vmem>> -> memref<1x128xi32, #tpu.memory_space<vmem>>
    %dma_start3A_146 = tpu.memref_squeeze %dma_start3A_145 : memref<1x128xi32, #tpu.memory_space<vmem>> -> memref<128xi32, #tpu.memory_space<vmem>>
    %dma_start3A_147 = arith.constant 0 : i32
    %dma_start3A_148 = arith.constant 0 : i32
    %dma_start3A_149 = tpu.memref_slice %arg16[%dma_start3A_147, %dma_start3A_148] : memref<10240x16xf32, #tpu.memory_space<vmem_shared>> -> memref<10240x16xf32, #tpu.memory_space<vmem_shared>>
    tpu.enqueue_indirect_dma source(%arg12 : memref<128x16xf32, #tpu.memory_space<vmem>>) target(%dma_start3A_149 : memref<10240x16xf32, #tpu.memory_space<vmem_shared>>) offsets(%dma_start3A_146 : memref<128xi32, #tpu.memory_space<vmem>>) semaphore(%arg29 : memref<!tpu.dma_semaphore, #tpu.memory_space<semaphore_mem>>) {add = true}
    %sub3A = arith.constant 4 : i32
    %sub3A_150 = arith.constant 4 : i32
    %sub3A_151 = arith.subi %sub3A, %sub3A_150 : i32
    %dma_wait3A_152 = arith.constant 0 : i32
    %dma_wait3A_153 = tpu.memref_slice %arg7[%sub3A_151, %dma_wait3A_152] : memref<80x128xi32, #tpu.memory_space<vmem>> -> memref<1x128xi32, #tpu.memory_space<vmem>>
    %dma_wait3A_154 = tpu.memref_squeeze %dma_wait3A_153 : memref<1x128xi32, #tpu.memory_space<vmem>> -> memref<128xi32, #tpu.memory_space<vmem>>
    %dma_wait3A_155 = arith.constant 0 : i32
    %dma_wait3A_156 = arith.constant 0 : i32
    %dma_wait3A_157 = tpu.memref_slice %arg16[%dma_wait3A_155, %dma_wait3A_156] : memref<10240x16xf32, #tpu.memory_space<vmem_shared>> -> memref<10240x16xf32, #tpu.memory_space<vmem_shared>>
    tpu.wait_indirect_dma semaphore(%arg25 : memref<!tpu.dma_semaphore, #tpu.memory_space<semaphore_mem>>) src(%arg8 : memref<128x16xf32, #tpu.memory_space<vmem>>) dst(%dma_wait3A_157 : memref<10240x16xf32, #tpu.memory_space<vmem_shared>>)
    %add3A_158 = arith.constant 4 : i32
    %add3A_159 = arith.constant 4 : i32
    %add3A_160 = arith.addi %add3A_158, %add3A_159 : i32
    %dma_start3A_161 = arith.constant 0 : i32
    %dma_start3A_162 = tpu.memref_slice %arg6[%add3A_160, %dma_start3A_161] : memref<80x128xi32, #tpu.memory_space<vmem>> -> memref<1x128xi32, #tpu.memory_space<vmem>>
    %dma_start3A_163 = tpu.memref_squeeze %dma_start3A_162 : memref<1x128xi32, #tpu.memory_space<vmem>> -> memref<128xi32, #tpu.memory_space<vmem>>
    %dma_start3A_164 = arith.constant 0 : i32
    %dma_start3A_165 = arith.constant 0 : i32
    %dma_start3A_166 = tpu.memref_slice %arg2[%dma_start3A_164, %dma_start3A_165] : memref<10240x16xf32, #tpu.memory_space<hbm>> -> memref<10240x16xf32, #tpu.memory_space<hbm>>
    tpu.enqueue_indirect_dma source(%dma_start3A_166 : memref<10240x16xf32, #tpu.memory_space<hbm>>) target(%arg8 : memref<128x16xf32, #tpu.memory_space<vmem>>) offsets(%dma_start3A_163 : memref<128xi32, #tpu.memory_space<vmem>>) semaphore(%arg17 : memref<!tpu.dma_semaphore, #tpu.memory_space<semaphore_mem>>)
    %dma_wait3A_167 = arith.constant 5 : i32
    %dma_wait3A_168 = arith.constant 0 : i32
    %dma_wait3A_169 = tpu.memref_slice %arg6[%dma_wait3A_167, %dma_wait3A_168] : memref<80x128xi32, #tpu.memory_space<vmem>> -> memref<1x128xi32, #tpu.memory_space<vmem>>
    %dma_wait3A_170 = tpu.memref_squeeze %dma_wait3A_169 : memref<1x128xi32, #tpu.memory_space<vmem>> -> memref<128xi32, #tpu.memory_space<vmem>>
    %dma_wait3A_171 = arith.constant 0 : i32
    %dma_wait3A_172 = arith.constant 0 : i32
    %dma_wait3A_173 = tpu.memref_slice %arg2[%dma_wait3A_171, %dma_wait3A_172] : memref<10240x16xf32, #tpu.memory_space<hbm>> -> memref<10240x16xf32, #tpu.memory_space<hbm>>
    tpu.wait_indirect_dma semaphore(%arg22 : memref<!tpu.dma_semaphore, #tpu.memory_space<semaphore_mem>>) src(%dma_wait3A_173 : memref<10240x16xf32, #tpu.memory_space<hbm>>) dst(%arg13 : memref<128x16xf32, #tpu.memory_space<vmem>>)
    %dma_start3A_174 = arith.constant 5 : i32
    %dma_start3A_175 = arith.constant 0 : i32
    %dma_start3A_176 = tpu.memref_slice %arg7[%dma_start3A_174, %dma_start3A_175] : memref<80x128xi32, #tpu.memory_space<vmem>> -> memref<1x128xi32, #tpu.memory_space<vmem>>
    %dma_start3A_177 = tpu.memref_squeeze %dma_start3A_176 : memref<1x128xi32, #tpu.memory_space<vmem>> -> memref<128xi32, #tpu.memory_space<vmem>>
    %dma_start3A_178 = arith.constant 0 : i32
    %dma_start3A_179 = arith.constant 0 : i32
    %dma_start3A_180 = tpu.memref_slice %arg16[%dma_start3A_178, %dma_start3A_179] : memref<10240x16xf32, #tpu.memory_space<vmem_shared>> -> memref<10240x16xf32, #tpu.memory_space<vmem_shared>>
    tpu.enqueue_indirect_dma source(%arg13 : memref<128x16xf32, #tpu.memory_space<vmem>>) target(%dma_start3A_180 : memref<10240x16xf32, #tpu.memory_space<vmem_shared>>) offsets(%dma_start3A_177 : memref<128xi32, #tpu.memory_space<vmem>>) semaphore(%arg30 : memref<!tpu.dma_semaphore, #tpu.memory_space<semaphore_mem>>) {add = true}
    %sub3A_181 = arith.constant 5 : i32
    %sub3A_182 = arith.constant 4 : i32
    %sub3A_183 = arith.subi %sub3A_181, %sub3A_182 : i32
    %dma_wait3A_184 = arith.constant 0 : i32
    %dma_wait3A_185 = tpu.memref_slice %arg7[%sub3A_183, %dma_wait3A_184] : memref<80x128xi32, #tpu.memory_space<vmem>> -> memref<1x128xi32, #tpu.memory_space<vmem>>
    %dma_wait3A_186 = tpu.memref_squeeze %dma_wait3A_185 : memref<1x128xi32, #tpu.memory_space<vmem>> -> memref<128xi32, #tpu.memory_space<vmem>>
    %dma_wait3A_187 = arith.constant 0 : i32
    %dma_wait3A_188 = arith.constant 0 : i32
    %dma_wait3A_189 = tpu.memref_slice %arg16[%dma_wait3A_187, %dma_wait3A_188] : memref<10240x16xf32, #tpu.memory_space<vmem_shared>> -> memref<10240x16xf32, #tpu.memory_space<vmem_shared>>
    tpu.wait_indirect_dma semaphore(%arg26 : memref<!tpu.dma_semaphore, #tpu.memory_space<semaphore_mem>>) src(%arg9 : memref<128x16xf32, #tpu.memory_space<vmem>>) dst(%dma_wait3A_189 : memref<10240x16xf32, #tpu.memory_space<vmem_shared>>)
    %add3A_190 = arith.constant 5 : i32
    %add3A_191 = arith.constant 4 : i32
    %add3A_192 = arith.addi %add3A_190, %add3A_191 : i32
    %dma_start3A_193 = arith.constant 0 : i32
    %dma_start3A_194 = tpu.memref_slice %arg6[%add3A_192, %dma_start3A_193] : memref<80x128xi32, #tpu.memory_space<vmem>> -> memref<1x128xi32, #tpu.memory_space<vmem>>
    %dma_start3A_195 = tpu.memref_squeeze %dma_start3A_194 : memref<1x128xi32, #tpu.memory_space<vmem>> -> memref<128xi32, #tpu.memory_space<vmem>>
    %dma_start3A_196 = arith.constant 0 : i32
    %dma_start3A_197 = arith.constant 0 : i32
    %dma_start3A_198 = tpu.memref_slice %arg2[%dma_start3A_196, %dma_start3A_197] : memref<10240x16xf32, #tpu.memory_space<hbm>> -> memref<10240x16xf32, #tpu.memory_space<hbm>>
    tpu.enqueue_indirect_dma source(%dma_start3A_198 : memref<10240x16xf32, #tpu.memory_space<hbm>>) target(%arg9 : memref<128x16xf32, #tpu.memory_space<vmem>>) offsets(%dma_start3A_195 : memref<128xi32, #tpu.memory_space<vmem>>) semaphore(%arg18 : memref<!tpu.dma_semaphore, #tpu.memory_space<semaphore_mem>>)
    %dma_wait3A_199 = arith.constant 6 : i32
    %dma_wait3A_200 = arith.constant 0 : i32
    %dma_wait3A_201 = tpu.memref_slice %arg6[%dma_wait3A_199, %dma_wait3A_200] : memref<80x128xi32, #tpu.memory_space<vmem>> -> memref<1x128xi32, #tpu.memory_space<vmem>>
    %dma_wait3A_202 = tpu.memref_squeeze %dma_wait3A_201 : memref<1x128xi32, #tpu.memory_space<vmem>> -> memref<128xi32, #tpu.memory_space<vmem>>
    %dma_wait3A_203 = arith.constant 0 : i32
    %dma_wait3A_204 = arith.constant 0 : i32
    %dma_wait3A_205 = tpu.memref_slice %arg2[%dma_wait3A_203, %dma_wait3A_204] : memref<10240x16xf32, #tpu.memory_space<hbm>> -> memref<10240x16xf32, #tpu.memory_space<hbm>>
    tpu.wait_indirect_dma semaphore(%arg23 : memref<!tpu.dma_semaphore, #tpu.memory_space<semaphore_mem>>) src(%dma_wait3A_205 : memref<10240x16xf32, #tpu.memory_space<hbm>>) dst(%arg14 : memref<128x16xf32, #tpu.memory_space<vmem>>)
    %dma_start3A_206 = arith.constant 6 : i32
    %dma_start3A_207 = arith.constant 0 : i32
    %dma_start3A_208 = tpu.memref_slice %arg7[%dma_start3A_206, %dma_start3A_207] : memref<80x128xi32, #tpu.memory_space<vmem>> -> memref<1x128xi32, #tpu.memory_space<vmem>>
    %dma_start3A_209 = tpu.memref_squeeze %dma_start3A_208 : memref<1x128xi32, #tpu.memory_space<vmem>> -> memref<128xi32, #tpu.memory_space<vmem>>
    %dma_start3A_210 = arith.constant 0 : i32
    %dma_start3A_211 = arith.constant 0 : i32
    %dma_start3A_212 = tpu.memref_slice %arg16[%dma_start3A_210, %dma_start3A_211] : memref<10240x16xf32, #tpu.memory_space<vmem_shared>> -> memref<10240x16xf32, #tpu.memory_space<vmem_shared>>
    tpu.enqueue_indirect_dma source(%arg14 : memref<128x16xf32, #tpu.memory_space<vmem>>) target(%dma_start3A_212 : memref<10240x16xf32, #tpu.memory_space<vmem_shared>>) offsets(%dma_start3A_209 : memref<128xi32, #tpu.memory_space<vmem>>) semaphore(%arg31 : memref<!tpu.dma_semaphore, #tpu.memory_space<semaphore_mem>>) {add = true}
    %sub3A_213 = arith.constant 6 : i32
    %sub3A_214 = arith.constant 4 : i32
    %sub3A_215 = arith.subi %sub3A_213, %sub3A_214 : i32
    %dma_wait3A_216 = arith.constant 0 : i32
    %dma_wait3A_217 = tpu.memref_slice %arg7[%sub3A_215, %dma_wait3A_216] : memref<80x128xi32, #tpu.memory_space<vmem>> -> memref<1x128xi32, #tpu.memory_space<vmem>>
    %dma_wait3A_218 = tpu.memref_squeeze %dma_wait3A_217 : memref<1x128xi32, #tpu.memory_space<vmem>> -> memref<128xi32, #tpu.memory_space<vmem>>
    %dma_wait3A_219 = arith.constant 0 : i32
    %dma_wait3A_220 = arith.constant 0 : i32
    %dma_wait3A_221 = tpu.memref_slice %arg16[%dma_wait3A_219, %dma_wait3A_220] : memref<10240x16xf32, #tpu.memory_space<vmem_shared>> -> memref<10240x16xf32, #tpu.memory_space<vmem_shared>>
    tpu.wait_indirect_dma semaphore(%arg27 : memref<!tpu.dma_semaphore, #tpu.memory_space<semaphore_mem>>) src(%arg10 : memref<128x16xf32, #tpu.memory_space<vmem>>) dst(%dma_wait3A_221 : memref<10240x16xf32, #tpu.memory_space<vmem_shared>>)
    %add3A_222 = arith.constant 6 : i32
    %add3A_223 = arith.constant 4 : i32
    %add3A_224 = arith.addi %add3A_222, %add3A_223 : i32
    %dma_start3A_225 = arith.constant 0 : i32
    %dma_start3A_226 = tpu.memref_slice %arg6[%add3A_224, %dma_start3A_225] : memref<80x128xi32, #tpu.memory_space<vmem>> -> memref<1x128xi32, #tpu.memory_space<vmem>>
    %dma_start3A_227 = tpu.memref_squeeze %dma_start3A_226 : memref<1x128xi32, #tpu.memory_space<vmem>> -> memref<128xi32, #tpu.memory_space<vmem>>
    %dma_start3A_228 = arith.constant 0 : i32
    %dma_start3A_229 = arith.constant 0 : i32
    %dma_start3A_230 = tpu.memref_slice %arg2[%dma_start3A_228, %dma_start3A_229] : memref<10240x16xf32, #tpu.memory_space<hbm>> -> memref<10240x16xf32, #tpu.memory_space<hbm>>
    tpu.enqueue_indirect_dma source(%dma_start3A_230 : memref<10240x16xf32, #tpu.memory_space<hbm>>) target(%arg10 : memref<128x16xf32, #tpu.memory_space<vmem>>) offsets(%dma_start3A_227 : memref<128xi32, #tpu.memory_space<vmem>>) semaphore(%arg19 : memref<!tpu.dma_semaphore, #tpu.memory_space<semaphore_mem>>)
    %dma_wait3A_231 = arith.constant 7 : i32
    %dma_wait3A_232 = arith.constant 0 : i32
    %dma_wait3A_233 = tpu.memref_slice %arg6[%dma_wait3A_231, %dma_wait3A_232] : memref<80x128xi32, #tpu.memory_space<vmem>> -> memref<1x128xi32, #tpu.memory_space<vmem>>
    %dma_wait3A_234 = tpu.memref_squeeze %dma_wait3A_233 : memref<1x128xi32, #tpu.memory_space<vmem>> -> memref<128xi32, #tpu.memory_space<vmem>>
    %dma_wait3A_235 = arith.constant 0 : i32
    %dma_wait3A_236 = arith.constant 0 : i32
    %dma_wait3A_237 = tpu.memref_slice %arg2[%dma_wait3A_235, %dma_wait3A_236] : memref<10240x16xf32, #tpu.memory_space<hbm>> -> memref<10240x16xf32, #tpu.memory_space<hbm>>
    tpu.wait_indirect_dma semaphore(%arg24 : memref<!tpu.dma_semaphore, #tpu.memory_space<semaphore_mem>>) src(%dma_wait3A_237 : memref<10240x16xf32, #tpu.memory_space<hbm>>) dst(%arg15 : memref<128x16xf32, #tpu.memory_space<vmem>>)
    %dma_start3A_238 = arith.constant 7 : i32
    %dma_start3A_239 = arith.constant 0 : i32
    %dma_start3A_240 = tpu.memref_slice %arg7[%dma_start3A_238, %dma_start3A_239] : memref<80x128xi32, #tpu.memory_space<vmem>> -> memref<1x128xi32, #tpu.memory_space<vmem>>
    %dma_start3A_241 = tpu.memref_squeeze %dma_start3A_240 : memref<1x128xi32, #tpu.memory_space<vmem>> -> memref<128xi32, #tpu.memory_space<vmem>>
    %dma_start3A_242 = arith.constant 0 : i32
    %dma_start3A_243 = arith.constant 0 : i32
    %dma_start3A_244 = tpu.memref_slice %arg16[%dma_start3A_242, %dma_start3A_243] : memref<10240x16xf32, #tpu.memory_space<vmem_shared>> -> memref<10240x16xf32, #tpu.memory_space<vmem_shared>>
    tpu.enqueue_indirect_dma source(%arg15 : memref<128x16xf32, #tpu.memory_space<vmem>>) target(%dma_start3A_244 : memref<10240x16xf32, #tpu.memory_space<vmem_shared>>) offsets(%dma_start3A_241 : memref<128xi32, #tpu.memory_space<vmem>>) semaphore(%arg32 : memref<!tpu.dma_semaphore, #tpu.memory_space<semaphore_mem>>) {add = true}
    %sub3A_245 = arith.constant 7 : i32
    %sub3A_246 = arith.constant 4 : i32
    %sub3A_247 = arith.subi %sub3A_245, %sub3A_246 : i32
    %dma_wait3A_248 = arith.constant 0 : i32
    %dma_wait3A_249 = tpu.memref_slice %arg7[%sub3A_247, %dma_wait3A_248] : memref<80x128xi32, #tpu.memory_space<vmem>> -> memref<1x128xi32, #tpu.memory_space<vmem>>
    %dma_wait3A_250 = tpu.memref_squeeze %dma_wait3A_249 : memref<1x128xi32, #tpu.memory_space<vmem>> -> memref<128xi32, #tpu.memory_space<vmem>>
    %dma_wait3A_251 = arith.constant 0 : i32
    %dma_wait3A_252 = arith.constant 0 : i32
    %dma_wait3A_253 = tpu.memref_slice %arg16[%dma_wait3A_251, %dma_wait3A_252] : memref<10240x16xf32, #tpu.memory_space<vmem_shared>> -> memref<10240x16xf32, #tpu.memory_space<vmem_shared>>
    tpu.wait_indirect_dma semaphore(%arg28 : memref<!tpu.dma_semaphore, #tpu.memory_space<semaphore_mem>>) src(%arg11 : memref<128x16xf32, #tpu.memory_space<vmem>>) dst(%dma_wait3A_253 : memref<10240x16xf32, #tpu.memory_space<vmem_shared>>)
    %add3A_254 = arith.constant 7 : i32
    %add3A_255 = arith.constant 4 : i32
    %add3A_256 = arith.addi %add3A_254, %add3A_255 : i32
    %dma_start3A_257 = arith.constant 0 : i32
    %dma_start3A_258 = tpu.memref_slice %arg6[%add3A_256, %dma_start3A_257] : memref<80x128xi32, #tpu.memory_space<vmem>> -> memref<1x128xi32, #tpu.memory_space<vmem>>
    %dma_start3A_259 = tpu.memref_squeeze %dma_start3A_258 : memref<1x128xi32, #tpu.memory_space<vmem>> -> memref<128xi32, #tpu.memory_space<vmem>>
    %dma_start3A_260 = arith.constant 0 : i32
    %dma_start3A_261 = arith.constant 0 : i32
    %dma_start3A_262 = tpu.memref_slice %arg2[%dma_start3A_260, %dma_start3A_261] : memref<10240x16xf32, #tpu.memory_space<hbm>> -> memref<10240x16xf32, #tpu.memory_space<hbm>>
    tpu.enqueue_indirect_dma source(%dma_start3A_262 : memref<10240x16xf32, #tpu.memory_space<hbm>>) target(%arg11 : memref<128x16xf32, #tpu.memory_space<vmem>>) offsets(%dma_start3A_259 : memref<128xi32, #tpu.memory_space<vmem>>) semaphore(%arg20 : memref<!tpu.dma_semaphore, #tpu.memory_space<semaphore_mem>>)
    %scan3A_263 = arith.constant 1 : i32
    %scan3A_264 = arith.constant 8 : i32
    %scan3A_265 = arith.addi %scan3A_263, %scan3A_264 : i32
    %scan3A_266 = arith.constant 1 : i32
    scf.for %scan3A_517 = %scan3A_263 to %scan3A_265 step %scan3A_266  : i32 {
      %mul3A_518 = arith.constant 8 : i32
      %mul3A_519 = arith.muli %scan3A_517, %mul3A_518 : i32
      %add3A_520 = arith.constant 0 : i32
      %add3A_521 = arith.addi %mul3A_519, %add3A_520 : i32
      %dma_wait3A_522 = arith.constant 0 : i32
      %dma_wait3A_523 = tpu.memref_slice %arg6[%add3A_521, %dma_wait3A_522] : memref<80x128xi32, #tpu.memory_space<vmem>> -> memref<1x128xi32, #tpu.memory_space<vmem>>
      %dma_wait3A_524 = tpu.memref_squeeze %dma_wait3A_523 : memref<1x128xi32, #tpu.memory_space<vmem>> -> memref<128xi32, #tpu.memory_space<vmem>>
      %dma_wait3A_525 = arith.constant 0 : i32
      %dma_wait3A_526 = arith.constant 0 : i32
      %dma_wait3A_527 = tpu.memref_slice %arg2[%dma_wait3A_525, %dma_wait3A_526] : memref<10240x16xf32, #tpu.memory_space<hbm>> -> memref<10240x16xf32, #tpu.memory_space<hbm>>
      tpu.wait_indirect_dma semaphore(%arg17 : memref<!tpu.dma_semaphore, #tpu.memory_space<semaphore_mem>>) src(%dma_wait3A_527 : memref<10240x16xf32, #tpu.memory_space<hbm>>) dst(%arg8 : memref<128x16xf32, #tpu.memory_space<vmem>>)
      %dma_start3A_528 = arith.constant 0 : i32
      %dma_start3A_529 = tpu.memref_slice %arg7[%add3A_521, %dma_start3A_528] : memref<80x128xi32, #tpu.memory_space<vmem>> -> memref<1x128xi32, #tpu.memory_space<vmem>>
      %dma_start3A_530 = tpu.memref_squeeze %dma_start3A_529 : memref<1x128xi32, #tpu.memory_space<vmem>> -> memref<128xi32, #tpu.memory_space<vmem>>
      %dma_start3A_531 = arith.constant 0 : i32
      %dma_start3A_532 = arith.constant 0 : i32
      %dma_start3A_533 = tpu.memref_slice %arg16[%dma_start3A_531, %dma_start3A_532] : memref<10240x16xf32, #tpu.memory_space<vmem_shared>> -> memref<10240x16xf32, #tpu.memory_space<vmem_shared>>
      tpu.enqueue_indirect_dma source(%arg8 : memref<128x16xf32, #tpu.memory_space<vmem>>) target(%dma_start3A_533 : memref<10240x16xf32, #tpu.memory_space<vmem_shared>>) offsets(%dma_start3A_530 : memref<128xi32, #tpu.memory_space<vmem>>) semaphore(%arg25 : memref<!tpu.dma_semaphore, #tpu.memory_space<semaphore_mem>>) {add = true}
      %sub3A_534 = arith.constant 4 : i32
      %sub3A_535 = arith.subi %add3A_521, %sub3A_534 : i32
      %dma_wait3A_536 = arith.constant 0 : i32
      %dma_wait3A_537 = tpu.memref_slice %arg7[%sub3A_535, %dma_wait3A_536] : memref<80x128xi32, #tpu.memory_space<vmem>> -> memref<1x128xi32, #tpu.memory_space<vmem>>
      %dma_wait3A_538 = tpu.memref_squeeze %dma_wait3A_537 : memref<1x128xi32, #tpu.memory_space<vmem>> -> memref<128xi32, #tpu.memory_space<vmem>>
      %dma_wait3A_539 = arith.constant 0 : i32
      %dma_wait3A_540 = arith.constant 0 : i32
      %dma_wait3A_541 = tpu.memref_slice %arg16[%dma_wait3A_539, %dma_wait3A_540] : memref<10240x16xf32, #tpu.memory_space<vmem_shared>> -> memref<10240x16xf32, #tpu.memory_space<vmem_shared>>
      tpu.wait_indirect_dma semaphore(%arg29 : memref<!tpu.dma_semaphore, #tpu.memory_space<semaphore_mem>>) src(%arg12 : memref<128x16xf32, #tpu.memory_space<vmem>>) dst(%dma_wait3A_541 : memref<10240x16xf32, #tpu.memory_space<vmem_shared>>)
      %add3A_542 = arith.constant 4 : i32
      %add3A_543 = arith.addi %add3A_521, %add3A_542 : i32
      %dma_start3A_544 = arith.constant 0 : i32
      %dma_start3A_545 = tpu.memref_slice %arg6[%add3A_543, %dma_start3A_544] : memref<80x128xi32, #tpu.memory_space<vmem>> -> memref<1x128xi32, #tpu.memory_space<vmem>>
      %dma_start3A_546 = tpu.memref_squeeze %dma_start3A_545 : memref<1x128xi32, #tpu.memory_space<vmem>> -> memref<128xi32, #tpu.memory_space<vmem>>
      %dma_start3A_547 = arith.constant 0 : i32
      %dma_start3A_548 = arith.constant 0 : i32
      %dma_start3A_549 = tpu.memref_slice %arg2[%dma_start3A_547, %dma_start3A_548] : memref<10240x16xf32, #tpu.memory_space<hbm>> -> memref<10240x16xf32, #tpu.memory_space<hbm>>
      tpu.enqueue_indirect_dma source(%dma_start3A_549 : memref<10240x16xf32, #tpu.memory_space<hbm>>) target(%arg12 : memref<128x16xf32, #tpu.memory_space<vmem>>) offsets(%dma_start3A_546 : memref<128xi32, #tpu.memory_space<vmem>>) semaphore(%arg21 : memref<!tpu.dma_semaphore, #tpu.memory_space<semaphore_mem>>)
      %mul3A_550 = arith.constant 8 : i32
      %mul3A_551 = arith.muli %scan3A_517, %mul3A_550 : i32
      %add3A_552 = arith.constant 1 : i32
      %add3A_553 = arith.addi %mul3A_551, %add3A_552 : i32
      %dma_wait3A_554 = arith.constant 0 : i32
      %dma_wait3A_555 = tpu.memref_slice %arg6[%add3A_553, %dma_wait3A_554] : memref<80x128xi32, #tpu.memory_space<vmem>> -> memref<1x128xi32, #tpu.memory_space<vmem>>
      %dma_wait3A_556 = tpu.memref_squeeze %dma_wait3A_555 : memref<1x128xi32, #tpu.memory_space<vmem>> -> memref<128xi32, #tpu.memory_space<vmem>>
      %dma_wait3A_557 = arith.constant 0 : i32
      %dma_wait3A_558 = arith.constant 0 : i32
      %dma_wait3A_559 = tpu.memref_slice %arg2[%dma_wait3A_557, %dma_wait3A_558] : memref<10240x16xf32, #tpu.memory_space<hbm>> -> memref<10240x16xf32, #tpu.memory_space<hbm>>
      tpu.wait_indirect_dma semaphore(%arg18 : memref<!tpu.dma_semaphore, #tpu.memory_space<semaphore_mem>>) src(%dma_wait3A_559 : memref<10240x16xf32, #tpu.memory_space<hbm>>) dst(%arg9 : memref<128x16xf32, #tpu.memory_space<vmem>>)
      %dma_start3A_560 = arith.constant 0 : i32
      %dma_start3A_561 = tpu.memref_slice %arg7[%add3A_553, %dma_start3A_560] : memref<80x128xi32, #tpu.memory_space<vmem>> -> memref<1x128xi32, #tpu.memory_space<vmem>>
      %dma_start3A_562 = tpu.memref_squeeze %dma_start3A_561 : memref<1x128xi32, #tpu.memory_space<vmem>> -> memref<128xi32, #tpu.memory_space<vmem>>
      %dma_start3A_563 = arith.constant 0 : i32
      %dma_start3A_564 = arith.constant 0 : i32
      %dma_start3A_565 = tpu.memref_slice %arg16[%dma_start3A_563, %dma_start3A_564] : memref<10240x16xf32, #tpu.memory_space<vmem_shared>> -> memref<10240x16xf32, #tpu.memory_space<vmem_shared>>
      tpu.enqueue_indirect_dma source(%arg9 : memref<128x16xf32, #tpu.memory_space<vmem>>) target(%dma_start3A_565 : memref<10240x16xf32, #tpu.memory_space<vmem_shared>>) offsets(%dma_start3A_562 : memref<128xi32, #tpu.memory_space<vmem>>) semaphore(%arg26 : memref<!tpu.dma_semaphore, #tpu.memory_space<semaphore_mem>>) {add = true}
      %sub3A_566 = arith.constant 4 : i32
      %sub3A_567 = arith.subi %add3A_553, %sub3A_566 : i32
      %dma_wait3A_568 = arith.constant 0 : i32
      %dma_wait3A_569 = tpu.memref_slice %arg7[%sub3A_567, %dma_wait3A_568] : memref<80x128xi32, #tpu.memory_space<vmem>> -> memref<1x128xi32, #tpu.memory_space<vmem>>
      %dma_wait3A_570 = tpu.memref_squeeze %dma_wait3A_569 : memref<1x128xi32, #tpu.memory_space<vmem>> -> memref<128xi32, #tpu.memory_space<vmem>>
      %dma_wait3A_571 = arith.constant 0 : i32
      %dma_wait3A_572 = arith.constant 0 : i32
      %dma_wait3A_573 = tpu.memref_slice %arg16[%dma_wait3A_571, %dma_wait3A_572] : memref<10240x16xf32, #tpu.memory_space<vmem_shared>> -> memref<10240x16xf32, #tpu.memory_space<vmem_shared>>
      tpu.wait_indirect_dma semaphore(%arg30 : memref<!tpu.dma_semaphore, #tpu.memory_space<semaphore_mem>>) src(%arg13 : memref<128x16xf32, #tpu.memory_space<vmem>>) dst(%dma_wait3A_573 : memref<10240x16xf32, #tpu.memory_space<vmem_shared>>)
      %add3A_574 = arith.constant 4 : i32
      %add3A_575 = arith.addi %add3A_553, %add3A_574 : i32
      %dma_start3A_576 = arith.constant 0 : i32
      %dma_start3A_577 = tpu.memref_slice %arg6[%add3A_575, %dma_start3A_576] : memref<80x128xi32, #tpu.memory_space<vmem>> -> memref<1x128xi32, #tpu.memory_space<vmem>>
      %dma_start3A_578 = tpu.memref_squeeze %dma_start3A_577 : memref<1x128xi32, #tpu.memory_space<vmem>> -> memref<128xi32, #tpu.memory_space<vmem>>
      %dma_start3A_579 = arith.constant 0 : i32
      %dma_start3A_580 = arith.constant 0 : i32
      %dma_start3A_581 = tpu.memref_slice %arg2[%dma_start3A_579, %dma_start3A_580] : memref<10240x16xf32, #tpu.memory_space<hbm>> -> memref<10240x16xf32, #tpu.memory_space<hbm>>
      tpu.enqueue_indirect_dma source(%dma_start3A_581 : memref<10240x16xf32, #tpu.memory_space<hbm>>) target(%arg13 : memref<128x16xf32, #tpu.memory_space<vmem>>) offsets(%dma_start3A_578 : memref<128xi32, #tpu.memory_space<vmem>>) semaphore(%arg22 : memref<!tpu.dma_semaphore, #tpu.memory_space<semaphore_mem>>)
      %mul3A_582 = arith.constant 8 : i32
      %mul3A_583 = arith.muli %scan3A_517, %mul3A_582 : i32
      %add3A_584 = arith.constant 2 : i32
      %add3A_585 = arith.addi %mul3A_583, %add3A_584 : i32
      %dma_wait3A_586 = arith.constant 0 : i32
      %dma_wait3A_587 = tpu.memref_slice %arg6[%add3A_585, %dma_wait3A_586] : memref<80x128xi32, #tpu.memory_space<vmem>> -> memref<1x128xi32, #tpu.memory_space<vmem>>
      %dma_wait3A_588 = tpu.memref_squeeze %dma_wait3A_587 : memref<1x128xi32, #tpu.memory_space<vmem>> -> memref<128xi32, #tpu.memory_space<vmem>>
      %dma_wait3A_589 = arith.constant 0 : i32
      %dma_wait3A_590 = arith.constant 0 : i32
      %dma_wait3A_591 = tpu.memref_slice %arg2[%dma_wait3A_589, %dma_wait3A_590] : memref<10240x16xf32, #tpu.memory_space<hbm>> -> memref<10240x16xf32, #tpu.memory_space<hbm>>
      tpu.wait_indirect_dma semaphore(%arg19 : memref<!tpu.dma_semaphore, #tpu.memory_space<semaphore_mem>>) src(%dma_wait3A_591 : memref<10240x16xf32, #tpu.memory_space<hbm>>) dst(%arg10 : memref<128x16xf32, #tpu.memory_space<vmem>>)
      %dma_start3A_592 = arith.constant 0 : i32
      %dma_start3A_593 = tpu.memref_slice %arg7[%add3A_585, %dma_start3A_592] : memref<80x128xi32, #tpu.memory_space<vmem>> -> memref<1x128xi32, #tpu.memory_space<vmem>>
      %dma_start3A_594 = tpu.memref_squeeze %dma_start3A_593 : memref<1x128xi32, #tpu.memory_space<vmem>> -> memref<128xi32, #tpu.memory_space<vmem>>
      %dma_start3A_595 = arith.constant 0 : i32
      %dma_start3A_596 = arith.constant 0 : i32
      %dma_start3A_597 = tpu.memref_slice %arg16[%dma_start3A_595, %dma_start3A_596] : memref<10240x16xf32, #tpu.memory_space<vmem_shared>> -> memref<10240x16xf32, #tpu.memory_space<vmem_shared>>
      tpu.enqueue_indirect_dma source(%arg10 : memref<128x16xf32, #tpu.memory_space<vmem>>) target(%dma_start3A_597 : memref<10240x16xf32, #tpu.memory_space<vmem_shared>>) offsets(%dma_start3A_594 : memref<128xi32, #tpu.memory_space<vmem>>) semaphore(%arg27 : memref<!tpu.dma_semaphore, #tpu.memory_space<semaphore_mem>>) {add = true}
      %sub3A_598 = arith.constant 4 : i32
      %sub3A_599 = arith.subi %add3A_585, %sub3A_598 : i32
      %dma_wait3A_600 = arith.constant 0 : i32
      %dma_wait3A_601 = tpu.memref_slice %arg7[%sub3A_599, %dma_wait3A_600] : memref<80x128xi32, #tpu.memory_space<vmem>> -> memref<1x128xi32, #tpu.memory_space<vmem>>
      %dma_wait3A_602 = tpu.memref_squeeze %dma_wait3A_601 : memref<1x128xi32, #tpu.memory_space<vmem>> -> memref<128xi32, #tpu.memory_space<vmem>>
      %dma_wait3A_603 = arith.constant 0 : i32
      %dma_wait3A_604 = arith.constant 0 : i32
      %dma_wait3A_605 = tpu.memref_slice %arg16[%dma_wait3A_603, %dma_wait3A_604] : memref<10240x16xf32, #tpu.memory_space<vmem_shared>> -> memref<10240x16xf32, #tpu.memory_space<vmem_shared>>
      tpu.wait_indirect_dma semaphore(%arg31 : memref<!tpu.dma_semaphore, #tpu.memory_space<semaphore_mem>>) src(%arg14 : memref<128x16xf32, #tpu.memory_space<vmem>>) dst(%dma_wait3A_605 : memref<10240x16xf32, #tpu.memory_space<vmem_shared>>)
      %add3A_606 = arith.constant 4 : i32
      %add3A_607 = arith.addi %add3A_585, %add3A_606 : i32
      %dma_start3A_608 = arith.constant 0 : i32
      %dma_start3A_609 = tpu.memref_slice %arg6[%add3A_607, %dma_start3A_608] : memref<80x128xi32, #tpu.memory_space<vmem>> -> memref<1x128xi32, #tpu.memory_space<vmem>>
      %dma_start3A_610 = tpu.memref_squeeze %dma_start3A_609 : memref<1x128xi32, #tpu.memory_space<vmem>> -> memref<128xi32, #tpu.memory_space<vmem>>
      %dma_start3A_611 = arith.constant 0 : i32
      %dma_start3A_612 = arith.constant 0 : i32
      %dma_start3A_613 = tpu.memref_slice %arg2[%dma_start3A_611, %dma_start3A_612] : memref<10240x16xf32, #tpu.memory_space<hbm>> -> memref<10240x16xf32, #tpu.memory_space<hbm>>
      tpu.enqueue_indirect_dma source(%dma_start3A_613 : memref<10240x16xf32, #tpu.memory_space<hbm>>) target(%arg14 : memref<128x16xf32, #tpu.memory_space<vmem>>) offsets(%dma_start3A_610 : memref<128xi32, #tpu.memory_space<vmem>>) semaphore(%arg23 : memref<!tpu.dma_semaphore, #tpu.memory_space<semaphore_mem>>)
      %mul3A_614 = arith.constant 8 : i32
      %mul3A_615 = arith.muli %scan3A_517, %mul3A_614 : i32
      %add3A_616 = arith.constant 3 : i32
      %add3A_617 = arith.addi %mul3A_615, %add3A_616 : i32
      %dma_wait3A_618 = arith.constant 0 : i32
      %dma_wait3A_619 = tpu.memref_slice %arg6[%add3A_617, %dma_wait3A_618] : memref<80x128xi32, #tpu.memory_space<vmem>> -> memref<1x128xi32, #tpu.memory_space<vmem>>
      %dma_wait3A_620 = tpu.memref_squeeze %dma_wait3A_619 : memref<1x128xi32, #tpu.memory_space<vmem>> -> memref<128xi32, #tpu.memory_space<vmem>>
      %dma_wait3A_621 = arith.constant 0 : i32
      %dma_wait3A_622 = arith.constant 0 : i32
      %dma_wait3A_623 = tpu.memref_slice %arg2[%dma_wait3A_621, %dma_wait3A_622] : memref<10240x16xf32, #tpu.memory_space<hbm>> -> memref<10240x16xf32, #tpu.memory_space<hbm>>
      tpu.wait_indirect_dma semaphore(%arg20 : memref<!tpu.dma_semaphore, #tpu.memory_space<semaphore_mem>>) src(%dma_wait3A_623 : memref<10240x16xf32, #tpu.memory_space<hbm>>) dst(%arg11 : memref<128x16xf32, #tpu.memory_space<vmem>>)
      %dma_start3A_624 = arith.constant 0 : i32
      %dma_start3A_625 = tpu.memref_slice %arg7[%add3A_617, %dma_start3A_624] : memref<80x128xi32, #tpu.memory_space<vmem>> -> memref<1x128xi32, #tpu.memory_space<vmem>>
      %dma_start3A_626 = tpu.memref_squeeze %dma_start3A_625 : memref<1x128xi32, #tpu.memory_space<vmem>> -> memref<128xi32, #tpu.memory_space<vmem>>
      %dma_start3A_627 = arith.constant 0 : i32
      %dma_start3A_628 = arith.constant 0 : i32
      %dma_start3A_629 = tpu.memref_slice %arg16[%dma_start3A_627, %dma_start3A_628] : memref<10240x16xf32, #tpu.memory_space<vmem_shared>> -> memref<10240x16xf32, #tpu.memory_space<vmem_shared>>
      tpu.enqueue_indirect_dma source(%arg11 : memref<128x16xf32, #tpu.memory_space<vmem>>) target(%dma_start3A_629 : memref<10240x16xf32, #tpu.memory_space<vmem_shared>>) offsets(%dma_start3A_626 : memref<128xi32, #tpu.memory_space<vmem>>) semaphore(%arg28 : memref<!tpu.dma_semaphore, #tpu.memory_space<semaphore_mem>>) {add = true}
      %sub3A_630 = arith.constant 4 : i32
      %sub3A_631 = arith.subi %add3A_617, %sub3A_630 : i32
      %dma_wait3A_632 = arith.constant 0 : i32
      %dma_wait3A_633 = tpu.memref_slice %arg7[%sub3A_631, %dma_wait3A_632] : memref<80x128xi32, #tpu.memory_space<vmem>> -> memref<1x128xi32, #tpu.memory_space<vmem>>
      %dma_wait3A_634 = tpu.memref_squeeze %dma_wait3A_633 : memref<1x128xi32, #tpu.memory_space<vmem>> -> memref<128xi32, #tpu.memory_space<vmem>>
      %dma_wait3A_635 = arith.constant 0 : i32
      %dma_wait3A_636 = arith.constant 0 : i32
      %dma_wait3A_637 = tpu.memref_slice %arg16[%dma_wait3A_635, %dma_wait3A_636] : memref<10240x16xf32, #tpu.memory_space<vmem_shared>> -> memref<10240x16xf32, #tpu.memory_space<vmem_shared>>
      tpu.wait_indirect_dma semaphore(%arg32 : memref<!tpu.dma_semaphore, #tpu.memory_space<semaphore_mem>>) src(%arg15 : memref<128x16xf32, #tpu.memory_space<vmem>>) dst(%dma_wait3A_637 : memref<10240x16xf32, #tpu.memory_space<vmem_shared>>)
      %add3A_638 = arith.constant 4 : i32
      %add3A_639 = arith.addi %add3A_617, %add3A_638 : i32
      %dma_start3A_640 = arith.constant 0 : i32
      %dma_start3A_641 = tpu.memref_slice %arg6[%add3A_639, %dma_start3A_640] : memref<80x128xi32, #tpu.memory_space<vmem>> -> memref<1x128xi32, #tpu.memory_space<vmem>>
      %dma_start3A_642 = tpu.memref_squeeze %dma_start3A_641 : memref<1x128xi32, #tpu.memory_space<vmem>> -> memref<128xi32, #tpu.memory_space<vmem>>
      %dma_start3A_643 = arith.constant 0 : i32
      %dma_start3A_644 = arith.constant 0 : i32
      %dma_start3A_645 = tpu.memref_slice %arg2[%dma_start3A_643, %dma_start3A_644] : memref<10240x16xf32, #tpu.memory_space<hbm>> -> memref<10240x16xf32, #tpu.memory_space<hbm>>
      tpu.enqueue_indirect_dma source(%dma_start3A_645 : memref<10240x16xf32, #tpu.memory_space<hbm>>) target(%arg15 : memref<128x16xf32, #tpu.memory_space<vmem>>) offsets(%dma_start3A_642 : memref<128xi32, #tpu.memory_space<vmem>>) semaphore(%arg24 : memref<!tpu.dma_semaphore, #tpu.memory_space<semaphore_mem>>)
      %mul3A_646 = arith.constant 8 : i32
      %mul3A_647 = arith.muli %scan3A_517, %mul3A_646 : i32
      %add3A_648 = arith.constant 4 : i32
      %add3A_649 = arith.addi %mul3A_647, %add3A_648 : i32
      %dma_wait3A_650 = arith.constant 0 : i32
      %dma_wait3A_651 = tpu.memref_slice %arg6[%add3A_649, %dma_wait3A_650] : memref<80x128xi32, #tpu.memory_space<vmem>> -> memref<1x128xi32, #tpu.memory_space<vmem>>
      %dma_wait3A_652 = tpu.memref_squeeze %dma_wait3A_651 : memref<1x128xi32, #tpu.memory_space<vmem>> -> memref<128xi32, #tpu.memory_space<vmem>>
      %dma_wait3A_653 = arith.constant 0 : i32
      %dma_wait3A_654 = arith.constant 0 : i32
      %dma_wait3A_655 = tpu.memref_slice %arg2[%dma_wait3A_653, %dma_wait3A_654] : memref<10240x16xf32, #tpu.memory_space<hbm>> -> memref<10240x16xf32, #tpu.memory_space<hbm>>
      tpu.wait_indirect_dma semaphore(%arg21 : memref<!tpu.dma_semaphore, #tpu.memory_space<semaphore_mem>>) src(%dma_wait3A_655 : memref<10240x16xf32, #tpu.memory_space<hbm>>) dst(%arg12 : memref<128x16xf32, #tpu.memory_space<vmem>>)
      %dma_start3A_656 = arith.constant 0 : i32
      %dma_start3A_657 = tpu.memref_slice %arg7[%add3A_649, %dma_start3A_656] : memref<80x128xi32, #tpu.memory_space<vmem>> -> memref<1x128xi32, #tpu.memory_space<vmem>>
      %dma_start3A_658 = tpu.memref_squeeze %dma_start3A_657 : memref<1x128xi32, #tpu.memory_space<vmem>> -> memref<128xi32, #tpu.memory_space<vmem>>
      %dma_start3A_659 = arith.constant 0 : i32
      %dma_start3A_660 = arith.constant 0 : i32
      %dma_start3A_661 = tpu.memref_slice %arg16[%dma_start3A_659, %dma_start3A_660] : memref<10240x16xf32, #tpu.memory_space<vmem_shared>> -> memref<10240x16xf32, #tpu.memory_space<vmem_shared>>
      tpu.enqueue_indirect_dma source(%arg12 : memref<128x16xf32, #tpu.memory_space<vmem>>) target(%dma_start3A_661 : memref<10240x16xf32, #tpu.memory_space<vmem_shared>>) offsets(%dma_start3A_658 : memref<128xi32, #tpu.memory_space<vmem>>) semaphore(%arg29 : memref<!tpu.dma_semaphore, #tpu.memory_space<semaphore_mem>>) {add = true}
      %sub3A_662 = arith.constant 4 : i32
      %sub3A_663 = arith.subi %add3A_649, %sub3A_662 : i32
      %dma_wait3A_664 = arith.constant 0 : i32
      %dma_wait3A_665 = tpu.memref_slice %arg7[%sub3A_663, %dma_wait3A_664] : memref<80x128xi32, #tpu.memory_space<vmem>> -> memref<1x128xi32, #tpu.memory_space<vmem>>
      %dma_wait3A_666 = tpu.memref_squeeze %dma_wait3A_665 : memref<1x128xi32, #tpu.memory_space<vmem>> -> memref<128xi32, #tpu.memory_space<vmem>>
      %dma_wait3A_667 = arith.constant 0 : i32
      %dma_wait3A_668 = arith.constant 0 : i32
      %dma_wait3A_669 = tpu.memref_slice %arg16[%dma_wait3A_667, %dma_wait3A_668] : memref<10240x16xf32, #tpu.memory_space<vmem_shared>> -> memref<10240x16xf32, #tpu.memory_space<vmem_shared>>
      tpu.wait_indirect_dma semaphore(%arg25 : memref<!tpu.dma_semaphore, #tpu.memory_space<semaphore_mem>>) src(%arg8 : memref<128x16xf32, #tpu.memory_space<vmem>>) dst(%dma_wait3A_669 : memref<10240x16xf32, #tpu.memory_space<vmem_shared>>)
      %add3A_670 = arith.constant 4 : i32
      %add3A_671 = arith.addi %add3A_649, %add3A_670 : i32
      %dma_start3A_672 = arith.constant 0 : i32
      %dma_start3A_673 = tpu.memref_slice %arg6[%add3A_671, %dma_start3A_672] : memref<80x128xi32, #tpu.memory_space<vmem>> -> memref<1x128xi32, #tpu.memory_space<vmem>>
      %dma_start3A_674 = tpu.memref_squeeze %dma_start3A_673 : memref<1x128xi32, #tpu.memory_space<vmem>> -> memref<128xi32, #tpu.memory_space<vmem>>
      %dma_start3A_675 = arith.constant 0 : i32
      %dma_start3A_676 = arith.constant 0 : i32
      %dma_start3A_677 = tpu.memref_slice %arg2[%dma_start3A_675, %dma_start3A_676] : memref<10240x16xf32, #tpu.memory_space<hbm>> -> memref<10240x16xf32, #tpu.memory_space<hbm>>
      tpu.enqueue_indirect_dma source(%dma_start3A_677 : memref<10240x16xf32, #tpu.memory_space<hbm>>) target(%arg8 : memref<128x16xf32, #tpu.memory_space<vmem>>) offsets(%dma_start3A_674 : memref<128xi32, #tpu.memory_space<vmem>>) semaphore(%arg17 : memref<!tpu.dma_semaphore, #tpu.memory_space<semaphore_mem>>)
      %mul3A_678 = arith.constant 8 : i32
      %mul3A_679 = arith.muli %scan3A_517, %mul3A_678 : i32
      %add3A_680 = arith.constant 5 : i32
      %add3A_681 = arith.addi %mul3A_679, %add3A_680 : i32
      %dma_wait3A_682 = arith.constant 0 : i32
      %dma_wait3A_683 = tpu.memref_slice %arg6[%add3A_681, %dma_wait3A_682] : memref<80x128xi32, #tpu.memory_space<vmem>> -> memref<1x128xi32, #tpu.memory_space<vmem>>
      %dma_wait3A_684 = tpu.memref_squeeze %dma_wait3A_683 : memref<1x128xi32, #tpu.memory_space<vmem>> -> memref<128xi32, #tpu.memory_space<vmem>>
      %dma_wait3A_685 = arith.constant 0 : i32
      %dma_wait3A_686 = arith.constant 0 : i32
      %dma_wait3A_687 = tpu.memref_slice %arg2[%dma_wait3A_685, %dma_wait3A_686] : memref<10240x16xf32, #tpu.memory_space<hbm>> -> memref<10240x16xf32, #tpu.memory_space<hbm>>
      tpu.wait_indirect_dma semaphore(%arg22 : memref<!tpu.dma_semaphore, #tpu.memory_space<semaphore_mem>>) src(%dma_wait3A_687 : memref<10240x16xf32, #tpu.memory_space<hbm>>) dst(%arg13 : memref<128x16xf32, #tpu.memory_space<vmem>>)
      %dma_start3A_688 = arith.constant 0 : i32
      %dma_start3A_689 = tpu.memref_slice %arg7[%add3A_681, %dma_start3A_688] : memref<80x128xi32, #tpu.memory_space<vmem>> -> memref<1x128xi32, #tpu.memory_space<vmem>>
      %dma_start3A_690 = tpu.memref_squeeze %dma_start3A_689 : memref<1x128xi32, #tpu.memory_space<vmem>> -> memref<128xi32, #tpu.memory_space<vmem>>
      %dma_start3A_691 = arith.constant 0 : i32
      %dma_start3A_692 = arith.constant 0 : i32
      %dma_start3A_693 = tpu.memref_slice %arg16[%dma_start3A_691, %dma_start3A_692] : memref<10240x16xf32, #tpu.memory_space<vmem_shared>> -> memref<10240x16xf32, #tpu.memory_space<vmem_shared>>
      tpu.enqueue_indirect_dma source(%arg13 : memref<128x16xf32, #tpu.memory_space<vmem>>) target(%dma_start3A_693 : memref<10240x16xf32, #tpu.memory_space<vmem_shared>>) offsets(%dma_start3A_690 : memref<128xi32, #tpu.memory_space<vmem>>) semaphore(%arg30 : memref<!tpu.dma_semaphore, #tpu.memory_space<semaphore_mem>>) {add = true}
      %sub3A_694 = arith.constant 4 : i32
      %sub3A_695 = arith.subi %add3A_681, %sub3A_694 : i32
      %dma_wait3A_696 = arith.constant 0 : i32
      %dma_wait3A_697 = tpu.memref_slice %arg7[%sub3A_695, %dma_wait3A_696] : memref<80x128xi32, #tpu.memory_space<vmem>> -> memref<1x128xi32, #tpu.memory_space<vmem>>
      %dma_wait3A_698 = tpu.memref_squeeze %dma_wait3A_697 : memref<1x128xi32, #tpu.memory_space<vmem>> -> memref<128xi32, #tpu.memory_space<vmem>>
      %dma_wait3A_699 = arith.constant 0 : i32
      %dma_wait3A_700 = arith.constant 0 : i32
      %dma_wait3A_701 = tpu.memref_slice %arg16[%dma_wait3A_699, %dma_wait3A_700] : memref<10240x16xf32, #tpu.memory_space<vmem_shared>> -> memref<10240x16xf32, #tpu.memory_space<vmem_shared>>
      tpu.wait_indirect_dma semaphore(%arg26 : memref<!tpu.dma_semaphore, #tpu.memory_space<semaphore_mem>>) src(%arg9 : memref<128x16xf32, #tpu.memory_space<vmem>>) dst(%dma_wait3A_701 : memref<10240x16xf32, #tpu.memory_space<vmem_shared>>)
      %add3A_702 = arith.constant 4 : i32
      %add3A_703 = arith.addi %add3A_681, %add3A_702 : i32
      %dma_start3A_704 = arith.constant 0 : i32
      %dma_start3A_705 = tpu.memref_slice %arg6[%add3A_703, %dma_start3A_704] : memref<80x128xi32, #tpu.memory_space<vmem>> -> memref<1x128xi32, #tpu.memory_space<vmem>>
      %dma_start3A_706 = tpu.memref_squeeze %dma_start3A_705 : memref<1x128xi32, #tpu.memory_space<vmem>> -> memref<128xi32, #tpu.memory_space<vmem>>
      %dma_start3A_707 = arith.constant 0 : i32
      %dma_start3A_708 = arith.constant 0 : i32
      %dma_start3A_709 = tpu.memref_slice %arg2[%dma_start3A_707, %dma_start3A_708] : memref<10240x16xf32, #tpu.memory_space<hbm>> -> memref<10240x16xf32, #tpu.memory_space<hbm>>
      tpu.enqueue_indirect_dma source(%dma_start3A_709 : memref<10240x16xf32, #tpu.memory_space<hbm>>) target(%arg9 : memref<128x16xf32, #tpu.memory_space<vmem>>) offsets(%dma_start3A_706 : memref<128xi32, #tpu.memory_space<vmem>>) semaphore(%arg18 : memref<!tpu.dma_semaphore, #tpu.memory_space<semaphore_mem>>)
      %mul3A_710 = arith.constant 8 : i32
      %mul3A_711 = arith.muli %scan3A_517, %mul3A_710 : i32
      %add3A_712 = arith.constant 6 : i32
      %add3A_713 = arith.addi %mul3A_711, %add3A_712 : i32
      %dma_wait3A_714 = arith.constant 0 : i32
      %dma_wait3A_715 = tpu.memref_slice %arg6[%add3A_713, %dma_wait3A_714] : memref<80x128xi32, #tpu.memory_space<vmem>> -> memref<1x128xi32, #tpu.memory_space<vmem>>
      %dma_wait3A_716 = tpu.memref_squeeze %dma_wait3A_715 : memref<1x128xi32, #tpu.memory_space<vmem>> -> memref<128xi32, #tpu.memory_space<vmem>>
      %dma_wait3A_717 = arith.constant 0 : i32
      %dma_wait3A_718 = arith.constant 0 : i32
      %dma_wait3A_719 = tpu.memref_slice %arg2[%dma_wait3A_717, %dma_wait3A_718] : memref<10240x16xf32, #tpu.memory_space<hbm>> -> memref<10240x16xf32, #tpu.memory_space<hbm>>
      tpu.wait_indirect_dma semaphore(%arg23 : memref<!tpu.dma_semaphore, #tpu.memory_space<semaphore_mem>>) src(%dma_wait3A_719 : memref<10240x16xf32, #tpu.memory_space<hbm>>) dst(%arg14 : memref<128x16xf32, #tpu.memory_space<vmem>>)
      %dma_start3A_720 = arith.constant 0 : i32
      %dma_start3A_721 = tpu.memref_slice %arg7[%add3A_713, %dma_start3A_720] : memref<80x128xi32, #tpu.memory_space<vmem>> -> memref<1x128xi32, #tpu.memory_space<vmem>>
      %dma_start3A_722 = tpu.memref_squeeze %dma_start3A_721 : memref<1x128xi32, #tpu.memory_space<vmem>> -> memref<128xi32, #tpu.memory_space<vmem>>
      %dma_start3A_723 = arith.constant 0 : i32
      %dma_start3A_724 = arith.constant 0 : i32
      %dma_start3A_725 = tpu.memref_slice %arg16[%dma_start3A_723, %dma_start3A_724] : memref<10240x16xf32, #tpu.memory_space<vmem_shared>> -> memref<10240x16xf32, #tpu.memory_space<vmem_shared>>
      tpu.enqueue_indirect_dma source(%arg14 : memref<128x16xf32, #tpu.memory_space<vmem>>) target(%dma_start3A_725 : memref<10240x16xf32, #tpu.memory_space<vmem_shared>>) offsets(%dma_start3A_722 : memref<128xi32, #tpu.memory_space<vmem>>) semaphore(%arg31 : memref<!tpu.dma_semaphore, #tpu.memory_space<semaphore_mem>>) {add = true}
      %sub3A_726 = arith.constant 4 : i32
      %sub3A_727 = arith.subi %add3A_713, %sub3A_726 : i32
      %dma_wait3A_728 = arith.constant 0 : i32
      %dma_wait3A_729 = tpu.memref_slice %arg7[%sub3A_727, %dma_wait3A_728] : memref<80x128xi32, #tpu.memory_space<vmem>> -> memref<1x128xi32, #tpu.memory_space<vmem>>
      %dma_wait3A_730 = tpu.memref_squeeze %dma_wait3A_729 : memref<1x128xi32, #tpu.memory_space<vmem>> -> memref<128xi32, #tpu.memory_space<vmem>>
      %dma_wait3A_731 = arith.constant 0 : i32
      %dma_wait3A_732 = arith.constant 0 : i32
      %dma_wait3A_733 = tpu.memref_slice %arg16[%dma_wait3A_731, %dma_wait3A_732] : memref<10240x16xf32, #tpu.memory_space<vmem_shared>> -> memref<10240x16xf32, #tpu.memory_space<vmem_shared>>
      tpu.wait_indirect_dma semaphore(%arg27 : memref<!tpu.dma_semaphore, #tpu.memory_space<semaphore_mem>>) src(%arg10 : memref<128x16xf32, #tpu.memory_space<vmem>>) dst(%dma_wait3A_733 : memref<10240x16xf32, #tpu.memory_space<vmem_shared>>)
      %add3A_734 = arith.constant 4 : i32
      %add3A_735 = arith.addi %add3A_713, %add3A_734 : i32
      %dma_start3A_736 = arith.constant 0 : i32
      %dma_start3A_737 = tpu.memref_slice %arg6[%add3A_735, %dma_start3A_736] : memref<80x128xi32, #tpu.memory_space<vmem>> -> memref<1x128xi32, #tpu.memory_space<vmem>>
      %dma_start3A_738 = tpu.memref_squeeze %dma_start3A_737 : memref<1x128xi32, #tpu.memory_space<vmem>> -> memref<128xi32, #tpu.memory_space<vmem>>
      %dma_start3A_739 = arith.constant 0 : i32
      %dma_start3A_740 = arith.constant 0 : i32
      %dma_start3A_741 = tpu.memref_slice %arg2[%dma_start3A_739, %dma_start3A_740] : memref<10240x16xf32, #tpu.memory_space<hbm>> -> memref<10240x16xf32, #tpu.memory_space<hbm>>
      tpu.enqueue_indirect_dma source(%dma_start3A_741 : memref<10240x16xf32, #tpu.memory_space<hbm>>) target(%arg10 : memref<128x16xf32, #tpu.memory_space<vmem>>) offsets(%dma_start3A_738 : memref<128xi32, #tpu.memory_space<vmem>>) semaphore(%arg19 : memref<!tpu.dma_semaphore, #tpu.memory_space<semaphore_mem>>)
      %mul3A_742 = arith.constant 8 : i32
      %mul3A_743 = arith.muli %scan3A_517, %mul3A_742 : i32
      %add3A_744 = arith.constant 7 : i32
      %add3A_745 = arith.addi %mul3A_743, %add3A_744 : i32
      %dma_wait3A_746 = arith.constant 0 : i32
      %dma_wait3A_747 = tpu.memref_slice %arg6[%add3A_745, %dma_wait3A_746] : memref<80x128xi32, #tpu.memory_space<vmem>> -> memref<1x128xi32, #tpu.memory_space<vmem>>
      %dma_wait3A_748 = tpu.memref_squeeze %dma_wait3A_747 : memref<1x128xi32, #tpu.memory_space<vmem>> -> memref<128xi32, #tpu.memory_space<vmem>>
      %dma_wait3A_749 = arith.constant 0 : i32
      %dma_wait3A_750 = arith.constant 0 : i32
      %dma_wait3A_751 = tpu.memref_slice %arg2[%dma_wait3A_749, %dma_wait3A_750] : memref<10240x16xf32, #tpu.memory_space<hbm>> -> memref<10240x16xf32, #tpu.memory_space<hbm>>
      tpu.wait_indirect_dma semaphore(%arg24 : memref<!tpu.dma_semaphore, #tpu.memory_space<semaphore_mem>>) src(%dma_wait3A_751 : memref<10240x16xf32, #tpu.memory_space<hbm>>) dst(%arg15 : memref<128x16xf32, #tpu.memory_space<vmem>>)
      %dma_start3A_752 = arith.constant 0 : i32
      %dma_start3A_753 = tpu.memref_slice %arg7[%add3A_745, %dma_start3A_752] : memref<80x128xi32, #tpu.memory_space<vmem>> -> memref<1x128xi32, #tpu.memory_space<vmem>>
      %dma_start3A_754 = tpu.memref_squeeze %dma_start3A_753 : memref<1x128xi32, #tpu.memory_space<vmem>> -> memref<128xi32, #tpu.memory_space<vmem>>
      %dma_start3A_755 = arith.constant 0 : i32
      %dma_start3A_756 = arith.constant 0 : i32
      %dma_start3A_757 = tpu.memref_slice %arg16[%dma_start3A_755, %dma_start3A_756] : memref<10240x16xf32, #tpu.memory_space<vmem_shared>> -> memref<10240x16xf32, #tpu.memory_space<vmem_shared>>
      tpu.enqueue_indirect_dma source(%arg15 : memref<128x16xf32, #tpu.memory_space<vmem>>) target(%dma_start3A_757 : memref<10240x16xf32, #tpu.memory_space<vmem_shared>>) offsets(%dma_start3A_754 : memref<128xi32, #tpu.memory_space<vmem>>) semaphore(%arg32 : memref<!tpu.dma_semaphore, #tpu.memory_space<semaphore_mem>>) {add = true}
      %sub3A_758 = arith.constant 4 : i32
      %sub3A_759 = arith.subi %add3A_745, %sub3A_758 : i32
      %dma_wait3A_760 = arith.constant 0 : i32
      %dma_wait3A_761 = tpu.memref_slice %arg7[%sub3A_759, %dma_wait3A_760] : memref<80x128xi32, #tpu.memory_space<vmem>> -> memref<1x128xi32, #tpu.memory_space<vmem>>
      %dma_wait3A_762 = tpu.memref_squeeze %dma_wait3A_761 : memref<1x128xi32, #tpu.memory_space<vmem>> -> memref<128xi32, #tpu.memory_space<vmem>>
      %dma_wait3A_763 = arith.constant 0 : i32
      %dma_wait3A_764 = arith.constant 0 : i32
      %dma_wait3A_765 = tpu.memref_slice %arg16[%dma_wait3A_763, %dma_wait3A_764] : memref<10240x16xf32, #tpu.memory_space<vmem_shared>> -> memref<10240x16xf32, #tpu.memory_space<vmem_shared>>
      tpu.wait_indirect_dma semaphore(%arg28 : memref<!tpu.dma_semaphore, #tpu.memory_space<semaphore_mem>>) src(%arg11 : memref<128x16xf32, #tpu.memory_space<vmem>>) dst(%dma_wait3A_765 : memref<10240x16xf32, #tpu.memory_space<vmem_shared>>)
      %add3A_766 = arith.constant 4 : i32
      %add3A_767 = arith.addi %add3A_745, %add3A_766 : i32
      %dma_start3A_768 = arith.constant 0 : i32
      %dma_start3A_769 = tpu.memref_slice %arg6[%add3A_767, %dma_start3A_768] : memref<80x128xi32, #tpu.memory_space<vmem>> -> memref<1x128xi32, #tpu.memory_space<vmem>>
      %dma_start3A_770 = tpu.memref_squeeze %dma_start3A_769 : memref<1x128xi32, #tpu.memory_space<vmem>> -> memref<128xi32, #tpu.memory_space<vmem>>
      %dma_start3A_771 = arith.constant 0 : i32
      %dma_start3A_772 = arith.constant 0 : i32
      %dma_start3A_773 = tpu.memref_slice %arg2[%dma_start3A_771, %dma_start3A_772] : memref<10240x16xf32, #tpu.memory_space<hbm>> -> memref<10240x16xf32, #tpu.memory_space<hbm>>
      tpu.enqueue_indirect_dma source(%dma_start3A_773 : memref<10240x16xf32, #tpu.memory_space<hbm>>) target(%arg11 : memref<128x16xf32, #tpu.memory_space<vmem>>) offsets(%dma_start3A_770 : memref<128xi32, #tpu.memory_space<vmem>>) semaphore(%arg20 : memref<!tpu.dma_semaphore, #tpu.memory_space<semaphore_mem>>)
    }
    %scan3A_267 = arith.constant 8 : i32
    %dma_wait3A_268 = arith.constant 72 : i32
    %dma_wait3A_269 = arith.constant 0 : i32
    %dma_wait3A_270 = tpu.memref_slice %arg6[%dma_wait3A_268, %dma_wait3A_269] : memref<80x128xi32, #tpu.memory_space<vmem>> -> memref<1x128xi32, #tpu.memory_space<vmem>>
    %dma_wait3A_271 = tpu.memref_squeeze %dma_wait3A_270 : memref<1x128xi32, #tpu.memory_space<vmem>> -> memref<128xi32, #tpu.memory_space<vmem>>
    %dma_wait3A_272 = arith.constant 0 : i32
    %dma_wait3A_273 = arith.constant 0 : i32
    %dma_wait3A_274 = tpu.memref_slice %arg2[%dma_wait3A_272, %dma_wait3A_273] : memref<10240x16xf32, #tpu.memory_space<hbm>> -> memref<10240x16xf32, #tpu.memory_space<hbm>>
    tpu.wait_indirect_dma semaphore(%arg17 : memref<!tpu.dma_semaphore, #tpu.memory_space<semaphore_mem>>) src(%dma_wait3A_274 : memref<10240x16xf32, #tpu.memory_space<hbm>>) dst(%arg8 : memref<128x16xf32, #tpu.memory_space<vmem>>)
    %dma_start3A_275 = arith.constant 72 : i32
    %dma_start3A_276 = arith.constant 0 : i32
    %dma_start3A_277 = tpu.memref_slice %arg7[%dma_start3A_275, %dma_start3A_276] : memref<80x128xi32, #tpu.memory_space<vmem>> -> memref<1x128xi32, #tpu.memory_space<vmem>>
    %dma_start3A_278 = tpu.memref_squeeze %dma_start3A_277 : memref<1x128xi32, #tpu.memory_space<vmem>> -> memref<128xi32, #tpu.memory_space<vmem>>
    %dma_start3A_279 = arith.constant 0 : i32
    %dma_start3A_280 = arith.constant 0 : i32
    %dma_start3A_281 = tpu.memref_slice %arg16[%dma_start3A_279, %dma_start3A_280] : memref<10240x16xf32, #tpu.memory_space<vmem_shared>> -> memref<10240x16xf32, #tpu.memory_space<vmem_shared>>
    tpu.enqueue_indirect_dma source(%arg8 : memref<128x16xf32, #tpu.memory_space<vmem>>) target(%dma_start3A_281 : memref<10240x16xf32, #tpu.memory_space<vmem_shared>>) offsets(%dma_start3A_278 : memref<128xi32, #tpu.memory_space<vmem>>) semaphore(%arg25 : memref<!tpu.dma_semaphore, #tpu.memory_space<semaphore_mem>>) {add = true}
    %sub3A_282 = arith.constant 72 : i32
    %sub3A_283 = arith.constant 4 : i32
    %sub3A_284 = arith.subi %sub3A_282, %sub3A_283 : i32
    %dma_wait3A_285 = arith.constant 0 : i32
    %dma_wait3A_286 = tpu.memref_slice %arg7[%sub3A_284, %dma_wait3A_285] : memref<80x128xi32, #tpu.memory_space<vmem>> -> memref<1x128xi32, #tpu.memory_space<vmem>>
    %dma_wait3A_287 = tpu.memref_squeeze %dma_wait3A_286 : memref<1x128xi32, #tpu.memory_space<vmem>> -> memref<128xi32, #tpu.memory_space<vmem>>
    %dma_wait3A_288 = arith.constant 0 : i32
    %dma_wait3A_289 = arith.constant 0 : i32
    %dma_wait3A_290 = tpu.memref_slice %arg16[%dma_wait3A_288, %dma_wait3A_289] : memref<10240x16xf32, #tpu.memory_space<vmem_shared>> -> memref<10240x16xf32, #tpu.memory_space<vmem_shared>>
    tpu.wait_indirect_dma semaphore(%arg29 : memref<!tpu.dma_semaphore, #tpu.memory_space<semaphore_mem>>) src(%arg12 : memref<128x16xf32, #tpu.memory_space<vmem>>) dst(%dma_wait3A_290 : memref<10240x16xf32, #tpu.memory_space<vmem_shared>>)
    %add3A_291 = arith.constant 72 : i32
    %add3A_292 = arith.constant 4 : i32
    %add3A_293 = arith.addi %add3A_291, %add3A_292 : i32
    %dma_start3A_294 = arith.constant 0 : i32
    %dma_start3A_295 = tpu.memref_slice %arg6[%add3A_293, %dma_start3A_294] : memref<80x128xi32, #tpu.memory_space<vmem>> -> memref<1x128xi32, #tpu.memory_space<vmem>>
    %dma_start3A_296 = tpu.memref_squeeze %dma_start3A_295 : memref<1x128xi32, #tpu.memory_space<vmem>> -> memref<128xi32, #tpu.memory_space<vmem>>
    %dma_start3A_297 = arith.constant 0 : i32
    %dma_start3A_298 = arith.constant 0 : i32
    %dma_start3A_299 = tpu.memref_slice %arg2[%dma_start3A_297, %dma_start3A_298] : memref<10240x16xf32, #tpu.memory_space<hbm>> -> memref<10240x16xf32, #tpu.memory_space<hbm>>
    tpu.enqueue_indirect_dma source(%dma_start3A_299 : memref<10240x16xf32, #tpu.memory_space<hbm>>) target(%arg12 : memref<128x16xf32, #tpu.memory_space<vmem>>) offsets(%dma_start3A_296 : memref<128xi32, #tpu.memory_space<vmem>>) semaphore(%arg21 : memref<!tpu.dma_semaphore, #tpu.memory_space<semaphore_mem>>)
    %dma_wait3A_300 = arith.constant 73 : i32
    %dma_wait3A_301 = arith.constant 0 : i32
    %dma_wait3A_302 = tpu.memref_slice %arg6[%dma_wait3A_300, %dma_wait3A_301] : memref<80x128xi32, #tpu.memory_space<vmem>> -> memref<1x128xi32, #tpu.memory_space<vmem>>
    %dma_wait3A_303 = tpu.memref_squeeze %dma_wait3A_302 : memref<1x128xi32, #tpu.memory_space<vmem>> -> memref<128xi32, #tpu.memory_space<vmem>>
    %dma_wait3A_304 = arith.constant 0 : i32
    %dma_wait3A_305 = arith.constant 0 : i32
    %dma_wait3A_306 = tpu.memref_slice %arg2[%dma_wait3A_304, %dma_wait3A_305] : memref<10240x16xf32, #tpu.memory_space<hbm>> -> memref<10240x16xf32, #tpu.memory_space<hbm>>
    tpu.wait_indirect_dma semaphore(%arg18 : memref<!tpu.dma_semaphore, #tpu.memory_space<semaphore_mem>>) src(%dma_wait3A_306 : memref<10240x16xf32, #tpu.memory_space<hbm>>) dst(%arg9 : memref<128x16xf32, #tpu.memory_space<vmem>>)
    %dma_start3A_307 = arith.constant 73 : i32
    %dma_start3A_308 = arith.constant 0 : i32
    %dma_start3A_309 = tpu.memref_slice %arg7[%dma_start3A_307, %dma_start3A_308] : memref<80x128xi32, #tpu.memory_space<vmem>> -> memref<1x128xi32, #tpu.memory_space<vmem>>
    %dma_start3A_310 = tpu.memref_squeeze %dma_start3A_309 : memref<1x128xi32, #tpu.memory_space<vmem>> -> memref<128xi32, #tpu.memory_space<vmem>>
    %dma_start3A_311 = arith.constant 0 : i32
    %dma_start3A_312 = arith.constant 0 : i32
    %dma_start3A_313 = tpu.memref_slice %arg16[%dma_start3A_311, %dma_start3A_312] : memref<10240x16xf32, #tpu.memory_space<vmem_shared>> -> memref<10240x16xf32, #tpu.memory_space<vmem_shared>>
    tpu.enqueue_indirect_dma source(%arg9 : memref<128x16xf32, #tpu.memory_space<vmem>>) target(%dma_start3A_313 : memref<10240x16xf32, #tpu.memory_space<vmem_shared>>) offsets(%dma_start3A_310 : memref<128xi32, #tpu.memory_space<vmem>>) semaphore(%arg26 : memref<!tpu.dma_semaphore, #tpu.memory_space<semaphore_mem>>) {add = true}
    %sub3A_314 = arith.constant 73 : i32
    %sub3A_315 = arith.constant 4 : i32
    %sub3A_316 = arith.subi %sub3A_314, %sub3A_315 : i32
    %dma_wait3A_317 = arith.constant 0 : i32
    %dma_wait3A_318 = tpu.memref_slice %arg7[%sub3A_316, %dma_wait3A_317] : memref<80x128xi32, #tpu.memory_space<vmem>> -> memref<1x128xi32, #tpu.memory_space<vmem>>
    %dma_wait3A_319 = tpu.memref_squeeze %dma_wait3A_318 : memref<1x128xi32, #tpu.memory_space<vmem>> -> memref<128xi32, #tpu.memory_space<vmem>>
    %dma_wait3A_320 = arith.constant 0 : i32
    %dma_wait3A_321 = arith.constant 0 : i32
    %dma_wait3A_322 = tpu.memref_slice %arg16[%dma_wait3A_320, %dma_wait3A_321] : memref<10240x16xf32, #tpu.memory_space<vmem_shared>> -> memref<10240x16xf32, #tpu.memory_space<vmem_shared>>
    tpu.wait_indirect_dma semaphore(%arg30 : memref<!tpu.dma_semaphore, #tpu.memory_space<semaphore_mem>>) src(%arg13 : memref<128x16xf32, #tpu.memory_space<vmem>>) dst(%dma_wait3A_322 : memref<10240x16xf32, #tpu.memory_space<vmem_shared>>)
    %add3A_323 = arith.constant 73 : i32
    %add3A_324 = arith.constant 4 : i32
    %add3A_325 = arith.addi %add3A_323, %add3A_324 : i32
    %dma_start3A_326 = arith.constant 0 : i32
    %dma_start3A_327 = tpu.memref_slice %arg6[%add3A_325, %dma_start3A_326] : memref<80x128xi32, #tpu.memory_space<vmem>> -> memref<1x128xi32, #tpu.memory_space<vmem>>
    %dma_start3A_328 = tpu.memref_squeeze %dma_start3A_327 : memref<1x128xi32, #tpu.memory_space<vmem>> -> memref<128xi32, #tpu.memory_space<vmem>>
    %dma_start3A_329 = arith.constant 0 : i32
    %dma_start3A_330 = arith.constant 0 : i32
    %dma_start3A_331 = tpu.memref_slice %arg2[%dma_start3A_329, %dma_start3A_330] : memref<10240x16xf32, #tpu.memory_space<hbm>> -> memref<10240x16xf32, #tpu.memory_space<hbm>>
    tpu.enqueue_indirect_dma source(%dma_start3A_331 : memref<10240x16xf32, #tpu.memory_space<hbm>>) target(%arg13 : memref<128x16xf32, #tpu.memory_space<vmem>>) offsets(%dma_start3A_328 : memref<128xi32, #tpu.memory_space<vmem>>) semaphore(%arg22 : memref<!tpu.dma_semaphore, #tpu.memory_space<semaphore_mem>>)
    %dma_wait3A_332 = arith.constant 74 : i32
    %dma_wait3A_333 = arith.constant 0 : i32
    %dma_wait3A_334 = tpu.memref_slice %arg6[%dma_wait3A_332, %dma_wait3A_333] : memref<80x128xi32, #tpu.memory_space<vmem>> -> memref<1x128xi32, #tpu.memory_space<vmem>>
    %dma_wait3A_335 = tpu.memref_squeeze %dma_wait3A_334 : memref<1x128xi32, #tpu.memory_space<vmem>> -> memref<128xi32, #tpu.memory_space<vmem>>
    %dma_wait3A_336 = arith.constant 0 : i32
    %dma_wait3A_337 = arith.constant 0 : i32
    %dma_wait3A_338 = tpu.memref_slice %arg2[%dma_wait3A_336, %dma_wait3A_337] : memref<10240x16xf32, #tpu.memory_space<hbm>> -> memref<10240x16xf32, #tpu.memory_space<hbm>>
    tpu.wait_indirect_dma semaphore(%arg19 : memref<!tpu.dma_semaphore, #tpu.memory_space<semaphore_mem>>) src(%dma_wait3A_338 : memref<10240x16xf32, #tpu.memory_space<hbm>>) dst(%arg10 : memref<128x16xf32, #tpu.memory_space<vmem>>)
    %dma_start3A_339 = arith.constant 74 : i32
    %dma_start3A_340 = arith.constant 0 : i32
    %dma_start3A_341 = tpu.memref_slice %arg7[%dma_start3A_339, %dma_start3A_340] : memref<80x128xi32, #tpu.memory_space<vmem>> -> memref<1x128xi32, #tpu.memory_space<vmem>>
    %dma_start3A_342 = tpu.memref_squeeze %dma_start3A_341 : memref<1x128xi32, #tpu.memory_space<vmem>> -> memref<128xi32, #tpu.memory_space<vmem>>
    %dma_start3A_343 = arith.constant 0 : i32
    %dma_start3A_344 = arith.constant 0 : i32
    %dma_start3A_345 = tpu.memref_slice %arg16[%dma_start3A_343, %dma_start3A_344] : memref<10240x16xf32, #tpu.memory_space<vmem_shared>> -> memref<10240x16xf32, #tpu.memory_space<vmem_shared>>
    tpu.enqueue_indirect_dma source(%arg10 : memref<128x16xf32, #tpu.memory_space<vmem>>) target(%dma_start3A_345 : memref<10240x16xf32, #tpu.memory_space<vmem_shared>>) offsets(%dma_start3A_342 : memref<128xi32, #tpu.memory_space<vmem>>) semaphore(%arg27 : memref<!tpu.dma_semaphore, #tpu.memory_space<semaphore_mem>>) {add = true}
    %sub3A_346 = arith.constant 74 : i32
    %sub3A_347 = arith.constant 4 : i32
    %sub3A_348 = arith.subi %sub3A_346, %sub3A_347 : i32
    %dma_wait3A_349 = arith.constant 0 : i32
    %dma_wait3A_350 = tpu.memref_slice %arg7[%sub3A_348, %dma_wait3A_349] : memref<80x128xi32, #tpu.memory_space<vmem>> -> memref<1x128xi32, #tpu.memory_space<vmem>>
    %dma_wait3A_351 = tpu.memref_squeeze %dma_wait3A_350 : memref<1x128xi32, #tpu.memory_space<vmem>> -> memref<128xi32, #tpu.memory_space<vmem>>
    %dma_wait3A_352 = arith.constant 0 : i32
    %dma_wait3A_353 = arith.constant 0 : i32
    %dma_wait3A_354 = tpu.memref_slice %arg16[%dma_wait3A_352, %dma_wait3A_353] : memref<10240x16xf32, #tpu.memory_space<vmem_shared>> -> memref<10240x16xf32, #tpu.memory_space<vmem_shared>>
    tpu.wait_indirect_dma semaphore(%arg31 : memref<!tpu.dma_semaphore, #tpu.memory_space<semaphore_mem>>) src(%arg14 : memref<128x16xf32, #tpu.memory_space<vmem>>) dst(%dma_wait3A_354 : memref<10240x16xf32, #tpu.memory_space<vmem_shared>>)
    %add3A_355 = arith.constant 74 : i32
    %add3A_356 = arith.constant 4 : i32
    %add3A_357 = arith.addi %add3A_355, %add3A_356 : i32
    %dma_start3A_358 = arith.constant 0 : i32
    %dma_start3A_359 = tpu.memref_slice %arg6[%add3A_357, %dma_start3A_358] : memref<80x128xi32, #tpu.memory_space<vmem>> -> memref<1x128xi32, #tpu.memory_space<vmem>>
    %dma_start3A_360 = tpu.memref_squeeze %dma_start3A_359 : memref<1x128xi32, #tpu.memory_space<vmem>> -> memref<128xi32, #tpu.memory_space<vmem>>
    %dma_start3A_361 = arith.constant 0 : i32
    %dma_start3A_362 = arith.constant 0 : i32
    %dma_start3A_363 = tpu.memref_slice %arg2[%dma_start3A_361, %dma_start3A_362] : memref<10240x16xf32, #tpu.memory_space<hbm>> -> memref<10240x16xf32, #tpu.memory_space<hbm>>
    tpu.enqueue_indirect_dma source(%dma_start3A_363 : memref<10240x16xf32, #tpu.memory_space<hbm>>) target(%arg14 : memref<128x16xf32, #tpu.memory_space<vmem>>) offsets(%dma_start3A_360 : memref<128xi32, #tpu.memory_space<vmem>>) semaphore(%arg23 : memref<!tpu.dma_semaphore, #tpu.memory_space<semaphore_mem>>)
    %dma_wait3A_364 = arith.constant 75 : i32
    %dma_wait3A_365 = arith.constant 0 : i32
    %dma_wait3A_366 = tpu.memref_slice %arg6[%dma_wait3A_364, %dma_wait3A_365] : memref<80x128xi32, #tpu.memory_space<vmem>> -> memref<1x128xi32, #tpu.memory_space<vmem>>
    %dma_wait3A_367 = tpu.memref_squeeze %dma_wait3A_366 : memref<1x128xi32, #tpu.memory_space<vmem>> -> memref<128xi32, #tpu.memory_space<vmem>>
    %dma_wait3A_368 = arith.constant 0 : i32
    %dma_wait3A_369 = arith.constant 0 : i32
    %dma_wait3A_370 = tpu.memref_slice %arg2[%dma_wait3A_368, %dma_wait3A_369] : memref<10240x16xf32, #tpu.memory_space<hbm>> -> memref<10240x16xf32, #tpu.memory_space<hbm>>
    tpu.wait_indirect_dma semaphore(%arg20 : memref<!tpu.dma_semaphore, #tpu.memory_space<semaphore_mem>>) src(%dma_wait3A_370 : memref<10240x16xf32, #tpu.memory_space<hbm>>) dst(%arg11 : memref<128x16xf32, #tpu.memory_space<vmem>>)
    %dma_start3A_371 = arith.constant 75 : i32
    %dma_start3A_372 = arith.constant 0 : i32
    %dma_start3A_373 = tpu.memref_slice %arg7[%dma_start3A_371, %dma_start3A_372] : memref<80x128xi32, #tpu.memory_space<vmem>> -> memref<1x128xi32, #tpu.memory_space<vmem>>
    %dma_start3A_374 = tpu.memref_squeeze %dma_start3A_373 : memref<1x128xi32, #tpu.memory_space<vmem>> -> memref<128xi32, #tpu.memory_space<vmem>>
    %dma_start3A_375 = arith.constant 0 : i32
    %dma_start3A_376 = arith.constant 0 : i32
    %dma_start3A_377 = tpu.memref_slice %arg16[%dma_start3A_375, %dma_start3A_376] : memref<10240x16xf32, #tpu.memory_space<vmem_shared>> -> memref<10240x16xf32, #tpu.memory_space<vmem_shared>>
    tpu.enqueue_indirect_dma source(%arg11 : memref<128x16xf32, #tpu.memory_space<vmem>>) target(%dma_start3A_377 : memref<10240x16xf32, #tpu.memory_space<vmem_shared>>) offsets(%dma_start3A_374 : memref<128xi32, #tpu.memory_space<vmem>>) semaphore(%arg28 : memref<!tpu.dma_semaphore, #tpu.memory_space<semaphore_mem>>) {add = true}
    %sub3A_378 = arith.constant 75 : i32
    %sub3A_379 = arith.constant 4 : i32
    %sub3A_380 = arith.subi %sub3A_378, %sub3A_379 : i32
    %dma_wait3A_381 = arith.constant 0 : i32
    %dma_wait3A_382 = tpu.memref_slice %arg7[%sub3A_380, %dma_wait3A_381] : memref<80x128xi32, #tpu.memory_space<vmem>> -> memref<1x128xi32, #tpu.memory_space<vmem>>
    %dma_wait3A_383 = tpu.memref_squeeze %dma_wait3A_382 : memref<1x128xi32, #tpu.memory_space<vmem>> -> memref<128xi32, #tpu.memory_space<vmem>>
    %dma_wait3A_384 = arith.constant 0 : i32
    %dma_wait3A_385 = arith.constant 0 : i32
    %dma_wait3A_386 = tpu.memref_slice %arg16[%dma_wait3A_384, %dma_wait3A_385] : memref<10240x16xf32, #tpu.memory_space<vmem_shared>> -> memref<10240x16xf32, #tpu.memory_space<vmem_shared>>
    tpu.wait_indirect_dma semaphore(%arg32 : memref<!tpu.dma_semaphore, #tpu.memory_space<semaphore_mem>>) src(%arg15 : memref<128x16xf32, #tpu.memory_space<vmem>>) dst(%dma_wait3A_386 : memref<10240x16xf32, #tpu.memory_space<vmem_shared>>)
    %add3A_387 = arith.constant 75 : i32
    %add3A_388 = arith.constant 4 : i32
    %add3A_389 = arith.addi %add3A_387, %add3A_388 : i32
    %dma_start3A_390 = arith.constant 0 : i32
    %dma_start3A_391 = tpu.memref_slice %arg6[%add3A_389, %dma_start3A_390] : memref<80x128xi32, #tpu.memory_space<vmem>> -> memref<1x128xi32, #tpu.memory_space<vmem>>
    %dma_start3A_392 = tpu.memref_squeeze %dma_start3A_391 : memref<1x128xi32, #tpu.memory_space<vmem>> -> memref<128xi32, #tpu.memory_space<vmem>>
    %dma_start3A_393 = arith.constant 0 : i32
    %dma_start3A_394 = arith.constant 0 : i32
    %dma_start3A_395 = tpu.memref_slice %arg2[%dma_start3A_393, %dma_start3A_394] : memref<10240x16xf32, #tpu.memory_space<hbm>> -> memref<10240x16xf32, #tpu.memory_space<hbm>>
    tpu.enqueue_indirect_dma source(%dma_start3A_395 : memref<10240x16xf32, #tpu.memory_space<hbm>>) target(%arg15 : memref<128x16xf32, #tpu.memory_space<vmem>>) offsets(%dma_start3A_392 : memref<128xi32, #tpu.memory_space<vmem>>) semaphore(%arg24 : memref<!tpu.dma_semaphore, #tpu.memory_space<semaphore_mem>>)
    %dma_wait3A_396 = arith.constant 76 : i32
    %dma_wait3A_397 = arith.constant 0 : i32
    %dma_wait3A_398 = tpu.memref_slice %arg6[%dma_wait3A_396, %dma_wait3A_397] : memref<80x128xi32, #tpu.memory_space<vmem>> -> memref<1x128xi32, #tpu.memory_space<vmem>>
    %dma_wait3A_399 = tpu.memref_squeeze %dma_wait3A_398 : memref<1x128xi32, #tpu.memory_space<vmem>> -> memref<128xi32, #tpu.memory_space<vmem>>
    %dma_wait3A_400 = arith.constant 0 : i32
    %dma_wait3A_401 = arith.constant 0 : i32
    %dma_wait3A_402 = tpu.memref_slice %arg2[%dma_wait3A_400, %dma_wait3A_401] : memref<10240x16xf32, #tpu.memory_space<hbm>> -> memref<10240x16xf32, #tpu.memory_space<hbm>>
    tpu.wait_indirect_dma semaphore(%arg21 : memref<!tpu.dma_semaphore, #tpu.memory_space<semaphore_mem>>) src(%dma_wait3A_402 : memref<10240x16xf32, #tpu.memory_space<hbm>>) dst(%arg12 : memref<128x16xf32, #tpu.memory_space<vmem>>)
    %dma_start3A_403 = arith.constant 76 : i32
    %dma_start3A_404 = arith.constant 0 : i32
    %dma_start3A_405 = tpu.memref_slice %arg7[%dma_start3A_403, %dma_start3A_404] : memref<80x128xi32, #tpu.memory_space<vmem>> -> memref<1x128xi32, #tpu.memory_space<vmem>>
    %dma_start3A_406 = tpu.memref_squeeze %dma_start3A_405 : memref<1x128xi32, #tpu.memory_space<vmem>> -> memref<128xi32, #tpu.memory_space<vmem>>
    %dma_start3A_407 = arith.constant 0 : i32
    %dma_start3A_408 = arith.constant 0 : i32
    %dma_start3A_409 = tpu.memref_slice %arg16[%dma_start3A_407, %dma_start3A_408] : memref<10240x16xf32, #tpu.memory_space<vmem_shared>> -> memref<10240x16xf32, #tpu.memory_space<vmem_shared>>
    tpu.enqueue_indirect_dma source(%arg12 : memref<128x16xf32, #tpu.memory_space<vmem>>) target(%dma_start3A_409 : memref<10240x16xf32, #tpu.memory_space<vmem_shared>>) offsets(%dma_start3A_406 : memref<128xi32, #tpu.memory_space<vmem>>) semaphore(%arg29 : memref<!tpu.dma_semaphore, #tpu.memory_space<semaphore_mem>>) {add = true}
    %sub3A_410 = arith.constant 76 : i32
    %sub3A_411 = arith.constant 4 : i32
    %sub3A_412 = arith.subi %sub3A_410, %sub3A_411 : i32
    %dma_wait3A_413 = arith.constant 0 : i32
    %dma_wait3A_414 = tpu.memref_slice %arg7[%sub3A_412, %dma_wait3A_413] : memref<80x128xi32, #tpu.memory_space<vmem>> -> memref<1x128xi32, #tpu.memory_space<vmem>>
    %dma_wait3A_415 = tpu.memref_squeeze %dma_wait3A_414 : memref<1x128xi32, #tpu.memory_space<vmem>> -> memref<128xi32, #tpu.memory_space<vmem>>
    %dma_wait3A_416 = arith.constant 0 : i32
    %dma_wait3A_417 = arith.constant 0 : i32
    %dma_wait3A_418 = tpu.memref_slice %arg16[%dma_wait3A_416, %dma_wait3A_417] : memref<10240x16xf32, #tpu.memory_space<vmem_shared>> -> memref<10240x16xf32, #tpu.memory_space<vmem_shared>>
    tpu.wait_indirect_dma semaphore(%arg25 : memref<!tpu.dma_semaphore, #tpu.memory_space<semaphore_mem>>) src(%arg8 : memref<128x16xf32, #tpu.memory_space<vmem>>) dst(%dma_wait3A_418 : memref<10240x16xf32, #tpu.memory_space<vmem_shared>>)
    %dma_wait3A_419 = arith.constant 77 : i32
    %dma_wait3A_420 = arith.constant 0 : i32
    %dma_wait3A_421 = tpu.memref_slice %arg6[%dma_wait3A_419, %dma_wait3A_420] : memref<80x128xi32, #tpu.memory_space<vmem>> -> memref<1x128xi32, #tpu.memory_space<vmem>>
    %dma_wait3A_422 = tpu.memref_squeeze %dma_wait3A_421 : memref<1x128xi32, #tpu.memory_space<vmem>> -> memref<128xi32, #tpu.memory_space<vmem>>
    %dma_wait3A_423 = arith.constant 0 : i32
    %dma_wait3A_424 = arith.constant 0 : i32
    %dma_wait3A_425 = tpu.memref_slice %arg2[%dma_wait3A_423, %dma_wait3A_424] : memref<10240x16xf32, #tpu.memory_space<hbm>> -> memref<10240x16xf32, #tpu.memory_space<hbm>>
    tpu.wait_indirect_dma semaphore(%arg22 : memref<!tpu.dma_semaphore, #tpu.memory_space<semaphore_mem>>) src(%dma_wait3A_425 : memref<10240x16xf32, #tpu.memory_space<hbm>>) dst(%arg13 : memref<128x16xf32, #tpu.memory_space<vmem>>)
    %dma_start3A_426 = arith.constant 77 : i32
    %dma_start3A_427 = arith.constant 0 : i32
    %dma_start3A_428 = tpu.memref_slice %arg7[%dma_start3A_426, %dma_start3A_427] : memref<80x128xi32, #tpu.memory_space<vmem>> -> memref<1x128xi32, #tpu.memory_space<vmem>>
    %dma_start3A_429 = tpu.memref_squeeze %dma_start3A_428 : memref<1x128xi32, #tpu.memory_space<vmem>> -> memref<128xi32, #tpu.memory_space<vmem>>
    %dma_start3A_430 = arith.constant 0 : i32
    %dma_start3A_431 = arith.constant 0 : i32
    %dma_start3A_432 = tpu.memref_slice %arg16[%dma_start3A_430, %dma_start3A_431] : memref<10240x16xf32, #tpu.memory_space<vmem_shared>> -> memref<10240x16xf32, #tpu.memory_space<vmem_shared>>
    tpu.enqueue_indirect_dma source(%arg13 : memref<128x16xf32, #tpu.memory_space<vmem>>) target(%dma_start3A_432 : memref<10240x16xf32, #tpu.memory_space<vmem_shared>>) offsets(%dma_start3A_429 : memref<128xi32, #tpu.memory_space<vmem>>) semaphore(%arg30 : memref<!tpu.dma_semaphore, #tpu.memory_space<semaphore_mem>>) {add = true}
    %sub3A_433 = arith.constant 77 : i32
    %sub3A_434 = arith.constant 4 : i32
    %sub3A_435 = arith.subi %sub3A_433, %sub3A_434 : i32
    %dma_wait3A_436 = arith.constant 0 : i32
    %dma_wait3A_437 = tpu.memref_slice %arg7[%sub3A_435, %dma_wait3A_436] : memref<80x128xi32, #tpu.memory_space<vmem>> -> memref<1x128xi32, #tpu.memory_space<vmem>>
    %dma_wait3A_438 = tpu.memref_squeeze %dma_wait3A_437 : memref<1x128xi32, #tpu.memory_space<vmem>> -> memref<128xi32, #tpu.memory_space<vmem>>
    %dma_wait3A_439 = arith.constant 0 : i32
    %dma_wait3A_440 = arith.constant 0 : i32
    %dma_wait3A_441 = tpu.memref_slice %arg16[%dma_wait3A_439, %dma_wait3A_440] : memref<10240x16xf32, #tpu.memory_space<vmem_shared>> -> memref<10240x16xf32, #tpu.memory_space<vmem_shared>>
    tpu.wait_indirect_dma semaphore(%arg26 : memref<!tpu.dma_semaphore, #tpu.memory_space<semaphore_mem>>) src(%arg9 : memref<128x16xf32, #tpu.memory_space<vmem>>) dst(%dma_wait3A_441 : memref<10240x16xf32, #tpu.memory_space<vmem_shared>>)
    %dma_wait3A_442 = arith.constant 78 : i32
    %dma_wait3A_443 = arith.constant 0 : i32
    %dma_wait3A_444 = tpu.memref_slice %arg6[%dma_wait3A_442, %dma_wait3A_443] : memref<80x128xi32, #tpu.memory_space<vmem>> -> memref<1x128xi32, #tpu.memory_space<vmem>>
    %dma_wait3A_445 = tpu.memref_squeeze %dma_wait3A_444 : memref<1x128xi32, #tpu.memory_space<vmem>> -> memref<128xi32, #tpu.memory_space<vmem>>
    %dma_wait3A_446 = arith.constant 0 : i32
    %dma_wait3A_447 = arith.constant 0 : i32
    %dma_wait3A_448 = tpu.memref_slice %arg2[%dma_wait3A_446, %dma_wait3A_447] : memref<10240x16xf32, #tpu.memory_space<hbm>> -> memref<10240x16xf32, #tpu.memory_space<hbm>>
    tpu.wait_indirect_dma semaphore(%arg23 : memref<!tpu.dma_semaphore, #tpu.memory_space<semaphore_mem>>) src(%dma_wait3A_448 : memref<10240x16xf32, #tpu.memory_space<hbm>>) dst(%arg14 : memref<128x16xf32, #tpu.memory_space<vmem>>)
    %dma_start3A_449 = arith.constant 78 : i32
    %dma_start3A_450 = arith.constant 0 : i32
    %dma_start3A_451 = tpu.memref_slice %arg7[%dma_start3A_449, %dma_start3A_450] : memref<80x128xi32, #tpu.memory_space<vmem>> -> memref<1x128xi32, #tpu.memory_space<vmem>>
    %dma_start3A_452 = tpu.memref_squeeze %dma_start3A_451 : memref<1x128xi32, #tpu.memory_space<vmem>> -> memref<128xi32, #tpu.memory_space<vmem>>
    %dma_start3A_453 = arith.constant 0 : i32
    %dma_start3A_454 = arith.constant 0 : i32
    %dma_start3A_455 = tpu.memref_slice %arg16[%dma_start3A_453, %dma_start3A_454] : memref<10240x16xf32, #tpu.memory_space<vmem_shared>> -> memref<10240x16xf32, #tpu.memory_space<vmem_shared>>
    tpu.enqueue_indirect_dma source(%arg14 : memref<128x16xf32, #tpu.memory_space<vmem>>) target(%dma_start3A_455 : memref<10240x16xf32, #tpu.memory_space<vmem_shared>>) offsets(%dma_start3A_452 : memref<128xi32, #tpu.memory_space<vmem>>) semaphore(%arg31 : memref<!tpu.dma_semaphore, #tpu.memory_space<semaphore_mem>>) {add = true}
    %sub3A_456 = arith.constant 78 : i32
    %sub3A_457 = arith.constant 4 : i32
    %sub3A_458 = arith.subi %sub3A_456, %sub3A_457 : i32
    %dma_wait3A_459 = arith.constant 0 : i32
    %dma_wait3A_460 = tpu.memref_slice %arg7[%sub3A_458, %dma_wait3A_459] : memref<80x128xi32, #tpu.memory_space<vmem>> -> memref<1x128xi32, #tpu.memory_space<vmem>>
    %dma_wait3A_461 = tpu.memref_squeeze %dma_wait3A_460 : memref<1x128xi32, #tpu.memory_space<vmem>> -> memref<128xi32, #tpu.memory_space<vmem>>
    %dma_wait3A_462 = arith.constant 0 : i32
    %dma_wait3A_463 = arith.constant 0 : i32
    %dma_wait3A_464 = tpu.memref_slice %arg16[%dma_wait3A_462, %dma_wait3A_463] : memref<10240x16xf32, #tpu.memory_space<vmem_shared>> -> memref<10240x16xf32, #tpu.memory_space<vmem_shared>>
    tpu.wait_indirect_dma semaphore(%arg27 : memref<!tpu.dma_semaphore, #tpu.memory_space<semaphore_mem>>) src(%arg10 : memref<128x16xf32, #tpu.memory_space<vmem>>) dst(%dma_wait3A_464 : memref<10240x16xf32, #tpu.memory_space<vmem_shared>>)
    %dma_wait3A_465 = arith.constant 79 : i32
    %dma_wait3A_466 = arith.constant 0 : i32
    %dma_wait3A_467 = tpu.memref_slice %arg6[%dma_wait3A_465, %dma_wait3A_466] : memref<80x128xi32, #tpu.memory_space<vmem>> -> memref<1x128xi32, #tpu.memory_space<vmem>>
    %dma_wait3A_468 = tpu.memref_squeeze %dma_wait3A_467 : memref<1x128xi32, #tpu.memory_space<vmem>> -> memref<128xi32, #tpu.memory_space<vmem>>
    %dma_wait3A_469 = arith.constant 0 : i32
    %dma_wait3A_470 = arith.constant 0 : i32
    %dma_wait3A_471 = tpu.memref_slice %arg2[%dma_wait3A_469, %dma_wait3A_470] : memref<10240x16xf32, #tpu.memory_space<hbm>> -> memref<10240x16xf32, #tpu.memory_space<hbm>>
    tpu.wait_indirect_dma semaphore(%arg24 : memref<!tpu.dma_semaphore, #tpu.memory_space<semaphore_mem>>) src(%dma_wait3A_471 : memref<10240x16xf32, #tpu.memory_space<hbm>>) dst(%arg15 : memref<128x16xf32, #tpu.memory_space<vmem>>)
    %dma_start3A_472 = arith.constant 79 : i32
    %dma_start3A_473 = arith.constant 0 : i32
    %dma_start3A_474 = tpu.memref_slice %arg7[%dma_start3A_472, %dma_start3A_473] : memref<80x128xi32, #tpu.memory_space<vmem>> -> memref<1x128xi32, #tpu.memory_space<vmem>>
    %dma_start3A_475 = tpu.memref_squeeze %dma_start3A_474 : memref<1x128xi32, #tpu.memory_space<vmem>> -> memref<128xi32, #tpu.memory_space<vmem>>
    %dma_start3A_476 = arith.constant 0 : i32
    %dma_start3A_477 = arith.constant 0 : i32
    %dma_start3A_478 = tpu.memref_slice %arg16[%dma_start3A_476, %dma_start3A_477] : memref<10240x16xf32, #tpu.memory_space<vmem_shared>> -> memref<10240x16xf32, #tpu.memory_space<vmem_shared>>
    tpu.enqueue_indirect_dma source(%arg15 : memref<128x16xf32, #tpu.memory_space<vmem>>) target(%dma_start3A_478 : memref<10240x16xf32, #tpu.memory_space<vmem_shared>>) offsets(%dma_start3A_475 : memref<128xi32, #tpu.memory_space<vmem>>) semaphore(%arg32 : memref<!tpu.dma_semaphore, #tpu.memory_space<semaphore_mem>>) {add = true}
    %sub3A_479 = arith.constant 79 : i32
    %sub3A_480 = arith.constant 4 : i32
    %sub3A_481 = arith.subi %sub3A_479, %sub3A_480 : i32
    %dma_wait3A_482 = arith.constant 0 : i32
    %dma_wait3A_483 = tpu.memref_slice %arg7[%sub3A_481, %dma_wait3A_482] : memref<80x128xi32, #tpu.memory_space<vmem>> -> memref<1x128xi32, #tpu.memory_space<vmem>>
    %dma_wait3A_484 = tpu.memref_squeeze %dma_wait3A_483 : memref<1x128xi32, #tpu.memory_space<vmem>> -> memref<128xi32, #tpu.memory_space<vmem>>
    %dma_wait3A_485 = arith.constant 0 : i32
    %dma_wait3A_486 = arith.constant 0 : i32
    %dma_wait3A_487 = tpu.memref_slice %arg16[%dma_wait3A_485, %dma_wait3A_486] : memref<10240x16xf32, #tpu.memory_space<vmem_shared>> -> memref<10240x16xf32, #tpu.memory_space<vmem_shared>>
    tpu.wait_indirect_dma semaphore(%arg28 : memref<!tpu.dma_semaphore, #tpu.memory_space<semaphore_mem>>) src(%arg11 : memref<128x16xf32, #tpu.memory_space<vmem>>) dst(%dma_wait3A_487 : memref<10240x16xf32, #tpu.memory_space<vmem_shared>>)
    %dma_wait3A_488 = arith.constant 76 : i32
    %dma_wait3A_489 = arith.constant 0 : i32
    %dma_wait3A_490 = tpu.memref_slice %arg7[%dma_wait3A_488, %dma_wait3A_489] : memref<80x128xi32, #tpu.memory_space<vmem>> -> memref<1x128xi32, #tpu.memory_space<vmem>>
    %dma_wait3A_491 = tpu.memref_squeeze %dma_wait3A_490 : memref<1x128xi32, #tpu.memory_space<vmem>> -> memref<128xi32, #tpu.memory_space<vmem>>
    %dma_wait3A_492 = arith.constant 0 : i32
    %dma_wait3A_493 = arith.constant 0 : i32
    %dma_wait3A_494 = tpu.memref_slice %arg16[%dma_wait3A_492, %dma_wait3A_493] : memref<10240x16xf32, #tpu.memory_space<vmem_shared>> -> memref<10240x16xf32, #tpu.memory_space<vmem_shared>>
    tpu.wait_indirect_dma semaphore(%arg29 : memref<!tpu.dma_semaphore, #tpu.memory_space<semaphore_mem>>) src(%arg12 : memref<128x16xf32, #tpu.memory_space<vmem>>) dst(%dma_wait3A_494 : memref<10240x16xf32, #tpu.memory_space<vmem_shared>>)
    %dma_wait3A_495 = arith.constant 77 : i32
    %dma_wait3A_496 = arith.constant 0 : i32
    %dma_wait3A_497 = tpu.memref_slice %arg7[%dma_wait3A_495, %dma_wait3A_496] : memref<80x128xi32, #tpu.memory_space<vmem>> -> memref<1x128xi32, #tpu.memory_space<vmem>>
    %dma_wait3A_498 = tpu.memref_squeeze %dma_wait3A_497 : memref<1x128xi32, #tpu.memory_space<vmem>> -> memref<128xi32, #tpu.memory_space<vmem>>
    %dma_wait3A_499 = arith.constant 0 : i32
    %dma_wait3A_500 = arith.constant 0 : i32
    %dma_wait3A_501 = tpu.memref_slice %arg16[%dma_wait3A_499, %dma_wait3A_500] : memref<10240x16xf32, #tpu.memory_space<vmem_shared>> -> memref<10240x16xf32, #tpu.memory_space<vmem_shared>>
    tpu.wait_indirect_dma semaphore(%arg30 : memref<!tpu.dma_semaphore, #tpu.memory_space<semaphore_mem>>) src(%arg13 : memref<128x16xf32, #tpu.memory_space<vmem>>) dst(%dma_wait3A_501 : memref<10240x16xf32, #tpu.memory_space<vmem_shared>>)
    %dma_wait3A_502 = arith.constant 78 : i32
    %dma_wait3A_503 = arith.constant 0 : i32
    %dma_wait3A_504 = tpu.memref_slice %arg7[%dma_wait3A_502, %dma_wait3A_503] : memref<80x128xi32, #tpu.memory_space<vmem>> -> memref<1x128xi32, #tpu.memory_space<vmem>>
    %dma_wait3A_505 = tpu.memref_squeeze %dma_wait3A_504 : memref<1x128xi32, #tpu.memory_space<vmem>> -> memref<128xi32, #tpu.memory_space<vmem>>
    %dma_wait3A_506 = arith.constant 0 : i32
    %dma_wait3A_507 = arith.constant 0 : i32
    %dma_wait3A_508 = tpu.memref_slice %arg16[%dma_wait3A_506, %dma_wait3A_507] : memref<10240x16xf32, #tpu.memory_space<vmem_shared>> -> memref<10240x16xf32, #tpu.memory_space<vmem_shared>>
    tpu.wait_indirect_dma semaphore(%arg31 : memref<!tpu.dma_semaphore, #tpu.memory_space<semaphore_mem>>) src(%arg14 : memref<128x16xf32, #tpu.memory_space<vmem>>) dst(%dma_wait3A_508 : memref<10240x16xf32, #tpu.memory_space<vmem_shared>>)
    %dma_wait3A_509 = arith.constant 79 : i32
    %dma_wait3A_510 = arith.constant 0 : i32
    %dma_wait3A_511 = tpu.memref_slice %arg7[%dma_wait3A_509, %dma_wait3A_510] : memref<80x128xi32, #tpu.memory_space<vmem>> -> memref<1x128xi32, #tpu.memory_space<vmem>>
    %dma_wait3A_512 = tpu.memref_squeeze %dma_wait3A_511 : memref<1x128xi32, #tpu.memory_space<vmem>> -> memref<128xi32, #tpu.memory_space<vmem>>
    %dma_wait3A_513 = arith.constant 0 : i32
    %dma_wait3A_514 = arith.constant 0 : i32
    %dma_wait3A_515 = tpu.memref_slice %arg16[%dma_wait3A_513, %dma_wait3A_514] : memref<10240x16xf32, #tpu.memory_space<vmem_shared>> -> memref<10240x16xf32, #tpu.memory_space<vmem_shared>>
    tpu.wait_indirect_dma semaphore(%arg32 : memref<!tpu.dma_semaphore, #tpu.memory_space<semaphore_mem>>) src(%arg15 : memref<128x16xf32, #tpu.memory_space<vmem>>) dst(%dma_wait3A_515 : memref<10240x16xf32, #tpu.memory_space<vmem_shared>>)
    %barrier3A_516 = arith.constant 0 : index
    tpu.barrier barrier_id(%barrier3A_516)
    "tpu.region"() ({
      %run_scoped3A = tpu.sem_alloc : memref<!tpu.dma_semaphore, #tpu.memory_space<semaphore_mem>>
      %dma_start3A_517 = arith.constant 0 : i32
      %dma_start3A_518 = tpu.memref_slice %arg5[%arg0, %mul3A_7, %dma_start3A_517] : memref<2x10240x16xf32, #tpu.memory_space<hbm>> -> memref<1x640x16xf32, #tpu.memory_space<hbm>>
      %dma_start3A_519 = tpu.memref_squeeze %dma_start3A_518 : memref<1x640x16xf32, #tpu.memory_space<hbm>> -> memref<640x16xf32, #tpu.memory_space<hbm>>
      %dma_start3A_520 = arith.constant 0 : i32
      %dma_start3A_521 = tpu.memref_slice %arg16[%mul3A_7, %dma_start3A_520] : memref<10240x16xf32, #tpu.memory_space<vmem_shared>> -> memref<640x16xf32, #tpu.memory_space<vmem_shared>>
      tpu.enqueue_dma source(%dma_start3A_521 : memref<640x16xf32, #tpu.memory_space<vmem_shared>>) target(%dma_start3A_519 : memref<640x16xf32, #tpu.memory_space<hbm>>) target_semaphore(%run_scoped3A : memref<!tpu.dma_semaphore, #tpu.memory_space<semaphore_mem>>)
      %dma_wait3A_522 = arith.constant 0 : i32
      %dma_wait3A_523 = tpu.memref_slice %arg5[%arg0, %mul3A_7, %dma_wait3A_522] : memref<2x10240x16xf32, #tpu.memory_space<hbm>> -> memref<1x640x16xf32, #tpu.memory_space<hbm>>
      %dma_wait3A_524 = tpu.memref_squeeze %dma_wait3A_523 : memref<1x640x16xf32, #tpu.memory_space<hbm>> -> memref<640x16xf32, #tpu.memory_space<hbm>>
      %dma_wait3A_525 = arith.constant 0 : i32
      %dma_wait3A_526 = tpu.memref_slice %arg16[%mul3A_7, %dma_wait3A_525] : memref<10240x16xf32, #tpu.memory_space<vmem_shared>> -> memref<640x16xf32, #tpu.memory_space<vmem_shared>>
      tpu.wait_dma2 semaphore(%run_scoped3A : memref<!tpu.dma_semaphore, #tpu.memory_space<semaphore_mem>>) src(%dma_wait3A_526 : memref<640x16xf32, #tpu.memory_space<vmem_shared>>) dst(%dma_wait3A_524 : memref<640x16xf32, #tpu.memory_space<hbm>>)
      tpu.yield
    }) : () -> ()
    return
  }
}

#map = affine_map<(d0, d1) -> (0, 0)>
module attributes {stable_mosaic.version = 14 : i64} {
  func.func @deg_kernel(%arg0: i32, %arg1: i32, %arg2: memref<32x10240xi32, #tpu.memory_space<hbm>>, %arg3: memref<32x10240xf32, #tpu.memory_space<hbm>>, %arg4: memref<10240xi32, #tpu.memory_space<vmem>>, %arg5: memref<10240xf32, #tpu.memory_space<vmem>>) attributes {dimension_semantics = [#tpu.dimension_semantics<core_parallel>, #tpu.dimension_semantics<subcore_parallel>], iteration_bounds = array<i64: 2, 16>, scalar_prefetch = 0 : i64, scratch_operands = 2 : i64, tpu.core_type = #tpu.core_type<sc_vector_subcore>, window_params = [{transform_indices = #map}, {transform_indices = #map}]} {
    %mul3A = arith.constant 2 : i32
    %mul3A_0 = arith.muli %arg1, %mul3A : i32
    %add3A = arith.addi %mul3A_0, %arg0 : i32
    "tpu.region"() ({
      %run_scoped3A = tpu.sem_alloc : memref<!tpu.dma_semaphore, #tpu.memory_space<semaphore_mem>>
      %dma_start3A = arith.constant 0 : i32
      %dma_start3A_13 = tpu.memref_slice %arg2[%add3A, %dma_start3A] : memref<32x10240xi32, #tpu.memory_space<hbm>> -> memref<1x10240xi32, #tpu.memory_space<hbm>>
      %dma_start3A_14 = tpu.memref_squeeze %dma_start3A_13 : memref<1x10240xi32, #tpu.memory_space<hbm>> -> memref<10240xi32, #tpu.memory_space<hbm>>
      %dma_start3A_15 = arith.constant 0 : i32
      %dma_start3A_16 = tpu.memref_slice %arg2[%add3A, %dma_start3A_15] : memref<32x10240xi32, #tpu.memory_space<hbm>> -> memref<1x10240xi32, #tpu.memory_space<hbm>>
      %dma_start3A_17 = tpu.memref_squeeze %dma_start3A_16 : memref<1x10240xi32, #tpu.memory_space<hbm>> -> memref<10240xi32, #tpu.memory_space<hbm>>
      tpu.enqueue_dma source(%dma_start3A_17 : memref<10240xi32, #tpu.memory_space<hbm>>) target(%arg4 : memref<10240xi32, #tpu.memory_space<vmem>>) target_semaphore(%run_scoped3A : memref<!tpu.dma_semaphore, #tpu.memory_space<semaphore_mem>>)
      %dma_wait3A = arith.constant 0 : i32
      %dma_wait3A_18 = tpu.memref_slice %arg2[%add3A, %dma_wait3A] : memref<32x10240xi32, #tpu.memory_space<hbm>> -> memref<1x10240xi32, #tpu.memory_space<hbm>>
      %dma_wait3A_19 = tpu.memref_squeeze %dma_wait3A_18 : memref<1x10240xi32, #tpu.memory_space<hbm>> -> memref<10240xi32, #tpu.memory_space<hbm>>
      %dma_wait3A_20 = arith.constant 0 : i32
      %dma_wait3A_21 = tpu.memref_slice %arg2[%add3A, %dma_wait3A_20] : memref<32x10240xi32, #tpu.memory_space<hbm>> -> memref<1x10240xi32, #tpu.memory_space<hbm>>
      %dma_wait3A_22 = tpu.memref_squeeze %dma_wait3A_21 : memref<1x10240xi32, #tpu.memory_space<hbm>> -> memref<10240xi32, #tpu.memory_space<hbm>>
      tpu.wait_dma2 semaphore(%run_scoped3A : memref<!tpu.dma_semaphore, #tpu.memory_space<semaphore_mem>>) src(%dma_wait3A_22 : memref<10240xi32, #tpu.memory_space<hbm>>) dst(%arg4 : memref<10240xi32, #tpu.memory_space<vmem>>)
      tpu.yield
    }) : () -> ()
    %broadcast_in_dim3A = arith.constant 0.000000e+00 : f32
    %broadcast_in_dim3A_1 = vector.broadcast %broadcast_in_dim3A : f32 to vector<16xf32>
    %scan3A = arith.constant 0 : i32
    %scan3A_2 = arith.constant 640 : i32
    %scan3A_3 = arith.addi %scan3A, %scan3A_2 : i32
    %scan3A_4 = arith.constant 8 : i32
    scf.for %scan3A_13 = %scan3A to %scan3A_3 step %scan3A_4  : i32 {
      %mul3A_14 = arith.constant 16 : i32
      %mul3A_15 = arith.muli %scan3A_13, %mul3A_14 : i32
      %swap3A = arith.index_cast %mul3A_15 : i32 to index
      %swap3A_16 = tpu.vector_load %arg5[%swap3A] {strides = array<i32>} : memref<10240xf32, #tpu.memory_space<vmem>>, vector<16xf32>,
      tpu.vector_store %arg5[%swap3A], %broadcast_in_dim3A_1 {strides = array<i32>} : memref<10240xf32, #tpu.memory_space<vmem>>, vector<16xf32>,
      %scan3A_17 = arith.constant 1 : i32
      %scan3A_18 = arith.addi %scan3A_13, %scan3A_17 : i32
      %mul3A_19 = arith.constant 16 : i32
      %mul3A_20 = arith.muli %scan3A_18, %mul3A_19 : i32
      %swap3A_21 = arith.index_cast %mul3A_20 : i32 to index
      %swap3A_22 = tpu.vector_load %arg5[%swap3A_21] {strides = array<i32>} : memref<10240xf32, #tpu.memory_space<vmem>>, vector<16xf32>,
      tpu.vector_store %arg5[%swap3A_21], %broadcast_in_dim3A_1 {strides = array<i32>} : memref<10240xf32, #tpu.memory_space<vmem>>, vector<16xf32>,
      %scan3A_23 = arith.constant 2 : i32
      %scan3A_24 = arith.addi %scan3A_13, %scan3A_23 : i32
      %mul3A_25 = arith.constant 16 : i32
      %mul3A_26 = arith.muli %scan3A_24, %mul3A_25 : i32
      %swap3A_27 = arith.index_cast %mul3A_26 : i32 to index
      %swap3A_28 = tpu.vector_load %arg5[%swap3A_27] {strides = array<i32>} : memref<10240xf32, #tpu.memory_space<vmem>>, vector<16xf32>,
      tpu.vector_store %arg5[%swap3A_27], %broadcast_in_dim3A_1 {strides = array<i32>} : memref<10240xf32, #tpu.memory_space<vmem>>, vector<16xf32>,
      %scan3A_29 = arith.constant 3 : i32
      %scan3A_30 = arith.addi %scan3A_13, %scan3A_29 : i32
      %mul3A_31 = arith.constant 16 : i32
      %mul3A_32 = arith.muli %scan3A_30, %mul3A_31 : i32
      %swap3A_33 = arith.index_cast %mul3A_32 : i32 to index
      %swap3A_34 = tpu.vector_load %arg5[%swap3A_33] {strides = array<i32>} : memref<10240xf32, #tpu.memory_space<vmem>>, vector<16xf32>,
      tpu.vector_store %arg5[%swap3A_33], %broadcast_in_dim3A_1 {strides = array<i32>} : memref<10240xf32, #tpu.memory_space<vmem>>, vector<16xf32>,
      %scan3A_35 = arith.constant 4 : i32
      %scan3A_36 = arith.addi %scan3A_13, %scan3A_35 : i32
      %mul3A_37 = arith.constant 16 : i32
      %mul3A_38 = arith.muli %scan3A_36, %mul3A_37 : i32
      %swap3A_39 = arith.index_cast %mul3A_38 : i32 to index
      %swap3A_40 = tpu.vector_load %arg5[%swap3A_39] {strides = array<i32>} : memref<10240xf32, #tpu.memory_space<vmem>>, vector<16xf32>,
      tpu.vector_store %arg5[%swap3A_39], %broadcast_in_dim3A_1 {strides = array<i32>} : memref<10240xf32, #tpu.memory_space<vmem>>, vector<16xf32>,
      %scan3A_41 = arith.constant 5 : i32
      %scan3A_42 = arith.addi %scan3A_13, %scan3A_41 : i32
      %mul3A_43 = arith.constant 16 : i32
      %mul3A_44 = arith.muli %scan3A_42, %mul3A_43 : i32
      %swap3A_45 = arith.index_cast %mul3A_44 : i32 to index
      %swap3A_46 = tpu.vector_load %arg5[%swap3A_45] {strides = array<i32>} : memref<10240xf32, #tpu.memory_space<vmem>>, vector<16xf32>,
      tpu.vector_store %arg5[%swap3A_45], %broadcast_in_dim3A_1 {strides = array<i32>} : memref<10240xf32, #tpu.memory_space<vmem>>, vector<16xf32>,
      %scan3A_47 = arith.constant 6 : i32
      %scan3A_48 = arith.addi %scan3A_13, %scan3A_47 : i32
      %mul3A_49 = arith.constant 16 : i32
      %mul3A_50 = arith.muli %scan3A_48, %mul3A_49 : i32
      %swap3A_51 = arith.index_cast %mul3A_50 : i32 to index
      %swap3A_52 = tpu.vector_load %arg5[%swap3A_51] {strides = array<i32>} : memref<10240xf32, #tpu.memory_space<vmem>>, vector<16xf32>,
      tpu.vector_store %arg5[%swap3A_51], %broadcast_in_dim3A_1 {strides = array<i32>} : memref<10240xf32, #tpu.memory_space<vmem>>, vector<16xf32>,
      %scan3A_53 = arith.constant 7 : i32
      %scan3A_54 = arith.addi %scan3A_13, %scan3A_53 : i32
      %mul3A_55 = arith.constant 16 : i32
      %mul3A_56 = arith.muli %scan3A_54, %mul3A_55 : i32
      %swap3A_57 = arith.index_cast %mul3A_56 : i32 to index
      %swap3A_58 = tpu.vector_load %arg5[%swap3A_57] {strides = array<i32>} : memref<10240xf32, #tpu.memory_space<vmem>>, vector<16xf32>,
      tpu.vector_store %arg5[%swap3A_57], %broadcast_in_dim3A_1 {strides = array<i32>} : memref<10240xf32, #tpu.memory_space<vmem>>, vector<16xf32>,
    }
    %scan3A_5 = arith.constant 640 : i32
    %broadcast_in_dim3A_6 = arith.constant 1.000000e+00 : f32
    %broadcast_in_dim3A_7 = vector.broadcast %broadcast_in_dim3A_6 : f32 to vector<16xf32>
    %scan3A_8 = arith.constant 0 : i32
    %scan3A_9 = arith.constant 640 : i32
    %scan3A_10 = arith.addi %scan3A_8, %scan3A_9 : i32
    %scan3A_11 = arith.constant 8 : i32
    scf.for %scan3A_13 = %scan3A_8 to %scan3A_10 step %scan3A_11  : i32 {
      %mul3A_14 = arith.constant 16 : i32
      %mul3A_15 = arith.muli %scan3A_13, %mul3A_14 : i32
      %get3A = arith.index_cast %mul3A_15 : i32 to index
      %get3A_16 = tpu.vector_load %arg4[%get3A] {strides = array<i32>} : memref<10240xi32, #tpu.memory_space<vmem>>, vector<16xi32>,
      tpu.vector_store_idx %arg5[%get3A_16], %broadcast_in_dim3A_7 {add = true} : memref<10240xf32, #tpu.memory_space<vmem>>[vector<16xi32>], vector<16xf32>,
      %scan3A_17 = arith.constant 1 : i32
      %scan3A_18 = arith.addi %scan3A_13, %scan3A_17 : i32
      %mul3A_19 = arith.constant 16 : i32
      %mul3A_20 = arith.muli %scan3A_18, %mul3A_19 : i32
      %get3A_21 = arith.index_cast %mul3A_20 : i32 to index
      %get3A_22 = tpu.vector_load %arg4[%get3A_21] {strides = array<i32>} : memref<10240xi32, #tpu.memory_space<vmem>>, vector<16xi32>,
      tpu.vector_store_idx %arg5[%get3A_22], %broadcast_in_dim3A_7 {add = true} : memref<10240xf32, #tpu.memory_space<vmem>>[vector<16xi32>], vector<16xf32>,
      %scan3A_23 = arith.constant 2 : i32
      %scan3A_24 = arith.addi %scan3A_13, %scan3A_23 : i32
      %mul3A_25 = arith.constant 16 : i32
      %mul3A_26 = arith.muli %scan3A_24, %mul3A_25 : i32
      %get3A_27 = arith.index_cast %mul3A_26 : i32 to index
      %get3A_28 = tpu.vector_load %arg4[%get3A_27] {strides = array<i32>} : memref<10240xi32, #tpu.memory_space<vmem>>, vector<16xi32>,
      tpu.vector_store_idx %arg5[%get3A_28], %broadcast_in_dim3A_7 {add = true} : memref<10240xf32, #tpu.memory_space<vmem>>[vector<16xi32>], vector<16xf32>,
      %scan3A_29 = arith.constant 3 : i32
      %scan3A_30 = arith.addi %scan3A_13, %scan3A_29 : i32
      %mul3A_31 = arith.constant 16 : i32
      %mul3A_32 = arith.muli %scan3A_30, %mul3A_31 : i32
      %get3A_33 = arith.index_cast %mul3A_32 : i32 to index
      %get3A_34 = tpu.vector_load %arg4[%get3A_33] {strides = array<i32>} : memref<10240xi32, #tpu.memory_space<vmem>>, vector<16xi32>,
      tpu.vector_store_idx %arg5[%get3A_34], %broadcast_in_dim3A_7 {add = true} : memref<10240xf32, #tpu.memory_space<vmem>>[vector<16xi32>], vector<16xf32>,
      %scan3A_35 = arith.constant 4 : i32
      %scan3A_36 = arith.addi %scan3A_13, %scan3A_35 : i32
      %mul3A_37 = arith.constant 16 : i32
      %mul3A_38 = arith.muli %scan3A_36, %mul3A_37 : i32
      %get3A_39 = arith.index_cast %mul3A_38 : i32 to index
      %get3A_40 = tpu.vector_load %arg4[%get3A_39] {strides = array<i32>} : memref<10240xi32, #tpu.memory_space<vmem>>, vector<16xi32>,
      tpu.vector_store_idx %arg5[%get3A_40], %broadcast_in_dim3A_7 {add = true} : memref<10240xf32, #tpu.memory_space<vmem>>[vector<16xi32>], vector<16xf32>,
      %scan3A_41 = arith.constant 5 : i32
      %scan3A_42 = arith.addi %scan3A_13, %scan3A_41 : i32
      %mul3A_43 = arith.constant 16 : i32
      %mul3A_44 = arith.muli %scan3A_42, %mul3A_43 : i32
      %get3A_45 = arith.index_cast %mul3A_44 : i32 to index
      %get3A_46 = tpu.vector_load %arg4[%get3A_45] {strides = array<i32>} : memref<10240xi32, #tpu.memory_space<vmem>>, vector<16xi32>,
      tpu.vector_store_idx %arg5[%get3A_46], %broadcast_in_dim3A_7 {add = true} : memref<10240xf32, #tpu.memory_space<vmem>>[vector<16xi32>], vector<16xf32>,
      %scan3A_47 = arith.constant 6 : i32
      %scan3A_48 = arith.addi %scan3A_13, %scan3A_47 : i32
      %mul3A_49 = arith.constant 16 : i32
      %mul3A_50 = arith.muli %scan3A_48, %mul3A_49 : i32
      %get3A_51 = arith.index_cast %mul3A_50 : i32 to index
      %get3A_52 = tpu.vector_load %arg4[%get3A_51] {strides = array<i32>} : memref<10240xi32, #tpu.memory_space<vmem>>, vector<16xi32>,
      tpu.vector_store_idx %arg5[%get3A_52], %broadcast_in_dim3A_7 {add = true} : memref<10240xf32, #tpu.memory_space<vmem>>[vector<16xi32>], vector<16xf32>,
      %scan3A_53 = arith.constant 7 : i32
      %scan3A_54 = arith.addi %scan3A_13, %scan3A_53 : i32
      %mul3A_55 = arith.constant 16 : i32
      %mul3A_56 = arith.muli %scan3A_54, %mul3A_55 : i32
      %get3A_57 = arith.index_cast %mul3A_56 : i32 to index
      %get3A_58 = tpu.vector_load %arg4[%get3A_57] {strides = array<i32>} : memref<10240xi32, #tpu.memory_space<vmem>>, vector<16xi32>,
      tpu.vector_store_idx %arg5[%get3A_58], %broadcast_in_dim3A_7 {add = true} : memref<10240xf32, #tpu.memory_space<vmem>>[vector<16xi32>], vector<16xf32>,
    }
    %scan3A_12 = arith.constant 640 : i32
    "tpu.region"() ({
      %run_scoped3A = tpu.sem_alloc : memref<!tpu.dma_semaphore, #tpu.memory_space<semaphore_mem>>
      %dma_start3A = arith.constant 0 : i32
      %dma_start3A_13 = tpu.memref_slice %arg3[%add3A, %dma_start3A] : memref<32x10240xf32, #tpu.memory_space<hbm>> -> memref<1x10240xf32, #tpu.memory_space<hbm>>
      %dma_start3A_14 = tpu.memref_squeeze %dma_start3A_13 : memref<1x10240xf32, #tpu.memory_space<hbm>> -> memref<10240xf32, #tpu.memory_space<hbm>>
      %dma_start3A_15 = arith.constant 0 : i32
      %dma_start3A_16 = tpu.memref_slice %arg3[%add3A, %dma_start3A_15] : memref<32x10240xf32, #tpu.memory_space<hbm>> -> memref<1x10240xf32, #tpu.memory_space<hbm>>
      %dma_start3A_17 = tpu.memref_squeeze %dma_start3A_16 : memref<1x10240xf32, #tpu.memory_space<hbm>> -> memref<10240xf32, #tpu.memory_space<hbm>>
      tpu.enqueue_dma source(%arg5 : memref<10240xf32, #tpu.memory_space<vmem>>) target(%dma_start3A_17 : memref<10240xf32, #tpu.memory_space<hbm>>) target_semaphore(%run_scoped3A : memref<!tpu.dma_semaphore, #tpu.memory_space<semaphore_mem>>)
      %dma_wait3A = arith.constant 0 : i32
      %dma_wait3A_18 = tpu.memref_slice %arg3[%add3A, %dma_wait3A] : memref<32x10240xf32, #tpu.memory_space<hbm>> -> memref<1x10240xf32, #tpu.memory_space<hbm>>
      %dma_wait3A_19 = tpu.memref_squeeze %dma_wait3A_18 : memref<1x10240xf32, #tpu.memory_space<hbm>> -> memref<10240xf32, #tpu.memory_space<hbm>>
      %dma_wait3A_20 = arith.constant 0 : i32
      %dma_wait3A_21 = tpu.memref_slice %arg3[%add3A, %dma_wait3A_20] : memref<32x10240xf32, #tpu.memory_space<hbm>> -> memref<1x10240xf32, #tpu.memory_space<hbm>>
      %dma_wait3A_22 = tpu.memref_squeeze %dma_wait3A_21 : memref<1x10240xf32, #tpu.memory_space<hbm>> -> memref<10240xf32, #tpu.memory_space<hbm>>
      tpu.wait_dma2 semaphore(%run_scoped3A : memref<!tpu.dma_semaphore, #tpu.memory_space<semaphore_mem>>) src(%arg5 : memref<10240xf32, #tpu.memory_space<vmem>>) dst(%dma_wait3A_22 : memref<10240xf32, #tpu.memory_space<hbm>>)
      tpu.yield
    }) : () -> ()
    return
  }
}

#map = affine_map<(d0, d1) -> (0, 0)>
#map1 = affine_map<(d0, d1) -> (0, 0, 0)>
module attributes {stable_mosaic.version = 14 : i64} {
  func.func @agg_kernel(%arg0: i32, %arg1: i32, %arg2: memref<10240x16xf32, #tpu.memory_space<hbm>>, %arg3: memref<32x80x128xi32, #tpu.memory_space<hbm>>, %arg4: memref<32x80x128xi32, #tpu.memory_space<hbm>>, %arg5: memref<2x10240x16xf32, #tpu.memory_space<hbm>>, %arg6: memref<80x128xi32, #tpu.memory_space<vmem>>, %arg7: memref<80x128xi32, #tpu.memory_space<vmem>>, %arg8: memref<128x16xf32, #tpu.memory_space<vmem>>, %arg9: memref<128x16xf32, #tpu.memory_space<vmem>>, %arg10: memref<128x16xf32, #tpu.memory_space<vmem>>, %arg11: memref<128x16xf32, #tpu.memory_space<vmem>>, %arg12: memref<128x16xf32, #tpu.memory_space<vmem>>, %arg13: memref<128x16xf32, #tpu.memory_space<vmem>>, %arg14: memref<128x16xf32, #tpu.memory_space<vmem>>, %arg15: memref<128x16xf32, #tpu.memory_space<vmem>>, %arg16: memref<10240x16xf32, #tpu.memory_space<vmem_shared>>, %arg17: memref<!tpu.dma_semaphore, #tpu.memory_space<semaphore_mem>>, %arg18: memref<!tpu.dma_semaphore, #tpu.memory_space<semaphore_mem>>, %arg19: memref<!tpu.dma_semaphore, #tpu.memory_space<semaphore_mem>>, %arg20: memref<!tpu.dma_semaphore, #tpu.memory_space<semaphore_mem>>, %arg21: memref<!tpu.dma_semaphore, #tpu.memory_space<semaphore_mem>>, %arg22: memref<!tpu.dma_semaphore, #tpu.memory_space<semaphore_mem>>, %arg23: memref<!tpu.dma_semaphore, #tpu.memory_space<semaphore_mem>>, %arg24: memref<!tpu.dma_semaphore, #tpu.memory_space<semaphore_mem>>, %arg25: memref<!tpu.dma_semaphore, #tpu.memory_space<semaphore_mem>>, %arg26: memref<!tpu.dma_semaphore, #tpu.memory_space<semaphore_mem>>, %arg27: memref<!tpu.dma_semaphore, #tpu.memory_space<semaphore_mem>>, %arg28: memref<!tpu.dma_semaphore, #tpu.memory_space<semaphore_mem>>, %arg29: memref<!tpu.dma_semaphore, #tpu.memory_space<semaphore_mem>>, %arg30: memref<!tpu.dma_semaphore, #tpu.memory_space<semaphore_mem>>, %arg31: memref<!tpu.dma_semaphore, #tpu.memory_space<semaphore_mem>>, %arg32: memref<!tpu.dma_semaphore, #tpu.memory_space<semaphore_mem>>) attributes {dimension_semantics = [#tpu.dimension_semantics<core_parallel>, #tpu.dimension_semantics<subcore_parallel>], iteration_bounds = array<i64: 2, 16>, scalar_prefetch = 0 : i64, scratch_operands = 27 : i64, tpu.core_type = #tpu.core_type<sc_vector_subcore>, window_params = [{transform_indices = #map}, {transform_indices = #map1}, {transform_indices = #map1}, {transform_indices = #map1}]} {
    %mul3A = arith.constant 2 : i32
    %mul3A_0 = arith.muli %arg1, %mul3A : i32
    %add3A = arith.addi %mul3A_0, %arg0 : i32
    "tpu.region"() ({
      %run_scoped3A = tpu.sem_alloc : memref<!tpu.dma_semaphore, #tpu.memory_space<semaphore_mem>>
      %dma_start3A_517 = arith.constant 0 : i32
      %dma_start3A_518 = arith.constant 0 : i32
      %dma_start3A_519 = tpu.memref_slice %arg3[%add3A, %dma_start3A_517, %dma_start3A_518] : memref<32x80x128xi32, #tpu.memory_space<hbm>> -> memref<1x80x128xi32, #tpu.memory_space<hbm>>
      %dma_start3A_520 = tpu.memref_squeeze %dma_start3A_519 : memref<1x80x128xi32, #tpu.memory_space<hbm>> -> memref<80x128xi32, #tpu.memory_space<hbm>>
      %dma_start3A_521 = arith.constant 0 : i32
      %dma_start3A_522 = arith.constant 0 : i32
      %dma_start3A_523 = tpu.memref_slice %arg3[%add3A, %dma_start3A_521, %dma_start3A_522] : memref<32x80x128xi32, #tpu.memory_space<hbm>> -> memref<1x80x128xi32, #tpu.memory_space<hbm>>
      %dma_start3A_524 = tpu.memref_squeeze %dma_start3A_523 : memref<1x80x128xi32, #tpu.memory_space<hbm>> -> memref<80x128xi32, #tpu.memory_space<hbm>>
      tpu.enqueue_dma source(%dma_start3A_524 : memref<80x128xi32, #tpu.memory_space<hbm>>) target(%arg6 : memref<80x128xi32, #tpu.memory_space<vmem>>) target_semaphore(%run_scoped3A : memref<!tpu.dma_semaphore, #tpu.memory_space<semaphore_mem>>)
      %dma_wait3A_525 = arith.constant 0 : i32
      %dma_wait3A_526 = arith.constant 0 : i32
      %dma_wait3A_527 = tpu.memref_slice %arg3[%add3A, %dma_wait3A_525, %dma_wait3A_526] : memref<32x80x128xi32, #tpu.memory_space<hbm>> -> memref<1x80x128xi32, #tpu.memory_space<hbm>>
      %dma_wait3A_528 = tpu.memref_squeeze %dma_wait3A_527 : memref<1x80x128xi32, #tpu.memory_space<hbm>> -> memref<80x128xi32, #tpu.memory_space<hbm>>
      %dma_wait3A_529 = arith.constant 0 : i32
      %dma_wait3A_530 = arith.constant 0 : i32
      %dma_wait3A_531 = tpu.memref_slice %arg3[%add3A, %dma_wait3A_529, %dma_wait3A_530] : memref<32x80x128xi32, #tpu.memory_space<hbm>> -> memref<1x80x128xi32, #tpu.memory_space<hbm>>
      %dma_wait3A_532 = tpu.memref_squeeze %dma_wait3A_531 : memref<1x80x128xi32, #tpu.memory_space<hbm>> -> memref<80x128xi32, #tpu.memory_space<hbm>>
      tpu.wait_dma2 semaphore(%run_scoped3A : memref<!tpu.dma_semaphore, #tpu.memory_space<semaphore_mem>>) src(%dma_wait3A_532 : memref<80x128xi32, #tpu.memory_space<hbm>>) dst(%arg6 : memref<80x128xi32, #tpu.memory_space<vmem>>)
      tpu.yield
    }) : () -> ()
    "tpu.region"() ({
      %run_scoped3A = tpu.sem_alloc : memref<!tpu.dma_semaphore, #tpu.memory_space<semaphore_mem>>
      %dma_start3A_517 = arith.constant 0 : i32
      %dma_start3A_518 = arith.constant 0 : i32
      %dma_start3A_519 = tpu.memref_slice %arg4[%add3A, %dma_start3A_517, %dma_start3A_518] : memref<32x80x128xi32, #tpu.memory_space<hbm>> -> memref<1x80x128xi32, #tpu.memory_space<hbm>>
      %dma_start3A_520 = tpu.memref_squeeze %dma_start3A_519 : memref<1x80x128xi32, #tpu.memory_space<hbm>> -> memref<80x128xi32, #tpu.memory_space<hbm>>
      %dma_start3A_521 = arith.constant 0 : i32
      %dma_start3A_522 = arith.constant 0 : i32
      %dma_start3A_523 = tpu.memref_slice %arg4[%add3A, %dma_start3A_521, %dma_start3A_522] : memref<32x80x128xi32, #tpu.memory_space<hbm>> -> memref<1x80x128xi32, #tpu.memory_space<hbm>>
      %dma_start3A_524 = tpu.memref_squeeze %dma_start3A_523 : memref<1x80x128xi32, #tpu.memory_space<hbm>> -> memref<80x128xi32, #tpu.memory_space<hbm>>
      tpu.enqueue_dma source(%dma_start3A_524 : memref<80x128xi32, #tpu.memory_space<hbm>>) target(%arg7 : memref<80x128xi32, #tpu.memory_space<vmem>>) target_semaphore(%run_scoped3A : memref<!tpu.dma_semaphore, #tpu.memory_space<semaphore_mem>>)
      %dma_wait3A_525 = arith.constant 0 : i32
      %dma_wait3A_526 = arith.constant 0 : i32
      %dma_wait3A_527 = tpu.memref_slice %arg4[%add3A, %dma_wait3A_525, %dma_wait3A_526] : memref<32x80x128xi32, #tpu.memory_space<hbm>> -> memref<1x80x128xi32, #tpu.memory_space<hbm>>
      %dma_wait3A_528 = tpu.memref_squeeze %dma_wait3A_527 : memref<1x80x128xi32, #tpu.memory_space<hbm>> -> memref<80x128xi32, #tpu.memory_space<hbm>>
      %dma_wait3A_529 = arith.constant 0 : i32
      %dma_wait3A_530 = arith.constant 0 : i32
      %dma_wait3A_531 = tpu.memref_slice %arg4[%add3A, %dma_wait3A_529, %dma_wait3A_530] : memref<32x80x128xi32, #tpu.memory_space<hbm>> -> memref<1x80x128xi32, #tpu.memory_space<hbm>>
      %dma_wait3A_532 = tpu.memref_squeeze %dma_wait3A_531 : memref<1x80x128xi32, #tpu.memory_space<hbm>> -> memref<80x128xi32, #tpu.memory_space<hbm>>
      tpu.wait_dma2 semaphore(%run_scoped3A : memref<!tpu.dma_semaphore, #tpu.memory_space<semaphore_mem>>) src(%dma_wait3A_532 : memref<80x128xi32, #tpu.memory_space<hbm>>) dst(%arg7 : memref<80x128xi32, #tpu.memory_space<vmem>>)
      tpu.yield
    }) : () -> ()
    %broadcast_in_dim3A = arith.constant 0.000000e+00 : f32
    %broadcast_in_dim3A_1 = vector.broadcast %broadcast_in_dim3A : f32 to vector<16xf32>
    %scan3A = arith.constant 0 : i32
    %scan3A_2 = arith.constant 128 : i32
    %scan3A_3 = arith.addi %scan3A, %scan3A_2 : i32
    %scan3A_4 = arith.constant 8 : i32
    scf.for %scan3A_517 = %scan3A to %scan3A_3 step %scan3A_4  : i32 {
      %swap3A = arith.index_cast %scan3A_517 : i32 to index
      %swap3A_518 = arith.constant 0 : index
      %swap3A_519 = tpu.vector_load %arg8[%swap3A, %swap3A_518] {strides = array<i32>} : memref<128x16xf32, #tpu.memory_space<vmem>>, vector<16xf32>,
      tpu.vector_store %arg8[%swap3A, %swap3A_518], %broadcast_in_dim3A_1 {strides = array<i32>} : memref<128x16xf32, #tpu.memory_space<vmem>>, vector<16xf32>,
      %scan3A_520 = arith.constant 1 : i32
      %scan3A_521 = arith.addi %scan3A_517, %scan3A_520 : i32
      %swap3A_522 = arith.index_cast %scan3A_521 : i32 to index
      %swap3A_523 = arith.constant 0 : index
      %swap3A_524 = tpu.vector_load %arg8[%swap3A_522, %swap3A_523] {strides = array<i32>} : memref<128x16xf32, #tpu.memory_space<vmem>>, vector<16xf32>,
      tpu.vector_store %arg8[%swap3A_522, %swap3A_523], %broadcast_in_dim3A_1 {strides = array<i32>} : memref<128x16xf32, #tpu.memory_space<vmem>>, vector<16xf32>,
      %scan3A_525 = arith.constant 2 : i32
      %scan3A_526 = arith.addi %scan3A_517, %scan3A_525 : i32
      %swap3A_527 = arith.index_cast %scan3A_526 : i32 to index
      %swap3A_528 = arith.constant 0 : index
      %swap3A_529 = tpu.vector_load %arg8[%swap3A_527, %swap3A_528] {strides = array<i32>} : memref<128x16xf32, #tpu.memory_space<vmem>>, vector<16xf32>,
      tpu.vector_store %arg8[%swap3A_527, %swap3A_528], %broadcast_in_dim3A_1 {strides = array<i32>} : memref<128x16xf32, #tpu.memory_space<vmem>>, vector<16xf32>,
      %scan3A_530 = arith.constant 3 : i32
      %scan3A_531 = arith.addi %scan3A_517, %scan3A_530 : i32
      %swap3A_532 = arith.index_cast %scan3A_531 : i32 to index
      %swap3A_533 = arith.constant 0 : index
      %swap3A_534 = tpu.vector_load %arg8[%swap3A_532, %swap3A_533] {strides = array<i32>} : memref<128x16xf32, #tpu.memory_space<vmem>>, vector<16xf32>,
      tpu.vector_store %arg8[%swap3A_532, %swap3A_533], %broadcast_in_dim3A_1 {strides = array<i32>} : memref<128x16xf32, #tpu.memory_space<vmem>>, vector<16xf32>,
      %scan3A_535 = arith.constant 4 : i32
      %scan3A_536 = arith.addi %scan3A_517, %scan3A_535 : i32
      %swap3A_537 = arith.index_cast %scan3A_536 : i32 to index
      %swap3A_538 = arith.constant 0 : index
      %swap3A_539 = tpu.vector_load %arg8[%swap3A_537, %swap3A_538] {strides = array<i32>} : memref<128x16xf32, #tpu.memory_space<vmem>>, vector<16xf32>,
      tpu.vector_store %arg8[%swap3A_537, %swap3A_538], %broadcast_in_dim3A_1 {strides = array<i32>} : memref<128x16xf32, #tpu.memory_space<vmem>>, vector<16xf32>,
      %scan3A_540 = arith.constant 5 : i32
      %scan3A_541 = arith.addi %scan3A_517, %scan3A_540 : i32
      %swap3A_542 = arith.index_cast %scan3A_541 : i32 to index
      %swap3A_543 = arith.constant 0 : index
      %swap3A_544 = tpu.vector_load %arg8[%swap3A_542, %swap3A_543] {strides = array<i32>} : memref<128x16xf32, #tpu.memory_space<vmem>>, vector<16xf32>,
      tpu.vector_store %arg8[%swap3A_542, %swap3A_543], %broadcast_in_dim3A_1 {strides = array<i32>} : memref<128x16xf32, #tpu.memory_space<vmem>>, vector<16xf32>,
      %scan3A_545 = arith.constant 6 : i32
      %scan3A_546 = arith.addi %scan3A_517, %scan3A_545 : i32
      %swap3A_547 = arith.index_cast %scan3A_546 : i32 to index
      %swap3A_548 = arith.constant 0 : index
      %swap3A_549 = tpu.vector_load %arg8[%swap3A_547, %swap3A_548] {strides = array<i32>} : memref<128x16xf32, #tpu.memory_space<vmem>>, vector<16xf32>,
      tpu.vector_store %arg8[%swap3A_547, %swap3A_548], %broadcast_in_dim3A_1 {strides = array<i32>} : memref<128x16xf32, #tpu.memory_space<vmem>>, vector<16xf32>,
      %scan3A_550 = arith.constant 7 : i32
      %scan3A_551 = arith.addi %scan3A_517, %scan3A_550 : i32
      %swap3A_552 = arith.index_cast %scan3A_551 : i32 to index
      %swap3A_553 = arith.constant 0 : index
      %swap3A_554 = tpu.vector_load %arg8[%swap3A_552, %swap3A_553] {strides = array<i32>} : memref<128x16xf32, #tpu.memory_space<vmem>>, vector<16xf32>,
      tpu.vector_store %arg8[%swap3A_552, %swap3A_553], %broadcast_in_dim3A_1 {strides = array<i32>} : memref<128x16xf32, #tpu.memory_space<vmem>>, vector<16xf32>,
    }
    %scan3A_5 = arith.constant 128 : i32
    %mul3A_6 = arith.constant 640 : i32
    %mul3A_7 = arith.muli %arg1, %mul3A_6 : i32
    %add3A_8 = arith.constant 0 : i32
    %add3A_9 = arith.addi %mul3A_7, %add3A_8 : i32
    "tpu.region"() ({
      %run_scoped3A = tpu.sem_alloc : memref<!tpu.dma_semaphore, #tpu.memory_space<semaphore_mem>>
      %dma_start3A_517 = arith.constant 0 : i32
      %dma_start3A_518 = tpu.memref_slice %arg16[%add3A_9, %dma_start3A_517] : memref<10240x16xf32, #tpu.memory_space<vmem_shared>> -> memref<128x16xf32, #tpu.memory_space<vmem_shared>>
      %dma_start3A_519 = arith.constant 0 : i32
      %dma_start3A_520 = tpu.memref_slice %arg16[%add3A_9, %dma_start3A_519] : memref<10240x16xf32, #tpu.memory_space<vmem_shared>> -> memref<128x16xf32, #tpu.memory_space<vmem_shared>>
      tpu.enqueue_dma source(%arg8 : memref<128x16xf32, #tpu.memory_space<vmem>>) target(%dma_start3A_520 : memref<128x16xf32, #tpu.memory_space<vmem_shared>>) target_semaphore(%run_scoped3A : memref<!tpu.dma_semaphore, #tpu.memory_space<semaphore_mem>>)
      %dma_wait3A_521 = arith.constant 0 : i32
      %dma_wait3A_522 = tpu.memref_slice %arg16[%add3A_9, %dma_wait3A_521] : memref<10240x16xf32, #tpu.memory_space<vmem_shared>> -> memref<128x16xf32, #tpu.memory_space<vmem_shared>>
      %dma_wait3A_523 = arith.constant 0 : i32
      %dma_wait3A_524 = tpu.memref_slice %arg16[%add3A_9, %dma_wait3A_523] : memref<10240x16xf32, #tpu.memory_space<vmem_shared>> -> memref<128x16xf32, #tpu.memory_space<vmem_shared>>
      tpu.wait_dma2 semaphore(%run_scoped3A : memref<!tpu.dma_semaphore, #tpu.memory_space<semaphore_mem>>) src(%arg8 : memref<128x16xf32, #tpu.memory_space<vmem>>) dst(%dma_wait3A_524 : memref<128x16xf32, #tpu.memory_space<vmem_shared>>)
      tpu.yield
    }) : () -> ()
    %add3A_10 = arith.constant 128 : i32
    %add3A_11 = arith.addi %mul3A_7, %add3A_10 : i32
    "tpu.region"() ({
      %run_scoped3A = tpu.sem_alloc : memref<!tpu.dma_semaphore, #tpu.memory_space<semaphore_mem>>
      %dma_start3A_517 = arith.constant 0 : i32
      %dma_start3A_518 = tpu.memref_slice %arg16[%add3A_11, %dma_start3A_517] : memref<10240x16xf32, #tpu.memory_space<vmem_shared>> -> memref<128x16xf32, #tpu.memory_space<vmem_shared>>
      %dma_start3A_519 = arith.constant 0 : i32
      %dma_start3A_520 = tpu.memref_slice %arg16[%add3A_11, %dma_start3A_519] : memref<10240x16xf32, #tpu.memory_space<vmem_shared>> -> memref<128x16xf32, #tpu.memory_space<vmem_shared>>
      tpu.enqueue_dma source(%arg8 : memref<128x16xf32, #tpu.memory_space<vmem>>) target(%dma_start3A_520 : memref<128x16xf32, #tpu.memory_space<vmem_shared>>) target_semaphore(%run_scoped3A : memref<!tpu.dma_semaphore, #tpu.memory_space<semaphore_mem>>)
      %dma_wait3A_521 = arith.constant 0 : i32
      %dma_wait3A_522 = tpu.memref_slice %arg16[%add3A_11, %dma_wait3A_521] : memref<10240x16xf32, #tpu.memory_space<vmem_shared>> -> memref<128x16xf32, #tpu.memory_space<vmem_shared>>
      %dma_wait3A_523 = arith.constant 0 : i32
      %dma_wait3A_524 = tpu.memref_slice %arg16[%add3A_11, %dma_wait3A_523] : memref<10240x16xf32, #tpu.memory_space<vmem_shared>> -> memref<128x16xf32, #tpu.memory_space<vmem_shared>>
      tpu.wait_dma2 semaphore(%run_scoped3A : memref<!tpu.dma_semaphore, #tpu.memory_space<semaphore_mem>>) src(%arg8 : memref<128x16xf32, #tpu.memory_space<vmem>>) dst(%dma_wait3A_524 : memref<128x16xf32, #tpu.memory_space<vmem_shared>>)
      tpu.yield
    }) : () -> ()
    %add3A_12 = arith.constant 256 : i32
    %add3A_13 = arith.addi %mul3A_7, %add3A_12 : i32
    "tpu.region"() ({
      %run_scoped3A = tpu.sem_alloc : memref<!tpu.dma_semaphore, #tpu.memory_space<semaphore_mem>>
      %dma_start3A_517 = arith.constant 0 : i32
      %dma_start3A_518 = tpu.memref_slice %arg16[%add3A_13, %dma_start3A_517] : memref<10240x16xf32, #tpu.memory_space<vmem_shared>> -> memref<128x16xf32, #tpu.memory_space<vmem_shared>>
      %dma_start3A_519 = arith.constant 0 : i32
      %dma_start3A_520 = tpu.memref_slice %arg16[%add3A_13, %dma_start3A_519] : memref<10240x16xf32, #tpu.memory_space<vmem_shared>> -> memref<128x16xf32, #tpu.memory_space<vmem_shared>>
      tpu.enqueue_dma source(%arg8 : memref<128x16xf32, #tpu.memory_space<vmem>>) target(%dma_start3A_520 : memref<128x16xf32, #tpu.memory_space<vmem_shared>>) target_semaphore(%run_scoped3A : memref<!tpu.dma_semaphore, #tpu.memory_space<semaphore_mem>>)
      %dma_wait3A_521 = arith.constant 0 : i32
      %dma_wait3A_522 = tpu.memref_slice %arg16[%add3A_13, %dma_wait3A_521] : memref<10240x16xf32, #tpu.memory_space<vmem_shared>> -> memref<128x16xf32, #tpu.memory_space<vmem_shared>>
      %dma_wait3A_523 = arith.constant 0 : i32
      %dma_wait3A_524 = tpu.memref_slice %arg16[%add3A_13, %dma_wait3A_523] : memref<10240x16xf32, #tpu.memory_space<vmem_shared>> -> memref<128x16xf32, #tpu.memory_space<vmem_shared>>
      tpu.wait_dma2 semaphore(%run_scoped3A : memref<!tpu.dma_semaphore, #tpu.memory_space<semaphore_mem>>) src(%arg8 : memref<128x16xf32, #tpu.memory_space<vmem>>) dst(%dma_wait3A_524 : memref<128x16xf32, #tpu.memory_space<vmem_shared>>)
      tpu.yield
    }) : () -> ()
    %add3A_14 = arith.constant 384 : i32
    %add3A_15 = arith.addi %mul3A_7, %add3A_14 : i32
    "tpu.region"() ({
      %run_scoped3A = tpu.sem_alloc : memref<!tpu.dma_semaphore, #tpu.memory_space<semaphore_mem>>
      %dma_start3A_517 = arith.constant 0 : i32
      %dma_start3A_518 = tpu.memref_slice %arg16[%add3A_15, %dma_start3A_517] : memref<10240x16xf32, #tpu.memory_space<vmem_shared>> -> memref<128x16xf32, #tpu.memory_space<vmem_shared>>
      %dma_start3A_519 = arith.constant 0 : i32
      %dma_start3A_520 = tpu.memref_slice %arg16[%add3A_15, %dma_start3A_519] : memref<10240x16xf32, #tpu.memory_space<vmem_shared>> -> memref<128x16xf32, #tpu.memory_space<vmem_shared>>
      tpu.enqueue_dma source(%arg8 : memref<128x16xf32, #tpu.memory_space<vmem>>) target(%dma_start3A_520 : memref<128x16xf32, #tpu.memory_space<vmem_shared>>) target_semaphore(%run_scoped3A : memref<!tpu.dma_semaphore, #tpu.memory_space<semaphore_mem>>)
      %dma_wait3A_521 = arith.constant 0 : i32
      %dma_wait3A_522 = tpu.memref_slice %arg16[%add3A_15, %dma_wait3A_521] : memref<10240x16xf32, #tpu.memory_space<vmem_shared>> -> memref<128x16xf32, #tpu.memory_space<vmem_shared>>
      %dma_wait3A_523 = arith.constant 0 : i32
      %dma_wait3A_524 = tpu.memref_slice %arg16[%add3A_15, %dma_wait3A_523] : memref<10240x16xf32, #tpu.memory_space<vmem_shared>> -> memref<128x16xf32, #tpu.memory_space<vmem_shared>>
      tpu.wait_dma2 semaphore(%run_scoped3A : memref<!tpu.dma_semaphore, #tpu.memory_space<semaphore_mem>>) src(%arg8 : memref<128x16xf32, #tpu.memory_space<vmem>>) dst(%dma_wait3A_524 : memref<128x16xf32, #tpu.memory_space<vmem_shared>>)
      tpu.yield
    }) : () -> ()
    %add3A_16 = arith.constant 512 : i32
    %add3A_17 = arith.addi %mul3A_7, %add3A_16 : i32
    "tpu.region"() ({
      %run_scoped3A = tpu.sem_alloc : memref<!tpu.dma_semaphore, #tpu.memory_space<semaphore_mem>>
      %dma_start3A_517 = arith.constant 0 : i32
      %dma_start3A_518 = tpu.memref_slice %arg16[%add3A_17, %dma_start3A_517] : memref<10240x16xf32, #tpu.memory_space<vmem_shared>> -> memref<128x16xf32, #tpu.memory_space<vmem_shared>>
      %dma_start3A_519 = arith.constant 0 : i32
      %dma_start3A_520 = tpu.memref_slice %arg16[%add3A_17, %dma_start3A_519] : memref<10240x16xf32, #tpu.memory_space<vmem_shared>> -> memref<128x16xf32, #tpu.memory_space<vmem_shared>>
      tpu.enqueue_dma source(%arg8 : memref<128x16xf32, #tpu.memory_space<vmem>>) target(%dma_start3A_520 : memref<128x16xf32, #tpu.memory_space<vmem_shared>>) target_semaphore(%run_scoped3A : memref<!tpu.dma_semaphore, #tpu.memory_space<semaphore_mem>>)
      %dma_wait3A_521 = arith.constant 0 : i32
      %dma_wait3A_522 = tpu.memref_slice %arg16[%add3A_17, %dma_wait3A_521] : memref<10240x16xf32, #tpu.memory_space<vmem_shared>> -> memref<128x16xf32, #tpu.memory_space<vmem_shared>>
      %dma_wait3A_523 = arith.constant 0 : i32
      %dma_wait3A_524 = tpu.memref_slice %arg16[%add3A_17, %dma_wait3A_523] : memref<10240x16xf32, #tpu.memory_space<vmem_shared>> -> memref<128x16xf32, #tpu.memory_space<vmem_shared>>
      tpu.wait_dma2 semaphore(%run_scoped3A : memref<!tpu.dma_semaphore, #tpu.memory_space<semaphore_mem>>) src(%arg8 : memref<128x16xf32, #tpu.memory_space<vmem>>) dst(%dma_wait3A_524 : memref<128x16xf32, #tpu.memory_space<vmem_shared>>)
      tpu.yield
    }) : () -> ()
    %barrier3A = arith.constant 0 : index
    tpu.barrier barrier_id(%barrier3A)
    %dma_start3A = arith.constant 0 : i32
    %dma_start3A_18 = arith.constant 0 : i32
    %dma_start3A_19 = tpu.memref_slice %arg6[%dma_start3A, %dma_start3A_18] : memref<80x128xi32, #tpu.memory_space<vmem>> -> memref<1x128xi32, #tpu.memory_space<vmem>>
    %dma_start3A_20 = tpu.memref_squeeze %dma_start3A_19 : memref<1x128xi32, #tpu.memory_space<vmem>> -> memref<128xi32, #tpu.memory_space<vmem>>
    %dma_start3A_21 = arith.constant 0 : i32
    %dma_start3A_22 = arith.constant 0 : i32
    %dma_start3A_23 = tpu.memref_slice %arg2[%dma_start3A_21, %dma_start3A_22] : memref<10240x16xf32, #tpu.memory_space<hbm>> -> memref<10240x16xf32, #tpu.memory_space<hbm>>
    tpu.enqueue_indirect_dma source(%dma_start3A_23 : memref<10240x16xf32, #tpu.memory_space<hbm>>) target(%arg8 : memref<128x16xf32, #tpu.memory_space<vmem>>) offsets(%dma_start3A_20 : memref<128xi32, #tpu.memory_space<vmem>>) semaphore(%arg17 : memref<!tpu.dma_semaphore, #tpu.memory_space<semaphore_mem>>)
    %dma_start3A_24 = arith.constant 1 : i32
    %dma_start3A_25 = arith.constant 0 : i32
    %dma_start3A_26 = tpu.memref_slice %arg6[%dma_start3A_24, %dma_start3A_25] : memref<80x128xi32, #tpu.memory_space<vmem>> -> memref<1x128xi32, #tpu.memory_space<vmem>>
    %dma_start3A_27 = tpu.memref_squeeze %dma_start3A_26 : memref<1x128xi32, #tpu.memory_space<vmem>> -> memref<128xi32, #tpu.memory_space<vmem>>
    %dma_start3A_28 = arith.constant 0 : i32
    %dma_start3A_29 = arith.constant 0 : i32
    %dma_start3A_30 = tpu.memref_slice %arg2[%dma_start3A_28, %dma_start3A_29] : memref<10240x16xf32, #tpu.memory_space<hbm>> -> memref<10240x16xf32, #tpu.memory_space<hbm>>
    tpu.enqueue_indirect_dma source(%dma_start3A_30 : memref<10240x16xf32, #tpu.memory_space<hbm>>) target(%arg9 : memref<128x16xf32, #tpu.memory_space<vmem>>) offsets(%dma_start3A_27 : memref<128xi32, #tpu.memory_space<vmem>>) semaphore(%arg18 : memref<!tpu.dma_semaphore, #tpu.memory_space<semaphore_mem>>)
    %dma_start3A_31 = arith.constant 2 : i32
    %dma_start3A_32 = arith.constant 0 : i32
    %dma_start3A_33 = tpu.memref_slice %arg6[%dma_start3A_31, %dma_start3A_32] : memref<80x128xi32, #tpu.memory_space<vmem>> -> memref<1x128xi32, #tpu.memory_space<vmem>>
    %dma_start3A_34 = tpu.memref_squeeze %dma_start3A_33 : memref<1x128xi32, #tpu.memory_space<vmem>> -> memref<128xi32, #tpu.memory_space<vmem>>
    %dma_start3A_35 = arith.constant 0 : i32
    %dma_start3A_36 = arith.constant 0 : i32
    %dma_start3A_37 = tpu.memref_slice %arg2[%dma_start3A_35, %dma_start3A_36] : memref<10240x16xf32, #tpu.memory_space<hbm>> -> memref<10240x16xf32, #tpu.memory_space<hbm>>
    tpu.enqueue_indirect_dma source(%dma_start3A_37 : memref<10240x16xf32, #tpu.memory_space<hbm>>) target(%arg10 : memref<128x16xf32, #tpu.memory_space<vmem>>) offsets(%dma_start3A_34 : memref<128xi32, #tpu.memory_space<vmem>>) semaphore(%arg19 : memref<!tpu.dma_semaphore, #tpu.memory_space<semaphore_mem>>)
    %dma_start3A_38 = arith.constant 3 : i32
    %dma_start3A_39 = arith.constant 0 : i32
    %dma_start3A_40 = tpu.memref_slice %arg6[%dma_start3A_38, %dma_start3A_39] : memref<80x128xi32, #tpu.memory_space<vmem>> -> memref<1x128xi32, #tpu.memory_space<vmem>>
    %dma_start3A_41 = tpu.memref_squeeze %dma_start3A_40 : memref<1x128xi32, #tpu.memory_space<vmem>> -> memref<128xi32, #tpu.memory_space<vmem>>
    %dma_start3A_42 = arith.constant 0 : i32
    %dma_start3A_43 = arith.constant 0 : i32
    %dma_start3A_44 = tpu.memref_slice %arg2[%dma_start3A_42, %dma_start3A_43] : memref<10240x16xf32, #tpu.memory_space<hbm>> -> memref<10240x16xf32, #tpu.memory_space<hbm>>
    tpu.enqueue_indirect_dma source(%dma_start3A_44 : memref<10240x16xf32, #tpu.memory_space<hbm>>) target(%arg11 : memref<128x16xf32, #tpu.memory_space<vmem>>) offsets(%dma_start3A_41 : memref<128xi32, #tpu.memory_space<vmem>>) semaphore(%arg20 : memref<!tpu.dma_semaphore, #tpu.memory_space<semaphore_mem>>)
    %dma_wait3A = arith.constant 0 : i32
    %dma_wait3A_45 = arith.constant 0 : i32
    %dma_wait3A_46 = tpu.memref_slice %arg6[%dma_wait3A, %dma_wait3A_45] : memref<80x128xi32, #tpu.memory_space<vmem>> -> memref<1x128xi32, #tpu.memory_space<vmem>>
    %dma_wait3A_47 = tpu.memref_squeeze %dma_wait3A_46 : memref<1x128xi32, #tpu.memory_space<vmem>> -> memref<128xi32, #tpu.memory_space<vmem>>
    %dma_wait3A_48 = arith.constant 0 : i32
    %dma_wait3A_49 = arith.constant 0 : i32
    %dma_wait3A_50 = tpu.memref_slice %arg2[%dma_wait3A_48, %dma_wait3A_49] : memref<10240x16xf32, #tpu.memory_space<hbm>> -> memref<10240x16xf32, #tpu.memory_space<hbm>>
    tpu.wait_indirect_dma semaphore(%arg17 : memref<!tpu.dma_semaphore, #tpu.memory_space<semaphore_mem>>) src(%dma_wait3A_50 : memref<10240x16xf32, #tpu.memory_space<hbm>>) dst(%arg8 : memref<128x16xf32, #tpu.memory_space<vmem>>)
    %dma_start3A_51 = arith.constant 0 : i32
    %dma_start3A_52 = arith.constant 0 : i32
    %dma_start3A_53 = tpu.memref_slice %arg7[%dma_start3A_51, %dma_start3A_52] : memref<80x128xi32, #tpu.memory_space<vmem>> -> memref<1x128xi32, #tpu.memory_space<vmem>>
    %dma_start3A_54 = tpu.memref_squeeze %dma_start3A_53 : memref<1x128xi32, #tpu.memory_space<vmem>> -> memref<128xi32, #tpu.memory_space<vmem>>
    %dma_start3A_55 = arith.constant 0 : i32
    %dma_start3A_56 = arith.constant 0 : i32
    %dma_start3A_57 = tpu.memref_slice %arg16[%dma_start3A_55, %dma_start3A_56] : memref<10240x16xf32, #tpu.memory_space<vmem_shared>> -> memref<10240x16xf32, #tpu.memory_space<vmem_shared>>
    tpu.enqueue_indirect_dma source(%arg8 : memref<128x16xf32, #tpu.memory_space<vmem>>) target(%dma_start3A_57 : memref<10240x16xf32, #tpu.memory_space<vmem_shared>>) offsets(%dma_start3A_54 : memref<128xi32, #tpu.memory_space<vmem>>) semaphore(%arg25 : memref<!tpu.dma_semaphore, #tpu.memory_space<semaphore_mem>>) {add = true}
    %add3A_58 = arith.constant 0 : i32
    %add3A_59 = arith.constant 4 : i32
    %add3A_60 = arith.addi %add3A_58, %add3A_59 : i32
    %dma_start3A_61 = arith.constant 0 : i32
    %dma_start3A_62 = tpu.memref_slice %arg6[%add3A_60, %dma_start3A_61] : memref<80x128xi32, #tpu.memory_space<vmem>> -> memref<1x128xi32, #tpu.memory_space<vmem>>
    %dma_start3A_63 = tpu.memref_squeeze %dma_start3A_62 : memref<1x128xi32, #tpu.memory_space<vmem>> -> memref<128xi32, #tpu.memory_space<vmem>>
    %dma_start3A_64 = arith.constant 0 : i32
    %dma_start3A_65 = arith.constant 0 : i32
    %dma_start3A_66 = tpu.memref_slice %arg2[%dma_start3A_64, %dma_start3A_65] : memref<10240x16xf32, #tpu.memory_space<hbm>> -> memref<10240x16xf32, #tpu.memory_space<hbm>>
    tpu.enqueue_indirect_dma source(%dma_start3A_66 : memref<10240x16xf32, #tpu.memory_space<hbm>>) target(%arg12 : memref<128x16xf32, #tpu.memory_space<vmem>>) offsets(%dma_start3A_63 : memref<128xi32, #tpu.memory_space<vmem>>) semaphore(%arg21 : memref<!tpu.dma_semaphore, #tpu.memory_space<semaphore_mem>>)
    %dma_wait3A_67 = arith.constant 1 : i32
    %dma_wait3A_68 = arith.constant 0 : i32
    %dma_wait3A_69 = tpu.memref_slice %arg6[%dma_wait3A_67, %dma_wait3A_68] : memref<80x128xi32, #tpu.memory_space<vmem>> -> memref<1x128xi32, #tpu.memory_space<vmem>>
    %dma_wait3A_70 = tpu.memref_squeeze %dma_wait3A_69 : memref<1x128xi32, #tpu.memory_space<vmem>> -> memref<128xi32, #tpu.memory_space<vmem>>
    %dma_wait3A_71 = arith.constant 0 : i32
    %dma_wait3A_72 = arith.constant 0 : i32
    %dma_wait3A_73 = tpu.memref_slice %arg2[%dma_wait3A_71, %dma_wait3A_72] : memref<10240x16xf32, #tpu.memory_space<hbm>> -> memref<10240x16xf32, #tpu.memory_space<hbm>>
    tpu.wait_indirect_dma semaphore(%arg18 : memref<!tpu.dma_semaphore, #tpu.memory_space<semaphore_mem>>) src(%dma_wait3A_73 : memref<10240x16xf32, #tpu.memory_space<hbm>>) dst(%arg9 : memref<128x16xf32, #tpu.memory_space<vmem>>)
    %dma_start3A_74 = arith.constant 1 : i32
    %dma_start3A_75 = arith.constant 0 : i32
    %dma_start3A_76 = tpu.memref_slice %arg7[%dma_start3A_74, %dma_start3A_75] : memref<80x128xi32, #tpu.memory_space<vmem>> -> memref<1x128xi32, #tpu.memory_space<vmem>>
    %dma_start3A_77 = tpu.memref_squeeze %dma_start3A_76 : memref<1x128xi32, #tpu.memory_space<vmem>> -> memref<128xi32, #tpu.memory_space<vmem>>
    %dma_start3A_78 = arith.constant 0 : i32
    %dma_start3A_79 = arith.constant 0 : i32
    %dma_start3A_80 = tpu.memref_slice %arg16[%dma_start3A_78, %dma_start3A_79] : memref<10240x16xf32, #tpu.memory_space<vmem_shared>> -> memref<10240x16xf32, #tpu.memory_space<vmem_shared>>
    tpu.enqueue_indirect_dma source(%arg9 : memref<128x16xf32, #tpu.memory_space<vmem>>) target(%dma_start3A_80 : memref<10240x16xf32, #tpu.memory_space<vmem_shared>>) offsets(%dma_start3A_77 : memref<128xi32, #tpu.memory_space<vmem>>) semaphore(%arg26 : memref<!tpu.dma_semaphore, #tpu.memory_space<semaphore_mem>>) {add = true}
    %add3A_81 = arith.constant 1 : i32
    %add3A_82 = arith.constant 4 : i32
    %add3A_83 = arith.addi %add3A_81, %add3A_82 : i32
    %dma_start3A_84 = arith.constant 0 : i32
    %dma_start3A_85 = tpu.memref_slice %arg6[%add3A_83, %dma_start3A_84] : memref<80x128xi32, #tpu.memory_space<vmem>> -> memref<1x128xi32, #tpu.memory_space<vmem>>
    %dma_start3A_86 = tpu.memref_squeeze %dma_start3A_85 : memref<1x128xi32, #tpu.memory_space<vmem>> -> memref<128xi32, #tpu.memory_space<vmem>>
    %dma_start3A_87 = arith.constant 0 : i32
    %dma_start3A_88 = arith.constant 0 : i32
    %dma_start3A_89 = tpu.memref_slice %arg2[%dma_start3A_87, %dma_start3A_88] : memref<10240x16xf32, #tpu.memory_space<hbm>> -> memref<10240x16xf32, #tpu.memory_space<hbm>>
    tpu.enqueue_indirect_dma source(%dma_start3A_89 : memref<10240x16xf32, #tpu.memory_space<hbm>>) target(%arg13 : memref<128x16xf32, #tpu.memory_space<vmem>>) offsets(%dma_start3A_86 : memref<128xi32, #tpu.memory_space<vmem>>) semaphore(%arg22 : memref<!tpu.dma_semaphore, #tpu.memory_space<semaphore_mem>>)
    %dma_wait3A_90 = arith.constant 2 : i32
    %dma_wait3A_91 = arith.constant 0 : i32
    %dma_wait3A_92 = tpu.memref_slice %arg6[%dma_wait3A_90, %dma_wait3A_91] : memref<80x128xi32, #tpu.memory_space<vmem>> -> memref<1x128xi32, #tpu.memory_space<vmem>>
    %dma_wait3A_93 = tpu.memref_squeeze %dma_wait3A_92 : memref<1x128xi32, #tpu.memory_space<vmem>> -> memref<128xi32, #tpu.memory_space<vmem>>
    %dma_wait3A_94 = arith.constant 0 : i32
    %dma_wait3A_95 = arith.constant 0 : i32
    %dma_wait3A_96 = tpu.memref_slice %arg2[%dma_wait3A_94, %dma_wait3A_95] : memref<10240x16xf32, #tpu.memory_space<hbm>> -> memref<10240x16xf32, #tpu.memory_space<hbm>>
    tpu.wait_indirect_dma semaphore(%arg19 : memref<!tpu.dma_semaphore, #tpu.memory_space<semaphore_mem>>) src(%dma_wait3A_96 : memref<10240x16xf32, #tpu.memory_space<hbm>>) dst(%arg10 : memref<128x16xf32, #tpu.memory_space<vmem>>)
    %dma_start3A_97 = arith.constant 2 : i32
    %dma_start3A_98 = arith.constant 0 : i32
    %dma_start3A_99 = tpu.memref_slice %arg7[%dma_start3A_97, %dma_start3A_98] : memref<80x128xi32, #tpu.memory_space<vmem>> -> memref<1x128xi32, #tpu.memory_space<vmem>>
    %dma_start3A_100 = tpu.memref_squeeze %dma_start3A_99 : memref<1x128xi32, #tpu.memory_space<vmem>> -> memref<128xi32, #tpu.memory_space<vmem>>
    %dma_start3A_101 = arith.constant 0 : i32
    %dma_start3A_102 = arith.constant 0 : i32
    %dma_start3A_103 = tpu.memref_slice %arg16[%dma_start3A_101, %dma_start3A_102] : memref<10240x16xf32, #tpu.memory_space<vmem_shared>> -> memref<10240x16xf32, #tpu.memory_space<vmem_shared>>
    tpu.enqueue_indirect_dma source(%arg10 : memref<128x16xf32, #tpu.memory_space<vmem>>) target(%dma_start3A_103 : memref<10240x16xf32, #tpu.memory_space<vmem_shared>>) offsets(%dma_start3A_100 : memref<128xi32, #tpu.memory_space<vmem>>) semaphore(%arg27 : memref<!tpu.dma_semaphore, #tpu.memory_space<semaphore_mem>>) {add = true}
    %add3A_104 = arith.constant 2 : i32
    %add3A_105 = arith.constant 4 : i32
    %add3A_106 = arith.addi %add3A_104, %add3A_105 : i32
    %dma_start3A_107 = arith.constant 0 : i32
    %dma_start3A_108 = tpu.memref_slice %arg6[%add3A_106, %dma_start3A_107] : memref<80x128xi32, #tpu.memory_space<vmem>> -> memref<1x128xi32, #tpu.memory_space<vmem>>
    %dma_start3A_109 = tpu.memref_squeeze %dma_start3A_108 : memref<1x128xi32, #tpu.memory_space<vmem>> -> memref<128xi32, #tpu.memory_space<vmem>>
    %dma_start3A_110 = arith.constant 0 : i32
    %dma_start3A_111 = arith.constant 0 : i32
    %dma_start3A_112 = tpu.memref_slice %arg2[%dma_start3A_110, %dma_start3A_111] : memref<10240x16xf32, #tpu.memory_space<hbm>> -> memref<10240x16xf32, #tpu.memory_space<hbm>>
    tpu.enqueue_indirect_dma source(%dma_start3A_112 : memref<10240x16xf32, #tpu.memory_space<hbm>>) target(%arg14 : memref<128x16xf32, #tpu.memory_space<vmem>>) offsets(%dma_start3A_109 : memref<128xi32, #tpu.memory_space<vmem>>) semaphore(%arg23 : memref<!tpu.dma_semaphore, #tpu.memory_space<semaphore_mem>>)
    %dma_wait3A_113 = arith.constant 3 : i32
    %dma_wait3A_114 = arith.constant 0 : i32
    %dma_wait3A_115 = tpu.memref_slice %arg6[%dma_wait3A_113, %dma_wait3A_114] : memref<80x128xi32, #tpu.memory_space<vmem>> -> memref<1x128xi32, #tpu.memory_space<vmem>>
    %dma_wait3A_116 = tpu.memref_squeeze %dma_wait3A_115 : memref<1x128xi32, #tpu.memory_space<vmem>> -> memref<128xi32, #tpu.memory_space<vmem>>
    %dma_wait3A_117 = arith.constant 0 : i32
    %dma_wait3A_118 = arith.constant 0 : i32
    %dma_wait3A_119 = tpu.memref_slice %arg2[%dma_wait3A_117, %dma_wait3A_118] : memref<10240x16xf32, #tpu.memory_space<hbm>> -> memref<10240x16xf32, #tpu.memory_space<hbm>>
    tpu.wait_indirect_dma semaphore(%arg20 : memref<!tpu.dma_semaphore, #tpu.memory_space<semaphore_mem>>) src(%dma_wait3A_119 : memref<10240x16xf32, #tpu.memory_space<hbm>>) dst(%arg11 : memref<128x16xf32, #tpu.memory_space<vmem>>)
    %dma_start3A_120 = arith.constant 3 : i32
    %dma_start3A_121 = arith.constant 0 : i32
    %dma_start3A_122 = tpu.memref_slice %arg7[%dma_start3A_120, %dma_start3A_121] : memref<80x128xi32, #tpu.memory_space<vmem>> -> memref<1x128xi32, #tpu.memory_space<vmem>>
    %dma_start3A_123 = tpu.memref_squeeze %dma_start3A_122 : memref<1x128xi32, #tpu.memory_space<vmem>> -> memref<128xi32, #tpu.memory_space<vmem>>
    %dma_start3A_124 = arith.constant 0 : i32
    %dma_start3A_125 = arith.constant 0 : i32
    %dma_start3A_126 = tpu.memref_slice %arg16[%dma_start3A_124, %dma_start3A_125] : memref<10240x16xf32, #tpu.memory_space<vmem_shared>> -> memref<10240x16xf32, #tpu.memory_space<vmem_shared>>
    tpu.enqueue_indirect_dma source(%arg11 : memref<128x16xf32, #tpu.memory_space<vmem>>) target(%dma_start3A_126 : memref<10240x16xf32, #tpu.memory_space<vmem_shared>>) offsets(%dma_start3A_123 : memref<128xi32, #tpu.memory_space<vmem>>) semaphore(%arg28 : memref<!tpu.dma_semaphore, #tpu.memory_space<semaphore_mem>>) {add = true}
    %add3A_127 = arith.constant 3 : i32
    %add3A_128 = arith.constant 4 : i32
    %add3A_129 = arith.addi %add3A_127, %add3A_128 : i32
    %dma_start3A_130 = arith.constant 0 : i32
    %dma_start3A_131 = tpu.memref_slice %arg6[%add3A_129, %dma_start3A_130] : memref<80x128xi32, #tpu.memory_space<vmem>> -> memref<1x128xi32, #tpu.memory_space<vmem>>
    %dma_start3A_132 = tpu.memref_squeeze %dma_start3A_131 : memref<1x128xi32, #tpu.memory_space<vmem>> -> memref<128xi32, #tpu.memory_space<vmem>>
    %dma_start3A_133 = arith.constant 0 : i32
    %dma_start3A_134 = arith.constant 0 : i32
    %dma_start3A_135 = tpu.memref_slice %arg2[%dma_start3A_133, %dma_start3A_134] : memref<10240x16xf32, #tpu.memory_space<hbm>> -> memref<10240x16xf32, #tpu.memory_space<hbm>>
    tpu.enqueue_indirect_dma source(%dma_start3A_135 : memref<10240x16xf32, #tpu.memory_space<hbm>>) target(%arg15 : memref<128x16xf32, #tpu.memory_space<vmem>>) offsets(%dma_start3A_132 : memref<128xi32, #tpu.memory_space<vmem>>) semaphore(%arg24 : memref<!tpu.dma_semaphore, #tpu.memory_space<semaphore_mem>>)
    %dma_wait3A_136 = arith.constant 4 : i32
    %dma_wait3A_137 = arith.constant 0 : i32
    %dma_wait3A_138 = tpu.memref_slice %arg6[%dma_wait3A_136, %dma_wait3A_137] : memref<80x128xi32, #tpu.memory_space<vmem>> -> memref<1x128xi32, #tpu.memory_space<vmem>>
    %dma_wait3A_139 = tpu.memref_squeeze %dma_wait3A_138 : memref<1x128xi32, #tpu.memory_space<vmem>> -> memref<128xi32, #tpu.memory_space<vmem>>
    %dma_wait3A_140 = arith.constant 0 : i32
    %dma_wait3A_141 = arith.constant 0 : i32
    %dma_wait3A_142 = tpu.memref_slice %arg2[%dma_wait3A_140, %dma_wait3A_141] : memref<10240x16xf32, #tpu.memory_space<hbm>> -> memref<10240x16xf32, #tpu.memory_space<hbm>>
    tpu.wait_indirect_dma semaphore(%arg21 : memref<!tpu.dma_semaphore, #tpu.memory_space<semaphore_mem>>) src(%dma_wait3A_142 : memref<10240x16xf32, #tpu.memory_space<hbm>>) dst(%arg12 : memref<128x16xf32, #tpu.memory_space<vmem>>)
    %dma_start3A_143 = arith.constant 4 : i32
    %dma_start3A_144 = arith.constant 0 : i32
    %dma_start3A_145 = tpu.memref_slice %arg7[%dma_start3A_143, %dma_start3A_144] : memref<80x128xi32, #tpu.memory_space<vmem>> -> memref<1x128xi32, #tpu.memory_space<vmem>>
    %dma_start3A_146 = tpu.memref_squeeze %dma_start3A_145 : memref<1x128xi32, #tpu.memory_space<vmem>> -> memref<128xi32, #tpu.memory_space<vmem>>
    %dma_start3A_147 = arith.constant 0 : i32
    %dma_start3A_148 = arith.constant 0 : i32
    %dma_start3A_149 = tpu.memref_slice %arg16[%dma_start3A_147, %dma_start3A_148] : memref<10240x16xf32, #tpu.memory_space<vmem_shared>> -> memref<10240x16xf32, #tpu.memory_space<vmem_shared>>
    tpu.enqueue_indirect_dma source(%arg12 : memref<128x16xf32, #tpu.memory_space<vmem>>) target(%dma_start3A_149 : memref<10240x16xf32, #tpu.memory_space<vmem_shared>>) offsets(%dma_start3A_146 : memref<128xi32, #tpu.memory_space<vmem>>) semaphore(%arg29 : memref<!tpu.dma_semaphore, #tpu.memory_space<semaphore_mem>>) {add = true}
    %sub3A = arith.constant 4 : i32
    %sub3A_150 = arith.constant 4 : i32
    %sub3A_151 = arith.subi %sub3A, %sub3A_150 : i32
    %dma_wait3A_152 = arith.constant 0 : i32
    %dma_wait3A_153 = tpu.memref_slice %arg7[%sub3A_151, %dma_wait3A_152] : memref<80x128xi32, #tpu.memory_space<vmem>> -> memref<1x128xi32, #tpu.memory_space<vmem>>
    %dma_wait3A_154 = tpu.memref_squeeze %dma_wait3A_153 : memref<1x128xi32, #tpu.memory_space<vmem>> -> memref<128xi32, #tpu.memory_space<vmem>>
    %dma_wait3A_155 = arith.constant 0 : i32
    %dma_wait3A_156 = arith.constant 0 : i32
    %dma_wait3A_157 = tpu.memref_slice %arg16[%dma_wait3A_155, %dma_wait3A_156] : memref<10240x16xf32, #tpu.memory_space<vmem_shared>> -> memref<10240x16xf32, #tpu.memory_space<vmem_shared>>
    tpu.wait_indirect_dma semaphore(%arg25 : memref<!tpu.dma_semaphore, #tpu.memory_space<semaphore_mem>>) src(%arg8 : memref<128x16xf32, #tpu.memory_space<vmem>>) dst(%dma_wait3A_157 : memref<10240x16xf32, #tpu.memory_space<vmem_shared>>)
    %add3A_158 = arith.constant 4 : i32
    %add3A_159 = arith.constant 4 : i32
    %add3A_160 = arith.addi %add3A_158, %add3A_159 : i32
    %dma_start3A_161 = arith.constant 0 : i32
    %dma_start3A_162 = tpu.memref_slice %arg6[%add3A_160, %dma_start3A_161] : memref<80x128xi32, #tpu.memory_space<vmem>> -> memref<1x128xi32, #tpu.memory_space<vmem>>
    %dma_start3A_163 = tpu.memref_squeeze %dma_start3A_162 : memref<1x128xi32, #tpu.memory_space<vmem>> -> memref<128xi32, #tpu.memory_space<vmem>>
    %dma_start3A_164 = arith.constant 0 : i32
    %dma_start3A_165 = arith.constant 0 : i32
    %dma_start3A_166 = tpu.memref_slice %arg2[%dma_start3A_164, %dma_start3A_165] : memref<10240x16xf32, #tpu.memory_space<hbm>> -> memref<10240x16xf32, #tpu.memory_space<hbm>>
    tpu.enqueue_indirect_dma source(%dma_start3A_166 : memref<10240x16xf32, #tpu.memory_space<hbm>>) target(%arg8 : memref<128x16xf32, #tpu.memory_space<vmem>>) offsets(%dma_start3A_163 : memref<128xi32, #tpu.memory_space<vmem>>) semaphore(%arg17 : memref<!tpu.dma_semaphore, #tpu.memory_space<semaphore_mem>>)
    %dma_wait3A_167 = arith.constant 5 : i32
    %dma_wait3A_168 = arith.constant 0 : i32
    %dma_wait3A_169 = tpu.memref_slice %arg6[%dma_wait3A_167, %dma_wait3A_168] : memref<80x128xi32, #tpu.memory_space<vmem>> -> memref<1x128xi32, #tpu.memory_space<vmem>>
    %dma_wait3A_170 = tpu.memref_squeeze %dma_wait3A_169 : memref<1x128xi32, #tpu.memory_space<vmem>> -> memref<128xi32, #tpu.memory_space<vmem>>
    %dma_wait3A_171 = arith.constant 0 : i32
    %dma_wait3A_172 = arith.constant 0 : i32
    %dma_wait3A_173 = tpu.memref_slice %arg2[%dma_wait3A_171, %dma_wait3A_172] : memref<10240x16xf32, #tpu.memory_space<hbm>> -> memref<10240x16xf32, #tpu.memory_space<hbm>>
    tpu.wait_indirect_dma semaphore(%arg22 : memref<!tpu.dma_semaphore, #tpu.memory_space<semaphore_mem>>) src(%dma_wait3A_173 : memref<10240x16xf32, #tpu.memory_space<hbm>>) dst(%arg13 : memref<128x16xf32, #tpu.memory_space<vmem>>)
    %dma_start3A_174 = arith.constant 5 : i32
    %dma_start3A_175 = arith.constant 0 : i32
    %dma_start3A_176 = tpu.memref_slice %arg7[%dma_start3A_174, %dma_start3A_175] : memref<80x128xi32, #tpu.memory_space<vmem>> -> memref<1x128xi32, #tpu.memory_space<vmem>>
    %dma_start3A_177 = tpu.memref_squeeze %dma_start3A_176 : memref<1x128xi32, #tpu.memory_space<vmem>> -> memref<128xi32, #tpu.memory_space<vmem>>
    %dma_start3A_178 = arith.constant 0 : i32
    %dma_start3A_179 = arith.constant 0 : i32
    %dma_start3A_180 = tpu.memref_slice %arg16[%dma_start3A_178, %dma_start3A_179] : memref<10240x16xf32, #tpu.memory_space<vmem_shared>> -> memref<10240x16xf32, #tpu.memory_space<vmem_shared>>
    tpu.enqueue_indirect_dma source(%arg13 : memref<128x16xf32, #tpu.memory_space<vmem>>) target(%dma_start3A_180 : memref<10240x16xf32, #tpu.memory_space<vmem_shared>>) offsets(%dma_start3A_177 : memref<128xi32, #tpu.memory_space<vmem>>) semaphore(%arg30 : memref<!tpu.dma_semaphore, #tpu.memory_space<semaphore_mem>>) {add = true}
    %sub3A_181 = arith.constant 5 : i32
    %sub3A_182 = arith.constant 4 : i32
    %sub3A_183 = arith.subi %sub3A_181, %sub3A_182 : i32
    %dma_wait3A_184 = arith.constant 0 : i32
    %dma_wait3A_185 = tpu.memref_slice %arg7[%sub3A_183, %dma_wait3A_184] : memref<80x128xi32, #tpu.memory_space<vmem>> -> memref<1x128xi32, #tpu.memory_space<vmem>>
    %dma_wait3A_186 = tpu.memref_squeeze %dma_wait3A_185 : memref<1x128xi32, #tpu.memory_space<vmem>> -> memref<128xi32, #tpu.memory_space<vmem>>
    %dma_wait3A_187 = arith.constant 0 : i32
    %dma_wait3A_188 = arith.constant 0 : i32
    %dma_wait3A_189 = tpu.memref_slice %arg16[%dma_wait3A_187, %dma_wait3A_188] : memref<10240x16xf32, #tpu.memory_space<vmem_shared>> -> memref<10240x16xf32, #tpu.memory_space<vmem_shared>>
    tpu.wait_indirect_dma semaphore(%arg26 : memref<!tpu.dma_semaphore, #tpu.memory_space<semaphore_mem>>) src(%arg9 : memref<128x16xf32, #tpu.memory_space<vmem>>) dst(%dma_wait3A_189 : memref<10240x16xf32, #tpu.memory_space<vmem_shared>>)
    %add3A_190 = arith.constant 5 : i32
    %add3A_191 = arith.constant 4 : i32
    %add3A_192 = arith.addi %add3A_190, %add3A_191 : i32
    %dma_start3A_193 = arith.constant 0 : i32
    %dma_start3A_194 = tpu.memref_slice %arg6[%add3A_192, %dma_start3A_193] : memref<80x128xi32, #tpu.memory_space<vmem>> -> memref<1x128xi32, #tpu.memory_space<vmem>>
    %dma_start3A_195 = tpu.memref_squeeze %dma_start3A_194 : memref<1x128xi32, #tpu.memory_space<vmem>> -> memref<128xi32, #tpu.memory_space<vmem>>
    %dma_start3A_196 = arith.constant 0 : i32
    %dma_start3A_197 = arith.constant 0 : i32
    %dma_start3A_198 = tpu.memref_slice %arg2[%dma_start3A_196, %dma_start3A_197] : memref<10240x16xf32, #tpu.memory_space<hbm>> -> memref<10240x16xf32, #tpu.memory_space<hbm>>
    tpu.enqueue_indirect_dma source(%dma_start3A_198 : memref<10240x16xf32, #tpu.memory_space<hbm>>) target(%arg9 : memref<128x16xf32, #tpu.memory_space<vmem>>) offsets(%dma_start3A_195 : memref<128xi32, #tpu.memory_space<vmem>>) semaphore(%arg18 : memref<!tpu.dma_semaphore, #tpu.memory_space<semaphore_mem>>)
    %dma_wait3A_199 = arith.constant 6 : i32
    %dma_wait3A_200 = arith.constant 0 : i32
    %dma_wait3A_201 = tpu.memref_slice %arg6[%dma_wait3A_199, %dma_wait3A_200] : memref<80x128xi32, #tpu.memory_space<vmem>> -> memref<1x128xi32, #tpu.memory_space<vmem>>
    %dma_wait3A_202 = tpu.memref_squeeze %dma_wait3A_201 : memref<1x128xi32, #tpu.memory_space<vmem>> -> memref<128xi32, #tpu.memory_space<vmem>>
    %dma_wait3A_203 = arith.constant 0 : i32
    %dma_wait3A_204 = arith.constant 0 : i32
    %dma_wait3A_205 = tpu.memref_slice %arg2[%dma_wait3A_203, %dma_wait3A_204] : memref<10240x16xf32, #tpu.memory_space<hbm>> -> memref<10240x16xf32, #tpu.memory_space<hbm>>
    tpu.wait_indirect_dma semaphore(%arg23 : memref<!tpu.dma_semaphore, #tpu.memory_space<semaphore_mem>>) src(%dma_wait3A_205 : memref<10240x16xf32, #tpu.memory_space<hbm>>) dst(%arg14 : memref<128x16xf32, #tpu.memory_space<vmem>>)
    %dma_start3A_206 = arith.constant 6 : i32
    %dma_start3A_207 = arith.constant 0 : i32
    %dma_start3A_208 = tpu.memref_slice %arg7[%dma_start3A_206, %dma_start3A_207] : memref<80x128xi32, #tpu.memory_space<vmem>> -> memref<1x128xi32, #tpu.memory_space<vmem>>
    %dma_start3A_209 = tpu.memref_squeeze %dma_start3A_208 : memref<1x128xi32, #tpu.memory_space<vmem>> -> memref<128xi32, #tpu.memory_space<vmem>>
    %dma_start3A_210 = arith.constant 0 : i32
    %dma_start3A_211 = arith.constant 0 : i32
    %dma_start3A_212 = tpu.memref_slice %arg16[%dma_start3A_210, %dma_start3A_211] : memref<10240x16xf32, #tpu.memory_space<vmem_shared>> -> memref<10240x16xf32, #tpu.memory_space<vmem_shared>>
    tpu.enqueue_indirect_dma source(%arg14 : memref<128x16xf32, #tpu.memory_space<vmem>>) target(%dma_start3A_212 : memref<10240x16xf32, #tpu.memory_space<vmem_shared>>) offsets(%dma_start3A_209 : memref<128xi32, #tpu.memory_space<vmem>>) semaphore(%arg31 : memref<!tpu.dma_semaphore, #tpu.memory_space<semaphore_mem>>) {add = true}
    %sub3A_213 = arith.constant 6 : i32
    %sub3A_214 = arith.constant 4 : i32
    %sub3A_215 = arith.subi %sub3A_213, %sub3A_214 : i32
    %dma_wait3A_216 = arith.constant 0 : i32
    %dma_wait3A_217 = tpu.memref_slice %arg7[%sub3A_215, %dma_wait3A_216] : memref<80x128xi32, #tpu.memory_space<vmem>> -> memref<1x128xi32, #tpu.memory_space<vmem>>
    %dma_wait3A_218 = tpu.memref_squeeze %dma_wait3A_217 : memref<1x128xi32, #tpu.memory_space<vmem>> -> memref<128xi32, #tpu.memory_space<vmem>>
    %dma_wait3A_219 = arith.constant 0 : i32
    %dma_wait3A_220 = arith.constant 0 : i32
    %dma_wait3A_221 = tpu.memref_slice %arg16[%dma_wait3A_219, %dma_wait3A_220] : memref<10240x16xf32, #tpu.memory_space<vmem_shared>> -> memref<10240x16xf32, #tpu.memory_space<vmem_shared>>
    tpu.wait_indirect_dma semaphore(%arg27 : memref<!tpu.dma_semaphore, #tpu.memory_space<semaphore_mem>>) src(%arg10 : memref<128x16xf32, #tpu.memory_space<vmem>>) dst(%dma_wait3A_221 : memref<10240x16xf32, #tpu.memory_space<vmem_shared>>)
    %add3A_222 = arith.constant 6 : i32
    %add3A_223 = arith.constant 4 : i32
    %add3A_224 = arith.addi %add3A_222, %add3A_223 : i32
    %dma_start3A_225 = arith.constant 0 : i32
    %dma_start3A_226 = tpu.memref_slice %arg6[%add3A_224, %dma_start3A_225] : memref<80x128xi32, #tpu.memory_space<vmem>> -> memref<1x128xi32, #tpu.memory_space<vmem>>
    %dma_start3A_227 = tpu.memref_squeeze %dma_start3A_226 : memref<1x128xi32, #tpu.memory_space<vmem>> -> memref<128xi32, #tpu.memory_space<vmem>>
    %dma_start3A_228 = arith.constant 0 : i32
    %dma_start3A_229 = arith.constant 0 : i32
    %dma_start3A_230 = tpu.memref_slice %arg2[%dma_start3A_228, %dma_start3A_229] : memref<10240x16xf32, #tpu.memory_space<hbm>> -> memref<10240x16xf32, #tpu.memory_space<hbm>>
    tpu.enqueue_indirect_dma source(%dma_start3A_230 : memref<10240x16xf32, #tpu.memory_space<hbm>>) target(%arg10 : memref<128x16xf32, #tpu.memory_space<vmem>>) offsets(%dma_start3A_227 : memref<128xi32, #tpu.memory_space<vmem>>) semaphore(%arg19 : memref<!tpu.dma_semaphore, #tpu.memory_space<semaphore_mem>>)
    %dma_wait3A_231 = arith.constant 7 : i32
    %dma_wait3A_232 = arith.constant 0 : i32
    %dma_wait3A_233 = tpu.memref_slice %arg6[%dma_wait3A_231, %dma_wait3A_232] : memref<80x128xi32, #tpu.memory_space<vmem>> -> memref<1x128xi32, #tpu.memory_space<vmem>>
    %dma_wait3A_234 = tpu.memref_squeeze %dma_wait3A_233 : memref<1x128xi32, #tpu.memory_space<vmem>> -> memref<128xi32, #tpu.memory_space<vmem>>
    %dma_wait3A_235 = arith.constant 0 : i32
    %dma_wait3A_236 = arith.constant 0 : i32
    %dma_wait3A_237 = tpu.memref_slice %arg2[%dma_wait3A_235, %dma_wait3A_236] : memref<10240x16xf32, #tpu.memory_space<hbm>> -> memref<10240x16xf32, #tpu.memory_space<hbm>>
    tpu.wait_indirect_dma semaphore(%arg24 : memref<!tpu.dma_semaphore, #tpu.memory_space<semaphore_mem>>) src(%dma_wait3A_237 : memref<10240x16xf32, #tpu.memory_space<hbm>>) dst(%arg15 : memref<128x16xf32, #tpu.memory_space<vmem>>)
    %dma_start3A_238 = arith.constant 7 : i32
    %dma_start3A_239 = arith.constant 0 : i32
    %dma_start3A_240 = tpu.memref_slice %arg7[%dma_start3A_238, %dma_start3A_239] : memref<80x128xi32, #tpu.memory_space<vmem>> -> memref<1x128xi32, #tpu.memory_space<vmem>>
    %dma_start3A_241 = tpu.memref_squeeze %dma_start3A_240 : memref<1x128xi32, #tpu.memory_space<vmem>> -> memref<128xi32, #tpu.memory_space<vmem>>
    %dma_start3A_242 = arith.constant 0 : i32
    %dma_start3A_243 = arith.constant 0 : i32
    %dma_start3A_244 = tpu.memref_slice %arg16[%dma_start3A_242, %dma_start3A_243] : memref<10240x16xf32, #tpu.memory_space<vmem_shared>> -> memref<10240x16xf32, #tpu.memory_space<vmem_shared>>
    tpu.enqueue_indirect_dma source(%arg15 : memref<128x16xf32, #tpu.memory_space<vmem>>) target(%dma_start3A_244 : memref<10240x16xf32, #tpu.memory_space<vmem_shared>>) offsets(%dma_start3A_241 : memref<128xi32, #tpu.memory_space<vmem>>) semaphore(%arg32 : memref<!tpu.dma_semaphore, #tpu.memory_space<semaphore_mem>>) {add = true}
    %sub3A_245 = arith.constant 7 : i32
    %sub3A_246 = arith.constant 4 : i32
    %sub3A_247 = arith.subi %sub3A_245, %sub3A_246 : i32
    %dma_wait3A_248 = arith.constant 0 : i32
    %dma_wait3A_249 = tpu.memref_slice %arg7[%sub3A_247, %dma_wait3A_248] : memref<80x128xi32, #tpu.memory_space<vmem>> -> memref<1x128xi32, #tpu.memory_space<vmem>>
    %dma_wait3A_250 = tpu.memref_squeeze %dma_wait3A_249 : memref<1x128xi32, #tpu.memory_space<vmem>> -> memref<128xi32, #tpu.memory_space<vmem>>
    %dma_wait3A_251 = arith.constant 0 : i32
    %dma_wait3A_252 = arith.constant 0 : i32
    %dma_wait3A_253 = tpu.memref_slice %arg16[%dma_wait3A_251, %dma_wait3A_252] : memref<10240x16xf32, #tpu.memory_space<vmem_shared>> -> memref<10240x16xf32, #tpu.memory_space<vmem_shared>>
    tpu.wait_indirect_dma semaphore(%arg28 : memref<!tpu.dma_semaphore, #tpu.memory_space<semaphore_mem>>) src(%arg11 : memref<128x16xf32, #tpu.memory_space<vmem>>) dst(%dma_wait3A_253 : memref<10240x16xf32, #tpu.memory_space<vmem_shared>>)
    %add3A_254 = arith.constant 7 : i32
    %add3A_255 = arith.constant 4 : i32
    %add3A_256 = arith.addi %add3A_254, %add3A_255 : i32
    %dma_start3A_257 = arith.constant 0 : i32
    %dma_start3A_258 = tpu.memref_slice %arg6[%add3A_256, %dma_start3A_257] : memref<80x128xi32, #tpu.memory_space<vmem>> -> memref<1x128xi32, #tpu.memory_space<vmem>>
    %dma_start3A_259 = tpu.memref_squeeze %dma_start3A_258 : memref<1x128xi32, #tpu.memory_space<vmem>> -> memref<128xi32, #tpu.memory_space<vmem>>
    %dma_start3A_260 = arith.constant 0 : i32
    %dma_start3A_261 = arith.constant 0 : i32
    %dma_start3A_262 = tpu.memref_slice %arg2[%dma_start3A_260, %dma_start3A_261] : memref<10240x16xf32, #tpu.memory_space<hbm>> -> memref<10240x16xf32, #tpu.memory_space<hbm>>
    tpu.enqueue_indirect_dma source(%dma_start3A_262 : memref<10240x16xf32, #tpu.memory_space<hbm>>) target(%arg11 : memref<128x16xf32, #tpu.memory_space<vmem>>) offsets(%dma_start3A_259 : memref<128xi32, #tpu.memory_space<vmem>>) semaphore(%arg20 : memref<!tpu.dma_semaphore, #tpu.memory_space<semaphore_mem>>)
    %scan3A_263 = arith.constant 1 : i32
    %scan3A_264 = arith.constant 8 : i32
    %scan3A_265 = arith.addi %scan3A_263, %scan3A_264 : i32
    %scan3A_266 = arith.constant 1 : i32
    scf.for %scan3A_517 = %scan3A_263 to %scan3A_265 step %scan3A_266  : i32 {
      %mul3A_518 = arith.constant 8 : i32
      %mul3A_519 = arith.muli %scan3A_517, %mul3A_518 : i32
      %add3A_520 = arith.constant 0 : i32
      %add3A_521 = arith.addi %mul3A_519, %add3A_520 : i32
      %dma_wait3A_522 = arith.constant 0 : i32
      %dma_wait3A_523 = tpu.memref_slice %arg6[%add3A_521, %dma_wait3A_522] : memref<80x128xi32, #tpu.memory_space<vmem>> -> memref<1x128xi32, #tpu.memory_space<vmem>>
      %dma_wait3A_524 = tpu.memref_squeeze %dma_wait3A_523 : memref<1x128xi32, #tpu.memory_space<vmem>> -> memref<128xi32, #tpu.memory_space<vmem>>
      %dma_wait3A_525 = arith.constant 0 : i32
      %dma_wait3A_526 = arith.constant 0 : i32
      %dma_wait3A_527 = tpu.memref_slice %arg2[%dma_wait3A_525, %dma_wait3A_526] : memref<10240x16xf32, #tpu.memory_space<hbm>> -> memref<10240x16xf32, #tpu.memory_space<hbm>>
      tpu.wait_indirect_dma semaphore(%arg17 : memref<!tpu.dma_semaphore, #tpu.memory_space<semaphore_mem>>) src(%dma_wait3A_527 : memref<10240x16xf32, #tpu.memory_space<hbm>>) dst(%arg8 : memref<128x16xf32, #tpu.memory_space<vmem>>)
      %dma_start3A_528 = arith.constant 0 : i32
      %dma_start3A_529 = tpu.memref_slice %arg7[%add3A_521, %dma_start3A_528] : memref<80x128xi32, #tpu.memory_space<vmem>> -> memref<1x128xi32, #tpu.memory_space<vmem>>
      %dma_start3A_530 = tpu.memref_squeeze %dma_start3A_529 : memref<1x128xi32, #tpu.memory_space<vmem>> -> memref<128xi32, #tpu.memory_space<vmem>>
      %dma_start3A_531 = arith.constant 0 : i32
      %dma_start3A_532 = arith.constant 0 : i32
      %dma_start3A_533 = tpu.memref_slice %arg16[%dma_start3A_531, %dma_start3A_532] : memref<10240x16xf32, #tpu.memory_space<vmem_shared>> -> memref<10240x16xf32, #tpu.memory_space<vmem_shared>>
      tpu.enqueue_indirect_dma source(%arg8 : memref<128x16xf32, #tpu.memory_space<vmem>>) target(%dma_start3A_533 : memref<10240x16xf32, #tpu.memory_space<vmem_shared>>) offsets(%dma_start3A_530 : memref<128xi32, #tpu.memory_space<vmem>>) semaphore(%arg25 : memref<!tpu.dma_semaphore, #tpu.memory_space<semaphore_mem>>) {add = true}
      %sub3A_534 = arith.constant 4 : i32
      %sub3A_535 = arith.subi %add3A_521, %sub3A_534 : i32
      %dma_wait3A_536 = arith.constant 0 : i32
      %dma_wait3A_537 = tpu.memref_slice %arg7[%sub3A_535, %dma_wait3A_536] : memref<80x128xi32, #tpu.memory_space<vmem>> -> memref<1x128xi32, #tpu.memory_space<vmem>>
      %dma_wait3A_538 = tpu.memref_squeeze %dma_wait3A_537 : memref<1x128xi32, #tpu.memory_space<vmem>> -> memref<128xi32, #tpu.memory_space<vmem>>
      %dma_wait3A_539 = arith.constant 0 : i32
      %dma_wait3A_540 = arith.constant 0 : i32
      %dma_wait3A_541 = tpu.memref_slice %arg16[%dma_wait3A_539, %dma_wait3A_540] : memref<10240x16xf32, #tpu.memory_space<vmem_shared>> -> memref<10240x16xf32, #tpu.memory_space<vmem_shared>>
      tpu.wait_indirect_dma semaphore(%arg29 : memref<!tpu.dma_semaphore, #tpu.memory_space<semaphore_mem>>) src(%arg12 : memref<128x16xf32, #tpu.memory_space<vmem>>) dst(%dma_wait3A_541 : memref<10240x16xf32, #tpu.memory_space<vmem_shared>>)
      %add3A_542 = arith.constant 4 : i32
      %add3A_543 = arith.addi %add3A_521, %add3A_542 : i32
      %dma_start3A_544 = arith.constant 0 : i32
      %dma_start3A_545 = tpu.memref_slice %arg6[%add3A_543, %dma_start3A_544] : memref<80x128xi32, #tpu.memory_space<vmem>> -> memref<1x128xi32, #tpu.memory_space<vmem>>
      %dma_start3A_546 = tpu.memref_squeeze %dma_start3A_545 : memref<1x128xi32, #tpu.memory_space<vmem>> -> memref<128xi32, #tpu.memory_space<vmem>>
      %dma_start3A_547 = arith.constant 0 : i32
      %dma_start3A_548 = arith.constant 0 : i32
      %dma_start3A_549 = tpu.memref_slice %arg2[%dma_start3A_547, %dma_start3A_548] : memref<10240x16xf32, #tpu.memory_space<hbm>> -> memref<10240x16xf32, #tpu.memory_space<hbm>>
      tpu.enqueue_indirect_dma source(%dma_start3A_549 : memref<10240x16xf32, #tpu.memory_space<hbm>>) target(%arg12 : memref<128x16xf32, #tpu.memory_space<vmem>>) offsets(%dma_start3A_546 : memref<128xi32, #tpu.memory_space<vmem>>) semaphore(%arg21 : memref<!tpu.dma_semaphore, #tpu.memory_space<semaphore_mem>>)
      %mul3A_550 = arith.constant 8 : i32
      %mul3A_551 = arith.muli %scan3A_517, %mul3A_550 : i32
      %add3A_552 = arith.constant 1 : i32
      %add3A_553 = arith.addi %mul3A_551, %add3A_552 : i32
      %dma_wait3A_554 = arith.constant 0 : i32
      %dma_wait3A_555 = tpu.memref_slice %arg6[%add3A_553, %dma_wait3A_554] : memref<80x128xi32, #tpu.memory_space<vmem>> -> memref<1x128xi32, #tpu.memory_space<vmem>>
      %dma_wait3A_556 = tpu.memref_squeeze %dma_wait3A_555 : memref<1x128xi32, #tpu.memory_space<vmem>> -> memref<128xi32, #tpu.memory_space<vmem>>
      %dma_wait3A_557 = arith.constant 0 : i32
      %dma_wait3A_558 = arith.constant 0 : i32
      %dma_wait3A_559 = tpu.memref_slice %arg2[%dma_wait3A_557, %dma_wait3A_558] : memref<10240x16xf32, #tpu.memory_space<hbm>> -> memref<10240x16xf32, #tpu.memory_space<hbm>>
      tpu.wait_indirect_dma semaphore(%arg18 : memref<!tpu.dma_semaphore, #tpu.memory_space<semaphore_mem>>) src(%dma_wait3A_559 : memref<10240x16xf32, #tpu.memory_space<hbm>>) dst(%arg9 : memref<128x16xf32, #tpu.memory_space<vmem>>)
      %dma_start3A_560 = arith.constant 0 : i32
      %dma_start3A_561 = tpu.memref_slice %arg7[%add3A_553, %dma_start3A_560] : memref<80x128xi32, #tpu.memory_space<vmem>> -> memref<1x128xi32, #tpu.memory_space<vmem>>
      %dma_start3A_562 = tpu.memref_squeeze %dma_start3A_561 : memref<1x128xi32, #tpu.memory_space<vmem>> -> memref<128xi32, #tpu.memory_space<vmem>>
      %dma_start3A_563 = arith.constant 0 : i32
      %dma_start3A_564 = arith.constant 0 : i32
      %dma_start3A_565 = tpu.memref_slice %arg16[%dma_start3A_563, %dma_start3A_564] : memref<10240x16xf32, #tpu.memory_space<vmem_shared>> -> memref<10240x16xf32, #tpu.memory_space<vmem_shared>>
      tpu.enqueue_indirect_dma source(%arg9 : memref<128x16xf32, #tpu.memory_space<vmem>>) target(%dma_start3A_565 : memref<10240x16xf32, #tpu.memory_space<vmem_shared>>) offsets(%dma_start3A_562 : memref<128xi32, #tpu.memory_space<vmem>>) semaphore(%arg26 : memref<!tpu.dma_semaphore, #tpu.memory_space<semaphore_mem>>) {add = true}
      %sub3A_566 = arith.constant 4 : i32
      %sub3A_567 = arith.subi %add3A_553, %sub3A_566 : i32
      %dma_wait3A_568 = arith.constant 0 : i32
      %dma_wait3A_569 = tpu.memref_slice %arg7[%sub3A_567, %dma_wait3A_568] : memref<80x128xi32, #tpu.memory_space<vmem>> -> memref<1x128xi32, #tpu.memory_space<vmem>>
      %dma_wait3A_570 = tpu.memref_squeeze %dma_wait3A_569 : memref<1x128xi32, #tpu.memory_space<vmem>> -> memref<128xi32, #tpu.memory_space<vmem>>
      %dma_wait3A_571 = arith.constant 0 : i32
      %dma_wait3A_572 = arith.constant 0 : i32
      %dma_wait3A_573 = tpu.memref_slice %arg16[%dma_wait3A_571, %dma_wait3A_572] : memref<10240x16xf32, #tpu.memory_space<vmem_shared>> -> memref<10240x16xf32, #tpu.memory_space<vmem_shared>>
      tpu.wait_indirect_dma semaphore(%arg30 : memref<!tpu.dma_semaphore, #tpu.memory_space<semaphore_mem>>) src(%arg13 : memref<128x16xf32, #tpu.memory_space<vmem>>) dst(%dma_wait3A_573 : memref<10240x16xf32, #tpu.memory_space<vmem_shared>>)
      %add3A_574 = arith.constant 4 : i32
      %add3A_575 = arith.addi %add3A_553, %add3A_574 : i32
      %dma_start3A_576 = arith.constant 0 : i32
      %dma_start3A_577 = tpu.memref_slice %arg6[%add3A_575, %dma_start3A_576] : memref<80x128xi32, #tpu.memory_space<vmem>> -> memref<1x128xi32, #tpu.memory_space<vmem>>
      %dma_start3A_578 = tpu.memref_squeeze %dma_start3A_577 : memref<1x128xi32, #tpu.memory_space<vmem>> -> memref<128xi32, #tpu.memory_space<vmem>>
      %dma_start3A_579 = arith.constant 0 : i32
      %dma_start3A_580 = arith.constant 0 : i32
      %dma_start3A_581 = tpu.memref_slice %arg2[%dma_start3A_579, %dma_start3A_580] : memref<10240x16xf32, #tpu.memory_space<hbm>> -> memref<10240x16xf32, #tpu.memory_space<hbm>>
      tpu.enqueue_indirect_dma source(%dma_start3A_581 : memref<10240x16xf32, #tpu.memory_space<hbm>>) target(%arg13 : memref<128x16xf32, #tpu.memory_space<vmem>>) offsets(%dma_start3A_578 : memref<128xi32, #tpu.memory_space<vmem>>) semaphore(%arg22 : memref<!tpu.dma_semaphore, #tpu.memory_space<semaphore_mem>>)
      %mul3A_582 = arith.constant 8 : i32
      %mul3A_583 = arith.muli %scan3A_517, %mul3A_582 : i32
      %add3A_584 = arith.constant 2 : i32
      %add3A_585 = arith.addi %mul3A_583, %add3A_584 : i32
      %dma_wait3A_586 = arith.constant 0 : i32
      %dma_wait3A_587 = tpu.memref_slice %arg6[%add3A_585, %dma_wait3A_586] : memref<80x128xi32, #tpu.memory_space<vmem>> -> memref<1x128xi32, #tpu.memory_space<vmem>>
      %dma_wait3A_588 = tpu.memref_squeeze %dma_wait3A_587 : memref<1x128xi32, #tpu.memory_space<vmem>> -> memref<128xi32, #tpu.memory_space<vmem>>
      %dma_wait3A_589 = arith.constant 0 : i32
      %dma_wait3A_590 = arith.constant 0 : i32
      %dma_wait3A_591 = tpu.memref_slice %arg2[%dma_wait3A_589, %dma_wait3A_590] : memref<10240x16xf32, #tpu.memory_space<hbm>> -> memref<10240x16xf32, #tpu.memory_space<hbm>>
      tpu.wait_indirect_dma semaphore(%arg19 : memref<!tpu.dma_semaphore, #tpu.memory_space<semaphore_mem>>) src(%dma_wait3A_591 : memref<10240x16xf32, #tpu.memory_space<hbm>>) dst(%arg10 : memref<128x16xf32, #tpu.memory_space<vmem>>)
      %dma_start3A_592 = arith.constant 0 : i32
      %dma_start3A_593 = tpu.memref_slice %arg7[%add3A_585, %dma_start3A_592] : memref<80x128xi32, #tpu.memory_space<vmem>> -> memref<1x128xi32, #tpu.memory_space<vmem>>
      %dma_start3A_594 = tpu.memref_squeeze %dma_start3A_593 : memref<1x128xi32, #tpu.memory_space<vmem>> -> memref<128xi32, #tpu.memory_space<vmem>>
      %dma_start3A_595 = arith.constant 0 : i32
      %dma_start3A_596 = arith.constant 0 : i32
      %dma_start3A_597 = tpu.memref_slice %arg16[%dma_start3A_595, %dma_start3A_596] : memref<10240x16xf32, #tpu.memory_space<vmem_shared>> -> memref<10240x16xf32, #tpu.memory_space<vmem_shared>>
      tpu.enqueue_indirect_dma source(%arg10 : memref<128x16xf32, #tpu.memory_space<vmem>>) target(%dma_start3A_597 : memref<10240x16xf32, #tpu.memory_space<vmem_shared>>) offsets(%dma_start3A_594 : memref<128xi32, #tpu.memory_space<vmem>>) semaphore(%arg27 : memref<!tpu.dma_semaphore, #tpu.memory_space<semaphore_mem>>) {add = true}
      %sub3A_598 = arith.constant 4 : i32
      %sub3A_599 = arith.subi %add3A_585, %sub3A_598 : i32
      %dma_wait3A_600 = arith.constant 0 : i32
      %dma_wait3A_601 = tpu.memref_slice %arg7[%sub3A_599, %dma_wait3A_600] : memref<80x128xi32, #tpu.memory_space<vmem>> -> memref<1x128xi32, #tpu.memory_space<vmem>>
      %dma_wait3A_602 = tpu.memref_squeeze %dma_wait3A_601 : memref<1x128xi32, #tpu.memory_space<vmem>> -> memref<128xi32, #tpu.memory_space<vmem>>
      %dma_wait3A_603 = arith.constant 0 : i32
      %dma_wait3A_604 = arith.constant 0 : i32
      %dma_wait3A_605 = tpu.memref_slice %arg16[%dma_wait3A_603, %dma_wait3A_604] : memref<10240x16xf32, #tpu.memory_space<vmem_shared>> -> memref<10240x16xf32, #tpu.memory_space<vmem_shared>>
      tpu.wait_indirect_dma semaphore(%arg31 : memref<!tpu.dma_semaphore, #tpu.memory_space<semaphore_mem>>) src(%arg14 : memref<128x16xf32, #tpu.memory_space<vmem>>) dst(%dma_wait3A_605 : memref<10240x16xf32, #tpu.memory_space<vmem_shared>>)
      %add3A_606 = arith.constant 4 : i32
      %add3A_607 = arith.addi %add3A_585, %add3A_606 : i32
      %dma_start3A_608 = arith.constant 0 : i32
      %dma_start3A_609 = tpu.memref_slice %arg6[%add3A_607, %dma_start3A_608] : memref<80x128xi32, #tpu.memory_space<vmem>> -> memref<1x128xi32, #tpu.memory_space<vmem>>
      %dma_start3A_610 = tpu.memref_squeeze %dma_start3A_609 : memref<1x128xi32, #tpu.memory_space<vmem>> -> memref<128xi32, #tpu.memory_space<vmem>>
      %dma_start3A_611 = arith.constant 0 : i32
      %dma_start3A_612 = arith.constant 0 : i32
      %dma_start3A_613 = tpu.memref_slice %arg2[%dma_start3A_611, %dma_start3A_612] : memref<10240x16xf32, #tpu.memory_space<hbm>> -> memref<10240x16xf32, #tpu.memory_space<hbm>>
      tpu.enqueue_indirect_dma source(%dma_start3A_613 : memref<10240x16xf32, #tpu.memory_space<hbm>>) target(%arg14 : memref<128x16xf32, #tpu.memory_space<vmem>>) offsets(%dma_start3A_610 : memref<128xi32, #tpu.memory_space<vmem>>) semaphore(%arg23 : memref<!tpu.dma_semaphore, #tpu.memory_space<semaphore_mem>>)
      %mul3A_614 = arith.constant 8 : i32
      %mul3A_615 = arith.muli %scan3A_517, %mul3A_614 : i32
      %add3A_616 = arith.constant 3 : i32
      %add3A_617 = arith.addi %mul3A_615, %add3A_616 : i32
      %dma_wait3A_618 = arith.constant 0 : i32
      %dma_wait3A_619 = tpu.memref_slice %arg6[%add3A_617, %dma_wait3A_618] : memref<80x128xi32, #tpu.memory_space<vmem>> -> memref<1x128xi32, #tpu.memory_space<vmem>>
      %dma_wait3A_620 = tpu.memref_squeeze %dma_wait3A_619 : memref<1x128xi32, #tpu.memory_space<vmem>> -> memref<128xi32, #tpu.memory_space<vmem>>
      %dma_wait3A_621 = arith.constant 0 : i32
      %dma_wait3A_622 = arith.constant 0 : i32
      %dma_wait3A_623 = tpu.memref_slice %arg2[%dma_wait3A_621, %dma_wait3A_622] : memref<10240x16xf32, #tpu.memory_space<hbm>> -> memref<10240x16xf32, #tpu.memory_space<hbm>>
      tpu.wait_indirect_dma semaphore(%arg20 : memref<!tpu.dma_semaphore, #tpu.memory_space<semaphore_mem>>) src(%dma_wait3A_623 : memref<10240x16xf32, #tpu.memory_space<hbm>>) dst(%arg11 : memref<128x16xf32, #tpu.memory_space<vmem>>)
      %dma_start3A_624 = arith.constant 0 : i32
      %dma_start3A_625 = tpu.memref_slice %arg7[%add3A_617, %dma_start3A_624] : memref<80x128xi32, #tpu.memory_space<vmem>> -> memref<1x128xi32, #tpu.memory_space<vmem>>
      %dma_start3A_626 = tpu.memref_squeeze %dma_start3A_625 : memref<1x128xi32, #tpu.memory_space<vmem>> -> memref<128xi32, #tpu.memory_space<vmem>>
      %dma_start3A_627 = arith.constant 0 : i32
      %dma_start3A_628 = arith.constant 0 : i32
      %dma_start3A_629 = tpu.memref_slice %arg16[%dma_start3A_627, %dma_start3A_628] : memref<10240x16xf32, #tpu.memory_space<vmem_shared>> -> memref<10240x16xf32, #tpu.memory_space<vmem_shared>>
      tpu.enqueue_indirect_dma source(%arg11 : memref<128x16xf32, #tpu.memory_space<vmem>>) target(%dma_start3A_629 : memref<10240x16xf32, #tpu.memory_space<vmem_shared>>) offsets(%dma_start3A_626 : memref<128xi32, #tpu.memory_space<vmem>>) semaphore(%arg28 : memref<!tpu.dma_semaphore, #tpu.memory_space<semaphore_mem>>) {add = true}
      %sub3A_630 = arith.constant 4 : i32
      %sub3A_631 = arith.subi %add3A_617, %sub3A_630 : i32
      %dma_wait3A_632 = arith.constant 0 : i32
      %dma_wait3A_633 = tpu.memref_slice %arg7[%sub3A_631, %dma_wait3A_632] : memref<80x128xi32, #tpu.memory_space<vmem>> -> memref<1x128xi32, #tpu.memory_space<vmem>>
      %dma_wait3A_634 = tpu.memref_squeeze %dma_wait3A_633 : memref<1x128xi32, #tpu.memory_space<vmem>> -> memref<128xi32, #tpu.memory_space<vmem>>
      %dma_wait3A_635 = arith.constant 0 : i32
      %dma_wait3A_636 = arith.constant 0 : i32
      %dma_wait3A_637 = tpu.memref_slice %arg16[%dma_wait3A_635, %dma_wait3A_636] : memref<10240x16xf32, #tpu.memory_space<vmem_shared>> -> memref<10240x16xf32, #tpu.memory_space<vmem_shared>>
      tpu.wait_indirect_dma semaphore(%arg32 : memref<!tpu.dma_semaphore, #tpu.memory_space<semaphore_mem>>) src(%arg15 : memref<128x16xf32, #tpu.memory_space<vmem>>) dst(%dma_wait3A_637 : memref<10240x16xf32, #tpu.memory_space<vmem_shared>>)
      %add3A_638 = arith.constant 4 : i32
      %add3A_639 = arith.addi %add3A_617, %add3A_638 : i32
      %dma_start3A_640 = arith.constant 0 : i32
      %dma_start3A_641 = tpu.memref_slice %arg6[%add3A_639, %dma_start3A_640] : memref<80x128xi32, #tpu.memory_space<vmem>> -> memref<1x128xi32, #tpu.memory_space<vmem>>
      %dma_start3A_642 = tpu.memref_squeeze %dma_start3A_641 : memref<1x128xi32, #tpu.memory_space<vmem>> -> memref<128xi32, #tpu.memory_space<vmem>>
      %dma_start3A_643 = arith.constant 0 : i32
      %dma_start3A_644 = arith.constant 0 : i32
      %dma_start3A_645 = tpu.memref_slice %arg2[%dma_start3A_643, %dma_start3A_644] : memref<10240x16xf32, #tpu.memory_space<hbm>> -> memref<10240x16xf32, #tpu.memory_space<hbm>>
      tpu.enqueue_indirect_dma source(%dma_start3A_645 : memref<10240x16xf32, #tpu.memory_space<hbm>>) target(%arg15 : memref<128x16xf32, #tpu.memory_space<vmem>>) offsets(%dma_start3A_642 : memref<128xi32, #tpu.memory_space<vmem>>) semaphore(%arg24 : memref<!tpu.dma_semaphore, #tpu.memory_space<semaphore_mem>>)
      %mul3A_646 = arith.constant 8 : i32
      %mul3A_647 = arith.muli %scan3A_517, %mul3A_646 : i32
      %add3A_648 = arith.constant 4 : i32
      %add3A_649 = arith.addi %mul3A_647, %add3A_648 : i32
      %dma_wait3A_650 = arith.constant 0 : i32
      %dma_wait3A_651 = tpu.memref_slice %arg6[%add3A_649, %dma_wait3A_650] : memref<80x128xi32, #tpu.memory_space<vmem>> -> memref<1x128xi32, #tpu.memory_space<vmem>>
      %dma_wait3A_652 = tpu.memref_squeeze %dma_wait3A_651 : memref<1x128xi32, #tpu.memory_space<vmem>> -> memref<128xi32, #tpu.memory_space<vmem>>
      %dma_wait3A_653 = arith.constant 0 : i32
      %dma_wait3A_654 = arith.constant 0 : i32
      %dma_wait3A_655 = tpu.memref_slice %arg2[%dma_wait3A_653, %dma_wait3A_654] : memref<10240x16xf32, #tpu.memory_space<hbm>> -> memref<10240x16xf32, #tpu.memory_space<hbm>>
      tpu.wait_indirect_dma semaphore(%arg21 : memref<!tpu.dma_semaphore, #tpu.memory_space<semaphore_mem>>) src(%dma_wait3A_655 : memref<10240x16xf32, #tpu.memory_space<hbm>>) dst(%arg12 : memref<128x16xf32, #tpu.memory_space<vmem>>)
      %dma_start3A_656 = arith.constant 0 : i32
      %dma_start3A_657 = tpu.memref_slice %arg7[%add3A_649, %dma_start3A_656] : memref<80x128xi32, #tpu.memory_space<vmem>> -> memref<1x128xi32, #tpu.memory_space<vmem>>
      %dma_start3A_658 = tpu.memref_squeeze %dma_start3A_657 : memref<1x128xi32, #tpu.memory_space<vmem>> -> memref<128xi32, #tpu.memory_space<vmem>>
      %dma_start3A_659 = arith.constant 0 : i32
      %dma_start3A_660 = arith.constant 0 : i32
      %dma_start3A_661 = tpu.memref_slice %arg16[%dma_start3A_659, %dma_start3A_660] : memref<10240x16xf32, #tpu.memory_space<vmem_shared>> -> memref<10240x16xf32, #tpu.memory_space<vmem_shared>>
      tpu.enqueue_indirect_dma source(%arg12 : memref<128x16xf32, #tpu.memory_space<vmem>>) target(%dma_start3A_661 : memref<10240x16xf32, #tpu.memory_space<vmem_shared>>) offsets(%dma_start3A_658 : memref<128xi32, #tpu.memory_space<vmem>>) semaphore(%arg29 : memref<!tpu.dma_semaphore, #tpu.memory_space<semaphore_mem>>) {add = true}
      %sub3A_662 = arith.constant 4 : i32
      %sub3A_663 = arith.subi %add3A_649, %sub3A_662 : i32
      %dma_wait3A_664 = arith.constant 0 : i32
      %dma_wait3A_665 = tpu.memref_slice %arg7[%sub3A_663, %dma_wait3A_664] : memref<80x128xi32, #tpu.memory_space<vmem>> -> memref<1x128xi32, #tpu.memory_space<vmem>>
      %dma_wait3A_666 = tpu.memref_squeeze %dma_wait3A_665 : memref<1x128xi32, #tpu.memory_space<vmem>> -> memref<128xi32, #tpu.memory_space<vmem>>
      %dma_wait3A_667 = arith.constant 0 : i32
      %dma_wait3A_668 = arith.constant 0 : i32
      %dma_wait3A_669 = tpu.memref_slice %arg16[%dma_wait3A_667, %dma_wait3A_668] : memref<10240x16xf32, #tpu.memory_space<vmem_shared>> -> memref<10240x16xf32, #tpu.memory_space<vmem_shared>>
      tpu.wait_indirect_dma semaphore(%arg25 : memref<!tpu.dma_semaphore, #tpu.memory_space<semaphore_mem>>) src(%arg8 : memref<128x16xf32, #tpu.memory_space<vmem>>) dst(%dma_wait3A_669 : memref<10240x16xf32, #tpu.memory_space<vmem_shared>>)
      %add3A_670 = arith.constant 4 : i32
      %add3A_671 = arith.addi %add3A_649, %add3A_670 : i32
      %dma_start3A_672 = arith.constant 0 : i32
      %dma_start3A_673 = tpu.memref_slice %arg6[%add3A_671, %dma_start3A_672] : memref<80x128xi32, #tpu.memory_space<vmem>> -> memref<1x128xi32, #tpu.memory_space<vmem>>
      %dma_start3A_674 = tpu.memref_squeeze %dma_start3A_673 : memref<1x128xi32, #tpu.memory_space<vmem>> -> memref<128xi32, #tpu.memory_space<vmem>>
      %dma_start3A_675 = arith.constant 0 : i32
      %dma_start3A_676 = arith.constant 0 : i32
      %dma_start3A_677 = tpu.memref_slice %arg2[%dma_start3A_675, %dma_start3A_676] : memref<10240x16xf32, #tpu.memory_space<hbm>> -> memref<10240x16xf32, #tpu.memory_space<hbm>>
      tpu.enqueue_indirect_dma source(%dma_start3A_677 : memref<10240x16xf32, #tpu.memory_space<hbm>>) target(%arg8 : memref<128x16xf32, #tpu.memory_space<vmem>>) offsets(%dma_start3A_674 : memref<128xi32, #tpu.memory_space<vmem>>) semaphore(%arg17 : memref<!tpu.dma_semaphore, #tpu.memory_space<semaphore_mem>>)
      %mul3A_678 = arith.constant 8 : i32
      %mul3A_679 = arith.muli %scan3A_517, %mul3A_678 : i32
      %add3A_680 = arith.constant 5 : i32
      %add3A_681 = arith.addi %mul3A_679, %add3A_680 : i32
      %dma_wait3A_682 = arith.constant 0 : i32
      %dma_wait3A_683 = tpu.memref_slice %arg6[%add3A_681, %dma_wait3A_682] : memref<80x128xi32, #tpu.memory_space<vmem>> -> memref<1x128xi32, #tpu.memory_space<vmem>>
      %dma_wait3A_684 = tpu.memref_squeeze %dma_wait3A_683 : memref<1x128xi32, #tpu.memory_space<vmem>> -> memref<128xi32, #tpu.memory_space<vmem>>
      %dma_wait3A_685 = arith.constant 0 : i32
      %dma_wait3A_686 = arith.constant 0 : i32
      %dma_wait3A_687 = tpu.memref_slice %arg2[%dma_wait3A_685, %dma_wait3A_686] : memref<10240x16xf32, #tpu.memory_space<hbm>> -> memref<10240x16xf32, #tpu.memory_space<hbm>>
      tpu.wait_indirect_dma semaphore(%arg22 : memref<!tpu.dma_semaphore, #tpu.memory_space<semaphore_mem>>) src(%dma_wait3A_687 : memref<10240x16xf32, #tpu.memory_space<hbm>>) dst(%arg13 : memref<128x16xf32, #tpu.memory_space<vmem>>)
      %dma_start3A_688 = arith.constant 0 : i32
      %dma_start3A_689 = tpu.memref_slice %arg7[%add3A_681, %dma_start3A_688] : memref<80x128xi32, #tpu.memory_space<vmem>> -> memref<1x128xi32, #tpu.memory_space<vmem>>
      %dma_start3A_690 = tpu.memref_squeeze %dma_start3A_689 : memref<1x128xi32, #tpu.memory_space<vmem>> -> memref<128xi32, #tpu.memory_space<vmem>>
      %dma_start3A_691 = arith.constant 0 : i32
      %dma_start3A_692 = arith.constant 0 : i32
      %dma_start3A_693 = tpu.memref_slice %arg16[%dma_start3A_691, %dma_start3A_692] : memref<10240x16xf32, #tpu.memory_space<vmem_shared>> -> memref<10240x16xf32, #tpu.memory_space<vmem_shared>>
      tpu.enqueue_indirect_dma source(%arg13 : memref<128x16xf32, #tpu.memory_space<vmem>>) target(%dma_start3A_693 : memref<10240x16xf32, #tpu.memory_space<vmem_shared>>) offsets(%dma_start3A_690 : memref<128xi32, #tpu.memory_space<vmem>>) semaphore(%arg30 : memref<!tpu.dma_semaphore, #tpu.memory_space<semaphore_mem>>) {add = true}
      %sub3A_694 = arith.constant 4 : i32
      %sub3A_695 = arith.subi %add3A_681, %sub3A_694 : i32
      %dma_wait3A_696 = arith.constant 0 : i32
      %dma_wait3A_697 = tpu.memref_slice %arg7[%sub3A_695, %dma_wait3A_696] : memref<80x128xi32, #tpu.memory_space<vmem>> -> memref<1x128xi32, #tpu.memory_space<vmem>>
      %dma_wait3A_698 = tpu.memref_squeeze %dma_wait3A_697 : memref<1x128xi32, #tpu.memory_space<vmem>> -> memref<128xi32, #tpu.memory_space<vmem>>
      %dma_wait3A_699 = arith.constant 0 : i32
      %dma_wait3A_700 = arith.constant 0 : i32
      %dma_wait3A_701 = tpu.memref_slice %arg16[%dma_wait3A_699, %dma_wait3A_700] : memref<10240x16xf32, #tpu.memory_space<vmem_shared>> -> memref<10240x16xf32, #tpu.memory_space<vmem_shared>>
      tpu.wait_indirect_dma semaphore(%arg26 : memref<!tpu.dma_semaphore, #tpu.memory_space<semaphore_mem>>) src(%arg9 : memref<128x16xf32, #tpu.memory_space<vmem>>) dst(%dma_wait3A_701 : memref<10240x16xf32, #tpu.memory_space<vmem_shared>>)
      %add3A_702 = arith.constant 4 : i32
      %add3A_703 = arith.addi %add3A_681, %add3A_702 : i32
      %dma_start3A_704 = arith.constant 0 : i32
      %dma_start3A_705 = tpu.memref_slice %arg6[%add3A_703, %dma_start3A_704] : memref<80x128xi32, #tpu.memory_space<vmem>> -> memref<1x128xi32, #tpu.memory_space<vmem>>
      %dma_start3A_706 = tpu.memref_squeeze %dma_start3A_705 : memref<1x128xi32, #tpu.memory_space<vmem>> -> memref<128xi32, #tpu.memory_space<vmem>>
      %dma_start3A_707 = arith.constant 0 : i32
      %dma_start3A_708 = arith.constant 0 : i32
      %dma_start3A_709 = tpu.memref_slice %arg2[%dma_start3A_707, %dma_start3A_708] : memref<10240x16xf32, #tpu.memory_space<hbm>> -> memref<10240x16xf32, #tpu.memory_space<hbm>>
      tpu.enqueue_indirect_dma source(%dma_start3A_709 : memref<10240x16xf32, #tpu.memory_space<hbm>>) target(%arg9 : memref<128x16xf32, #tpu.memory_space<vmem>>) offsets(%dma_start3A_706 : memref<128xi32, #tpu.memory_space<vmem>>) semaphore(%arg18 : memref<!tpu.dma_semaphore, #tpu.memory_space<semaphore_mem>>)
      %mul3A_710 = arith.constant 8 : i32
      %mul3A_711 = arith.muli %scan3A_517, %mul3A_710 : i32
      %add3A_712 = arith.constant 6 : i32
      %add3A_713 = arith.addi %mul3A_711, %add3A_712 : i32
      %dma_wait3A_714 = arith.constant 0 : i32
      %dma_wait3A_715 = tpu.memref_slice %arg6[%add3A_713, %dma_wait3A_714] : memref<80x128xi32, #tpu.memory_space<vmem>> -> memref<1x128xi32, #tpu.memory_space<vmem>>
      %dma_wait3A_716 = tpu.memref_squeeze %dma_wait3A_715 : memref<1x128xi32, #tpu.memory_space<vmem>> -> memref<128xi32, #tpu.memory_space<vmem>>
      %dma_wait3A_717 = arith.constant 0 : i32
      %dma_wait3A_718 = arith.constant 0 : i32
      %dma_wait3A_719 = tpu.memref_slice %arg2[%dma_wait3A_717, %dma_wait3A_718] : memref<10240x16xf32, #tpu.memory_space<hbm>> -> memref<10240x16xf32, #tpu.memory_space<hbm>>
      tpu.wait_indirect_dma semaphore(%arg23 : memref<!tpu.dma_semaphore, #tpu.memory_space<semaphore_mem>>) src(%dma_wait3A_719 : memref<10240x16xf32, #tpu.memory_space<hbm>>) dst(%arg14 : memref<128x16xf32, #tpu.memory_space<vmem>>)
      %dma_start3A_720 = arith.constant 0 : i32
      %dma_start3A_721 = tpu.memref_slice %arg7[%add3A_713, %dma_start3A_720] : memref<80x128xi32, #tpu.memory_space<vmem>> -> memref<1x128xi32, #tpu.memory_space<vmem>>
      %dma_start3A_722 = tpu.memref_squeeze %dma_start3A_721 : memref<1x128xi32, #tpu.memory_space<vmem>> -> memref<128xi32, #tpu.memory_space<vmem>>
      %dma_start3A_723 = arith.constant 0 : i32
      %dma_start3A_724 = arith.constant 0 : i32
      %dma_start3A_725 = tpu.memref_slice %arg16[%dma_start3A_723, %dma_start3A_724] : memref<10240x16xf32, #tpu.memory_space<vmem_shared>> -> memref<10240x16xf32, #tpu.memory_space<vmem_shared>>
      tpu.enqueue_indirect_dma source(%arg14 : memref<128x16xf32, #tpu.memory_space<vmem>>) target(%dma_start3A_725 : memref<10240x16xf32, #tpu.memory_space<vmem_shared>>) offsets(%dma_start3A_722 : memref<128xi32, #tpu.memory_space<vmem>>) semaphore(%arg31 : memref<!tpu.dma_semaphore, #tpu.memory_space<semaphore_mem>>) {add = true}
      %sub3A_726 = arith.constant 4 : i32
      %sub3A_727 = arith.subi %add3A_713, %sub3A_726 : i32
      %dma_wait3A_728 = arith.constant 0 : i32
      %dma_wait3A_729 = tpu.memref_slice %arg7[%sub3A_727, %dma_wait3A_728] : memref<80x128xi32, #tpu.memory_space<vmem>> -> memref<1x128xi32, #tpu.memory_space<vmem>>
      %dma_wait3A_730 = tpu.memref_squeeze %dma_wait3A_729 : memref<1x128xi32, #tpu.memory_space<vmem>> -> memref<128xi32, #tpu.memory_space<vmem>>
      %dma_wait3A_731 = arith.constant 0 : i32
      %dma_wait3A_732 = arith.constant 0 : i32
      %dma_wait3A_733 = tpu.memref_slice %arg16[%dma_wait3A_731, %dma_wait3A_732] : memref<10240x16xf32, #tpu.memory_space<vmem_shared>> -> memref<10240x16xf32, #tpu.memory_space<vmem_shared>>
      tpu.wait_indirect_dma semaphore(%arg27 : memref<!tpu.dma_semaphore, #tpu.memory_space<semaphore_mem>>) src(%arg10 : memref<128x16xf32, #tpu.memory_space<vmem>>) dst(%dma_wait3A_733 : memref<10240x16xf32, #tpu.memory_space<vmem_shared>>)
      %add3A_734 = arith.constant 4 : i32
      %add3A_735 = arith.addi %add3A_713, %add3A_734 : i32
      %dma_start3A_736 = arith.constant 0 : i32
      %dma_start3A_737 = tpu.memref_slice %arg6[%add3A_735, %dma_start3A_736] : memref<80x128xi32, #tpu.memory_space<vmem>> -> memref<1x128xi32, #tpu.memory_space<vmem>>
      %dma_start3A_738 = tpu.memref_squeeze %dma_start3A_737 : memref<1x128xi32, #tpu.memory_space<vmem>> -> memref<128xi32, #tpu.memory_space<vmem>>
      %dma_start3A_739 = arith.constant 0 : i32
      %dma_start3A_740 = arith.constant 0 : i32
      %dma_start3A_741 = tpu.memref_slice %arg2[%dma_start3A_739, %dma_start3A_740] : memref<10240x16xf32, #tpu.memory_space<hbm>> -> memref<10240x16xf32, #tpu.memory_space<hbm>>
      tpu.enqueue_indirect_dma source(%dma_start3A_741 : memref<10240x16xf32, #tpu.memory_space<hbm>>) target(%arg10 : memref<128x16xf32, #tpu.memory_space<vmem>>) offsets(%dma_start3A_738 : memref<128xi32, #tpu.memory_space<vmem>>) semaphore(%arg19 : memref<!tpu.dma_semaphore, #tpu.memory_space<semaphore_mem>>)
      %mul3A_742 = arith.constant 8 : i32
      %mul3A_743 = arith.muli %scan3A_517, %mul3A_742 : i32
      %add3A_744 = arith.constant 7 : i32
      %add3A_745 = arith.addi %mul3A_743, %add3A_744 : i32
      %dma_wait3A_746 = arith.constant 0 : i32
      %dma_wait3A_747 = tpu.memref_slice %arg6[%add3A_745, %dma_wait3A_746] : memref<80x128xi32, #tpu.memory_space<vmem>> -> memref<1x128xi32, #tpu.memory_space<vmem>>
      %dma_wait3A_748 = tpu.memref_squeeze %dma_wait3A_747 : memref<1x128xi32, #tpu.memory_space<vmem>> -> memref<128xi32, #tpu.memory_space<vmem>>
      %dma_wait3A_749 = arith.constant 0 : i32
      %dma_wait3A_750 = arith.constant 0 : i32
      %dma_wait3A_751 = tpu.memref_slice %arg2[%dma_wait3A_749, %dma_wait3A_750] : memref<10240x16xf32, #tpu.memory_space<hbm>> -> memref<10240x16xf32, #tpu.memory_space<hbm>>
      tpu.wait_indirect_dma semaphore(%arg24 : memref<!tpu.dma_semaphore, #tpu.memory_space<semaphore_mem>>) src(%dma_wait3A_751 : memref<10240x16xf32, #tpu.memory_space<hbm>>) dst(%arg15 : memref<128x16xf32, #tpu.memory_space<vmem>>)
      %dma_start3A_752 = arith.constant 0 : i32
      %dma_start3A_753 = tpu.memref_slice %arg7[%add3A_745, %dma_start3A_752] : memref<80x128xi32, #tpu.memory_space<vmem>> -> memref<1x128xi32, #tpu.memory_space<vmem>>
      %dma_start3A_754 = tpu.memref_squeeze %dma_start3A_753 : memref<1x128xi32, #tpu.memory_space<vmem>> -> memref<128xi32, #tpu.memory_space<vmem>>
      %dma_start3A_755 = arith.constant 0 : i32
      %dma_start3A_756 = arith.constant 0 : i32
      %dma_start3A_757 = tpu.memref_slice %arg16[%dma_start3A_755, %dma_start3A_756] : memref<10240x16xf32, #tpu.memory_space<vmem_shared>> -> memref<10240x16xf32, #tpu.memory_space<vmem_shared>>
      tpu.enqueue_indirect_dma source(%arg15 : memref<128x16xf32, #tpu.memory_space<vmem>>) target(%dma_start3A_757 : memref<10240x16xf32, #tpu.memory_space<vmem_shared>>) offsets(%dma_start3A_754 : memref<128xi32, #tpu.memory_space<vmem>>) semaphore(%arg32 : memref<!tpu.dma_semaphore, #tpu.memory_space<semaphore_mem>>) {add = true}
      %sub3A_758 = arith.constant 4 : i32
      %sub3A_759 = arith.subi %add3A_745, %sub3A_758 : i32
      %dma_wait3A_760 = arith.constant 0 : i32
      %dma_wait3A_761 = tpu.memref_slice %arg7[%sub3A_759, %dma_wait3A_760] : memref<80x128xi32, #tpu.memory_space<vmem>> -> memref<1x128xi32, #tpu.memory_space<vmem>>
      %dma_wait3A_762 = tpu.memref_squeeze %dma_wait3A_761 : memref<1x128xi32, #tpu.memory_space<vmem>> -> memref<128xi32, #tpu.memory_space<vmem>>
      %dma_wait3A_763 = arith.constant 0 : i32
      %dma_wait3A_764 = arith.constant 0 : i32
      %dma_wait3A_765 = tpu.memref_slice %arg16[%dma_wait3A_763, %dma_wait3A_764] : memref<10240x16xf32, #tpu.memory_space<vmem_shared>> -> memref<10240x16xf32, #tpu.memory_space<vmem_shared>>
      tpu.wait_indirect_dma semaphore(%arg28 : memref<!tpu.dma_semaphore, #tpu.memory_space<semaphore_mem>>) src(%arg11 : memref<128x16xf32, #tpu.memory_space<vmem>>) dst(%dma_wait3A_765 : memref<10240x16xf32, #tpu.memory_space<vmem_shared>>)
      %add3A_766 = arith.constant 4 : i32
      %add3A_767 = arith.addi %add3A_745, %add3A_766 : i32
      %dma_start3A_768 = arith.constant 0 : i32
      %dma_start3A_769 = tpu.memref_slice %arg6[%add3A_767, %dma_start3A_768] : memref<80x128xi32, #tpu.memory_space<vmem>> -> memref<1x128xi32, #tpu.memory_space<vmem>>
      %dma_start3A_770 = tpu.memref_squeeze %dma_start3A_769 : memref<1x128xi32, #tpu.memory_space<vmem>> -> memref<128xi32, #tpu.memory_space<vmem>>
      %dma_start3A_771 = arith.constant 0 : i32
      %dma_start3A_772 = arith.constant 0 : i32
      %dma_start3A_773 = tpu.memref_slice %arg2[%dma_start3A_771, %dma_start3A_772] : memref<10240x16xf32, #tpu.memory_space<hbm>> -> memref<10240x16xf32, #tpu.memory_space<hbm>>
      tpu.enqueue_indirect_dma source(%dma_start3A_773 : memref<10240x16xf32, #tpu.memory_space<hbm>>) target(%arg11 : memref<128x16xf32, #tpu.memory_space<vmem>>) offsets(%dma_start3A_770 : memref<128xi32, #tpu.memory_space<vmem>>) semaphore(%arg20 : memref<!tpu.dma_semaphore, #tpu.memory_space<semaphore_mem>>)
    }
    %scan3A_267 = arith.constant 8 : i32
    %dma_wait3A_268 = arith.constant 72 : i32
    %dma_wait3A_269 = arith.constant 0 : i32
    %dma_wait3A_270 = tpu.memref_slice %arg6[%dma_wait3A_268, %dma_wait3A_269] : memref<80x128xi32, #tpu.memory_space<vmem>> -> memref<1x128xi32, #tpu.memory_space<vmem>>
    %dma_wait3A_271 = tpu.memref_squeeze %dma_wait3A_270 : memref<1x128xi32, #tpu.memory_space<vmem>> -> memref<128xi32, #tpu.memory_space<vmem>>
    %dma_wait3A_272 = arith.constant 0 : i32
    %dma_wait3A_273 = arith.constant 0 : i32
    %dma_wait3A_274 = tpu.memref_slice %arg2[%dma_wait3A_272, %dma_wait3A_273] : memref<10240x16xf32, #tpu.memory_space<hbm>> -> memref<10240x16xf32, #tpu.memory_space<hbm>>
    tpu.wait_indirect_dma semaphore(%arg17 : memref<!tpu.dma_semaphore, #tpu.memory_space<semaphore_mem>>) src(%dma_wait3A_274 : memref<10240x16xf32, #tpu.memory_space<hbm>>) dst(%arg8 : memref<128x16xf32, #tpu.memory_space<vmem>>)
    %dma_start3A_275 = arith.constant 72 : i32
    %dma_start3A_276 = arith.constant 0 : i32
    %dma_start3A_277 = tpu.memref_slice %arg7[%dma_start3A_275, %dma_start3A_276] : memref<80x128xi32, #tpu.memory_space<vmem>> -> memref<1x128xi32, #tpu.memory_space<vmem>>
    %dma_start3A_278 = tpu.memref_squeeze %dma_start3A_277 : memref<1x128xi32, #tpu.memory_space<vmem>> -> memref<128xi32, #tpu.memory_space<vmem>>
    %dma_start3A_279 = arith.constant 0 : i32
    %dma_start3A_280 = arith.constant 0 : i32
    %dma_start3A_281 = tpu.memref_slice %arg16[%dma_start3A_279, %dma_start3A_280] : memref<10240x16xf32, #tpu.memory_space<vmem_shared>> -> memref<10240x16xf32, #tpu.memory_space<vmem_shared>>
    tpu.enqueue_indirect_dma source(%arg8 : memref<128x16xf32, #tpu.memory_space<vmem>>) target(%dma_start3A_281 : memref<10240x16xf32, #tpu.memory_space<vmem_shared>>) offsets(%dma_start3A_278 : memref<128xi32, #tpu.memory_space<vmem>>) semaphore(%arg25 : memref<!tpu.dma_semaphore, #tpu.memory_space<semaphore_mem>>) {add = true}
    %sub3A_282 = arith.constant 72 : i32
    %sub3A_283 = arith.constant 4 : i32
    %sub3A_284 = arith.subi %sub3A_282, %sub3A_283 : i32
    %dma_wait3A_285 = arith.constant 0 : i32
    %dma_wait3A_286 = tpu.memref_slice %arg7[%sub3A_284, %dma_wait3A_285] : memref<80x128xi32, #tpu.memory_space<vmem>> -> memref<1x128xi32, #tpu.memory_space<vmem>>
    %dma_wait3A_287 = tpu.memref_squeeze %dma_wait3A_286 : memref<1x128xi32, #tpu.memory_space<vmem>> -> memref<128xi32, #tpu.memory_space<vmem>>
    %dma_wait3A_288 = arith.constant 0 : i32
    %dma_wait3A_289 = arith.constant 0 : i32
    %dma_wait3A_290 = tpu.memref_slice %arg16[%dma_wait3A_288, %dma_wait3A_289] : memref<10240x16xf32, #tpu.memory_space<vmem_shared>> -> memref<10240x16xf32, #tpu.memory_space<vmem_shared>>
    tpu.wait_indirect_dma semaphore(%arg29 : memref<!tpu.dma_semaphore, #tpu.memory_space<semaphore_mem>>) src(%arg12 : memref<128x16xf32, #tpu.memory_space<vmem>>) dst(%dma_wait3A_290 : memref<10240x16xf32, #tpu.memory_space<vmem_shared>>)
    %add3A_291 = arith.constant 72 : i32
    %add3A_292 = arith.constant 4 : i32
    %add3A_293 = arith.addi %add3A_291, %add3A_292 : i32
    %dma_start3A_294 = arith.constant 0 : i32
    %dma_start3A_295 = tpu.memref_slice %arg6[%add3A_293, %dma_start3A_294] : memref<80x128xi32, #tpu.memory_space<vmem>> -> memref<1x128xi32, #tpu.memory_space<vmem>>
    %dma_start3A_296 = tpu.memref_squeeze %dma_start3A_295 : memref<1x128xi32, #tpu.memory_space<vmem>> -> memref<128xi32, #tpu.memory_space<vmem>>
    %dma_start3A_297 = arith.constant 0 : i32
    %dma_start3A_298 = arith.constant 0 : i32
    %dma_start3A_299 = tpu.memref_slice %arg2[%dma_start3A_297, %dma_start3A_298] : memref<10240x16xf32, #tpu.memory_space<hbm>> -> memref<10240x16xf32, #tpu.memory_space<hbm>>
    tpu.enqueue_indirect_dma source(%dma_start3A_299 : memref<10240x16xf32, #tpu.memory_space<hbm>>) target(%arg12 : memref<128x16xf32, #tpu.memory_space<vmem>>) offsets(%dma_start3A_296 : memref<128xi32, #tpu.memory_space<vmem>>) semaphore(%arg21 : memref<!tpu.dma_semaphore, #tpu.memory_space<semaphore_mem>>)
    %dma_wait3A_300 = arith.constant 73 : i32
    %dma_wait3A_301 = arith.constant 0 : i32
    %dma_wait3A_302 = tpu.memref_slice %arg6[%dma_wait3A_300, %dma_wait3A_301] : memref<80x128xi32, #tpu.memory_space<vmem>> -> memref<1x128xi32, #tpu.memory_space<vmem>>
    %dma_wait3A_303 = tpu.memref_squeeze %dma_wait3A_302 : memref<1x128xi32, #tpu.memory_space<vmem>> -> memref<128xi32, #tpu.memory_space<vmem>>
    %dma_wait3A_304 = arith.constant 0 : i32
    %dma_wait3A_305 = arith.constant 0 : i32
    %dma_wait3A_306 = tpu.memref_slice %arg2[%dma_wait3A_304, %dma_wait3A_305] : memref<10240x16xf32, #tpu.memory_space<hbm>> -> memref<10240x16xf32, #tpu.memory_space<hbm>>
    tpu.wait_indirect_dma semaphore(%arg18 : memref<!tpu.dma_semaphore, #tpu.memory_space<semaphore_mem>>) src(%dma_wait3A_306 : memref<10240x16xf32, #tpu.memory_space<hbm>>) dst(%arg9 : memref<128x16xf32, #tpu.memory_space<vmem>>)
    %dma_start3A_307 = arith.constant 73 : i32
    %dma_start3A_308 = arith.constant 0 : i32
    %dma_start3A_309 = tpu.memref_slice %arg7[%dma_start3A_307, %dma_start3A_308] : memref<80x128xi32, #tpu.memory_space<vmem>> -> memref<1x128xi32, #tpu.memory_space<vmem>>
    %dma_start3A_310 = tpu.memref_squeeze %dma_start3A_309 : memref<1x128xi32, #tpu.memory_space<vmem>> -> memref<128xi32, #tpu.memory_space<vmem>>
    %dma_start3A_311 = arith.constant 0 : i32
    %dma_start3A_312 = arith.constant 0 : i32
    %dma_start3A_313 = tpu.memref_slice %arg16[%dma_start3A_311, %dma_start3A_312] : memref<10240x16xf32, #tpu.memory_space<vmem_shared>> -> memref<10240x16xf32, #tpu.memory_space<vmem_shared>>
    tpu.enqueue_indirect_dma source(%arg9 : memref<128x16xf32, #tpu.memory_space<vmem>>) target(%dma_start3A_313 : memref<10240x16xf32, #tpu.memory_space<vmem_shared>>) offsets(%dma_start3A_310 : memref<128xi32, #tpu.memory_space<vmem>>) semaphore(%arg26 : memref<!tpu.dma_semaphore, #tpu.memory_space<semaphore_mem>>) {add = true}
    %sub3A_314 = arith.constant 73 : i32
    %sub3A_315 = arith.constant 4 : i32
    %sub3A_316 = arith.subi %sub3A_314, %sub3A_315 : i32
    %dma_wait3A_317 = arith.constant 0 : i32
    %dma_wait3A_318 = tpu.memref_slice %arg7[%sub3A_316, %dma_wait3A_317] : memref<80x128xi32, #tpu.memory_space<vmem>> -> memref<1x128xi32, #tpu.memory_space<vmem>>
    %dma_wait3A_319 = tpu.memref_squeeze %dma_wait3A_318 : memref<1x128xi32, #tpu.memory_space<vmem>> -> memref<128xi32, #tpu.memory_space<vmem>>
    %dma_wait3A_320 = arith.constant 0 : i32
    %dma_wait3A_321 = arith.constant 0 : i32
    %dma_wait3A_322 = tpu.memref_slice %arg16[%dma_wait3A_320, %dma_wait3A_321] : memref<10240x16xf32, #tpu.memory_space<vmem_shared>> -> memref<10240x16xf32, #tpu.memory_space<vmem_shared>>
    tpu.wait_indirect_dma semaphore(%arg30 : memref<!tpu.dma_semaphore, #tpu.memory_space<semaphore_mem>>) src(%arg13 : memref<128x16xf32, #tpu.memory_space<vmem>>) dst(%dma_wait3A_322 : memref<10240x16xf32, #tpu.memory_space<vmem_shared>>)
    %add3A_323 = arith.constant 73 : i32
    %add3A_324 = arith.constant 4 : i32
    %add3A_325 = arith.addi %add3A_323, %add3A_324 : i32
    %dma_start3A_326 = arith.constant 0 : i32
    %dma_start3A_327 = tpu.memref_slice %arg6[%add3A_325, %dma_start3A_326] : memref<80x128xi32, #tpu.memory_space<vmem>> -> memref<1x128xi32, #tpu.memory_space<vmem>>
    %dma_start3A_328 = tpu.memref_squeeze %dma_start3A_327 : memref<1x128xi32, #tpu.memory_space<vmem>> -> memref<128xi32, #tpu.memory_space<vmem>>
    %dma_start3A_329 = arith.constant 0 : i32
    %dma_start3A_330 = arith.constant 0 : i32
    %dma_start3A_331 = tpu.memref_slice %arg2[%dma_start3A_329, %dma_start3A_330] : memref<10240x16xf32, #tpu.memory_space<hbm>> -> memref<10240x16xf32, #tpu.memory_space<hbm>>
    tpu.enqueue_indirect_dma source(%dma_start3A_331 : memref<10240x16xf32, #tpu.memory_space<hbm>>) target(%arg13 : memref<128x16xf32, #tpu.memory_space<vmem>>) offsets(%dma_start3A_328 : memref<128xi32, #tpu.memory_space<vmem>>) semaphore(%arg22 : memref<!tpu.dma_semaphore, #tpu.memory_space<semaphore_mem>>)
    %dma_wait3A_332 = arith.constant 74 : i32
    %dma_wait3A_333 = arith.constant 0 : i32
    %dma_wait3A_334 = tpu.memref_slice %arg6[%dma_wait3A_332, %dma_wait3A_333] : memref<80x128xi32, #tpu.memory_space<vmem>> -> memref<1x128xi32, #tpu.memory_space<vmem>>
    %dma_wait3A_335 = tpu.memref_squeeze %dma_wait3A_334 : memref<1x128xi32, #tpu.memory_space<vmem>> -> memref<128xi32, #tpu.memory_space<vmem>>
    %dma_wait3A_336 = arith.constant 0 : i32
    %dma_wait3A_337 = arith.constant 0 : i32
    %dma_wait3A_338 = tpu.memref_slice %arg2[%dma_wait3A_336, %dma_wait3A_337] : memref<10240x16xf32, #tpu.memory_space<hbm>> -> memref<10240x16xf32, #tpu.memory_space<hbm>>
    tpu.wait_indirect_dma semaphore(%arg19 : memref<!tpu.dma_semaphore, #tpu.memory_space<semaphore_mem>>) src(%dma_wait3A_338 : memref<10240x16xf32, #tpu.memory_space<hbm>>) dst(%arg10 : memref<128x16xf32, #tpu.memory_space<vmem>>)
    %dma_start3A_339 = arith.constant 74 : i32
    %dma_start3A_340 = arith.constant 0 : i32
    %dma_start3A_341 = tpu.memref_slice %arg7[%dma_start3A_339, %dma_start3A_340] : memref<80x128xi32, #tpu.memory_space<vmem>> -> memref<1x128xi32, #tpu.memory_space<vmem>>
    %dma_start3A_342 = tpu.memref_squeeze %dma_start3A_341 : memref<1x128xi32, #tpu.memory_space<vmem>> -> memref<128xi32, #tpu.memory_space<vmem>>
    %dma_start3A_343 = arith.constant 0 : i32
    %dma_start3A_344 = arith.constant 0 : i32
    %dma_start3A_345 = tpu.memref_slice %arg16[%dma_start3A_343, %dma_start3A_344] : memref<10240x16xf32, #tpu.memory_space<vmem_shared>> -> memref<10240x16xf32, #tpu.memory_space<vmem_shared>>
    tpu.enqueue_indirect_dma source(%arg10 : memref<128x16xf32, #tpu.memory_space<vmem>>) target(%dma_start3A_345 : memref<10240x16xf32, #tpu.memory_space<vmem_shared>>) offsets(%dma_start3A_342 : memref<128xi32, #tpu.memory_space<vmem>>) semaphore(%arg27 : memref<!tpu.dma_semaphore, #tpu.memory_space<semaphore_mem>>) {add = true}
    %sub3A_346 = arith.constant 74 : i32
    %sub3A_347 = arith.constant 4 : i32
    %sub3A_348 = arith.subi %sub3A_346, %sub3A_347 : i32
    %dma_wait3A_349 = arith.constant 0 : i32
    %dma_wait3A_350 = tpu.memref_slice %arg7[%sub3A_348, %dma_wait3A_349] : memref<80x128xi32, #tpu.memory_space<vmem>> -> memref<1x128xi32, #tpu.memory_space<vmem>>
    %dma_wait3A_351 = tpu.memref_squeeze %dma_wait3A_350 : memref<1x128xi32, #tpu.memory_space<vmem>> -> memref<128xi32, #tpu.memory_space<vmem>>
    %dma_wait3A_352 = arith.constant 0 : i32
    %dma_wait3A_353 = arith.constant 0 : i32
    %dma_wait3A_354 = tpu.memref_slice %arg16[%dma_wait3A_352, %dma_wait3A_353] : memref<10240x16xf32, #tpu.memory_space<vmem_shared>> -> memref<10240x16xf32, #tpu.memory_space<vmem_shared>>
    tpu.wait_indirect_dma semaphore(%arg31 : memref<!tpu.dma_semaphore, #tpu.memory_space<semaphore_mem>>) src(%arg14 : memref<128x16xf32, #tpu.memory_space<vmem>>) dst(%dma_wait3A_354 : memref<10240x16xf32, #tpu.memory_space<vmem_shared>>)
    %add3A_355 = arith.constant 74 : i32
    %add3A_356 = arith.constant 4 : i32
    %add3A_357 = arith.addi %add3A_355, %add3A_356 : i32
    %dma_start3A_358 = arith.constant 0 : i32
    %dma_start3A_359 = tpu.memref_slice %arg6[%add3A_357, %dma_start3A_358] : memref<80x128xi32, #tpu.memory_space<vmem>> -> memref<1x128xi32, #tpu.memory_space<vmem>>
    %dma_start3A_360 = tpu.memref_squeeze %dma_start3A_359 : memref<1x128xi32, #tpu.memory_space<vmem>> -> memref<128xi32, #tpu.memory_space<vmem>>
    %dma_start3A_361 = arith.constant 0 : i32
    %dma_start3A_362 = arith.constant 0 : i32
    %dma_start3A_363 = tpu.memref_slice %arg2[%dma_start3A_361, %dma_start3A_362] : memref<10240x16xf32, #tpu.memory_space<hbm>> -> memref<10240x16xf32, #tpu.memory_space<hbm>>
    tpu.enqueue_indirect_dma source(%dma_start3A_363 : memref<10240x16xf32, #tpu.memory_space<hbm>>) target(%arg14 : memref<128x16xf32, #tpu.memory_space<vmem>>) offsets(%dma_start3A_360 : memref<128xi32, #tpu.memory_space<vmem>>) semaphore(%arg23 : memref<!tpu.dma_semaphore, #tpu.memory_space<semaphore_mem>>)
    %dma_wait3A_364 = arith.constant 75 : i32
    %dma_wait3A_365 = arith.constant 0 : i32
    %dma_wait3A_366 = tpu.memref_slice %arg6[%dma_wait3A_364, %dma_wait3A_365] : memref<80x128xi32, #tpu.memory_space<vmem>> -> memref<1x128xi32, #tpu.memory_space<vmem>>
    %dma_wait3A_367 = tpu.memref_squeeze %dma_wait3A_366 : memref<1x128xi32, #tpu.memory_space<vmem>> -> memref<128xi32, #tpu.memory_space<vmem>>
    %dma_wait3A_368 = arith.constant 0 : i32
    %dma_wait3A_369 = arith.constant 0 : i32
    %dma_wait3A_370 = tpu.memref_slice %arg2[%dma_wait3A_368, %dma_wait3A_369] : memref<10240x16xf32, #tpu.memory_space<hbm>> -> memref<10240x16xf32, #tpu.memory_space<hbm>>
    tpu.wait_indirect_dma semaphore(%arg20 : memref<!tpu.dma_semaphore, #tpu.memory_space<semaphore_mem>>) src(%dma_wait3A_370 : memref<10240x16xf32, #tpu.memory_space<hbm>>) dst(%arg11 : memref<128x16xf32, #tpu.memory_space<vmem>>)
    %dma_start3A_371 = arith.constant 75 : i32
    %dma_start3A_372 = arith.constant 0 : i32
    %dma_start3A_373 = tpu.memref_slice %arg7[%dma_start3A_371, %dma_start3A_372] : memref<80x128xi32, #tpu.memory_space<vmem>> -> memref<1x128xi32, #tpu.memory_space<vmem>>
    %dma_start3A_374 = tpu.memref_squeeze %dma_start3A_373 : memref<1x128xi32, #tpu.memory_space<vmem>> -> memref<128xi32, #tpu.memory_space<vmem>>
    %dma_start3A_375 = arith.constant 0 : i32
    %dma_start3A_376 = arith.constant 0 : i32
    %dma_start3A_377 = tpu.memref_slice %arg16[%dma_start3A_375, %dma_start3A_376] : memref<10240x16xf32, #tpu.memory_space<vmem_shared>> -> memref<10240x16xf32, #tpu.memory_space<vmem_shared>>
    tpu.enqueue_indirect_dma source(%arg11 : memref<128x16xf32, #tpu.memory_space<vmem>>) target(%dma_start3A_377 : memref<10240x16xf32, #tpu.memory_space<vmem_shared>>) offsets(%dma_start3A_374 : memref<128xi32, #tpu.memory_space<vmem>>) semaphore(%arg28 : memref<!tpu.dma_semaphore, #tpu.memory_space<semaphore_mem>>) {add = true}
    %sub3A_378 = arith.constant 75 : i32
    %sub3A_379 = arith.constant 4 : i32
    %sub3A_380 = arith.subi %sub3A_378, %sub3A_379 : i32
    %dma_wait3A_381 = arith.constant 0 : i32
    %dma_wait3A_382 = tpu.memref_slice %arg7[%sub3A_380, %dma_wait3A_381] : memref<80x128xi32, #tpu.memory_space<vmem>> -> memref<1x128xi32, #tpu.memory_space<vmem>>
    %dma_wait3A_383 = tpu.memref_squeeze %dma_wait3A_382 : memref<1x128xi32, #tpu.memory_space<vmem>> -> memref<128xi32, #tpu.memory_space<vmem>>
    %dma_wait3A_384 = arith.constant 0 : i32
    %dma_wait3A_385 = arith.constant 0 : i32
    %dma_wait3A_386 = tpu.memref_slice %arg16[%dma_wait3A_384, %dma_wait3A_385] : memref<10240x16xf32, #tpu.memory_space<vmem_shared>> -> memref<10240x16xf32, #tpu.memory_space<vmem_shared>>
    tpu.wait_indirect_dma semaphore(%arg32 : memref<!tpu.dma_semaphore, #tpu.memory_space<semaphore_mem>>) src(%arg15 : memref<128x16xf32, #tpu.memory_space<vmem>>) dst(%dma_wait3A_386 : memref<10240x16xf32, #tpu.memory_space<vmem_shared>>)
    %add3A_387 = arith.constant 75 : i32
    %add3A_388 = arith.constant 4 : i32
    %add3A_389 = arith.addi %add3A_387, %add3A_388 : i32
    %dma_start3A_390 = arith.constant 0 : i32
    %dma_start3A_391 = tpu.memref_slice %arg6[%add3A_389, %dma_start3A_390] : memref<80x128xi32, #tpu.memory_space<vmem>> -> memref<1x128xi32, #tpu.memory_space<vmem>>
    %dma_start3A_392 = tpu.memref_squeeze %dma_start3A_391 : memref<1x128xi32, #tpu.memory_space<vmem>> -> memref<128xi32, #tpu.memory_space<vmem>>
    %dma_start3A_393 = arith.constant 0 : i32
    %dma_start3A_394 = arith.constant 0 : i32
    %dma_start3A_395 = tpu.memref_slice %arg2[%dma_start3A_393, %dma_start3A_394] : memref<10240x16xf32, #tpu.memory_space<hbm>> -> memref<10240x16xf32, #tpu.memory_space<hbm>>
    tpu.enqueue_indirect_dma source(%dma_start3A_395 : memref<10240x16xf32, #tpu.memory_space<hbm>>) target(%arg15 : memref<128x16xf32, #tpu.memory_space<vmem>>) offsets(%dma_start3A_392 : memref<128xi32, #tpu.memory_space<vmem>>) semaphore(%arg24 : memref<!tpu.dma_semaphore, #tpu.memory_space<semaphore_mem>>)
    %dma_wait3A_396 = arith.constant 76 : i32
    %dma_wait3A_397 = arith.constant 0 : i32
    %dma_wait3A_398 = tpu.memref_slice %arg6[%dma_wait3A_396, %dma_wait3A_397] : memref<80x128xi32, #tpu.memory_space<vmem>> -> memref<1x128xi32, #tpu.memory_space<vmem>>
    %dma_wait3A_399 = tpu.memref_squeeze %dma_wait3A_398 : memref<1x128xi32, #tpu.memory_space<vmem>> -> memref<128xi32, #tpu.memory_space<vmem>>
    %dma_wait3A_400 = arith.constant 0 : i32
    %dma_wait3A_401 = arith.constant 0 : i32
    %dma_wait3A_402 = tpu.memref_slice %arg2[%dma_wait3A_400, %dma_wait3A_401] : memref<10240x16xf32, #tpu.memory_space<hbm>> -> memref<10240x16xf32, #tpu.memory_space<hbm>>
    tpu.wait_indirect_dma semaphore(%arg21 : memref<!tpu.dma_semaphore, #tpu.memory_space<semaphore_mem>>) src(%dma_wait3A_402 : memref<10240x16xf32, #tpu.memory_space<hbm>>) dst(%arg12 : memref<128x16xf32, #tpu.memory_space<vmem>>)
    %dma_start3A_403 = arith.constant 76 : i32
    %dma_start3A_404 = arith.constant 0 : i32
    %dma_start3A_405 = tpu.memref_slice %arg7[%dma_start3A_403, %dma_start3A_404] : memref<80x128xi32, #tpu.memory_space<vmem>> -> memref<1x128xi32, #tpu.memory_space<vmem>>
    %dma_start3A_406 = tpu.memref_squeeze %dma_start3A_405 : memref<1x128xi32, #tpu.memory_space<vmem>> -> memref<128xi32, #tpu.memory_space<vmem>>
    %dma_start3A_407 = arith.constant 0 : i32
    %dma_start3A_408 = arith.constant 0 : i32
    %dma_start3A_409 = tpu.memref_slice %arg16[%dma_start3A_407, %dma_start3A_408] : memref<10240x16xf32, #tpu.memory_space<vmem_shared>> -> memref<10240x16xf32, #tpu.memory_space<vmem_shared>>
    tpu.enqueue_indirect_dma source(%arg12 : memref<128x16xf32, #tpu.memory_space<vmem>>) target(%dma_start3A_409 : memref<10240x16xf32, #tpu.memory_space<vmem_shared>>) offsets(%dma_start3A_406 : memref<128xi32, #tpu.memory_space<vmem>>) semaphore(%arg29 : memref<!tpu.dma_semaphore, #tpu.memory_space<semaphore_mem>>) {add = true}
    %sub3A_410 = arith.constant 76 : i32
    %sub3A_411 = arith.constant 4 : i32
    %sub3A_412 = arith.subi %sub3A_410, %sub3A_411 : i32
    %dma_wait3A_413 = arith.constant 0 : i32
    %dma_wait3A_414 = tpu.memref_slice %arg7[%sub3A_412, %dma_wait3A_413] : memref<80x128xi32, #tpu.memory_space<vmem>> -> memref<1x128xi32, #tpu.memory_space<vmem>>
    %dma_wait3A_415 = tpu.memref_squeeze %dma_wait3A_414 : memref<1x128xi32, #tpu.memory_space<vmem>> -> memref<128xi32, #tpu.memory_space<vmem>>
    %dma_wait3A_416 = arith.constant 0 : i32
    %dma_wait3A_417 = arith.constant 0 : i32
    %dma_wait3A_418 = tpu.memref_slice %arg16[%dma_wait3A_416, %dma_wait3A_417] : memref<10240x16xf32, #tpu.memory_space<vmem_shared>> -> memref<10240x16xf32, #tpu.memory_space<vmem_shared>>
    tpu.wait_indirect_dma semaphore(%arg25 : memref<!tpu.dma_semaphore, #tpu.memory_space<semaphore_mem>>) src(%arg8 : memref<128x16xf32, #tpu.memory_space<vmem>>) dst(%dma_wait3A_418 : memref<10240x16xf32, #tpu.memory_space<vmem_shared>>)
    %dma_wait3A_419 = arith.constant 77 : i32
    %dma_wait3A_420 = arith.constant 0 : i32
    %dma_wait3A_421 = tpu.memref_slice %arg6[%dma_wait3A_419, %dma_wait3A_420] : memref<80x128xi32, #tpu.memory_space<vmem>> -> memref<1x128xi32, #tpu.memory_space<vmem>>
    %dma_wait3A_422 = tpu.memref_squeeze %dma_wait3A_421 : memref<1x128xi32, #tpu.memory_space<vmem>> -> memref<128xi32, #tpu.memory_space<vmem>>
    %dma_wait3A_423 = arith.constant 0 : i32
    %dma_wait3A_424 = arith.constant 0 : i32
    %dma_wait3A_425 = tpu.memref_slice %arg2[%dma_wait3A_423, %dma_wait3A_424] : memref<10240x16xf32, #tpu.memory_space<hbm>> -> memref<10240x16xf32, #tpu.memory_space<hbm>>
    tpu.wait_indirect_dma semaphore(%arg22 : memref<!tpu.dma_semaphore, #tpu.memory_space<semaphore_mem>>) src(%dma_wait3A_425 : memref<10240x16xf32, #tpu.memory_space<hbm>>) dst(%arg13 : memref<128x16xf32, #tpu.memory_space<vmem>>)
    %dma_start3A_426 = arith.constant 77 : i32
    %dma_start3A_427 = arith.constant 0 : i32
    %dma_start3A_428 = tpu.memref_slice %arg7[%dma_start3A_426, %dma_start3A_427] : memref<80x128xi32, #tpu.memory_space<vmem>> -> memref<1x128xi32, #tpu.memory_space<vmem>>
    %dma_start3A_429 = tpu.memref_squeeze %dma_start3A_428 : memref<1x128xi32, #tpu.memory_space<vmem>> -> memref<128xi32, #tpu.memory_space<vmem>>
    %dma_start3A_430 = arith.constant 0 : i32
    %dma_start3A_431 = arith.constant 0 : i32
    %dma_start3A_432 = tpu.memref_slice %arg16[%dma_start3A_430, %dma_start3A_431] : memref<10240x16xf32, #tpu.memory_space<vmem_shared>> -> memref<10240x16xf32, #tpu.memory_space<vmem_shared>>
    tpu.enqueue_indirect_dma source(%arg13 : memref<128x16xf32, #tpu.memory_space<vmem>>) target(%dma_start3A_432 : memref<10240x16xf32, #tpu.memory_space<vmem_shared>>) offsets(%dma_start3A_429 : memref<128xi32, #tpu.memory_space<vmem>>) semaphore(%arg30 : memref<!tpu.dma_semaphore, #tpu.memory_space<semaphore_mem>>) {add = true}
    %sub3A_433 = arith.constant 77 : i32
    %sub3A_434 = arith.constant 4 : i32
    %sub3A_435 = arith.subi %sub3A_433, %sub3A_434 : i32
    %dma_wait3A_436 = arith.constant 0 : i32
    %dma_wait3A_437 = tpu.memref_slice %arg7[%sub3A_435, %dma_wait3A_436] : memref<80x128xi32, #tpu.memory_space<vmem>> -> memref<1x128xi32, #tpu.memory_space<vmem>>
    %dma_wait3A_438 = tpu.memref_squeeze %dma_wait3A_437 : memref<1x128xi32, #tpu.memory_space<vmem>> -> memref<128xi32, #tpu.memory_space<vmem>>
    %dma_wait3A_439 = arith.constant 0 : i32
    %dma_wait3A_440 = arith.constant 0 : i32
    %dma_wait3A_441 = tpu.memref_slice %arg16[%dma_wait3A_439, %dma_wait3A_440] : memref<10240x16xf32, #tpu.memory_space<vmem_shared>> -> memref<10240x16xf32, #tpu.memory_space<vmem_shared>>
    tpu.wait_indirect_dma semaphore(%arg26 : memref<!tpu.dma_semaphore, #tpu.memory_space<semaphore_mem>>) src(%arg9 : memref<128x16xf32, #tpu.memory_space<vmem>>) dst(%dma_wait3A_441 : memref<10240x16xf32, #tpu.memory_space<vmem_shared>>)
    %dma_wait3A_442 = arith.constant 78 : i32
    %dma_wait3A_443 = arith.constant 0 : i32
    %dma_wait3A_444 = tpu.memref_slice %arg6[%dma_wait3A_442, %dma_wait3A_443] : memref<80x128xi32, #tpu.memory_space<vmem>> -> memref<1x128xi32, #tpu.memory_space<vmem>>
    %dma_wait3A_445 = tpu.memref_squeeze %dma_wait3A_444 : memref<1x128xi32, #tpu.memory_space<vmem>> -> memref<128xi32, #tpu.memory_space<vmem>>
    %dma_wait3A_446 = arith.constant 0 : i32
    %dma_wait3A_447 = arith.constant 0 : i32
    %dma_wait3A_448 = tpu.memref_slice %arg2[%dma_wait3A_446, %dma_wait3A_447] : memref<10240x16xf32, #tpu.memory_space<hbm>> -> memref<10240x16xf32, #tpu.memory_space<hbm>>
    tpu.wait_indirect_dma semaphore(%arg23 : memref<!tpu.dma_semaphore, #tpu.memory_space<semaphore_mem>>) src(%dma_wait3A_448 : memref<10240x16xf32, #tpu.memory_space<hbm>>) dst(%arg14 : memref<128x16xf32, #tpu.memory_space<vmem>>)
    %dma_start3A_449 = arith.constant 78 : i32
    %dma_start3A_450 = arith.constant 0 : i32
    %dma_start3A_451 = tpu.memref_slice %arg7[%dma_start3A_449, %dma_start3A_450] : memref<80x128xi32, #tpu.memory_space<vmem>> -> memref<1x128xi32, #tpu.memory_space<vmem>>
    %dma_start3A_452 = tpu.memref_squeeze %dma_start3A_451 : memref<1x128xi32, #tpu.memory_space<vmem>> -> memref<128xi32, #tpu.memory_space<vmem>>
    %dma_start3A_453 = arith.constant 0 : i32
    %dma_start3A_454 = arith.constant 0 : i32
    %dma_start3A_455 = tpu.memref_slice %arg16[%dma_start3A_453, %dma_start3A_454] : memref<10240x16xf32, #tpu.memory_space<vmem_shared>> -> memref<10240x16xf32, #tpu.memory_space<vmem_shared>>
    tpu.enqueue_indirect_dma source(%arg14 : memref<128x16xf32, #tpu.memory_space<vmem>>) target(%dma_start3A_455 : memref<10240x16xf32, #tpu.memory_space<vmem_shared>>) offsets(%dma_start3A_452 : memref<128xi32, #tpu.memory_space<vmem>>) semaphore(%arg31 : memref<!tpu.dma_semaphore, #tpu.memory_space<semaphore_mem>>) {add = true}
    %sub3A_456 = arith.constant 78 : i32
    %sub3A_457 = arith.constant 4 : i32
    %sub3A_458 = arith.subi %sub3A_456, %sub3A_457 : i32
    %dma_wait3A_459 = arith.constant 0 : i32
    %dma_wait3A_460 = tpu.memref_slice %arg7[%sub3A_458, %dma_wait3A_459] : memref<80x128xi32, #tpu.memory_space<vmem>> -> memref<1x128xi32, #tpu.memory_space<vmem>>
    %dma_wait3A_461 = tpu.memref_squeeze %dma_wait3A_460 : memref<1x128xi32, #tpu.memory_space<vmem>> -> memref<128xi32, #tpu.memory_space<vmem>>
    %dma_wait3A_462 = arith.constant 0 : i32
    %dma_wait3A_463 = arith.constant 0 : i32
    %dma_wait3A_464 = tpu.memref_slice %arg16[%dma_wait3A_462, %dma_wait3A_463] : memref<10240x16xf32, #tpu.memory_space<vmem_shared>> -> memref<10240x16xf32, #tpu.memory_space<vmem_shared>>
    tpu.wait_indirect_dma semaphore(%arg27 : memref<!tpu.dma_semaphore, #tpu.memory_space<semaphore_mem>>) src(%arg10 : memref<128x16xf32, #tpu.memory_space<vmem>>) dst(%dma_wait3A_464 : memref<10240x16xf32, #tpu.memory_space<vmem_shared>>)
    %dma_wait3A_465 = arith.constant 79 : i32
    %dma_wait3A_466 = arith.constant 0 : i32
    %dma_wait3A_467 = tpu.memref_slice %arg6[%dma_wait3A_465, %dma_wait3A_466] : memref<80x128xi32, #tpu.memory_space<vmem>> -> memref<1x128xi32, #tpu.memory_space<vmem>>
    %dma_wait3A_468 = tpu.memref_squeeze %dma_wait3A_467 : memref<1x128xi32, #tpu.memory_space<vmem>> -> memref<128xi32, #tpu.memory_space<vmem>>
    %dma_wait3A_469 = arith.constant 0 : i32
    %dma_wait3A_470 = arith.constant 0 : i32
    %dma_wait3A_471 = tpu.memref_slice %arg2[%dma_wait3A_469, %dma_wait3A_470] : memref<10240x16xf32, #tpu.memory_space<hbm>> -> memref<10240x16xf32, #tpu.memory_space<hbm>>
    tpu.wait_indirect_dma semaphore(%arg24 : memref<!tpu.dma_semaphore, #tpu.memory_space<semaphore_mem>>) src(%dma_wait3A_471 : memref<10240x16xf32, #tpu.memory_space<hbm>>) dst(%arg15 : memref<128x16xf32, #tpu.memory_space<vmem>>)
    %dma_start3A_472 = arith.constant 79 : i32
    %dma_start3A_473 = arith.constant 0 : i32
    %dma_start3A_474 = tpu.memref_slice %arg7[%dma_start3A_472, %dma_start3A_473] : memref<80x128xi32, #tpu.memory_space<vmem>> -> memref<1x128xi32, #tpu.memory_space<vmem>>
    %dma_start3A_475 = tpu.memref_squeeze %dma_start3A_474 : memref<1x128xi32, #tpu.memory_space<vmem>> -> memref<128xi32, #tpu.memory_space<vmem>>
    %dma_start3A_476 = arith.constant 0 : i32
    %dma_start3A_477 = arith.constant 0 : i32
    %dma_start3A_478 = tpu.memref_slice %arg16[%dma_start3A_476, %dma_start3A_477] : memref<10240x16xf32, #tpu.memory_space<vmem_shared>> -> memref<10240x16xf32, #tpu.memory_space<vmem_shared>>
    tpu.enqueue_indirect_dma source(%arg15 : memref<128x16xf32, #tpu.memory_space<vmem>>) target(%dma_start3A_478 : memref<10240x16xf32, #tpu.memory_space<vmem_shared>>) offsets(%dma_start3A_475 : memref<128xi32, #tpu.memory_space<vmem>>) semaphore(%arg32 : memref<!tpu.dma_semaphore, #tpu.memory_space<semaphore_mem>>) {add = true}
    %sub3A_479 = arith.constant 79 : i32
    %sub3A_480 = arith.constant 4 : i32
    %sub3A_481 = arith.subi %sub3A_479, %sub3A_480 : i32
    %dma_wait3A_482 = arith.constant 0 : i32
    %dma_wait3A_483 = tpu.memref_slice %arg7[%sub3A_481, %dma_wait3A_482] : memref<80x128xi32, #tpu.memory_space<vmem>> -> memref<1x128xi32, #tpu.memory_space<vmem>>
    %dma_wait3A_484 = tpu.memref_squeeze %dma_wait3A_483 : memref<1x128xi32, #tpu.memory_space<vmem>> -> memref<128xi32, #tpu.memory_space<vmem>>
    %dma_wait3A_485 = arith.constant 0 : i32
    %dma_wait3A_486 = arith.constant 0 : i32
    %dma_wait3A_487 = tpu.memref_slice %arg16[%dma_wait3A_485, %dma_wait3A_486] : memref<10240x16xf32, #tpu.memory_space<vmem_shared>> -> memref<10240x16xf32, #tpu.memory_space<vmem_shared>>
    tpu.wait_indirect_dma semaphore(%arg28 : memref<!tpu.dma_semaphore, #tpu.memory_space<semaphore_mem>>) src(%arg11 : memref<128x16xf32, #tpu.memory_space<vmem>>) dst(%dma_wait3A_487 : memref<10240x16xf32, #tpu.memory_space<vmem_shared>>)
    %dma_wait3A_488 = arith.constant 76 : i32
    %dma_wait3A_489 = arith.constant 0 : i32
    %dma_wait3A_490 = tpu.memref_slice %arg7[%dma_wait3A_488, %dma_wait3A_489] : memref<80x128xi32, #tpu.memory_space<vmem>> -> memref<1x128xi32, #tpu.memory_space<vmem>>
    %dma_wait3A_491 = tpu.memref_squeeze %dma_wait3A_490 : memref<1x128xi32, #tpu.memory_space<vmem>> -> memref<128xi32, #tpu.memory_space<vmem>>
    %dma_wait3A_492 = arith.constant 0 : i32
    %dma_wait3A_493 = arith.constant 0 : i32
    %dma_wait3A_494 = tpu.memref_slice %arg16[%dma_wait3A_492, %dma_wait3A_493] : memref<10240x16xf32, #tpu.memory_space<vmem_shared>> -> memref<10240x16xf32, #tpu.memory_space<vmem_shared>>
    tpu.wait_indirect_dma semaphore(%arg29 : memref<!tpu.dma_semaphore, #tpu.memory_space<semaphore_mem>>) src(%arg12 : memref<128x16xf32, #tpu.memory_space<vmem>>) dst(%dma_wait3A_494 : memref<10240x16xf32, #tpu.memory_space<vmem_shared>>)
    %dma_wait3A_495 = arith.constant 77 : i32
    %dma_wait3A_496 = arith.constant 0 : i32
    %dma_wait3A_497 = tpu.memref_slice %arg7[%dma_wait3A_495, %dma_wait3A_496] : memref<80x128xi32, #tpu.memory_space<vmem>> -> memref<1x128xi32, #tpu.memory_space<vmem>>
    %dma_wait3A_498 = tpu.memref_squeeze %dma_wait3A_497 : memref<1x128xi32, #tpu.memory_space<vmem>> -> memref<128xi32, #tpu.memory_space<vmem>>
    %dma_wait3A_499 = arith.constant 0 : i32
    %dma_wait3A_500 = arith.constant 0 : i32
    %dma_wait3A_501 = tpu.memref_slice %arg16[%dma_wait3A_499, %dma_wait3A_500] : memref<10240x16xf32, #tpu.memory_space<vmem_shared>> -> memref<10240x16xf32, #tpu.memory_space<vmem_shared>>
    tpu.wait_indirect_dma semaphore(%arg30 : memref<!tpu.dma_semaphore, #tpu.memory_space<semaphore_mem>>) src(%arg13 : memref<128x16xf32, #tpu.memory_space<vmem>>) dst(%dma_wait3A_501 : memref<10240x16xf32, #tpu.memory_space<vmem_shared>>)
    %dma_wait3A_502 = arith.constant 78 : i32
    %dma_wait3A_503 = arith.constant 0 : i32
    %dma_wait3A_504 = tpu.memref_slice %arg7[%dma_wait3A_502, %dma_wait3A_503] : memref<80x128xi32, #tpu.memory_space<vmem>> -> memref<1x128xi32, #tpu.memory_space<vmem>>
    %dma_wait3A_505 = tpu.memref_squeeze %dma_wait3A_504 : memref<1x128xi32, #tpu.memory_space<vmem>> -> memref<128xi32, #tpu.memory_space<vmem>>
    %dma_wait3A_506 = arith.constant 0 : i32
    %dma_wait3A_507 = arith.constant 0 : i32
    %dma_wait3A_508 = tpu.memref_slice %arg16[%dma_wait3A_506, %dma_wait3A_507] : memref<10240x16xf32, #tpu.memory_space<vmem_shared>> -> memref<10240x16xf32, #tpu.memory_space<vmem_shared>>
    tpu.wait_indirect_dma semaphore(%arg31 : memref<!tpu.dma_semaphore, #tpu.memory_space<semaphore_mem>>) src(%arg14 : memref<128x16xf32, #tpu.memory_space<vmem>>) dst(%dma_wait3A_508 : memref<10240x16xf32, #tpu.memory_space<vmem_shared>>)
    %dma_wait3A_509 = arith.constant 79 : i32
    %dma_wait3A_510 = arith.constant 0 : i32
    %dma_wait3A_511 = tpu.memref_slice %arg7[%dma_wait3A_509, %dma_wait3A_510] : memref<80x128xi32, #tpu.memory_space<vmem>> -> memref<1x128xi32, #tpu.memory_space<vmem>>
    %dma_wait3A_512 = tpu.memref_squeeze %dma_wait3A_511 : memref<1x128xi32, #tpu.memory_space<vmem>> -> memref<128xi32, #tpu.memory_space<vmem>>
    %dma_wait3A_513 = arith.constant 0 : i32
    %dma_wait3A_514 = arith.constant 0 : i32
    %dma_wait3A_515 = tpu.memref_slice %arg16[%dma_wait3A_513, %dma_wait3A_514] : memref<10240x16xf32, #tpu.memory_space<vmem_shared>> -> memref<10240x16xf32, #tpu.memory_space<vmem_shared>>
    tpu.wait_indirect_dma semaphore(%arg32 : memref<!tpu.dma_semaphore, #tpu.memory_space<semaphore_mem>>) src(%arg15 : memref<128x16xf32, #tpu.memory_space<vmem>>) dst(%dma_wait3A_515 : memref<10240x16xf32, #tpu.memory_space<vmem_shared>>)
    %barrier3A_516 = arith.constant 0 : index
    tpu.barrier barrier_id(%barrier3A_516)
    "tpu.region"() ({
      %run_scoped3A = tpu.sem_alloc : memref<!tpu.dma_semaphore, #tpu.memory_space<semaphore_mem>>
      %dma_start3A_517 = arith.constant 0 : i32
      %dma_start3A_518 = tpu.memref_slice %arg5[%arg0, %mul3A_7, %dma_start3A_517] : memref<2x10240x16xf32, #tpu.memory_space<hbm>> -> memref<1x640x16xf32, #tpu.memory_space<hbm>>
      %dma_start3A_519 = tpu.memref_squeeze %dma_start3A_518 : memref<1x640x16xf32, #tpu.memory_space<hbm>> -> memref<640x16xf32, #tpu.memory_space<hbm>>
      %dma_start3A_520 = arith.constant 0 : i32
      %dma_start3A_521 = tpu.memref_slice %arg16[%mul3A_7, %dma_start3A_520] : memref<10240x16xf32, #tpu.memory_space<vmem_shared>> -> memref<640x16xf32, #tpu.memory_space<vmem_shared>>
      tpu.enqueue_dma source(%dma_start3A_521 : memref<640x16xf32, #tpu.memory_space<vmem_shared>>) target(%dma_start3A_519 : memref<640x16xf32, #tpu.memory_space<hbm>>) target_semaphore(%run_scoped3A : memref<!tpu.dma_semaphore, #tpu.memory_space<semaphore_mem>>)
      %dma_wait3A_522 = arith.constant 0 : i32
      %dma_wait3A_523 = tpu.memref_slice %arg5[%arg0, %mul3A_7, %dma_wait3A_522] : memref<2x10240x16xf32, #tpu.memory_space<hbm>> -> memref<1x640x16xf32, #tpu.memory_space<hbm>>
      %dma_wait3A_524 = tpu.memref_squeeze %dma_wait3A_523 : memref<1x640x16xf32, #tpu.memory_space<hbm>> -> memref<640x16xf32, #tpu.memory_space<hbm>>
      %dma_wait3A_525 = arith.constant 0 : i32
      %dma_wait3A_526 = tpu.memref_slice %arg16[%mul3A_7, %dma_wait3A_525] : memref<10240x16xf32, #tpu.memory_space<vmem_shared>> -> memref<640x16xf32, #tpu.memory_space<vmem_shared>>
      tpu.wait_dma2 semaphore(%run_scoped3A : memref<!tpu.dma_semaphore, #tpu.memory_space<semaphore_mem>>) src(%dma_wait3A_526 : memref<640x16xf32, #tpu.memory_space<vmem_shared>>) dst(%dma_wait3A_524 : memref<640x16xf32, #tpu.memory_space<hbm>>)
      tpu.yield
    }) : () -> ()
    return
  }
}

module attributes {stable_mosaic.version = 14 : i64} {
  func.func @_a_body(%arg0: i32, %arg1: memref<256x1024xf32, #tpu.memory_space<vmem>>, %arg2: memref<1024x128xf32, #tpu.memory_space<vmem>>, %arg3: memref<32x2048xf32, #tpu.memory_space<vmem>>, %arg4: memref<256x2048xf32, #tpu.memory_space<vmem>>, %arg5: memref<2048x128xf32, #tpu.memory_space<vmem>>, %arg6: memref<256x128xf32, #tpu.memory_space<vmem>>, %arg7: memref<256x128xf32, #tpu.memory_space<vmem>>) attributes {dimension_semantics = [#tpu.dimension_semantics<arbitrary>], iteration_bounds = array<i64: 5>, scalar_prefetch = 0 : i64, scratch_operands = 0 : i64, tpu.core_type = #tpu.core_type<tc>, window_params = [{transform_indices = @transform_0, window_bounds = array<i64: 256, 1024>}, {pipeline_mode = #tpu.pipeline_mode<synchronous>, transform_indices = @transform_1, window_bounds = array<i64: 1024, 128>}, {transform_indices = @transform_2, window_bounds = array<i64: 32, 2048>}, {pipeline_mode = #tpu.pipeline_mode<synchronous>, transform_indices = @transform_3, window_bounds = array<i64: 256, 2048>}, {pipeline_mode = #tpu.pipeline_mode<synchronous>, transform_indices = @transform_4, window_bounds = array<i64: 2048, 128>}, {transform_indices = @transform_5, window_bounds = array<i64: 256, 128>}, {transform_indices = @transform_6, window_bounds = array<i64: 256, 128>}]} {
    %get3A = arith.constant 0 : index
    %get3A_0 = arith.constant 0 : index
    %get3A_1 = vector.load %arg3[%get3A, %get3A_0] : memref<32x2048xf32, #tpu.memory_space<vmem>>, vector<32x2048xf32>
    %broadcast_in_dim3A = arith.constant 1.000000e+00 : f32
    %broadcast_in_dim3A_2 = vector.broadcast %broadcast_in_dim3A : f32 to vector<32x1xf32>
    %dot_general3A = arith.constant dense<0.000000e+00> : vector<2048x1xf32>
    %dot_general3A_3 = tpu.matmul %get3A_1, %broadcast_in_dim3A_2, %dot_general3A {dimension_numbers = #tpu.dot_dimension_numbers<[0], [0], [1], [1], [0, 1, 1, 1], [], []>, transpose_lhs_hint = false} : vector<32x2048xf32>, vector<32x1xf32>, vector<2048x1xf32> -> vector<2048x1xf32>
    %add3A = arith.constant 1.000000e+00 : f32
    %add3A_4 = vector.broadcast %add3A : f32 to vector<2048x1xf32>
    %add3A_5 = arith.addf %dot_general3A_3, %add3A_4 : vector<2048x1xf32>
    %rsqrt3A = math.rsqrt %add3A_5 : vector<2048x1xf32>
    %get3A_6 = arith.constant 0 : index
    %get3A_7 = arith.constant 0 : index
    %get3A_8 = vector.load %arg4[%get3A_6, %get3A_7] : memref<256x2048xf32, #tpu.memory_space<vmem>>, vector<256x2048xf32>
    %get3A_9 = arith.constant 0 : index
    %get3A_10 = arith.constant 0 : index
    %get3A_11 = vector.load %arg5[%get3A_9, %get3A_10] : memref<2048x128xf32, #tpu.memory_space<vmem>>, vector<2048x128xf32>
    %mul3A = vector.broadcast %rsqrt3A : vector<2048x1xf32> to vector<2048x128xf32>
    %mul3A_12 = arith.mulf %mul3A, %get3A_11 : vector<2048x128xf32>
    %dot_general3A_13 = arith.constant dense<0.000000e+00> : vector<256x128xf32>
    %dot_general3A_14 = tpu.matmul %get3A_8, %mul3A_12, %dot_general3A_13 {dimension_numbers = #tpu.dot_dimension_numbers<[1], [0], [0], [1], [0, 0, 1, 1], [], []>, transpose_lhs_hint = false} : vector<256x2048xf32>, vector<2048x128xf32>, vector<256x128xf32> -> vector<256x128xf32>
    %get3A_15 = arith.constant 0 : index
    %get3A_16 = arith.constant 0 : index
    %get3A_17 = vector.load %arg1[%get3A_15, %get3A_16] : memref<256x1024xf32, #tpu.memory_space<vmem>>, vector<256x1024xf32>
    %get3A_18 = arith.constant 0 : index
    %get3A_19 = arith.constant 0 : index
    %get3A_20 = vector.load %arg2[%get3A_18, %get3A_19] : memref<1024x128xf32, #tpu.memory_space<vmem>>, vector<1024x128xf32>
    %dot_general3A_21 = arith.constant dense<0.000000e+00> : vector<256x128xf32>
    %dot_general3A_22 = tpu.matmul %get3A_17, %get3A_20, %dot_general3A_21 {dimension_numbers = #tpu.dot_dimension_numbers<[1], [0], [0], [1], [0, 0, 1, 1], [], []>, transpose_lhs_hint = false} : vector<256x1024xf32>, vector<1024x128xf32>, vector<256x128xf32> -> vector<256x128xf32>
    %mul3A_23 = arith.mulf %dot_general3A_22, %dot_general3A_14 : vector<256x128xf32>
    %swap3A = arith.constant 0 : index
    %swap3A_24 = arith.constant 0 : index
    %swap3A_25 = vector.load %arg6[%swap3A, %swap3A_24] : memref<256x128xf32, #tpu.memory_space<vmem>>, vector<256x128xf32>
    tpu.vector_store %arg6[%swap3A, %swap3A_24], %mul3A_23 {strides = array<i32>} : memref<256x128xf32, #tpu.memory_space<vmem>>, vector<256x128xf32>,
    %swap3A_26 = arith.constant 0 : index
    %swap3A_27 = arith.constant 0 : index
    %swap3A_28 = vector.load %arg7[%swap3A_26, %swap3A_27] : memref<256x128xf32, #tpu.memory_space<vmem>>, vector<256x128xf32>
    tpu.vector_store %arg7[%swap3A_26, %swap3A_27], %dot_general3A_14 {strides = array<i32>} : memref<256x128xf32, #tpu.memory_space<vmem>>, vector<256x128xf32>,
    return
  }
  func.func @transform_0(%arg0: i32) -> (i32, i32) {
    %c0_i32 = arith.constant 0 : i32
    %c0_i32_0 = arith.constant 0 : i32
    return %arg0, %c0_i32 : i32, i32
  }
  func.func @transform_1(%arg0: i32) -> (i32, i32) {
    %c0_i32 = arith.constant 0 : i32
    %c0_i32_0 = arith.constant 0 : i32
    %c0_i32_1 = arith.constant 0 : i32
    return %c0_i32, %c0_i32_0 : i32, i32
  }
  func.func @transform_2(%arg0: i32) -> (i32, i32) {
    %c0_i32 = arith.constant 0 : i32
    %c0_i32_0 = arith.constant 0 : i32
    return %c0_i32, %arg0 : i32, i32
  }
  func.func @transform_3(%arg0: i32) -> (i32, i32) {
    %c0_i32 = arith.constant 0 : i32
    %c0_i32_0 = arith.constant 0 : i32
    %c0_i32_1 = arith.constant 0 : i32
    return %c0_i32, %c0_i32_0 : i32, i32
  }
  func.func @transform_4(%arg0: i32) -> (i32, i32) {
    %c0_i32 = arith.constant 0 : i32
    %c0_i32_0 = arith.constant 0 : i32
    %c0_i32_1 = arith.constant 0 : i32
    return %c0_i32, %c0_i32_0 : i32, i32
  }
  func.func @transform_5(%arg0: i32) -> (i32, i32) {
    %c0_i32 = arith.constant 0 : i32
    %c0_i32_0 = arith.constant 0 : i32
    return %arg0, %c0_i32 : i32, i32
  }
  func.func @transform_6(%arg0: i32) -> (i32, i32) {
    %c0_i32 = arith.constant 0 : i32
    %c0_i32_0 = arith.constant 0 : i32
    return %arg0, %c0_i32 : i32, i32
  }
}

module attributes {stable_mosaic.version = 14 : i64} {
  func.func @_c_body(%arg0: i32, %arg1: memref<2x256x128xf32, #tpu.memory_space<vmem>>, %arg2: memref<256x128xf32, #tpu.memory_space<vmem>>, %arg3: memref<256x128xf32, #tpu.memory_space<vmem>>, %arg4: memref<128x128xf32, #tpu.memory_space<vmem>>, %arg5: memref<1x128xf32, #tpu.memory_space<vmem>>, %arg6: memref<256x128xf32, #tpu.memory_space<vmem>>) attributes {dimension_semantics = [#tpu.dimension_semantics<arbitrary>], iteration_bounds = array<i64: 5>, scalar_prefetch = 0 : i64, scratch_operands = 0 : i64, tpu.core_type = #tpu.core_type<tc>, window_params = [{transform_indices = @transform_0, window_bounds = array<i64: 2, 256, 128>}, {transform_indices = @transform_1, window_bounds = array<i64: 256, 128>}, {transform_indices = @transform_2, window_bounds = array<i64: 256, 128>}, {pipeline_mode = #tpu.pipeline_mode<synchronous>, transform_indices = @transform_3, window_bounds = array<i64: 128, 128>}, {pipeline_mode = #tpu.pipeline_mode<synchronous>, transform_indices = @transform_4, window_bounds = array<i64: 1, 128>}, {transform_indices = @transform_5, window_bounds = array<i64: 256, 128>}]} {
    %get3A = arith.constant 0 : index
    %get3A_0 = arith.constant 0 : index
    %get3A_1 = vector.load %arg3[%get3A, %get3A_0] : memref<256x128xf32, #tpu.memory_space<vmem>>, vector<256x128xf32>
    %get3A_2 = arith.constant 0 : index
    %get3A_3 = arith.constant 0 : index
    %get3A_4 = arith.constant 0 : index
    %get3A_5 = vector.load %arg1[%get3A_2, %get3A_3, %get3A_4] : memref<2x256x128xf32, #tpu.memory_space<vmem>>, vector<1x256x128xf32>
    %get3A_6 = vector.shape_cast %get3A_5 : vector<1x256x128xf32> to vector<256x128xf32>
    %get3A_7 = arith.constant 1 : index
    %get3A_8 = arith.constant 0 : index
    %get3A_9 = arith.constant 0 : index
    %get3A_10 = vector.load %arg1[%get3A_7, %get3A_8, %get3A_9] : memref<2x256x128xf32, #tpu.memory_space<vmem>>, vector<1x256x128xf32>
    %get3A_11 = vector.shape_cast %get3A_10 : vector<1x256x128xf32> to vector<256x128xf32>
    %add3A = arith.addf %get3A_6, %get3A_11 : vector<256x128xf32>
    %get3A_12 = arith.constant 0 : index
    %get3A_13 = arith.constant 0 : index
    %get3A_14 = vector.load %arg2[%get3A_12, %get3A_13] : memref<256x128xf32, #tpu.memory_space<vmem>>, vector<256x128xf32>
    %add3A_15 = arith.addf %add3A, %get3A_14 : vector<256x128xf32>
    %mul3A = arith.mulf %get3A_1, %add3A_15 : vector<256x128xf32>
    %get3A_16 = arith.constant 0 : index
    %get3A_17 = arith.constant 0 : index
    %get3A_18 = vector.load %arg5[%get3A_16, %get3A_17] : memref<1x128xf32, #tpu.memory_space<vmem>>, vector<1x128xf32>
    %add3A_19 = vector.broadcast %get3A_18 : vector<1x128xf32> to vector<256x128xf32>
    %add3A_20 = arith.addf %mul3A, %add3A_19 : vector<256x128xf32>
    %max3A = arith.constant 0.000000e+00 : f32
    %max3A_21 = vector.broadcast %max3A : f32 to vector<256x128xf32>
    %max3A_22 = arith.maximumf %add3A_20, %max3A_21 : vector<256x128xf32>
    %get3A_23 = arith.constant 0 : index
    %get3A_24 = arith.constant 0 : index
    %get3A_25 = vector.load %arg4[%get3A_23, %get3A_24] : memref<128x128xf32, #tpu.memory_space<vmem>>, vector<128x128xf32>
    %dot_general3A = arith.constant dense<0.000000e+00> : vector<256x128xf32>
    %dot_general3A_26 = tpu.matmul %max3A_22, %get3A_25, %dot_general3A {dimension_numbers = #tpu.dot_dimension_numbers<[1], [0], [0], [1], [0, 0, 1, 1], [], []>, transpose_lhs_hint = false} : vector<256x128xf32>, vector<128x128xf32>, vector<256x128xf32> -> vector<256x128xf32>
    %mul3A_27 = arith.mulf %dot_general3A_26, %get3A_1 : vector<256x128xf32>
    %swap3A = arith.constant 0 : index
    %swap3A_28 = arith.constant 0 : index
    %swap3A_29 = vector.load %arg6[%swap3A, %swap3A_28] : memref<256x128xf32, #tpu.memory_space<vmem>>, vector<256x128xf32>
    tpu.vector_store %arg6[%swap3A, %swap3A_28], %mul3A_27 {strides = array<i32>} : memref<256x128xf32, #tpu.memory_space<vmem>>, vector<256x128xf32>,
    return
  }
  func.func @transform_0(%arg0: i32) -> (i32, i32, i32) {
    %c0_i32 = arith.constant 0 : i32
    %c0_i32_0 = arith.constant 0 : i32
    %c0_i32_1 = arith.constant 0 : i32
    return %c0_i32, %arg0, %c0_i32_0 : i32, i32, i32
  }
  func.func @transform_1(%arg0: i32) -> (i32, i32) {
    %c0_i32 = arith.constant 0 : i32
    %c0_i32_0 = arith.constant 0 : i32
    return %arg0, %c0_i32 : i32, i32
  }
  func.func @transform_2(%arg0: i32) -> (i32, i32) {
    %c0_i32 = arith.constant 0 : i32
    %c0_i32_0 = arith.constant 0 : i32
    return %arg0, %c0_i32 : i32, i32
  }
  func.func @transform_3(%arg0: i32) -> (i32, i32) {
    %c0_i32 = arith.constant 0 : i32
    %c0_i32_0 = arith.constant 0 : i32
    %c0_i32_1 = arith.constant 0 : i32
    return %c0_i32, %c0_i32_0 : i32, i32
  }
  func.func @transform_4(%arg0: i32) -> (i32, i32) {
    %c0_i32 = arith.constant 0 : i32
    %c0_i32_0 = arith.constant 0 : i32
    %c0_i32_1 = arith.constant 0 : i32
    return %c0_i32, %c0_i32_0 : i32, i32
  }
  func.func @transform_5(%arg0: i32) -> (i32, i32) {
    %c0_i32 = arith.constant 0 : i32
    %c0_i32_0 = arith.constant 0 : i32
    return %arg0, %c0_i32 : i32, i32
  }
}

module attributes {stable_mosaic.version = 14 : i64} {
  func.func @_e_body(%arg0: memref<2x1280x128xf32, #tpu.memory_space<vmem>>, %arg1: memref<1280x128xf32, #tpu.memory_space<vmem>>, %arg2: memref<1280x128xf32, #tpu.memory_space<vmem>>, %arg3: memref<1x128xf32, #tpu.memory_space<vmem>>, %arg4: memref<8x1280xi32, #tpu.memory_space<vmem>>, %arg5: memref<16x10xf32, #tpu.memory_space<vmem>>) attributes {dimension_semantics = [], scalar_prefetch = 0 : i64, scratch_operands = 0 : i64, tpu.core_type = #tpu.core_type<tc>} {
    %get3A = arith.constant 0 : index
    %get3A_0 = arith.constant 0 : index
    %get3A_1 = vector.load %arg2[%get3A, %get3A_0] : memref<1280x128xf32, #tpu.memory_space<vmem>>, vector<1280x128xf32>
    %get3A_2 = arith.constant 0 : index
    %get3A_3 = arith.constant 0 : index
    %get3A_4 = arith.constant 0 : index
    %get3A_5 = vector.load %arg0[%get3A_2, %get3A_3, %get3A_4] : memref<2x1280x128xf32, #tpu.memory_space<vmem>>, vector<1x1280x128xf32>
    %get3A_6 = vector.shape_cast %get3A_5 : vector<1x1280x128xf32> to vector<1280x128xf32>
    %get3A_7 = arith.constant 1 : index
    %get3A_8 = arith.constant 0 : index
    %get3A_9 = arith.constant 0 : index
    %get3A_10 = vector.load %arg0[%get3A_7, %get3A_8, %get3A_9] : memref<2x1280x128xf32, #tpu.memory_space<vmem>>, vector<1x1280x128xf32>
    %get3A_11 = vector.shape_cast %get3A_10 : vector<1x1280x128xf32> to vector<1280x128xf32>
    %add3A = arith.addf %get3A_6, %get3A_11 : vector<1280x128xf32>
    %get3A_12 = arith.constant 0 : index
    %get3A_13 = arith.constant 0 : index
    %get3A_14 = vector.load %arg1[%get3A_12, %get3A_13] : memref<1280x128xf32, #tpu.memory_space<vmem>>, vector<1280x128xf32>
    %add3A_15 = arith.addf %add3A, %get3A_14 : vector<1280x128xf32>
    %mul3A = arith.mulf %get3A_1, %add3A_15 : vector<1280x128xf32>
    %get3A_16 = arith.constant 0 : index
    %get3A_17 = arith.constant 0 : index
    %get3A_18 = vector.load %arg3[%get3A_16, %get3A_17] : memref<1x128xf32, #tpu.memory_space<vmem>>, vector<1x128xf32>
    %add3A_19 = vector.broadcast %get3A_18 : vector<1x128xf32> to vector<1280x128xf32>
    %add3A_20 = arith.addf %mul3A, %add3A_19 : vector<1280x128xf32>
    %iota3A = tpu.iota {dimensions = array<i32: 0>} : vector<16x1280xi32>
    %broadcast_in_dim3A = arith.constant 0.000000e+00 : f32
    %broadcast_in_dim3A_21 = vector.broadcast %broadcast_in_dim3A : f32 to vector<16x16xf32>
    %broadcast_in_dim3A_22 = arith.constant 0.000000e+00 : f32
    %broadcast_in_dim3A_23 = vector.broadcast %broadcast_in_dim3A_22 : f32 to vector<16x1xf32>
    %get3A_24 = arith.constant 0 : index
    %get3A_25 = arith.constant 0 : index
    %get3A_26 = vector.load %arg4[%get3A_24, %get3A_25] : memref<8x1280xi32, #tpu.memory_space<vmem>>, vector<1x1280xi32>
    %eq3A = vector.broadcast %get3A_26 : vector<1x1280xi32> to vector<16x1280xi32>
    %eq3A_27 = arith.cmpi eq, %iota3A, %eq3A : vector<16x1280xi32>
    %convert_element_type3A = arith.extui %eq3A_27 : vector<16x1280xi1> to vector<16x1280xi32>
    %convert_element_type3A_28 = arith.sitofp %convert_element_type3A : vector<16x1280xi32> to vector<16x1280xf32>
    %slice3A = vector.extract_strided_slice %add3A_20 {offsets = [0, 0], sizes = [1280, 16], strides = [1, 1]} : vector<1280x128xf32> to vector<1280x16xf32>
    %dot_general3A = arith.constant dense<0.000000e+00> : vector<16x16xf32>
    %dot_general3A_29 = tpu.matmul %convert_element_type3A_28, %slice3A, %dot_general3A {dimension_numbers = #tpu.dot_dimension_numbers<[1], [0], [0], [1], [0, 0, 1, 1], [], []>, transpose_lhs_hint = false} : vector<16x1280xf32>, vector<1280x16xf32>, vector<16x16xf32> -> vector<16x16xf32>
    %add3A_30 = arith.addf %broadcast_in_dim3A_21, %dot_general3A_29 : vector<16x16xf32>
    %reduce_sum3A = arith.constant dense<0.000000e+00> : vector<16xf32>
    %reduce_sum3A_31 = vector.multi_reduction <add>, %convert_element_type3A_28, %reduce_sum3A [1] : vector<16x1280xf32> to vector<16xf32>
    %broadcast_in_dim3A_32 = vector.shape_cast %reduce_sum3A_31 : vector<16xf32> to vector<16x1xf32>
    %add3A_33 = arith.addf %broadcast_in_dim3A_23, %broadcast_in_dim3A_32 : vector<16x1xf32>
    %get3A_34 = arith.constant 1 : index
    %get3A_35 = arith.constant 0 : index
    %get3A_36 = vector.load %arg4[%get3A_34, %get3A_35] : memref<8x1280xi32, #tpu.memory_space<vmem>>, vector<1x1280xi32>
    %eq3A_37 = vector.broadcast %get3A_36 : vector<1x1280xi32> to vector<16x1280xi32>
    %eq3A_38 = arith.cmpi eq, %iota3A, %eq3A_37 : vector<16x1280xi32>
    %convert_element_type3A_39 = arith.extui %eq3A_38 : vector<16x1280xi1> to vector<16x1280xi32>
    %convert_element_type3A_40 = arith.sitofp %convert_element_type3A_39 : vector<16x1280xi32> to vector<16x1280xf32>
    %slice3A_41 = vector.extract_strided_slice %add3A_20 {offsets = [0, 16], sizes = [1280, 16], strides = [1, 1]} : vector<1280x128xf32> to vector<1280x16xf32>
    %dot_general3A_42 = arith.constant dense<0.000000e+00> : vector<16x16xf32>
    %dot_general3A_43 = tpu.matmul %convert_element_type3A_40, %slice3A_41, %dot_general3A_42 {dimension_numbers = #tpu.dot_dimension_numbers<[1], [0], [0], [1], [0, 0, 1, 1], [], []>, transpose_lhs_hint = false} : vector<16x1280xf32>, vector<1280x16xf32>, vector<16x16xf32> -> vector<16x16xf32>
    %add3A_44 = arith.addf %add3A_30, %dot_general3A_43 : vector<16x16xf32>
    %reduce_sum3A_45 = arith.constant dense<0.000000e+00> : vector<16xf32>
    %reduce_sum3A_46 = vector.multi_reduction <add>, %convert_element_type3A_40, %reduce_sum3A_45 [1] : vector<16x1280xf32> to vector<16xf32>
    %broadcast_in_dim3A_47 = vector.shape_cast %reduce_sum3A_46 : vector<16xf32> to vector<16x1xf32>
    %add3A_48 = arith.addf %add3A_33, %broadcast_in_dim3A_47 : vector<16x1xf32>
    %get3A_49 = arith.constant 2 : index
    %get3A_50 = arith.constant 0 : index
    %get3A_51 = vector.load %arg4[%get3A_49, %get3A_50] : memref<8x1280xi32, #tpu.memory_space<vmem>>, vector<1x1280xi32>
    %eq3A_52 = vector.broadcast %get3A_51 : vector<1x1280xi32> to vector<16x1280xi32>
    %eq3A_53 = arith.cmpi eq, %iota3A, %eq3A_52 : vector<16x1280xi32>
    %convert_element_type3A_54 = arith.extui %eq3A_53 : vector<16x1280xi1> to vector<16x1280xi32>
    %convert_element_type3A_55 = arith.sitofp %convert_element_type3A_54 : vector<16x1280xi32> to vector<16x1280xf32>
    %slice3A_56 = vector.extract_strided_slice %add3A_20 {offsets = [0, 32], sizes = [1280, 16], strides = [1, 1]} : vector<1280x128xf32> to vector<1280x16xf32>
    %dot_general3A_57 = arith.constant dense<0.000000e+00> : vector<16x16xf32>
    %dot_general3A_58 = tpu.matmul %convert_element_type3A_55, %slice3A_56, %dot_general3A_57 {dimension_numbers = #tpu.dot_dimension_numbers<[1], [0], [0], [1], [0, 0, 1, 1], [], []>, transpose_lhs_hint = false} : vector<16x1280xf32>, vector<1280x16xf32>, vector<16x16xf32> -> vector<16x16xf32>
    %add3A_59 = arith.addf %add3A_44, %dot_general3A_58 : vector<16x16xf32>
    %reduce_sum3A_60 = arith.constant dense<0.000000e+00> : vector<16xf32>
    %reduce_sum3A_61 = vector.multi_reduction <add>, %convert_element_type3A_55, %reduce_sum3A_60 [1] : vector<16x1280xf32> to vector<16xf32>
    %broadcast_in_dim3A_62 = vector.shape_cast %reduce_sum3A_61 : vector<16xf32> to vector<16x1xf32>
    %add3A_63 = arith.addf %add3A_48, %broadcast_in_dim3A_62 : vector<16x1xf32>
    %get3A_64 = arith.constant 3 : index
    %get3A_65 = arith.constant 0 : index
    %get3A_66 = vector.load %arg4[%get3A_64, %get3A_65] : memref<8x1280xi32, #tpu.memory_space<vmem>>, vector<1x1280xi32>
    %eq3A_67 = vector.broadcast %get3A_66 : vector<1x1280xi32> to vector<16x1280xi32>
    %eq3A_68 = arith.cmpi eq, %iota3A, %eq3A_67 : vector<16x1280xi32>
    %convert_element_type3A_69 = arith.extui %eq3A_68 : vector<16x1280xi1> to vector<16x1280xi32>
    %convert_element_type3A_70 = arith.sitofp %convert_element_type3A_69 : vector<16x1280xi32> to vector<16x1280xf32>
    %slice3A_71 = vector.extract_strided_slice %add3A_20 {offsets = [0, 48], sizes = [1280, 16], strides = [1, 1]} : vector<1280x128xf32> to vector<1280x16xf32>
    %dot_general3A_72 = arith.constant dense<0.000000e+00> : vector<16x16xf32>
    %dot_general3A_73 = tpu.matmul %convert_element_type3A_70, %slice3A_71, %dot_general3A_72 {dimension_numbers = #tpu.dot_dimension_numbers<[1], [0], [0], [1], [0, 0, 1, 1], [], []>, transpose_lhs_hint = false} : vector<16x1280xf32>, vector<1280x16xf32>, vector<16x16xf32> -> vector<16x16xf32>
    %add3A_74 = arith.addf %add3A_59, %dot_general3A_73 : vector<16x16xf32>
    %reduce_sum3A_75 = arith.constant dense<0.000000e+00> : vector<16xf32>
    %reduce_sum3A_76 = vector.multi_reduction <add>, %convert_element_type3A_70, %reduce_sum3A_75 [1] : vector<16x1280xf32> to vector<16xf32>
    %broadcast_in_dim3A_77 = vector.shape_cast %reduce_sum3A_76 : vector<16xf32> to vector<16x1xf32>
    %add3A_78 = arith.addf %add3A_63, %broadcast_in_dim3A_77 : vector<16x1xf32>
    %get3A_79 = arith.constant 4 : index
    %get3A_80 = arith.constant 0 : index
    %get3A_81 = vector.load %arg4[%get3A_79, %get3A_80] : memref<8x1280xi32, #tpu.memory_space<vmem>>, vector<1x1280xi32>
    %eq3A_82 = vector.broadcast %get3A_81 : vector<1x1280xi32> to vector<16x1280xi32>
    %eq3A_83 = arith.cmpi eq, %iota3A, %eq3A_82 : vector<16x1280xi32>
    %convert_element_type3A_84 = arith.extui %eq3A_83 : vector<16x1280xi1> to vector<16x1280xi32>
    %convert_element_type3A_85 = arith.sitofp %convert_element_type3A_84 : vector<16x1280xi32> to vector<16x1280xf32>
    %slice3A_86 = vector.extract_strided_slice %add3A_20 {offsets = [0, 64], sizes = [1280, 16], strides = [1, 1]} : vector<1280x128xf32> to vector<1280x16xf32>
    %dot_general3A_87 = arith.constant dense<0.000000e+00> : vector<16x16xf32>
    %dot_general3A_88 = tpu.matmul %convert_element_type3A_85, %slice3A_86, %dot_general3A_87 {dimension_numbers = #tpu.dot_dimension_numbers<[1], [0], [0], [1], [0, 0, 1, 1], [], []>, transpose_lhs_hint = false} : vector<16x1280xf32>, vector<1280x16xf32>, vector<16x16xf32> -> vector<16x16xf32>
    %add3A_89 = arith.addf %add3A_74, %dot_general3A_88 : vector<16x16xf32>
    %reduce_sum3A_90 = arith.constant dense<0.000000e+00> : vector<16xf32>
    %reduce_sum3A_91 = vector.multi_reduction <add>, %convert_element_type3A_85, %reduce_sum3A_90 [1] : vector<16x1280xf32> to vector<16xf32>
    %broadcast_in_dim3A_92 = vector.shape_cast %reduce_sum3A_91 : vector<16xf32> to vector<16x1xf32>
    %add3A_93 = arith.addf %add3A_78, %broadcast_in_dim3A_92 : vector<16x1xf32>
    %get3A_94 = arith.constant 5 : index
    %get3A_95 = arith.constant 0 : index
    %get3A_96 = vector.load %arg4[%get3A_94, %get3A_95] : memref<8x1280xi32, #tpu.memory_space<vmem>>, vector<1x1280xi32>
    %eq3A_97 = vector.broadcast %get3A_96 : vector<1x1280xi32> to vector<16x1280xi32>
    %eq3A_98 = arith.cmpi eq, %iota3A, %eq3A_97 : vector<16x1280xi32>
    %convert_element_type3A_99 = arith.extui %eq3A_98 : vector<16x1280xi1> to vector<16x1280xi32>
    %convert_element_type3A_100 = arith.sitofp %convert_element_type3A_99 : vector<16x1280xi32> to vector<16x1280xf32>
    %slice3A_101 = vector.extract_strided_slice %add3A_20 {offsets = [0, 80], sizes = [1280, 16], strides = [1, 1]} : vector<1280x128xf32> to vector<1280x16xf32>
    %dot_general3A_102 = arith.constant dense<0.000000e+00> : vector<16x16xf32>
    %dot_general3A_103 = tpu.matmul %convert_element_type3A_100, %slice3A_101, %dot_general3A_102 {dimension_numbers = #tpu.dot_dimension_numbers<[1], [0], [0], [1], [0, 0, 1, 1], [], []>, transpose_lhs_hint = false} : vector<16x1280xf32>, vector<1280x16xf32>, vector<16x16xf32> -> vector<16x16xf32>
    %add3A_104 = arith.addf %add3A_89, %dot_general3A_103 : vector<16x16xf32>
    %reduce_sum3A_105 = arith.constant dense<0.000000e+00> : vector<16xf32>
    %reduce_sum3A_106 = vector.multi_reduction <add>, %convert_element_type3A_100, %reduce_sum3A_105 [1] : vector<16x1280xf32> to vector<16xf32>
    %broadcast_in_dim3A_107 = vector.shape_cast %reduce_sum3A_106 : vector<16xf32> to vector<16x1xf32>
    %add3A_108 = arith.addf %add3A_93, %broadcast_in_dim3A_107 : vector<16x1xf32>
    %get3A_109 = arith.constant 6 : index
    %get3A_110 = arith.constant 0 : index
    %get3A_111 = vector.load %arg4[%get3A_109, %get3A_110] : memref<8x1280xi32, #tpu.memory_space<vmem>>, vector<1x1280xi32>
    %eq3A_112 = vector.broadcast %get3A_111 : vector<1x1280xi32> to vector<16x1280xi32>
    %eq3A_113 = arith.cmpi eq, %iota3A, %eq3A_112 : vector<16x1280xi32>
    %convert_element_type3A_114 = arith.extui %eq3A_113 : vector<16x1280xi1> to vector<16x1280xi32>
    %convert_element_type3A_115 = arith.sitofp %convert_element_type3A_114 : vector<16x1280xi32> to vector<16x1280xf32>
    %slice3A_116 = vector.extract_strided_slice %add3A_20 {offsets = [0, 96], sizes = [1280, 16], strides = [1, 1]} : vector<1280x128xf32> to vector<1280x16xf32>
    %dot_general3A_117 = arith.constant dense<0.000000e+00> : vector<16x16xf32>
    %dot_general3A_118 = tpu.matmul %convert_element_type3A_115, %slice3A_116, %dot_general3A_117 {dimension_numbers = #tpu.dot_dimension_numbers<[1], [0], [0], [1], [0, 0, 1, 1], [], []>, transpose_lhs_hint = false} : vector<16x1280xf32>, vector<1280x16xf32>, vector<16x16xf32> -> vector<16x16xf32>
    %add3A_119 = arith.addf %add3A_104, %dot_general3A_118 : vector<16x16xf32>
    %reduce_sum3A_120 = arith.constant dense<0.000000e+00> : vector<16xf32>
    %reduce_sum3A_121 = vector.multi_reduction <add>, %convert_element_type3A_115, %reduce_sum3A_120 [1] : vector<16x1280xf32> to vector<16xf32>
    %broadcast_in_dim3A_122 = vector.shape_cast %reduce_sum3A_121 : vector<16xf32> to vector<16x1xf32>
    %add3A_123 = arith.addf %add3A_108, %broadcast_in_dim3A_122 : vector<16x1xf32>
    %get3A_124 = arith.constant 7 : index
    %get3A_125 = arith.constant 0 : index
    %get3A_126 = vector.load %arg4[%get3A_124, %get3A_125] : memref<8x1280xi32, #tpu.memory_space<vmem>>, vector<1x1280xi32>
    %eq3A_127 = vector.broadcast %get3A_126 : vector<1x1280xi32> to vector<16x1280xi32>
    %eq3A_128 = arith.cmpi eq, %iota3A, %eq3A_127 : vector<16x1280xi32>
    %convert_element_type3A_129 = arith.extui %eq3A_128 : vector<16x1280xi1> to vector<16x1280xi32>
    %convert_element_type3A_130 = arith.sitofp %convert_element_type3A_129 : vector<16x1280xi32> to vector<16x1280xf32>
    %slice3A_131 = vector.extract_strided_slice %add3A_20 {offsets = [0, 112], sizes = [1280, 16], strides = [1, 1]} : vector<1280x128xf32> to vector<1280x16xf32>
    %dot_general3A_132 = arith.constant dense<0.000000e+00> : vector<16x16xf32>
    %dot_general3A_133 = tpu.matmul %convert_element_type3A_130, %slice3A_131, %dot_general3A_132 {dimension_numbers = #tpu.dot_dimension_numbers<[1], [0], [0], [1], [0, 0, 1, 1], [], []>, transpose_lhs_hint = false} : vector<16x1280xf32>, vector<1280x16xf32>, vector<16x16xf32> -> vector<16x16xf32>
    %add3A_134 = arith.addf %add3A_119, %dot_general3A_133 : vector<16x16xf32>
    %reduce_sum3A_135 = arith.constant dense<0.000000e+00> : vector<16xf32>
    %reduce_sum3A_136 = vector.multi_reduction <add>, %convert_element_type3A_130, %reduce_sum3A_135 [1] : vector<16x1280xf32> to vector<16xf32>
    %broadcast_in_dim3A_137 = vector.shape_cast %reduce_sum3A_136 : vector<16xf32> to vector<16x1xf32>
    %add3A_138 = arith.addf %add3A_123, %broadcast_in_dim3A_137 : vector<16x1xf32>
    %max3A = arith.constant 1.000000e+00 : f32
    %max3A_139 = vector.broadcast %max3A : f32 to vector<16x1xf32>
    %max3A_140 = arith.maximumf %add3A_138, %max3A_139 : vector<16x1xf32>
    %div3A = vector.broadcast %max3A_140 : vector<16x1xf32> to vector<16x16xf32>
    %div3A_141 = arith.divf %add3A_134, %div3A : vector<16x16xf32>
    %slice3A_142 = vector.extract_strided_slice %div3A_141 {offsets = [0, 0], sizes = [16, 10], strides = [1, 1]} : vector<16x16xf32> to vector<16x10xf32>
    %reduce_max3A = arith.constant dense<0xFF800000> : vector<16xf32>
    %reduce_max3A_143 = vector.multi_reduction <maximumf>, %slice3A_142, %reduce_max3A [1] : vector<16x10xf32> to vector<16xf32>
    %broadcast_in_dim3A_144 = vector.shape_cast %reduce_max3A_143 : vector<16xf32> to vector<16x1xf32>
    %sub3A = vector.broadcast %broadcast_in_dim3A_144 : vector<16x1xf32> to vector<16x10xf32>
    %sub3A_145 = arith.subf %slice3A_142, %sub3A : vector<16x10xf32>
    %exp3A = math.exp %sub3A_145 : vector<16x10xf32>
    %reduce_sum3A_146 = arith.constant dense<0.000000e+00> : vector<16xf32>
    %reduce_sum3A_147 = vector.multi_reduction <add>, %exp3A, %reduce_sum3A_146 [1] : vector<16x10xf32> to vector<16xf32>
    %broadcast_in_dim3A_148 = vector.shape_cast %reduce_sum3A_147 : vector<16xf32> to vector<16x1xf32>
    %log3A = math.log %broadcast_in_dim3A_148 : vector<16x1xf32>
    %sub3A_149 = vector.broadcast %log3A : vector<16x1xf32> to vector<16x10xf32>
    %sub3A_150 = arith.subf %sub3A_145, %sub3A_149 : vector<16x10xf32>
    %swap3A = arith.constant 0 : index
    %swap3A_151 = arith.constant 0 : index
    %swap3A_152 = vector.load %arg5[%swap3A, %swap3A_151] : memref<16x10xf32, #tpu.memory_space<vmem>>, vector<16x10xf32>
    tpu.vector_store %arg5[%swap3A, %swap3A_151], %sub3A_150 {strides = array<i32>} : memref<16x10xf32, #tpu.memory_space<vmem>>, vector<16x10xf32>,
    return
  }
}

</mosaic_0001>

<sc_bundles>
// kernel: kernel.11.cloned.1.call-start
scs
__scs_entry_jumppad:
0x0: {  	(pc) =	sbr.rel $0x88, $3  }
0x1: {  	(tag) =	ssettag $0x0;
	lr =	simm.s32 $0x1  }
0x2: {  	[smem:$0x3F9A] =	sst lr;
	_ =	strace $0xD0000000  }
0x3: {  	_ = 	snop  }
0x4: {  	_ = 	snop  }
0x5: {  	_ = 	snop  }
0x6: {  	_ = 	snop  }
0x7: {  	_ = 	snop  }
__scs_overlays_trampoline_lowered:
0x8: {  	[smem:$0x3FA9] =	sst s0  }
0x9: {  	[smem:$0x3FAA] =	sst s1  }
0xa: {  	[smem:$0x3FAB] =	sst s2  }
0xb: {  	[smem:$0x3FAC] =	sst s3  }
0xc: {  	[smem:$0x3FAD] =	sst s4  }
0xd: {  	[smem:$0x3FAE] =	sst s5  }
0xe: {  	[smem:$0x3FAF] =	sst s6  }
0xf: {  	[smem:$0x3FB0] =	sst s7  }
0x10: {  	[smem:$0x3FB1] =	sst s8  }
0x11: {  	[smem:$0x3FB2] =	sst s9;
	s0 =	simm.s32 @!p0 $0x0  }
0x12: {  	s1 =	sld [smem:$0x3F98];
	s0 =	simm.s32 @p0 $0x1  }
0x13: {  	[smem:$0x3FB3] =	sst s0;
	s0 =	simm.s32 @!p1 $0x0  }
0x14: {  	s2 =	sld [smem:$0x3F97];
	s0 =	simm.s32 @p1 $0x1  }
0x15: {  	[smem:$0x3FB4] =	sst s0;
	s0 =	simm.s32 @!p2 $0x0  }
0x16: {  	s3 =	sld [smem:$0x3FDB];
	s0 =	simm.s32 @p2 $0x1  }
0x17: {  	s4 =	simm.s32 $0x1BF5;
	[smem:$0x3FB6] =	sst s0  }
0x18: {  	s0 =	sld [smem:$0x3F99];
	_ =	swait.ge [sflag:s4], $0x0  }
0x19: {  	s7 =	sld [smem:$0x3F9A]  }
0x1a: {  	s8 =	sadd.s32 $0xFFFFE003, lr  }
0x1b: {  	s9 =	sadd.s32 $0xFFFFFEF7, lr;
	s5 =	simm.s32 $0xFFFFFFFF;
	p2 =	slt.u32 s8, $0xFFFFF086  }
0x1c: {  	p1 =	slt.u32 s9, $0xF7A;
	s5 =	simm.s32 @!p2 $0x0  }
0x1d: {  	s5 =	simm.s32 @p1 $0x1;
	p0 =	seq.s32 s7, s2  }
0x1e: {  	s7 =	smul.u32 @!p0 $0xF7A, s2;
	p2 =	seq.s32 @!p0 s5, $0x0  }
0x1f: {  	s9 =	smul.u32 $0xF7A, s1;
	s8 =	simm.s32 @!p0 $0x1BF5;
	p2 =	por !p2, p0  }
0x20: {  	[sflag:s8] =	ssyncset.s32 @!p0 $0xFFFFF086;
	s6 =	sadd.s32 @!p0 s3, s7;
	s7 =	simm.s32 @!p0 $0x108  }
0x21: {  	s3 =	sadd.s32 s3, s9;
	s6 =	sadd.s32 @!p0 $0x88, s6;
	s7 =	simm.s32 @p2 $0x1082  }
0x22: {  	[simem:s7], [sflag:s8] =	dma.local @!p0 [hbm:s6], $0xF7A  }
0x23: {  	s9 =	sor.u32 $0xD0000000, s2;
	s6 =	simm.s32 $0x108;
	_ =	swait.ge @!p0 [sflag:s8], $0x0  }
0x24: {  	s3 =	sadd.s32 $0x88, s3;
	s6 =	simm.s32 @!p1 $0x1082;
	[sflag:s4] =	ssyncset.s32 $0xFFFFF086  }
0x25: {  	[simem:s6], [sflag:s4] =	dma.local [hbm:s3], $0xF7A  }
0x26: {  	[smem:$0x3F9A] =	sst s1;
	(tag) =	ssettag s2;
	_ =	strace s9  }
0x27: {  	s1 =	sld [smem:$0x3FAA]  }
0x28: {  	s2 =	sld [smem:$0x3FAB]  }
0x29: {  	s4 =	sld [smem:$0x3FAD]  }
0x2a: {  	p0 =	seq.s32 s5, $0x0;
	s5 =	sld [smem:$0x3FAE]  }
0x2b: {  	s6 =	sld [smem:$0x3FAF]  }
0x2c: {  	s7 =	sld [smem:$0x3FB0]  }
0x2d: {  	s3 =	simm.s32 $0x108;
	s8 =	sld [smem:$0x3FB1]  }
0x2e: {  	s3 =	simm.s32 @!p0 $0x1082;
	s9 =	sld [smem:$0x3FB2]  }
0x2f: {  	lr =	sadd.s32 s0, s3;
	s0 =	sld [smem:$0x3FA9]  }
0x30: {  	s3 =	sld [smem:$0x3FAC]  }
0x31: {  	[smem:$0x3FB5] =	sst s10  }
0x32: {  	s10 =	sld [smem:$0x3FB3];
	_ =	sdelay $0x3  }
0x33: {  	p0 =	seq.s32 s10, $0x1;
	s10 =	sld [smem:$0x3FB5];
	_ =	sdelay $0x3  }
0x34: {  	[smem:$0x3FB5] =	sst s10  }
0x35: {  	s10 =	sld [smem:$0x3FB4];
	_ =	sdelay $0x3  }
0x36: {  	p1 =	seq.s32 s10, $0x1;
	s10 =	sld [smem:$0x3FB5];
	_ =	sdelay $0x3  }
0x37: {  	[smem:$0x3FB5] =	sst s10  }
0x38: {  	s10 =	sld [smem:$0x3FB6]  }
0x39: {  	_ = 	snop;
	(pc) =	sbr.ind lr, $3  }
0x3a: {  	_ = 	snop  }
0x3b: {  	_ = 	snop  }
0x3c: {  	p2 =	seq.s32 s10, $0x1;
	s10 =	sld [smem:$0x3FB5]  }
0x3d: {  	_ =	shalt  }
0x3e: {  	_ =	shalt  }
0x3f: {  	_ =	shalt  }
0x40: {  	_ =	shalt  }
0x41: {  	_ =	shalt  }
0x42: {  	_ =	shalt  }
0x43: {  	_ =	shalt  }
0x44: {  	_ =	shalt  }
0x45: {  	_ =	shalt  }
0x46: {  	_ =	shalt  }
0x47: {  	_ =	shalt  }
0x48: {  	_ =	shalt  }
0x49: {  	_ =	shalt  }
0x4a: {  	_ =	shalt  }
0x4b: {  	_ =	shalt  }
0x4c: {  	_ =	shalt  }
0x4d: {  	_ =	shalt  }
0x4e: {  	_ =	shalt  }
0x4f: {  	_ =	shalt  }
0x50: {  	_ =	shalt  }
0x51: {  	_ =	shalt  }
0x52: {  	_ =	shalt  }
0x53: {  	_ =	shalt  }
0x54: {  	_ =	shalt  }
0x55: {  	_ =	shalt  }
0x56: {  	_ =	shalt  }
0x57: {  	_ =	shalt  }
0x58: {  	_ =	shalt  }
0x59: {  	_ =	shalt  }
0x5a: {  	_ =	shalt  }
0x5b: {  	_ =	shalt  }
0x5c: {  	_ =	shalt  }
0x5d: {  	_ =	shalt  }
0x5e: {  	_ =	shalt  }
0x5f: {  	_ =	shalt  }
0x60: {  	_ =	shalt  }
0x61: {  	_ =	shalt  }
0x62: {  	_ =	shalt  }
0x63: {  	_ =	shalt  }
0x64: {  	_ =	shalt  }
0x65: {  	_ =	shalt  }
0x66: {  	_ =	shalt  }
0x67: {  	_ =	shalt  }
0x68: {  	_ =	shalt  }
0x69: {  	_ =	shalt  }
0x6a: {  	_ =	shalt  }
0x6b: {  	_ =	shalt  }
0x6c: {  	_ =	shalt  }
0x6d: {  	_ =	shalt  }
0x6e: {  	_ =	shalt  }
0x6f: {  	_ =	shalt  }
0x70: {  	_ =	shalt  }
0x71: {  	_ =	shalt  }
0x72: {  	_ =	shalt  }
0x73: {  	_ =	shalt  }
0x74: {  	_ =	shalt  }
0x75: {  	_ =	shalt  }
0x76: {  	_ =	shalt  }
0x77: {  	_ =	shalt  }
0x78: {  	_ =	shalt  }
0x79: {  	_ =	shalt  }
0x7a: {  	_ =	shalt  }
0x7b: {  	_ =	shalt  }
0x7c: {  	_ =	shalt  }
0x7d: {  	_ =	shalt  }
0x7e: {  	_ =	shalt  }
0x7f: {  	_ =	shalt  }
0x80: {  	_ =	shalt  }
0x81: {  	_ =	shalt  }
0x82: {  	_ =	shalt  }
0x83: {  	_ =	shalt  }
0x84: {  	_ =	shalt  }
0x85: {  	_ =	shalt  }
0x86: {  	_ =	shalt  }
0x87: {  	_ =	shalt  }
.Lfunc_end0:
.L_simem_size_0:
called_computation.1_lowered:
.L_overlay_start_0:
0x88: {  	s2 =	sld [smem:$0x3FD9]  }
0x89: {  	s3 =	sld [smem:$0x3FFE];
	_ =	sdelay $0x1  }
0x8a: {  	s1 =	srdreg.scid  }
0x8b: {  	s0 =	sand.u32 $0x1, s1  }
0x8c: {  	s16 =	sshll.u32 s0, $0xA;
	s2 =	sadd.s32 s3, s2  }
0x8d: {  	s2 =	sadd.s32 s2, s16  }
0x8e: {  	[smem:$0x3FC1] =	sst s2  }
0x8f: {  	_ = 	snop  }
0x90: {  	(tm) =	ssettm $0x1  }
0x91: {  	s17 =	sld [smem:$0x3FFB];
	_ =	sdelay $0x3  }
0x92: {  	_ =	strace s17  }
0x93: {  	s2 =	sld [smem:$0x3FFC];
	_ =	sdelay $0x3  }
0x94: {  	_ =	strace s2  }
0x95: {  	s2 =	sld [smem:$0x3FFD];
	_ =	sdelay $0x3  }
0x96: {  	_ =	strace s2  }
0x97: {  	_ =	strace $0x8FFFFFFF  }
0x98: {  	s18 =	sld [smem:$0x3FDB];
	_ =	sdelay $0x1  }
0x99: {  	s19 =	simm.s32 $_scs_section_size  }
0x9a: {  	s4 =	simm.s32 $_size__tile_overlayer_lowered;
	s5 =	simm.s32 $_tile_overlayer_lowered  }
0x9b: {  	s22 =	simm.s32 $0x1BFF;
	s21 =	sshll.u32 s5, $0x1;
	s2 =	sadd.s32 s19, s18  }
0x9c: {  	s6 =	simm.s32 $0x0;
	s20 =	sshll.u32 s4, $0x1;
	s4 =	sadd.s32 s21, s2  }
0x9d: {  	[timem:s6], [sflag:s22] =	dma.local [hbm:s4], s20  }
0x9e: {  	_ =	swait.ge [sflag:s22], s20  }
0x9f: {  	s3 =	ssub.s32 $0x0, s20;
	[sflag:s22] =	ssyncset.done $0x0  }
0xa0: {  	[sflag:s22] =	ssyncadd.s32 s3;
	_ =	sdelay $0x1  }
0xa1: {  	s23 =	simm.s32 $0x1B8B  }
0xa2: {  	_ =	swait.ge [sflag:s23], $0x1  }
0xa3: {  	[sflag:s23] =	ssyncset.done $0x0  }
0xa4: {  	s25 =	simm.s32 $0x1B8E;
	s24 =	sld [smem:$0x3FFE];
	[sflag:s23] =	ssyncadd.s32 $0xFFFFFFFF  }
0xa5: {  	s26 =	simm.s32 $execute0_lowered;
	[smem:$0x3FD2] =	sst s25  }
0xa6: {  	s4 =	sshll.u32 s26, $0x1;
	_ =	strace $0x80000049;
	[dreg:$0x1] =	wrdreg $0xFFFFFFFF  }
0xa7: {  	s28 =	simm.s32 $_size_execute0_lowered;
	s2 =	sadd.s32 s2, s4;
	[dreg:$0x0] =	wrdreg $0x0  }
0xa8: {  	s4 =	sshll.u32 s28, $0x1;
	[dreg:$0x2] =	wrdreg s2  }
0xa9: {  	[dreg:$0x3] =	wrdreg s4  }
0xaa: {  	[dreg:$0x4] =	wrdreg $0xC0  }
0xab: {  	_ =	task [dreg:s6], $0x5FFFF  }
0xac: {  	[dreg:$0x1] =	wrdreg $0xFFFFFFFF  }
0xad: {  	[dreg:$0x0] =	wrdreg $0x60  }
0xae: {  	[dreg:$0x2] =	wrdreg s24  }
0xaf: {  	[dreg:$0x3] =	wrdreg $0x90000  }
0xb0: {  	[dreg:$0x4] =	wrdreg $0x9  }
0xb1: {  	_ =	task.clear_ibuf [dreg:s6], $0x5FFFF;
	_ =	strace $0x90000049  }
0xb2: {  	s29 =	simm.s32 $0x9;
	_ =	strace $0x8000004B  }
0xb3: {  	_ =	swait.ge [sflag:s29], $0x1  }
0xb4: {  	[sflag:s29] =	ssyncadd.s32 $0xFFFFFFFF  }
0xb5: {  	_ =	strace $0x9000004B  }
0xb6: {  	_ =	sfence  }
0xb7: {  	s30 =	sld [smem:$0x0];
	_ =	sdelay $0x2  }
0xb8: {  	s31 =	sshll.u32 s1, $0xD;
	s1 =	sshrl.u32 s1, $0x2  }
0xb9: {  	s3 =	sand.u32 $0x4000, s31;
	s1 =	sadd.s32 s1, s30  }
0xba: {  	s0 =	sor.u32 s3, s0;
	s1 =	sshll.u32 s1, $0x11  }
0xbb: {  	s0 =	sor.u32 s1, s0  }
0xbc: {  	s0 =	sadd.s32 $0x8F2B, s0  }
0xbd: {  	[sflag:s0] =	ssyncadd.remote.s32 $0x1  }
0xbe: {  	_ =	sfence.sel $0xFFFF  }
0xbf: {  	[dreg:$0x0] =	wrdreg $0xFFFFFFFF;
	(pc) =	sbr.abs _section_cstart, $3  }
0xc0: {  	[dreg:$0x1] =	wrdreg $0xFFFFFFFF  }
0xc1: {  	_ =	task.clear_ibuf [dreg:s6], $0x2FFFF;
	_ =	strace $0x9FFFFFFF  }
0xc2: {  	(tm) =	ssettm $0x7FFFFFFF  }
0xc3: {  	_ =	shalt  }
tec
execute0_lowered:
.L_overlay_start_1:
0x0: {  	(tag) =	ssettag $0x1  }
0x1: {  	s0 =	rddreg [dreg:$0x0]  }
0x2: {  	s2 =	rddreg [dreg:$0x1];
	s1 =	srdreg.scid  }
0x3: {  	s7 =	stileid.u32;
	s4 =	simm.s32 $0x0;
	s14 =	simm.s32 $0x11  }
0x4: {  	s16 =	simm.s32 $0x5000;
	s17 =	simm.s32 $0x80;
	s18 =	simm.s32 $0x5800  }
0x5: {  	s30 =	simm.s32 $0x7800;
	s31 =	simm.s32 $0x3;
	s29 =	simm.s32 $0x9  }
0x6: {  	s28 =	simm.s32 $0xA;
	s15 =	simm.s32 $0xC;
	s8 =	simm.s32 $0xD  }
0x7: {  	s9 =	simm.s32 $0xE;
	s10 =	simm.s32 $0xF;
	s11 =	simm.s32 $0x10  }
0x8: {  	s12 =	simm.s32 $0x0;
	s1 =	sand.u32 $0x1, s1;
	s3 =	smul.u32 $0x2800, s7  }
0x9: {  	[smem:$0x7FF] =	sst s4;
	s19 =	sshll.u32 s7, $0x1;
	s7 =	smul.u32 $0xA000, s7  }
0xa: {  	s4 =	sadd.s32 $0xC200, s0;
	s5 =	smul.u32 $0x28000, s1;
	_ =	strace $0x8000004A  }
0xb: {  	s6 =	sor.u32 s1, s19;
	s1 =	ssub.s32 $0x2, s1;
	s19 =	simm.s32 $0x5  }
0xc: {  	s6 =	smul.u32 $0x500, s6;
	s20 =	sshrl.u32 s1, $0x1;
	s22 =	sshrl.u32 s7, $0x2  }
0xd: {  	s5 =	sadd.s32 s3, s5;
	s1 =	ssub.s32 s1, s20;
	s3 =	sadd.s32 s3, s2  }
0xe: {  	s23 =	sadd.s32 s22, s2;
	s20 =	simm.s32 $0x6000;
	s22 =	simm.s32 $0x6800  }
0xf: {  	s5 =	sshrl.u32 s5, $0x3;
	[dreg:$0x5] =	wrdreg s3;
	s24 =	sadd.s32 $0x1000, s23  }
0x10: {  	s6 =	sadd.s32 s6, s0;
	s25 =	sadd.s32 $0x1800, s23;
	[dreg:$0x7] =	wrdreg s24  }
0x11: {  	s3 =	sadd.s32 $0x2000, s23;
	s26 =	smax.u32 s1, $0x1;
	[dreg:$0x8] =	wrdreg s25  }
0x12: {  	s1 =	simm.s32 $0x6;
	s0 =	sadd.s32 s5, s0;
	[dreg:$0x9] =	wrdreg s3  }
0x13: {  	s21 =	sadd.s32 $0x20200, s6;
	s6 =	sadd.s32 $0x2200, s6;
	[dreg:$0xb] =	wrdreg s26  }
0x14: {  	s5 =	sadd.s32 $0x800, s23;
	s23 =	simm.s32 $0x1;
	[dreg:$0x3] =	wrdreg s21  }
0x15: {  	s25 =	simm.s32 $0x7000;
	s26 =	simm.s32 $0x2;
	[dreg:$0x4] =	wrdreg s6  }
0x16: {  	s24 =	simm.s32 $0x4;
	s3 =	simm.s32 $0x7;
	[dreg:$0x6] =	wrdreg s5  }
0x17: {  	s0 =	sadd.s32 $0x11200, s0;
	s21 =	simm.s32 $0x8000;
	s5 =	simm.s32 $0xB  }
0x18: {  	v0 =	vimm.f32 $0.0e+00;
	s6 =	simm.s32 $0x8;
	[dreg:$0xa] =	wrdreg s0;
	s0 =	simm.s32 $0x8800  }
.LBB2_1:
0x19: {  	[dreg:$0xc] =	wrdreg s12  }
0x1a: {  	s7 =	simm.s32 $0x0;
	s13 =	rddreg [dreg:$0x3]  }
0x1b: {  	[tilespmem:s7], [sflag:$0x11] =	stream.linear.gather [hbm4b:s13+s7], $0x2800, $0x38;
	[tilespmem:$0xB800] =	vst v63  }
0x1c: {  	_ =	swait.ge [sflag:s14], $0x2800  }
0x1d: {  	[sflag:s14] =	ssyncset.done $0x0  }
0x1e: {  	s13 =	simm.s32 $0x2800;
	s12 =	rddreg [dreg:$0x4];
	[sflag:s14] =	ssyncadd.s32 $0xFFFFD800  }
0x1f: {  	[tilespmem:s13], [sflag:$0x11] =	stream.linear.gather [hbm4b:s12+s7], $0x2800, $0x38;
	[tilespmem:$0xB800] =	vst v63  }
0x20: {  	_ =	swait.ge [sflag:s14], $0x2800  }
0x21: {  	[sflag:s14] =	ssyncset.done $0x0  }
0x22: {  	s7 =	simm.s32 $0x5040;
	[sflag:s14] =	ssyncadd.s32 $0xFFFFD800  }
0x23: {  	[tilespmem:s7+$0xFFFFFFC0] =	vst v0  }
0x24: {  	[tilespmem:s7+$0x30] =	vst v0  }
0x25: {  	[tilespmem:s7+$0x20] =	vst v0  }
0x26: {  	[tilespmem:s7+$0x10] =	vst v0  }
0x27: {  	[tilespmem:s7+$0x0] =	vst v0  }
0x28: {  	[tilespmem:s7+$0xFFFFFFF0] =	vst v0  }
0x29: {  	s13 =	simm.s32 $0x0;
	[tilespmem:s7+$0xFFFFFFE0] =	vst v0  }
.LBB2_2:
0x2a: {  	s13 =	sadd.s32 $0x8, s13;
	[tilespmem:s7+$0xFFFFFFD0] =	vst v0;
	s7 =	sadd.s32 $0x80, s7  }
0x2b: {  	[tilespmem:s7+$0xFFFFFFC0] =	vst v0;
	p0 =	slt.u32 s13, $0x78  }
0x2c: {  	[tilespmem:s7+$0x30] =	vst v0  }
.Ltmp0:
0x2d: {  	[tilespmem:s7+$0x20] =	vst v0;
	(pc) =	sbr.rel @p0 .LBB2_2-.Ltmp0, $4  }
0x2e: {  	[tilespmem:s7+$0x10] =	vst v0  }
0x2f: {  	[tilespmem:s7+$0x0] =	vst v0  }
0x30: {  	[tilespmem:s7+$0xFFFFFFF0] =	vst v0  }
0x31: {  	[tilespmem:s7+$0xFFFFFFE0] =	vst v0  }
0x32: {  	[tilespmem:s7+$0xFFFFFFD0] =	vst v0;
	s13 =	rddreg [dreg:$0x5]  }
0x33: {  	[spmem:s13] =	stream.linear.scatter [tilespmem:s16], [sflag:$0x11], $0x800, $0x38;
	[tilespmem:$0xB800] =	vst v63  }
0x34: {  	_ =	swait.ge [sflag:s14], $0x800  }
0x35: {  	[sflag:s14] =	ssyncset.done $0x0  }
0x36: {  	s12 =	rddreg [dreg:$0x6];
	[sflag:s14] =	ssyncadd.s32 $0xFFFFF800  }
0x37: {  	[spmem:s12] =	stream.linear.scatter [tilespmem:s16], [sflag:$0x11], $0x800, $0x38;
	[tilespmem:$0xB800] =	vst v63  }
0x38: {  	_ =	swait.ge [sflag:s14], $0x800  }
0x39: {  	[sflag:s14] =	ssyncset.done $0x0  }
0x3a: {  	s13 =	rddreg [dreg:$0x7];
	[sflag:s14] =	ssyncadd.s32 $0xFFFFF800  }
0x3b: {  	[spmem:s13] =	stream.linear.scatter [tilespmem:s16], [sflag:$0x11], $0x800, $0x38;
	[tilespmem:$0xB800] =	vst v63  }
0x3c: {  	_ =	swait.ge [sflag:s14], $0x800  }
0x3d: {  	[sflag:s14] =	ssyncset.done $0x0  }
0x3e: {  	s12 =	rddreg [dreg:$0x8];
	[sflag:s14] =	ssyncadd.s32 $0xFFFFF800  }
0x3f: {  	[spmem:s12] =	stream.linear.scatter [tilespmem:s16], [sflag:$0x11], $0x800, $0x38;
	[tilespmem:$0xB800] =	vst v63  }
0x40: {  	_ =	swait.ge [sflag:s14], $0x800  }
0x41: {  	[sflag:s14] =	ssyncset.done $0x0  }
0x42: {  	s13 =	rddreg [dreg:$0x9];
	[sflag:s14] =	ssyncadd.s32 $0xFFFFF800  }
0x43: {  	[spmem:s13] =	stream.linear.scatter [tilespmem:s16], [sflag:$0x11], $0x800, $0x38;
	[tilespmem:$0xB800] =	vst v63  }
0x44: {  	_ =	swait.ge [sflag:s14], $0x800  }
0x45: {  	[sflag:s14] =	ssyncset.done $0x0  }
0x46: {  	[sflag:s14] =	ssyncadd.s32 $0xFFFFF800  }
0x47: {  	s12 =	simm.s32 $0x0;
	[bflag:$0x0] =	sbarrier.arrive $0xFFFF  }
0x48: {  	[tilespmem:s16], [sflag:$0x1] =	stream.indirect.gather [hbm4b:s4+s17], $0x10, s12, s17, $0xb8;
	[tilespmem:$0xB800] =	vst v63  }
0x49: {  	_ = 	snop  }
0x4a: {  	[tilespmem:s18], [sflag:$0x2] =	stream.indirect.gather [hbm4b:s4+s17], $0x10, s17, s17, $0xb8;
	[tilespmem:$0xB800] =	vst v63  }
0x4b: {  	s13 =	simm.s32 $0x100  }
0x4c: {  	[tilespmem:s20], [sflag:$0x3] =	stream.indirect.gather [hbm4b:s4+s17], $0x10, s13, s17, $0xb8;
	[tilespmem:$0xB800] =	vst v63  }
0x4d: {  	s12 =	simm.s32 $0x180  }
0x4e: {  	[tilespmem:s22], [sflag:$0x4] =	stream.indirect.gather [hbm4b:s4+s17], $0x10, s12, s17, $0xb8;
	[tilespmem:$0xB800] =	vst v63  }
0x4f: {  	_ =	swait.ge [sflag:s23], $0x800  }
0x50: {  	[sflag:s23] =	ssyncset.done $0x0  }
0x51: {  	s13 =	simm.s32 $0x2800;
	[sflag:s23] =	ssyncadd.s32 $0xFFFFF800  }
0x52: {  	[spmem:s2] =	stream.indirect.scatter.add.f32 [tilespmem:s16], [sflag:$0x9], $0x10, s13, s17, $0xb8;
	[tilespmem:$0xB800] =	vst v63  }
0x53: {  	s12 =	simm.s32 $0x200  }
0x54: {  	[tilespmem:s25], [sflag:$0x5] =	stream.indirect.gather [hbm4b:s4+s17], $0x10, s12, s17, $0xb8;
	[tilespmem:$0xB800] =	vst v63  }
0x55: {  	_ =	swait.ge [sflag:s26], $0x800  }
0x56: {  	[sflag:s26] =	ssyncset.done $0x0  }
0x57: {  	s13 =	simm.s32 $0x2880;
	[sflag:s26] =	ssyncadd.s32 $0xFFFFF800  }
0x58: {  	[spmem:s2] =	stream.indirect.scatter.add.f32 [tilespmem:s18], [sflag:$0xA], $0x10, s13, s17, $0xb8;
	[tilespmem:$0xB800] =	vst v63  }
0x59: {  	s12 =	simm.s32 $0x280  }
0x5a: {  	[tilespmem:s30], [sflag:$0x6] =	stream.indirect.gather [hbm4b:s4+s17], $0x10, s12, s17, $0xb8;
	[tilespmem:$0xB800] =	vst v63  }
0x5b: {  	_ =	swait.ge [sflag:s31], $0x800  }
0x5c: {  	[sflag:s31] =	ssyncset.done $0x0  }
0x5d: {  	s13 =	simm.s32 $0x2900;
	[sflag:s31] =	ssyncadd.s32 $0xFFFFF800  }
0x5e: {  	[spmem:s2] =	stream.indirect.scatter.add.f32 [tilespmem:s20], [sflag:$0xB], $0x10, s13, s17, $0xb8;
	[tilespmem:$0xB800] =	vst v63  }
0x5f: {  	s12 =	simm.s32 $0x300  }
0x60: {  	[tilespmem:s21], [sflag:$0x7] =	stream.indirect.gather [hbm4b:s4+s17], $0x10, s12, s17, $0xb8;
	[tilespmem:$0xB800] =	vst v63  }
0x61: {  	_ =	swait.ge [sflag:s24], $0x800  }
0x62: {  	[sflag:s24] =	ssyncset.done $0x0  }
0x63: {  	s13 =	simm.s32 $0x2980;
	[sflag:s24] =	ssyncadd.s32 $0xFFFFF800  }
0x64: {  	[spmem:s2] =	stream.indirect.scatter.add.f32 [tilespmem:s22], [sflag:$0xC], $0x10, s13, s17, $0xb8;
	[tilespmem:$0xB800] =	vst v63  }
0x65: {  	s12 =	simm.s32 $0x380  }
0x66: {  	[tilespmem:s0], [sflag:$0x8] =	stream.indirect.gather [hbm4b:s4+s17], $0x10, s12, s17, $0xb8;
	[tilespmem:$0xB800] =	vst v63  }
0x67: {  	_ =	swait.ge [sflag:s19], $0x800  }
0x68: {  	[sflag:s19] =	ssyncset.done $0x0  }
0x69: {  	s13 =	simm.s32 $0x2A00;
	[sflag:s19] =	ssyncadd.s32 $0xFFFFF800  }
0x6a: {  	[spmem:s2] =	stream.indirect.scatter.add.f32 [tilespmem:s25], [sflag:$0xD], $0x10, s13, s17, $0xb8;
	[tilespmem:$0xB800] =	vst v63  }
0x6b: {  	_ =	swait.ge [sflag:s29], $0x800  }
0x6c: {  	[sflag:s29] =	ssyncset.done $0x0  }
0x6d: {  	s12 =	simm.s32 $0x400;
	[sflag:s29] =	ssyncadd.s32 $0xFFFFF800  }
0x6e: {  	[tilespmem:s16], [sflag:$0x1] =	stream.indirect.gather [hbm4b:s4+s17], $0x10, s12, s17, $0xb8;
	[tilespmem:$0xB800] =	vst v63  }
0x6f: {  	_ =	swait.ge [sflag:s1], $0x800  }
0x70: {  	[sflag:s1] =	ssyncset.done $0x0  }
0x71: {  	s13 =	simm.s32 $0x2A80;
	[sflag:s1] =	ssyncadd.s32 $0xFFFFF800  }
0x72: {  	[spmem:s2] =	stream.indirect.scatter.add.f32 [tilespmem:s30], [sflag:$0xE], $0x10, s13, s17, $0xb8;
	[tilespmem:$0xB800] =	vst v63  }
0x73: {  	_ =	swait.ge [sflag:s28], $0x800  }
0x74: {  	[sflag:s28] =	ssyncset.done $0x0  }
0x75: {  	s12 =	simm.s32 $0x480;
	[sflag:s28] =	ssyncadd.s32 $0xFFFFF800  }
0x76: {  	[tilespmem:s18], [sflag:$0x2] =	stream.indirect.gather [hbm4b:s4+s17], $0x10, s12, s17, $0xb8;
	[tilespmem:$0xB800] =	vst v63  }
0x77: {  	_ =	swait.ge [sflag:s3], $0x800  }
0x78: {  	[sflag:s3] =	ssyncset.done $0x0  }
0x79: {  	s13 =	simm.s32 $0x2B00;
	[sflag:s3] =	ssyncadd.s32 $0xFFFFF800  }
0x7a: {  	[spmem:s2] =	stream.indirect.scatter.add.f32 [tilespmem:s21], [sflag:$0xF], $0x10, s13, s17, $0xb8;
	[tilespmem:$0xB800] =	vst v63  }
0x7b: {  	_ =	swait.ge [sflag:s5], $0x800  }
0x7c: {  	[sflag:s5] =	ssyncset.done $0x0  }
0x7d: {  	s12 =	simm.s32 $0x500;
	[sflag:s5] =	ssyncadd.s32 $0xFFFFF800  }
0x7e: {  	[tilespmem:s20], [sflag:$0x3] =	stream.indirect.gather [hbm4b:s4+s17], $0x10, s12, s17, $0xb8;
	[tilespmem:$0xB800] =	vst v63  }
0x7f: {  	_ =	swait.ge [sflag:s6], $0x800  }
0x80: {  	[sflag:s6] =	ssyncset.done $0x0  }
0x81: {  	s13 =	simm.s32 $0x2B80;
	[sflag:s6] =	ssyncadd.s32 $0xFFFFF800  }
0x82: {  	[spmem:s2] =	stream.indirect.scatter.add.f32 [tilespmem:s0], [sflag:$0x10], $0x10, s13, s17, $0xb8;
	[tilespmem:$0xB800] =	vst v63  }
0x83: {  	_ =	swait.ge [sflag:s15], $0x800  }
0x84: {  	[sflag:s15] =	ssyncset.done $0x0  }
0x85: {  	s12 =	simm.s32 $0x580;
	[sflag:s15] =	ssyncadd.s32 $0xFFFFF800  }
0x86: {  	[tilespmem:s22], [sflag:$0x4] =	stream.indirect.gather [hbm4b:s4+s17], $0x10, s12, s17, $0xb8;
	[tilespmem:$0xB800] =	vst v63  }
0x87: {  	_ =	swait.ge [sflag:s23], $0x800  }
0x88: {  	[sflag:s23] =	ssyncset.done $0x0  }
0x89: {  	s13 =	simm.s32 $0x2C00;
	[sflag:s23] =	ssyncadd.s32 $0xFFFFF800  }
0x8a: {  	[spmem:s2] =	stream.indirect.scatter.add.f32 [tilespmem:s16], [sflag:$0x9], $0x10, s13, s17, $0xb8;
	[tilespmem:$0xB800] =	vst v63  }
0x8b: {  	_ =	swait.ge [sflag:s8], $0x800  }
0x8c: {  	[sflag:s8] =	ssyncset.done $0x0  }
0x8d: {  	s12 =	simm.s32 $0x600;
	[sflag:s8] =	ssyncadd.s32 $0xFFFFF800  }
0x8e: {  	[tilespmem:s25], [sflag:$0x5] =	stream.indirect.gather [hbm4b:s4+s17], $0x10, s12, s17, $0xb8;
	[tilespmem:$0xB800] =	vst v63  }
0x8f: {  	_ =	swait.ge [sflag:s26], $0x800  }
0x90: {  	[sflag:s26] =	ssyncset.done $0x0  }
0x91: {  	s13 =	simm.s32 $0x2C80;
	[sflag:s26] =	ssyncadd.s32 $0xFFFFF800  }
0x92: {  	[spmem:s2] =	stream.indirect.scatter.add.f32 [tilespmem:s18], [sflag:$0xA], $0x10, s13, s17, $0xb8;
	[tilespmem:$0xB800] =	vst v63  }
0x93: {  	_ =	swait.ge [sflag:s9], $0x800  }
0x94: {  	[sflag:s9] =	ssyncset.done $0x0  }
0x95: {  	s12 =	simm.s32 $0x680;
	[sflag:s9] =	ssyncadd.s32 $0xFFFFF800  }
0x96: {  	[tilespmem:s30], [sflag:$0x6] =	stream.indirect.gather [hbm4b:s4+s17], $0x10, s12, s17, $0xb8;
	[tilespmem:$0xB800] =	vst v63  }
0x97: {  	_ =	swait.ge [sflag:s31], $0x800  }
0x98: {  	[sflag:s31] =	ssyncset.done $0x0  }
0x99: {  	s13 =	simm.s32 $0x2D00;
	[sflag:s31] =	ssyncadd.s32 $0xFFFFF800  }
0x9a: {  	[spmem:s2] =	stream.indirect.scatter.add.f32 [tilespmem:s20], [sflag:$0xB], $0x10, s13, s17, $0xb8;
	[tilespmem:$0xB800] =	vst v63  }
0x9b: {  	_ =	swait.ge [sflag:s10], $0x800  }
0x9c: {  	[sflag:s10] =	ssyncset.done $0x0  }
0x9d: {  	s12 =	simm.s32 $0x700;
	[sflag:s10] =	ssyncadd.s32 $0xFFFFF800  }
0x9e: {  	[tilespmem:s21], [sflag:$0x7] =	stream.indirect.gather [hbm4b:s4+s17], $0x10, s12, s17, $0xb8;
	[tilespmem:$0xB800] =	vst v63  }
0x9f: {  	_ =	swait.ge [sflag:s24], $0x800  }
0xa0: {  	[sflag:s24] =	ssyncset.done $0x0  }
0xa1: {  	s13 =	simm.s32 $0x2D80;
	[sflag:s24] =	ssyncadd.s32 $0xFFFFF800  }
0xa2: {  	[spmem:s2] =	stream.indirect.scatter.add.f32 [tilespmem:s22], [sflag:$0xC], $0x10, s13, s17, $0xb8;
	[tilespmem:$0xB800] =	vst v63  }
0xa3: {  	_ =	swait.ge [sflag:s11], $0x800  }
0xa4: {  	[sflag:s11] =	ssyncset.done $0x0  }
0xa5: {  	s12 =	simm.s32 $0x780;
	[sflag:s11] =	ssyncadd.s32 $0xFFFFF800  }
0xa6: {  	[tilespmem:s0], [sflag:$0x8] =	stream.indirect.gather [hbm4b:s4+s17], $0x10, s12, s17, $0xb8;
	[tilespmem:$0xB800] =	vst v63  }
0xa7: {  	_ =	swait.ge [sflag:s19], $0x800  }
0xa8: {  	[sflag:s19] =	ssyncset.done $0x0  }
0xa9: {  	s13 =	simm.s32 $0x2E00;
	[sflag:s19] =	ssyncadd.s32 $0xFFFFF800  }
0xaa: {  	[spmem:s2] =	stream.indirect.scatter.add.f32 [tilespmem:s25], [sflag:$0xD], $0x10, s13, s17, $0xb8;
	[tilespmem:$0xB800] =	vst v63  }
0xab: {  	_ =	swait.ge [sflag:s29], $0x800  }
0xac: {  	[sflag:s29] =	ssyncset.done $0x0  }
0xad: {  	s12 =	simm.s32 $0x800;
	[sflag:s29] =	ssyncadd.s32 $0xFFFFF800  }
0xae: {  	[tilespmem:s16], [sflag:$0x1] =	stream.indirect.gather [hbm4b:s4+s17], $0x10, s12, s17, $0xb8;
	[tilespmem:$0xB800] =	vst v63  }
0xaf: {  	_ =	swait.ge [sflag:s1], $0x800  }
0xb0: {  	[sflag:s1] =	ssyncset.done $0x0  }
0xb1: {  	s13 =	simm.s32 $0x2E80;
	[sflag:s1] =	ssyncadd.s32 $0xFFFFF800  }
0xb2: {  	[spmem:s2] =	stream.indirect.scatter.add.f32 [tilespmem:s30], [sflag:$0xE], $0x10, s13, s17, $0xb8;
	[tilespmem:$0xB800] =	vst v63  }
0xb3: {  	_ =	swait.ge [sflag:s28], $0x800  }
0xb4: {  	[sflag:s28] =	ssyncset.done $0x0  }
0xb5: {  	s12 =	simm.s32 $0x880;
	[sflag:s28] =	ssyncadd.s32 $0xFFFFF800  }
0xb6: {  	[tilespmem:s18], [sflag:$0x2] =	stream.indirect.gather [hbm4b:s4+s17], $0x10, s12, s17, $0xb8;
	[tilespmem:$0xB800] =	vst v63  }
0xb7: {  	_ =	swait.ge [sflag:s3], $0x800  }
0xb8: {  	[sflag:s3] =	ssyncset.done $0x0  }
0xb9: {  	s13 =	simm.s32 $0x2F00;
	[sflag:s3] =	ssyncadd.s32 $0xFFFFF800  }
0xba: {  	[spmem:s2] =	stream.indirect.scatter.add.f32 [tilespmem:s21], [sflag:$0xF], $0x10, s13, s17, $0xb8;
	[tilespmem:$0xB800] =	vst v63  }
0xbb: {  	_ =	swait.ge [sflag:s5], $0x800  }
0xbc: {  	[sflag:s5] =	ssyncset.done $0x0  }
0xbd: {  	s12 =	simm.s32 $0x900;
	[sflag:s5] =	ssyncadd.s32 $0xFFFFF800  }
0xbe: {  	[tilespmem:s20], [sflag:$0x3] =	stream.indirect.gather [hbm4b:s4+s17], $0x10, s12, s17, $0xb8;
	[tilespmem:$0xB800] =	vst v63  }
0xbf: {  	_ =	swait.ge [sflag:s6], $0x800  }
0xc0: {  	[sflag:s6] =	ssyncset.done $0x0  }
0xc1: {  	s13 =	simm.s32 $0x2F80;
	[sflag:s6] =	ssyncadd.s32 $0xFFFFF800  }
0xc2: {  	[spmem:s2] =	stream.indirect.scatter.add.f32 [tilespmem:s0], [sflag:$0x10], $0x10, s13, s17, $0xb8;
	[tilespmem:$0xB800] =	vst v63  }
0xc3: {  	_ =	swait.ge [sflag:s15], $0x800  }
0xc4: {  	[sflag:s15] =	ssyncset.done $0x0  }
0xc5: {  	s7 =	simm.s32 $0x980;
	s13 =	simm.s32 $0x1000;
	[sflag:s15] =	ssyncadd.s32 $0xFFFFF800  }
.LBB2_4:
0xc6: {  	[tilespmem:s22], [sflag:$0x4] =	stream.indirect.gather [hbm4b:s4+s17], $0x10, s7, s17, $0xb8;
	[tilespmem:$0xB800] =	vst v63  }
0xc7: {  	s7 =	smov.u32 s13  }
0xc8: {  	p0 =	sne.s32 s13, $0x7000;
	s13 =	sadd.s32 $0x1000, s13;
	_ =	swait.ge [sflag:s23], $0x800  }
0xc9: {  	s7 =	sshra.s32 s7, $0x2;
	[sflag:s23] =	ssyncset.done $0x0  }
0xca: {  	s12 =	sadd.s32 $0x2C00, s7;
	[sflag:s23] =	ssyncadd.s32 $0xFFFFF800  }
0xcb: {  	[spmem:s2] =	stream.indirect.scatter.add.f32 [tilespmem:s16], [sflag:$0x9], $0x10, s12, s17, $0xb8;
	[tilespmem:$0xB800] =	vst v63  }
0xcc: {  	_ =	swait.ge [sflag:s8], $0x800  }
0xcd: {  	[sflag:s8] =	ssyncset.done $0x0  }
0xce: {  	s12 =	sadd.s32 $0x600, s7;
	[sflag:s8] =	ssyncadd.s32 $0xFFFFF800  }
0xcf: {  	[tilespmem:s25], [sflag:$0x5] =	stream.indirect.gather [hbm4b:s4+s17], $0x10, s12, s17, $0xb8;
	[tilespmem:$0xB800] =	vst v63  }
0xd0: {  	_ =	swait.ge [sflag:s26], $0x800  }
0xd1: {  	[sflag:s26] =	ssyncset.done $0x0  }
0xd2: {  	s12 =	sadd.s32 $0x2C80, s7;
	[sflag:s26] =	ssyncadd.s32 $0xFFFFF800  }
0xd3: {  	[spmem:s2] =	stream.indirect.scatter.add.f32 [tilespmem:s18], [sflag:$0xA], $0x10, s12, s17, $0xb8;
	[tilespmem:$0xB800] =	vst v63  }
0xd4: {  	_ =	swait.ge [sflag:s9], $0x800  }
0xd5: {  	[sflag:s9] =	ssyncset.done $0x0  }
0xd6: {  	s12 =	sadd.s32 $0x680, s7;
	[sflag:s9] =	ssyncadd.s32 $0xFFFFF800  }
0xd7: {  	[tilespmem:s30], [sflag:$0x6] =	stream.indirect.gather [hbm4b:s4+s17], $0x10, s12, s17, $0xb8;
	[tilespmem:$0xB800] =	vst v63  }
0xd8: {  	_ =	swait.ge [sflag:s31], $0x800  }
0xd9: {  	[sflag:s31] =	ssyncset.done $0x0  }
0xda: {  	s12 =	sadd.s32 $0x2D00, s7;
	[sflag:s31] =	ssyncadd.s32 $0xFFFFF800  }
0xdb: {  	[spmem:s2] =	stream.indirect.scatter.add.f32 [tilespmem:s20], [sflag:$0xB], $0x10, s12, s17, $0xb8;
	[tilespmem:$0xB800] =	vst v63  }
0xdc: {  	_ =	swait.ge [sflag:s10], $0x800  }
0xdd: {  	[sflag:s10] =	ssyncset.done $0x0  }
0xde: {  	s12 =	sadd.s32 $0x700, s7;
	[sflag:s10] =	ssyncadd.s32 $0xFFFFF800  }
0xdf: {  	[tilespmem:s21], [sflag:$0x7] =	stream.indirect.gather [hbm4b:s4+s17], $0x10, s12, s17, $0xb8;
	[tilespmem:$0xB800] =	vst v63  }
0xe0: {  	_ =	swait.ge [sflag:s24], $0x800  }
0xe1: {  	[sflag:s24] =	ssyncset.done $0x0  }
0xe2: {  	s12 =	sadd.s32 $0x2D80, s7;
	[sflag:s24] =	ssyncadd.s32 $0xFFFFF800  }
0xe3: {  	[spmem:s2] =	stream.indirect.scatter.add.f32 [tilespmem:s22], [sflag:$0xC], $0x10, s12, s17, $0xb8;
	[tilespmem:$0xB800] =	vst v63  }
0xe4: {  	_ =	swait.ge [sflag:s11], $0x800  }
0xe5: {  	[sflag:s11] =	ssyncset.done $0x0  }
0xe6: {  	s12 =	sadd.s32 $0x780, s7;
	[sflag:s11] =	ssyncadd.s32 $0xFFFFF800  }
0xe7: {  	[tilespmem:s0], [sflag:$0x8] =	stream.indirect.gather [hbm4b:s4+s17], $0x10, s12, s17, $0xb8;
	[tilespmem:$0xB800] =	vst v63  }
0xe8: {  	_ =	swait.ge [sflag:s19], $0x800  }
0xe9: {  	[sflag:s19] =	ssyncset.done $0x0  }
0xea: {  	s12 =	sadd.s32 $0x2E00, s7;
	[sflag:s19] =	ssyncadd.s32 $0xFFFFF800  }
0xeb: {  	[spmem:s2] =	stream.indirect.scatter.add.f32 [tilespmem:s25], [sflag:$0xD], $0x10, s12, s17, $0xb8;
	[tilespmem:$0xB800] =	vst v63  }
0xec: {  	_ =	swait.ge [sflag:s29], $0x800  }
0xed: {  	[sflag:s29] =	ssyncset.done $0x0  }
0xee: {  	s12 =	sadd.s32 $0x800, s7;
	[sflag:s29] =	ssyncadd.s32 $0xFFFFF800  }
0xef: {  	[tilespmem:s16], [sflag:$0x1] =	stream.indirect.gather [hbm4b:s4+s17], $0x10, s12, s17, $0xb8;
	[tilespmem:$0xB800] =	vst v63  }
0xf0: {  	_ =	swait.ge [sflag:s1], $0x800  }
0xf1: {  	[sflag:s1] =	ssyncset.done $0x0  }
0xf2: {  	s12 =	sadd.s32 $0x2E80, s7;
	[sflag:s1] =	ssyncadd.s32 $0xFFFFF800  }
0xf3: {  	[spmem:s2] =	stream.indirect.scatter.add.f32 [tilespmem:s30], [sflag:$0xE], $0x10, s12, s17, $0xb8;
	[tilespmem:$0xB800] =	vst v63  }
0xf4: {  	_ =	swait.ge [sflag:s28], $0x800  }
0xf5: {  	[sflag:s28] =	ssyncset.done $0x0  }
0xf6: {  	s12 =	sadd.s32 $0x880, s7;
	[sflag:s28] =	ssyncadd.s32 $0xFFFFF800  }
0xf7: {  	[tilespmem:s18], [sflag:$0x2] =	stream.indirect.gather [hbm4b:s4+s17], $0x10, s12, s17, $0xb8;
	[tilespmem:$0xB800] =	vst v63  }
0xf8: {  	_ =	swait.ge [sflag:s3], $0x800  }
0xf9: {  	[sflag:s3] =	ssyncset.done $0x0  }
0xfa: {  	s12 =	sadd.s32 $0x2F00, s7;
	[sflag:s3] =	ssyncadd.s32 $0xFFFFF800  }
0xfb: {  	[spmem:s2] =	stream.indirect.scatter.add.f32 [tilespmem:s21], [sflag:$0xF], $0x10, s12, s17, $0xb8;
	[tilespmem:$0xB800] =	vst v63  }
0xfc: {  	_ =	swait.ge [sflag:s5], $0x800  }
0xfd: {  	[sflag:s5] =	ssyncset.done $0x0  }
0xfe: {  	s12 =	sadd.s32 $0x900, s7;
	[sflag:s5] =	ssyncadd.s32 $0xFFFFF800  }
0xff: {  	[tilespmem:s20], [sflag:$0x3] =	stream.indirect.gather [hbm4b:s4+s17], $0x10, s12, s17, $0xb8;
	[tilespmem:$0xB800] =	vst v63  }
0x100: {  	_ =	swait.ge [sflag:s6], $0x800  }
0x101: {  	[sflag:s6] =	ssyncset.done $0x0  }
.Ltmp1:
0x102: {  	s12 =	sadd.s32 $0x2F80, s7;
	[sflag:s6] =	ssyncadd.s32 $0xFFFFF800;
	(pc) =	sbr.rel @p0 .LBB2_4-.Ltmp1, $4  }
0x103: {  	[spmem:s2] =	stream.indirect.scatter.add.f32 [tilespmem:s0], [sflag:$0x10], $0x10, s12, s17, $0xb8;
	[tilespmem:$0xB800] =	vst v63  }
0x104: {  	_ =	swait.ge [sflag:s15], $0x800  }
0x105: {  	[sflag:s15] =	ssyncset.done $0x0  }
0x106: {  	s7 =	sadd.s32 $0x980, s7;
	[sflag:s15] =	ssyncadd.s32 $0xFFFFF800  }
0x107: {  	[tilespmem:s22], [sflag:$0x4] =	stream.indirect.gather [hbm4b:s4+s17], $0x10, s7, s17, $0xb8;
	[tilespmem:$0xB800] =	vst v63  }
0x108: {  	_ =	swait.ge [sflag:s23], $0x800  }
0x109: {  	[sflag:s23] =	ssyncset.done $0x0  }
0x10a: {  	s13 =	simm.s32 $0x4C00;
	[sflag:s23] =	ssyncadd.s32 $0xFFFFF800  }
0x10b: {  	[spmem:s2] =	stream.indirect.scatter.add.f32 [tilespmem:s16], [sflag:$0x9], $0x10, s13, s17, $0xb8;
	[tilespmem:$0xB800] =	vst v63  }
0x10c: {  	_ =	swait.ge [sflag:s8], $0x800  }
0x10d: {  	[sflag:s8] =	ssyncset.done $0x0  }
0x10e: {  	s12 =	simm.s32 $0x2600;
	[sflag:s8] =	ssyncadd.s32 $0xFFFFF800  }
0x10f: {  	[tilespmem:s25], [sflag:$0x5] =	stream.indirect.gather [hbm4b:s4+s17], $0x10, s12, s17, $0xb8;
	[tilespmem:$0xB800] =	vst v63  }
0x110: {  	_ =	swait.ge [sflag:s26], $0x800  }
0x111: {  	[sflag:s26] =	ssyncset.done $0x0  }
0x112: {  	s13 =	simm.s32 $0x4C80;
	[sflag:s26] =	ssyncadd.s32 $0xFFFFF800  }
0x113: {  	[spmem:s2] =	stream.indirect.scatter.add.f32 [tilespmem:s18], [sflag:$0xA], $0x10, s13, s17, $0xb8;
	[tilespmem:$0xB800] =	vst v63  }
0x114: {  	_ =	swait.ge [sflag:s9], $0x800  }
0x115: {  	[sflag:s9] =	ssyncset.done $0x0  }
0x116: {  	s12 =	simm.s32 $0x2680;
	[sflag:s9] =	ssyncadd.s32 $0xFFFFF800  }
0x117: {  	[tilespmem:s30], [sflag:$0x6] =	stream.indirect.gather [hbm4b:s4+s17], $0x10, s12, s17, $0xb8;
	[tilespmem:$0xB800] =	vst v63  }
0x118: {  	_ =	swait.ge [sflag:s31], $0x800  }
0x119: {  	[sflag:s31] =	ssyncset.done $0x0  }
0x11a: {  	s13 =	simm.s32 $0x4D00;
	[sflag:s31] =	ssyncadd.s32 $0xFFFFF800  }
0x11b: {  	[spmem:s2] =	stream.indirect.scatter.add.f32 [tilespmem:s20], [sflag:$0xB], $0x10, s13, s17, $0xb8;
	[tilespmem:$0xB800] =	vst v63  }
0x11c: {  	_ =	swait.ge [sflag:s10], $0x800  }
0x11d: {  	[sflag:s10] =	ssyncset.done $0x0  }
0x11e: {  	s12 =	simm.s32 $0x2700;
	[sflag:s10] =	ssyncadd.s32 $0xFFFFF800  }
0x11f: {  	[tilespmem:s21], [sflag:$0x7] =	stream.indirect.gather [hbm4b:s4+s17], $0x10, s12, s17, $0xb8;
	[tilespmem:$0xB800] =	vst v63  }
0x120: {  	_ =	swait.ge [sflag:s24], $0x800  }
0x121: {  	[sflag:s24] =	ssyncset.done $0x0  }
0x122: {  	s13 =	simm.s32 $0x4D80;
	[sflag:s24] =	ssyncadd.s32 $0xFFFFF800  }
0x123: {  	[spmem:s2] =	stream.indirect.scatter.add.f32 [tilespmem:s22], [sflag:$0xC], $0x10, s13, s17, $0xb8;
	[tilespmem:$0xB800] =	vst v63  }
0x124: {  	_ =	swait.ge [sflag:s11], $0x800  }
0x125: {  	[sflag:s11] =	ssyncset.done $0x0  }
0x126: {  	s12 =	simm.s32 $0x2780;
	[sflag:s11] =	ssyncadd.s32 $0xFFFFF800  }
0x127: {  	[tilespmem:s0], [sflag:$0x8] =	stream.indirect.gather [hbm4b:s4+s17], $0x10, s12, s17, $0xb8;
	[tilespmem:$0xB800] =	vst v63  }
0x128: {  	_ =	swait.ge [sflag:s19], $0x800  }
0x129: {  	[sflag:s19] =	ssyncset.done $0x0  }
0x12a: {  	s13 =	simm.s32 $0x4E00;
	[sflag:s19] =	ssyncadd.s32 $0xFFFFF800  }
0x12b: {  	[spmem:s2] =	stream.indirect.scatter.add.f32 [tilespmem:s25], [sflag:$0xD], $0x10, s13, s17, $0xb8;
	[tilespmem:$0xB800] =	vst v63  }
0x12c: {  	_ =	swait.ge [sflag:s29], $0x800  }
0x12d: {  	[sflag:s29] =	ssyncset.done $0x0  }
0x12e: {  	[sflag:s29] =	ssyncadd.s32 $0xFFFFF800  }
0x12f: {  	_ =	swait.ge [sflag:s1], $0x800  }
0x130: {  	[sflag:s1] =	ssyncset.done $0x0  }
0x131: {  	s12 =	simm.s32 $0x4E80;
	[sflag:s1] =	ssyncadd.s32 $0xFFFFF800  }
0x132: {  	[spmem:s2] =	stream.indirect.scatter.add.f32 [tilespmem:s30], [sflag:$0xE], $0x10, s12, s17, $0xb8;
	[tilespmem:$0xB800] =	vst v63  }
0x133: {  	_ =	swait.ge [sflag:s28], $0x800  }
0x134: {  	[sflag:s28] =	ssyncset.done $0x0  }
0x135: {  	[sflag:s28] =	ssyncadd.s32 $0xFFFFF800  }
0x136: {  	_ =	swait.ge [sflag:s3], $0x800  }
0x137: {  	[sflag:s3] =	ssyncset.done $0x0  }
0x138: {  	s13 =	simm.s32 $0x4F00;
	[sflag:s3] =	ssyncadd.s32 $0xFFFFF800  }
0x139: {  	[spmem:s2] =	stream.indirect.scatter.add.f32 [tilespmem:s21], [sflag:$0xF], $0x10, s13, s17, $0xb8;
	[tilespmem:$0xB800] =	vst v63  }
0x13a: {  	_ =	swait.ge [sflag:s5], $0x800  }
0x13b: {  	[sflag:s5] =	ssyncset.done $0x0  }
0x13c: {  	[sflag:s5] =	ssyncadd.s32 $0xFFFFF800  }
0x13d: {  	_ =	swait.ge [sflag:s6], $0x800  }
0x13e: {  	[sflag:s6] =	ssyncset.done $0x0  }
0x13f: {  	s12 =	simm.s32 $0x4F80;
	[sflag:s6] =	ssyncadd.s32 $0xFFFFF800  }
0x140: {  	[spmem:s2] =	stream.indirect.scatter.add.f32 [tilespmem:s0], [sflag:$0x10], $0x10, s12, s17, $0xb8;
	[tilespmem:$0xB800] =	vst v63  }
0x141: {  	_ =	swait.ge [sflag:s15], $0x800  }
0x142: {  	[sflag:s15] =	ssyncset.done $0x0  }
0x143: {  	[sflag:s15] =	ssyncadd.s32 $0xFFFFF800  }
0x144: {  	_ =	swait.ge [sflag:s8], $0x800  }
0x145: {  	[sflag:s8] =	ssyncset.done $0x0  }
0x146: {  	[sflag:s8] =	ssyncadd.s32 $0xFFFFF800  }
0x147: {  	_ =	swait.ge [sflag:s9], $0x800  }
0x148: {  	[sflag:s9] =	ssyncset.done $0x0  }
0x149: {  	[sflag:s9] =	ssyncadd.s32 $0xFFFFF800  }
0x14a: {  	_ =	swait.ge [sflag:s10], $0x800  }
0x14b: {  	[sflag:s10] =	ssyncset.done $0x0  }
0x14c: {  	[sflag:s10] =	ssyncadd.s32 $0xFFFFF800  }
0x14d: {  	_ =	swait.ge [sflag:s11], $0x800  }
0x14e: {  	[sflag:s11] =	ssyncset.done $0x0  }
0x14f: {  	[sflag:s11] =	ssyncadd.s32 $0xFFFFF800  }
0x150: {  	s13 =	stileid.u32;
	[bflag:$0x0] =	sbarrier.arrive $0xFFFF  }
0x151: {  	s7 =	sshll.u32 s13, $0x6;
	s12 =	rddreg [dreg:$0x5]  }
0x152: {  	s7 =	sor.u32 $0x1C11, s7;
	s13 =	rddreg [dreg:$0xa];
	s12 =	sshrl.u32 s12, $0x3  }
0x153: {  	[hbm:s13], [sflag:s7] =	dma.local [spmem:s12], $0x500  }
0x154: {  	_ =	swait.ge [sflag:s14], $0x500  }
0x155: {  	s7 =	rddreg [dreg:$0xc]  }
0x156: {  	s13 =	rddreg [dreg:$0xb];
	s12 =	sadd.s32 $0x1, s7  }
0x157: {  	p0 =	sne.s32 s12, s13  }
.Ltmp2:
0x158: {  	_ = 	snop;
	(pc) =	sbr.rel @p0 .LBB2_1-.Ltmp2, $3  }
0x159: {  	_ =	sdelay $0x1  }
0x15a: {  	[sflag:s14] =	ssyncset.done $0x0  }
0x15b: {  	[sflag:s14] =	ssyncadd.s32 $0xFFFFFB00  }
0x15c: {  	_ =	sfence.sel $0x180000  }
0x15d: {  	[bflag:$0x0] =	sbarrier.arrive $0xFFFF  }
0x15e: {  	_ =	strace $0x9000004A  }
0x15f: {  	s0 =	stileid.u32;
	[bflag:$0x2] =	sbarrier.arrive $0xFFFF  }
0x160: {  	p0 =	sne.s32 s0, $0x0;
	s0 =	rddreg [dreg:$0x2]  }
0x161: {  	s0 =	sadd.s32 @!p0 $0x100000, s0  }
0x162: {  	[sflag:s0] =	ssyncadd.tile.s32 @!p0 $0x1;
	_ =	shalt  }
.Lfunc_end2:
_tile_overlayer_lowered:
.L_overlay_start_2:
0x163: {  	(tag) =	ssettag $0x2  }
0x164: {  	s0 =	rddreg [dreg:$0x0];
	s2 =	stileid.u32  }
0x165: {  	s1 =	rddreg [dreg:$0x1];
	p0 =	sne.s32 s2, $0x0  }
0x166: {  	s3 =	rddreg [dreg:$0x2];
	[bflag:$0x3] =	sbarrier.arrive $0xFFFF;
	s2 =	simm.s32 @!p0 $0x1C11  }
0x167: {  	[timem:s3], [sflag:s2] =	dma.local @!p0 [hbm:s0], s1  }
0x168: {  	s0 =	simm.s32 @!p0 $0x11  }
0x169: {  	_ =	swait.ge @!p0 [sflag:s0], s1  }
0x16a: {  	s1 =	ssub.s32 @!p0 $0x0, s1;
	[sflag:s0] =	ssyncset.done @!p0 $0x0  }
0x16b: {  	[sflag:s0] =	ssyncadd.s32 @!p0 s1  }
0x16c: {  	[bflag:$0x3] =	sbarrier.arrive $0xFFFF  }
0x16d: {  	_ =	shalt  }

// kernel: kernel.14.cloned.1.call-start
scs
__scs_entry_jumppad:
0x0: {  	(pc) =	sbr.rel $0x88, $3  }
0x1: {  	(tag) =	ssettag $0x0;
	lr =	simm.s32 $0x1  }
0x2: {  	[smem:$0x3F9A] =	sst lr;
	_ =	strace $0xD0000000  }
0x3: {  	_ = 	snop  }
0x4: {  	_ = 	snop  }
0x5: {  	_ = 	snop  }
0x6: {  	_ = 	snop  }
0x7: {  	_ = 	snop  }
__scs_overlays_trampoline_lowered:
0x8: {  	[smem:$0x3FA9] =	sst s0  }
0x9: {  	[smem:$0x3FAA] =	sst s1  }
0xa: {  	[smem:$0x3FAB] =	sst s2  }
0xb: {  	[smem:$0x3FAC] =	sst s3  }
0xc: {  	[smem:$0x3FAD] =	sst s4  }
0xd: {  	[smem:$0x3FAE] =	sst s5  }
0xe: {  	[smem:$0x3FAF] =	sst s6  }
0xf: {  	[smem:$0x3FB0] =	sst s7  }
0x10: {  	[smem:$0x3FB1] =	sst s8  }
0x11: {  	[smem:$0x3FB2] =	sst s9;
	s0 =	simm.s32 @!p0 $0x0  }
0x12: {  	s1 =	sld [smem:$0x3F98];
	s0 =	simm.s32 @p0 $0x1  }
0x13: {  	[smem:$0x3FB3] =	sst s0;
	s0 =	simm.s32 @!p1 $0x0  }
0x14: {  	s2 =	sld [smem:$0x3F97];
	s0 =	simm.s32 @p1 $0x1  }
0x15: {  	[smem:$0x3FB4] =	sst s0;
	s0 =	simm.s32 @!p2 $0x0  }
0x16: {  	s3 =	sld [smem:$0x3FDB];
	s0 =	simm.s32 @p2 $0x1  }
0x17: {  	s4 =	simm.s32 $0x1BF5;
	[smem:$0x3FB6] =	sst s0  }
0x18: {  	s0 =	sld [smem:$0x3F99];
	_ =	swait.ge [sflag:s4], $0x0  }
0x19: {  	s7 =	sld [smem:$0x3F9A]  }
0x1a: {  	s8 =	sadd.s32 $0xFFFFE003, lr  }
0x1b: {  	s9 =	sadd.s32 $0xFFFFFEF7, lr;
	s5 =	simm.s32 $0xFFFFFFFF;
	p2 =	slt.u32 s8, $0xFFFFF086  }
0x1c: {  	p1 =	slt.u32 s9, $0xF7A;
	s5 =	simm.s32 @!p2 $0x0  }
0x1d: {  	s5 =	simm.s32 @p1 $0x1;
	p0 =	seq.s32 s7, s2  }
0x1e: {  	s7 =	smul.u32 @!p0 $0xF7A, s2;
	p2 =	seq.s32 @!p0 s5, $0x0  }
0x1f: {  	s9 =	smul.u32 $0xF7A, s1;
	s8 =	simm.s32 @!p0 $0x1BF5;
	p2 =	por !p2, p0  }
0x20: {  	[sflag:s8] =	ssyncset.s32 @!p0 $0xFFFFF086;
	s6 =	sadd.s32 @!p0 s3, s7;
	s7 =	simm.s32 @!p0 $0x108  }
0x21: {  	s3 =	sadd.s32 s3, s9;
	s6 =	sadd.s32 @!p0 $0x88, s6;
	s7 =	simm.s32 @p2 $0x1082  }
0x22: {  	[simem:s7], [sflag:s8] =	dma.local @!p0 [hbm:s6], $0xF7A  }
0x23: {  	s9 =	sor.u32 $0xD0000000, s2;
	s6 =	simm.s32 $0x108;
	_ =	swait.ge @!p0 [sflag:s8], $0x0  }
0x24: {  	s3 =	sadd.s32 $0x88, s3;
	s6 =	simm.s32 @!p1 $0x1082;
	[sflag:s4] =	ssyncset.s32 $0xFFFFF086  }
0x25: {  	[simem:s6], [sflag:s4] =	dma.local [hbm:s3], $0xF7A  }
0x26: {  	[smem:$0x3F9A] =	sst s1;
	(tag) =	ssettag s2;
	_ =	strace s9  }
0x27: {  	s1 =	sld [smem:$0x3FAA]  }
0x28: {  	s2 =	sld [smem:$0x3FAB]  }
0x29: {  	s4 =	sld [smem:$0x3FAD]  }
0x2a: {  	p0 =	seq.s32 s5, $0x0;
	s5 =	sld [smem:$0x3FAE]  }
0x2b: {  	s6 =	sld [smem:$0x3FAF]  }
0x2c: {  	s7 =	sld [smem:$0x3FB0]  }
0x2d: {  	s3 =	simm.s32 $0x108;
	s8 =	sld [smem:$0x3FB1]  }
0x2e: {  	s3 =	simm.s32 @!p0 $0x1082;
	s9 =	sld [smem:$0x3FB2]  }
0x2f: {  	lr =	sadd.s32 s0, s3;
	s0 =	sld [smem:$0x3FA9]  }
0x30: {  	s3 =	sld [smem:$0x3FAC]  }
0x31: {  	[smem:$0x3FB5] =	sst s10  }
0x32: {  	s10 =	sld [smem:$0x3FB3];
	_ =	sdelay $0x3  }
0x33: {  	p0 =	seq.s32 s10, $0x1;
	s10 =	sld [smem:$0x3FB5];
	_ =	sdelay $0x3  }
0x34: {  	[smem:$0x3FB5] =	sst s10  }
0x35: {  	s10 =	sld [smem:$0x3FB4];
	_ =	sdelay $0x3  }
0x36: {  	p1 =	seq.s32 s10, $0x1;
	s10 =	sld [smem:$0x3FB5];
	_ =	sdelay $0x3  }
0x37: {  	[smem:$0x3FB5] =	sst s10  }
0x38: {  	s10 =	sld [smem:$0x3FB6]  }
0x39: {  	_ = 	snop;
	(pc) =	sbr.ind lr, $3  }
0x3a: {  	_ = 	snop  }
0x3b: {  	_ = 	snop  }
0x3c: {  	p2 =	seq.s32 s10, $0x1;
	s10 =	sld [smem:$0x3FB5]  }
0x3d: {  	_ =	shalt  }
0x3e: {  	_ =	shalt  }
0x3f: {  	_ =	shalt  }
0x40: {  	_ =	shalt  }
0x41: {  	_ =	shalt  }
0x42: {  	_ =	shalt  }
0x43: {  	_ =	shalt  }
0x44: {  	_ =	shalt  }
0x45: {  	_ =	shalt  }
0x46: {  	_ =	shalt  }
0x47: {  	_ =	shalt  }
0x48: {  	_ =	shalt  }
0x49: {  	_ =	shalt  }
0x4a: {  	_ =	shalt  }
0x4b: {  	_ =	shalt  }
0x4c: {  	_ =	shalt  }
0x4d: {  	_ =	shalt  }
0x4e: {  	_ =	shalt  }
0x4f: {  	_ =	shalt  }
0x50: {  	_ =	shalt  }
0x51: {  	_ =	shalt  }
0x52: {  	_ =	shalt  }
0x53: {  	_ =	shalt  }
0x54: {  	_ =	shalt  }
0x55: {  	_ =	shalt  }
0x56: {  	_ =	shalt  }
0x57: {  	_ =	shalt  }
0x58: {  	_ =	shalt  }
0x59: {  	_ =	shalt  }
0x5a: {  	_ =	shalt  }
0x5b: {  	_ =	shalt  }
0x5c: {  	_ =	shalt  }
0x5d: {  	_ =	shalt  }
0x5e: {  	_ =	shalt  }
0x5f: {  	_ =	shalt  }
0x60: {  	_ =	shalt  }
0x61: {  	_ =	shalt  }
0x62: {  	_ =	shalt  }
0x63: {  	_ =	shalt  }
0x64: {  	_ =	shalt  }
0x65: {  	_ =	shalt  }
0x66: {  	_ =	shalt  }
0x67: {  	_ =	shalt  }
0x68: {  	_ =	shalt  }
0x69: {  	_ =	shalt  }
0x6a: {  	_ =	shalt  }
0x6b: {  	_ =	shalt  }
0x6c: {  	_ =	shalt  }
0x6d: {  	_ =	shalt  }
0x6e: {  	_ =	shalt  }
0x6f: {  	_ =	shalt  }
0x70: {  	_ =	shalt  }
0x71: {  	_ =	shalt  }
0x72: {  	_ =	shalt  }
0x73: {  	_ =	shalt  }
0x74: {  	_ =	shalt  }
0x75: {  	_ =	shalt  }
0x76: {  	_ =	shalt  }
0x77: {  	_ =	shalt  }
0x78: {  	_ =	shalt  }
0x79: {  	_ =	shalt  }
0x7a: {  	_ =	shalt  }
0x7b: {  	_ =	shalt  }
0x7c: {  	_ =	shalt  }
0x7d: {  	_ =	shalt  }
0x7e: {  	_ =	shalt  }
0x7f: {  	_ =	shalt  }
0x80: {  	_ =	shalt  }
0x81: {  	_ =	shalt  }
0x82: {  	_ =	shalt  }
0x83: {  	_ =	shalt  }
0x84: {  	_ =	shalt  }
0x85: {  	_ =	shalt  }
0x86: {  	_ =	shalt  }
0x87: {  	_ =	shalt  }
.Lfunc_end0:
.L_simem_size_0:
called_computation.2_lowered:
.L_overlay_start_0:
0x88: {  	s2 =	sld [smem:$0x3FD9]  }
0x89: {  	s3 =	sld [smem:$0x3FFE];
	_ =	sdelay $0x1  }
0x8a: {  	s1 =	srdreg.scid  }
0x8b: {  	s0 =	sand.u32 $0x1, s1  }
0x8c: {  	s16 =	sshll.u32 s0, $0xA;
	s2 =	sadd.s32 s3, s2  }
0x8d: {  	s2 =	sadd.s32 s2, s16  }
0x8e: {  	[smem:$0x3FC1] =	sst s2  }
0x8f: {  	_ = 	snop  }
0x90: {  	(tm) =	ssettm $0x1  }
0x91: {  	s17 =	sld [smem:$0x3FFB];
	_ =	sdelay $0x3  }
0x92: {  	_ =	strace s17  }
0x93: {  	s2 =	sld [smem:$0x3FFC];
	_ =	sdelay $0x3  }
0x94: {  	_ =	strace s2  }
0x95: {  	s2 =	sld [smem:$0x3FFD];
	_ =	sdelay $0x3  }
0x96: {  	_ =	strace s2  }
0x97: {  	_ =	strace $0x8FFFFFFF  }
0x98: {  	s18 =	sld [smem:$0x3FDB];
	_ =	sdelay $0x1  }
0x99: {  	s19 =	simm.s32 $_scs_section_size  }
0x9a: {  	s4 =	simm.s32 $_size__tile_overlayer_lowered;
	s5 =	simm.s32 $_tile_overlayer_lowered  }
0x9b: {  	s22 =	simm.s32 $0x1BFF;
	s21 =	sshll.u32 s5, $0x1;
	s2 =	sadd.s32 s19, s18  }
0x9c: {  	s6 =	simm.s32 $0x0;
	s20 =	sshll.u32 s4, $0x1;
	s4 =	sadd.s32 s21, s2  }
0x9d: {  	[timem:s6], [sflag:s22] =	dma.local [hbm:s4], s20  }
0x9e: {  	_ =	swait.ge [sflag:s22], s20  }
0x9f: {  	s3 =	ssub.s32 $0x0, s20;
	[sflag:s22] =	ssyncset.done $0x0  }
0xa0: {  	[sflag:s22] =	ssyncadd.s32 s3;
	_ =	sdelay $0x1  }
0xa1: {  	s23 =	simm.s32 $0x1B8B  }
0xa2: {  	_ =	swait.ge [sflag:s23], $0x1  }
0xa3: {  	[sflag:s23] =	ssyncset.done $0x0  }
0xa4: {  	s25 =	simm.s32 $0x1B8E;
	s24 =	sld [smem:$0x3FFE];
	[sflag:s23] =	ssyncadd.s32 $0xFFFFFFFF  }
0xa5: {  	s26 =	simm.s32 $execute0_lowered;
	[smem:$0x3FD2] =	sst s25  }
0xa6: {  	s4 =	sshll.u32 s26, $0x1;
	_ =	strace $0x8000004C;
	[dreg:$0x1] =	wrdreg $0xFFFFFFFF  }
0xa7: {  	s28 =	simm.s32 $_size_execute0_lowered;
	s2 =	sadd.s32 s2, s4;
	[dreg:$0x0] =	wrdreg $0x0  }
0xa8: {  	s4 =	sshll.u32 s28, $0x1;
	[dreg:$0x2] =	wrdreg s2  }
0xa9: {  	[dreg:$0x3] =	wrdreg s4  }
0xaa: {  	[dreg:$0x4] =	wrdreg $0xC0  }
0xab: {  	_ =	task [dreg:s6], $0x5FFFF  }
0xac: {  	[dreg:$0x1] =	wrdreg $0xFFFFFFFF  }
0xad: {  	[dreg:$0x0] =	wrdreg $0x60  }
0xae: {  	[dreg:$0x2] =	wrdreg s24  }
0xaf: {  	[dreg:$0x3] =	wrdreg $0x90000  }
0xb0: {  	[dreg:$0x4] =	wrdreg $0x9  }
0xb1: {  	_ =	task.clear_ibuf [dreg:s6], $0x5FFFF;
	_ =	strace $0x9000004C  }
0xb2: {  	s29 =	simm.s32 $0x9;
	_ =	strace $0x8000004E  }
0xb3: {  	_ =	swait.ge [sflag:s29], $0x1  }
0xb4: {  	[sflag:s29] =	ssyncadd.s32 $0xFFFFFFFF  }
0xb5: {  	_ =	strace $0x9000004E  }
0xb6: {  	_ =	sfence  }
0xb7: {  	s30 =	sld [smem:$0x0];
	_ =	sdelay $0x2  }
0xb8: {  	s31 =	sshll.u32 s1, $0xD;
	s1 =	sshrl.u32 s1, $0x2  }
0xb9: {  	s3 =	sand.u32 $0x4000, s31;
	s1 =	sadd.s32 s1, s30  }
0xba: {  	s0 =	sor.u32 s3, s0;
	s1 =	sshll.u32 s1, $0x11  }
0xbb: {  	s0 =	sor.u32 s1, s0  }
0xbc: {  	s0 =	sadd.s32 $0x8F2B, s0  }
0xbd: {  	[sflag:s0] =	ssyncadd.remote.s32 $0x1  }
0xbe: {  	_ =	sfence.sel $0xFFFF  }
0xbf: {  	[dreg:$0x0] =	wrdreg $0xFFFFFFFF;
	(pc) =	sbr.abs _section_cstart, $3  }
0xc0: {  	[dreg:$0x1] =	wrdreg $0xFFFFFFFF  }
0xc1: {  	_ =	task.clear_ibuf [dreg:s6], $0x2FFFF;
	_ =	strace $0x9FFFFFFF  }
0xc2: {  	(tm) =	ssettm $0x7FFFFFFF  }
0xc3: {  	_ =	shalt  }
tec
execute0_lowered:
.L_overlay_start_1:
0x0: {  	(tag) =	ssettag $0x1  }
0x1: {  	s0 =	rddreg [dreg:$0x0]  }
0x2: {  	s2 =	rddreg [dreg:$0x1];
	s1 =	srdreg.scid  }
0x3: {  	s7 =	stileid.u32;
	s4 =	simm.s32 $0x0;
	s14 =	simm.s32 $0x11  }
0x4: {  	s16 =	simm.s32 $0x5000;
	s17 =	simm.s32 $0x80;
	s18 =	simm.s32 $0x5800  }
0x5: {  	s30 =	simm.s32 $0x7800;
	s31 =	simm.s32 $0x3;
	s29 =	simm.s32 $0x9  }
0x6: {  	s28 =	simm.s32 $0xA;
	s15 =	simm.s32 $0xC;
	s8 =	simm.s32 $0xD  }
0x7: {  	s9 =	simm.s32 $0xE;
	s10 =	simm.s32 $0xF;
	s11 =	simm.s32 $0x10  }
0x8: {  	s12 =	simm.s32 $0x0;
	s1 =	sand.u32 $0x1, s1;
	s3 =	smul.u32 $0x2800, s7  }
0x9: {  	[smem:$0x7FF] =	sst s4;
	s19 =	sshll.u32 s7, $0x1;
	s7 =	smul.u32 $0xA000, s7  }
0xa: {  	s4 =	sadd.s32 $0xC200, s0;
	s5 =	smul.u32 $0x28000, s1;
	_ =	strace $0x8000004D  }
0xb: {  	s6 =	sor.u32 s1, s19;
	s1 =	ssub.s32 $0x2, s1;
	s19 =	simm.s32 $0x5  }
0xc: {  	s6 =	smul.u32 $0x500, s6;
	s20 =	sshrl.u32 s1, $0x1;
	s22 =	sshrl.u32 s7, $0x2  }
0xd: {  	s5 =	sadd.s32 s3, s5;
	s1 =	ssub.s32 s1, s20;
	s3 =	sadd.s32 s3, s2  }
0xe: {  	s23 =	sadd.s32 s22, s2;
	s20 =	simm.s32 $0x6000;
	s22 =	simm.s32 $0x6800  }
0xf: {  	s5 =	sshrl.u32 s5, $0x3;
	[dreg:$0x5] =	wrdreg s3;
	s24 =	sadd.s32 $0x1000, s23  }
0x10: {  	s6 =	sadd.s32 s6, s0;
	s25 =	sadd.s32 $0x1800, s23;
	[dreg:$0x7] =	wrdreg s24  }
0x11: {  	s3 =	sadd.s32 $0x2000, s23;
	s26 =	smax.u32 s1, $0x1;
	[dreg:$0x8] =	wrdreg s25  }
0x12: {  	s1 =	simm.s32 $0x6;
	s0 =	sadd.s32 s5, s0;
	[dreg:$0x9] =	wrdreg s3  }
0x13: {  	s21 =	sadd.s32 $0x20200, s6;
	s6 =	sadd.s32 $0x2200, s6;
	[dreg:$0xb] =	wrdreg s26  }
0x14: {  	s5 =	sadd.s32 $0x800, s23;
	s23 =	simm.s32 $0x1;
	[dreg:$0x3] =	wrdreg s21  }
0x15: {  	s25 =	simm.s32 $0x7000;
	s26 =	simm.s32 $0x2;
	[dreg:$0x4] =	wrdreg s6  }
0x16: {  	s24 =	simm.s32 $0x4;
	s3 =	simm.s32 $0x7;
	[dreg:$0x6] =	wrdreg s5  }
0x17: {  	s0 =	sadd.s32 $0x11200, s0;
	s21 =	simm.s32 $0x8000;
	s5 =	simm.s32 $0xB  }
0x18: {  	v0 =	vimm.f32 $0.0e+00;
	s6 =	simm.s32 $0x8;
	[dreg:$0xa] =	wrdreg s0;
	s0 =	simm.s32 $0x8800  }
.LBB2_1:
0x19: {  	[dreg:$0xc] =	wrdreg s12  }
0x1a: {  	s7 =	simm.s32 $0x0;
	s13 =	rddreg [dreg:$0x3]  }
0x1b: {  	[tilespmem:s7], [sflag:$0x11] =	stream.linear.gather [hbm4b:s13+s7], $0x2800, $0x38;
	[tilespmem:$0xB800] =	vst v63  }
0x1c: {  	_ =	swait.ge [sflag:s14], $0x2800  }
0x1d: {  	[sflag:s14] =	ssyncset.done $0x0  }
0x1e: {  	s13 =	simm.s32 $0x2800;
	s12 =	rddreg [dreg:$0x4];
	[sflag:s14] =	ssyncadd.s32 $0xFFFFD800  }
0x1f: {  	[tilespmem:s13], [sflag:$0x11] =	stream.linear.gather [hbm4b:s12+s7], $0x2800, $0x38;
	[tilespmem:$0xB800] =	vst v63  }
0x20: {  	_ =	swait.ge [sflag:s14], $0x2800  }
0x21: {  	[sflag:s14] =	ssyncset.done $0x0  }
0x22: {  	s7 =	simm.s32 $0x5040;
	[sflag:s14] =	ssyncadd.s32 $0xFFFFD800  }
0x23: {  	[tilespmem:s7+$0xFFFFFFC0] =	vst v0  }
0x24: {  	[tilespmem:s7+$0x30] =	vst v0  }
0x25: {  	[tilespmem:s7+$0x20] =	vst v0  }
0x26: {  	[tilespmem:s7+$0x10] =	vst v0  }
0x27: {  	[tilespmem:s7+$0x0] =	vst v0  }
0x28: {  	[tilespmem:s7+$0xFFFFFFF0] =	vst v0  }
0x29: {  	s13 =	simm.s32 $0x0;
	[tilespmem:s7+$0xFFFFFFE0] =	vst v0  }
.LBB2_2:
0x2a: {  	s13 =	sadd.s32 $0x8, s13;
	[tilespmem:s7+$0xFFFFFFD0] =	vst v0;
	s7 =	sadd.s32 $0x80, s7  }
0x2b: {  	[tilespmem:s7+$0xFFFFFFC0] =	vst v0;
	p0 =	slt.u32 s13, $0x78  }
0x2c: {  	[tilespmem:s7+$0x30] =	vst v0  }
.Ltmp0:
0x2d: {  	[tilespmem:s7+$0x20] =	vst v0;
	(pc) =	sbr.rel @p0 .LBB2_2-.Ltmp0, $4  }
0x2e: {  	[tilespmem:s7+$0x10] =	vst v0  }
0x2f: {  	[tilespmem:s7+$0x0] =	vst v0  }
0x30: {  	[tilespmem:s7+$0xFFFFFFF0] =	vst v0  }
0x31: {  	[tilespmem:s7+$0xFFFFFFE0] =	vst v0  }
0x32: {  	[tilespmem:s7+$0xFFFFFFD0] =	vst v0;
	s13 =	rddreg [dreg:$0x5]  }
0x33: {  	[spmem:s13] =	stream.linear.scatter [tilespmem:s16], [sflag:$0x11], $0x800, $0x38;
	[tilespmem:$0xB800] =	vst v63  }
0x34: {  	_ =	swait.ge [sflag:s14], $0x800  }
0x35: {  	[sflag:s14] =	ssyncset.done $0x0  }
0x36: {  	s12 =	rddreg [dreg:$0x6];
	[sflag:s14] =	ssyncadd.s32 $0xFFFFF800  }
0x37: {  	[spmem:s12] =	stream.linear.scatter [tilespmem:s16], [sflag:$0x11], $0x800, $0x38;
	[tilespmem:$0xB800] =	vst v63  }
0x38: {  	_ =	swait.ge [sflag:s14], $0x800  }
0x39: {  	[sflag:s14] =	ssyncset.done $0x0  }
0x3a: {  	s13 =	rddreg [dreg:$0x7];
	[sflag:s14] =	ssyncadd.s32 $0xFFFFF800  }
0x3b: {  	[spmem:s13] =	stream.linear.scatter [tilespmem:s16], [sflag:$0x11], $0x800, $0x38;
	[tilespmem:$0xB800] =	vst v63  }
0x3c: {  	_ =	swait.ge [sflag:s14], $0x800  }
0x3d: {  	[sflag:s14] =	ssyncset.done $0x0  }
0x3e: {  	s12 =	rddreg [dreg:$0x8];
	[sflag:s14] =	ssyncadd.s32 $0xFFFFF800  }
0x3f: {  	[spmem:s12] =	stream.linear.scatter [tilespmem:s16], [sflag:$0x11], $0x800, $0x38;
	[tilespmem:$0xB800] =	vst v63  }
0x40: {  	_ =	swait.ge [sflag:s14], $0x800  }
0x41: {  	[sflag:s14] =	ssyncset.done $0x0  }
0x42: {  	s13 =	rddreg [dreg:$0x9];
	[sflag:s14] =	ssyncadd.s32 $0xFFFFF800  }
0x43: {  	[spmem:s13] =	stream.linear.scatter [tilespmem:s16], [sflag:$0x11], $0x800, $0x38;
	[tilespmem:$0xB800] =	vst v63  }
0x44: {  	_ =	swait.ge [sflag:s14], $0x800  }
0x45: {  	[sflag:s14] =	ssyncset.done $0x0  }
0x46: {  	[sflag:s14] =	ssyncadd.s32 $0xFFFFF800  }
0x47: {  	s12 =	simm.s32 $0x0;
	[bflag:$0x0] =	sbarrier.arrive $0xFFFF  }
0x48: {  	[tilespmem:s16], [sflag:$0x1] =	stream.indirect.gather [hbm4b:s4+s17], $0x10, s12, s17, $0xb8;
	[tilespmem:$0xB800] =	vst v63  }
0x49: {  	_ = 	snop  }
0x4a: {  	[tilespmem:s18], [sflag:$0x2] =	stream.indirect.gather [hbm4b:s4+s17], $0x10, s17, s17, $0xb8;
	[tilespmem:$0xB800] =	vst v63  }
0x4b: {  	s13 =	simm.s32 $0x100  }
0x4c: {  	[tilespmem:s20], [sflag:$0x3] =	stream.indirect.gather [hbm4b:s4+s17], $0x10, s13, s17, $0xb8;
	[tilespmem:$0xB800] =	vst v63  }
0x4d: {  	s12 =	simm.s32 $0x180  }
0x4e: {  	[tilespmem:s22], [sflag:$0x4] =	stream.indirect.gather [hbm4b:s4+s17], $0x10, s12, s17, $0xb8;
	[tilespmem:$0xB800] =	vst v63  }
0x4f: {  	_ =	swait.ge [sflag:s23], $0x800  }
0x50: {  	[sflag:s23] =	ssyncset.done $0x0  }
0x51: {  	s13 =	simm.s32 $0x2800;
	[sflag:s23] =	ssyncadd.s32 $0xFFFFF800  }
0x52: {  	[spmem:s2] =	stream.indirect.scatter.add.f32 [tilespmem:s16], [sflag:$0x9], $0x10, s13, s17, $0xb8;
	[tilespmem:$0xB800] =	vst v63  }
0x53: {  	s12 =	simm.s32 $0x200  }
0x54: {  	[tilespmem:s25], [sflag:$0x5] =	stream.indirect.gather [hbm4b:s4+s17], $0x10, s12, s17, $0xb8;
	[tilespmem:$0xB800] =	vst v63  }
0x55: {  	_ =	swait.ge [sflag:s26], $0x800  }
0x56: {  	[sflag:s26] =	ssyncset.done $0x0  }
0x57: {  	s13 =	simm.s32 $0x2880;
	[sflag:s26] =	ssyncadd.s32 $0xFFFFF800  }
0x58: {  	[spmem:s2] =	stream.indirect.scatter.add.f32 [tilespmem:s18], [sflag:$0xA], $0x10, s13, s17, $0xb8;
	[tilespmem:$0xB800] =	vst v63  }
0x59: {  	s12 =	simm.s32 $0x280  }
0x5a: {  	[tilespmem:s30], [sflag:$0x6] =	stream.indirect.gather [hbm4b:s4+s17], $0x10, s12, s17, $0xb8;
	[tilespmem:$0xB800] =	vst v63  }
0x5b: {  	_ =	swait.ge [sflag:s31], $0x800  }
0x5c: {  	[sflag:s31] =	ssyncset.done $0x0  }
0x5d: {  	s13 =	simm.s32 $0x2900;
	[sflag:s31] =	ssyncadd.s32 $0xFFFFF800  }
0x5e: {  	[spmem:s2] =	stream.indirect.scatter.add.f32 [tilespmem:s20], [sflag:$0xB], $0x10, s13, s17, $0xb8;
	[tilespmem:$0xB800] =	vst v63  }
0x5f: {  	s12 =	simm.s32 $0x300  }
0x60: {  	[tilespmem:s21], [sflag:$0x7] =	stream.indirect.gather [hbm4b:s4+s17], $0x10, s12, s17, $0xb8;
	[tilespmem:$0xB800] =	vst v63  }
0x61: {  	_ =	swait.ge [sflag:s24], $0x800  }
0x62: {  	[sflag:s24] =	ssyncset.done $0x0  }
0x63: {  	s13 =	simm.s32 $0x2980;
	[sflag:s24] =	ssyncadd.s32 $0xFFFFF800  }
0x64: {  	[spmem:s2] =	stream.indirect.scatter.add.f32 [tilespmem:s22], [sflag:$0xC], $0x10, s13, s17, $0xb8;
	[tilespmem:$0xB800] =	vst v63  }
0x65: {  	s12 =	simm.s32 $0x380  }
0x66: {  	[tilespmem:s0], [sflag:$0x8] =	stream.indirect.gather [hbm4b:s4+s17], $0x10, s12, s17, $0xb8;
	[tilespmem:$0xB800] =	vst v63  }
0x67: {  	_ =	swait.ge [sflag:s19], $0x800  }
0x68: {  	[sflag:s19] =	ssyncset.done $0x0  }
0x69: {  	s13 =	simm.s32 $0x2A00;
	[sflag:s19] =	ssyncadd.s32 $0xFFFFF800  }
0x6a: {  	[spmem:s2] =	stream.indirect.scatter.add.f32 [tilespmem:s25], [sflag:$0xD], $0x10, s13, s17, $0xb8;
	[tilespmem:$0xB800] =	vst v63  }
0x6b: {  	_ =	swait.ge [sflag:s29], $0x800  }
0x6c: {  	[sflag:s29] =	ssyncset.done $0x0  }
0x6d: {  	s12 =	simm.s32 $0x400;
	[sflag:s29] =	ssyncadd.s32 $0xFFFFF800  }
0x6e: {  	[tilespmem:s16], [sflag:$0x1] =	stream.indirect.gather [hbm4b:s4+s17], $0x10, s12, s17, $0xb8;
	[tilespmem:$0xB800] =	vst v63  }
0x6f: {  	_ =	swait.ge [sflag:s1], $0x800  }
0x70: {  	[sflag:s1] =	ssyncset.done $0x0  }
0x71: {  	s13 =	simm.s32 $0x2A80;
	[sflag:s1] =	ssyncadd.s32 $0xFFFFF800  }
0x72: {  	[spmem:s2] =	stream.indirect.scatter.add.f32 [tilespmem:s30], [sflag:$0xE], $0x10, s13, s17, $0xb8;
	[tilespmem:$0xB800] =	vst v63  }
0x73: {  	_ =	swait.ge [sflag:s28], $0x800  }
0x74: {  	[sflag:s28] =	ssyncset.done $0x0  }
0x75: {  	s12 =	simm.s32 $0x480;
	[sflag:s28] =	ssyncadd.s32 $0xFFFFF800  }
0x76: {  	[tilespmem:s18], [sflag:$0x2] =	stream.indirect.gather [hbm4b:s4+s17], $0x10, s12, s17, $0xb8;
	[tilespmem:$0xB800] =	vst v63  }
0x77: {  	_ =	swait.ge [sflag:s3], $0x800  }
0x78: {  	[sflag:s3] =	ssyncset.done $0x0  }
0x79: {  	s13 =	simm.s32 $0x2B00;
	[sflag:s3] =	ssyncadd.s32 $0xFFFFF800  }
0x7a: {  	[spmem:s2] =	stream.indirect.scatter.add.f32 [tilespmem:s21], [sflag:$0xF], $0x10, s13, s17, $0xb8;
	[tilespmem:$0xB800] =	vst v63  }
0x7b: {  	_ =	swait.ge [sflag:s5], $0x800  }
0x7c: {  	[sflag:s5] =	ssyncset.done $0x0  }
0x7d: {  	s12 =	simm.s32 $0x500;
	[sflag:s5] =	ssyncadd.s32 $0xFFFFF800  }
0x7e: {  	[tilespmem:s20], [sflag:$0x3] =	stream.indirect.gather [hbm4b:s4+s17], $0x10, s12, s17, $0xb8;
	[tilespmem:$0xB800] =	vst v63  }
0x7f: {  	_ =	swait.ge [sflag:s6], $0x800  }
0x80: {  	[sflag:s6] =	ssyncset.done $0x0  }
0x81: {  	s13 =	simm.s32 $0x2B80;
	[sflag:s6] =	ssyncadd.s32 $0xFFFFF800  }
0x82: {  	[spmem:s2] =	stream.indirect.scatter.add.f32 [tilespmem:s0], [sflag:$0x10], $0x10, s13, s17, $0xb8;
	[tilespmem:$0xB800] =	vst v63  }
0x83: {  	_ =	swait.ge [sflag:s15], $0x800  }
0x84: {  	[sflag:s15] =	ssyncset.done $0x0  }
0x85: {  	s12 =	simm.s32 $0x580;
	[sflag:s15] =	ssyncadd.s32 $0xFFFFF800  }
0x86: {  	[tilespmem:s22], [sflag:$0x4] =	stream.indirect.gather [hbm4b:s4+s17], $0x10, s12, s17, $0xb8;
	[tilespmem:$0xB800] =	vst v63  }
0x87: {  	_ =	swait.ge [sflag:s23], $0x800  }
0x88: {  	[sflag:s23] =	ssyncset.done $0x0  }
0x89: {  	s13 =	simm.s32 $0x2C00;
	[sflag:s23] =	ssyncadd.s32 $0xFFFFF800  }
0x8a: {  	[spmem:s2] =	stream.indirect.scatter.add.f32 [tilespmem:s16], [sflag:$0x9], $0x10, s13, s17, $0xb8;
	[tilespmem:$0xB800] =	vst v63  }
0x8b: {  	_ =	swait.ge [sflag:s8], $0x800  }
0x8c: {  	[sflag:s8] =	ssyncset.done $0x0  }
0x8d: {  	s12 =	simm.s32 $0x600;
	[sflag:s8] =	ssyncadd.s32 $0xFFFFF800  }
0x8e: {  	[tilespmem:s25], [sflag:$0x5] =	stream.indirect.gather [hbm4b:s4+s17], $0x10, s12, s17, $0xb8;
	[tilespmem:$0xB800] =	vst v63  }
0x8f: {  	_ =	swait.ge [sflag:s26], $0x800  }
0x90: {  	[sflag:s26] =	ssyncset.done $0x0  }
0x91: {  	s13 =	simm.s32 $0x2C80;
	[sflag:s26] =	ssyncadd.s32 $0xFFFFF800  }
0x92: {  	[spmem:s2] =	stream.indirect.scatter.add.f32 [tilespmem:s18], [sflag:$0xA], $0x10, s13, s17, $0xb8;
	[tilespmem:$0xB800] =	vst v63  }
0x93: {  	_ =	swait.ge [sflag:s9], $0x800  }
0x94: {  	[sflag:s9] =	ssyncset.done $0x0  }
0x95: {  	s12 =	simm.s32 $0x680;
	[sflag:s9] =	ssyncadd.s32 $0xFFFFF800  }
0x96: {  	[tilespmem:s30], [sflag:$0x6] =	stream.indirect.gather [hbm4b:s4+s17], $0x10, s12, s17, $0xb8;
	[tilespmem:$0xB800] =	vst v63  }
0x97: {  	_ =	swait.ge [sflag:s31], $0x800  }
0x98: {  	[sflag:s31] =	ssyncset.done $0x0  }
0x99: {  	s13 =	simm.s32 $0x2D00;
	[sflag:s31] =	ssyncadd.s32 $0xFFFFF800  }
0x9a: {  	[spmem:s2] =	stream.indirect.scatter.add.f32 [tilespmem:s20], [sflag:$0xB], $0x10, s13, s17, $0xb8;
	[tilespmem:$0xB800] =	vst v63  }
0x9b: {  	_ =	swait.ge [sflag:s10], $0x800  }
0x9c: {  	[sflag:s10] =	ssyncset.done $0x0  }
0x9d: {  	s12 =	simm.s32 $0x700;
	[sflag:s10] =	ssyncadd.s32 $0xFFFFF800  }
0x9e: {  	[tilespmem:s21], [sflag:$0x7] =	stream.indirect.gather [hbm4b:s4+s17], $0x10, s12, s17, $0xb8;
	[tilespmem:$0xB800] =	vst v63  }
0x9f: {  	_ =	swait.ge [sflag:s24], $0x800  }
0xa0: {  	[sflag:s24] =	ssyncset.done $0x0  }
0xa1: {  	s13 =	simm.s32 $0x2D80;
	[sflag:s24] =	ssyncadd.s32 $0xFFFFF800  }
0xa2: {  	[spmem:s2] =	stream.indirect.scatter.add.f32 [tilespmem:s22], [sflag:$0xC], $0x10, s13, s17, $0xb8;
	[tilespmem:$0xB800] =	vst v63  }
0xa3: {  	_ =	swait.ge [sflag:s11], $0x800  }
0xa4: {  	[sflag:s11] =	ssyncset.done $0x0  }
0xa5: {  	s12 =	simm.s32 $0x780;
	[sflag:s11] =	ssyncadd.s32 $0xFFFFF800  }
0xa6: {  	[tilespmem:s0], [sflag:$0x8] =	stream.indirect.gather [hbm4b:s4+s17], $0x10, s12, s17, $0xb8;
	[tilespmem:$0xB800] =	vst v63  }
0xa7: {  	_ =	swait.ge [sflag:s19], $0x800  }
0xa8: {  	[sflag:s19] =	ssyncset.done $0x0  }
0xa9: {  	s13 =	simm.s32 $0x2E00;
	[sflag:s19] =	ssyncadd.s32 $0xFFFFF800  }
0xaa: {  	[spmem:s2] =	stream.indirect.scatter.add.f32 [tilespmem:s25], [sflag:$0xD], $0x10, s13, s17, $0xb8;
	[tilespmem:$0xB800] =	vst v63  }
0xab: {  	_ =	swait.ge [sflag:s29], $0x800  }
0xac: {  	[sflag:s29] =	ssyncset.done $0x0  }
0xad: {  	s12 =	simm.s32 $0x800;
	[sflag:s29] =	ssyncadd.s32 $0xFFFFF800  }
0xae: {  	[tilespmem:s16], [sflag:$0x1] =	stream.indirect.gather [hbm4b:s4+s17], $0x10, s12, s17, $0xb8;
	[tilespmem:$0xB800] =	vst v63  }
0xaf: {  	_ =	swait.ge [sflag:s1], $0x800  }
0xb0: {  	[sflag:s1] =	ssyncset.done $0x0  }
0xb1: {  	s13 =	simm.s32 $0x2E80;
	[sflag:s1] =	ssyncadd.s32 $0xFFFFF800  }
0xb2: {  	[spmem:s2] =	stream.indirect.scatter.add.f32 [tilespmem:s30], [sflag:$0xE], $0x10, s13, s17, $0xb8;
	[tilespmem:$0xB800] =	vst v63  }
0xb3: {  	_ =	swait.ge [sflag:s28], $0x800  }
0xb4: {  	[sflag:s28] =	ssyncset.done $0x0  }
0xb5: {  	s12 =	simm.s32 $0x880;
	[sflag:s28] =	ssyncadd.s32 $0xFFFFF800  }
0xb6: {  	[tilespmem:s18], [sflag:$0x2] =	stream.indirect.gather [hbm4b:s4+s17], $0x10, s12, s17, $0xb8;
	[tilespmem:$0xB800] =	vst v63  }
0xb7: {  	_ =	swait.ge [sflag:s3], $0x800  }
0xb8: {  	[sflag:s3] =	ssyncset.done $0x0  }
0xb9: {  	s13 =	simm.s32 $0x2F00;
	[sflag:s3] =	ssyncadd.s32 $0xFFFFF800  }
0xba: {  	[spmem:s2] =	stream.indirect.scatter.add.f32 [tilespmem:s21], [sflag:$0xF], $0x10, s13, s17, $0xb8;
	[tilespmem:$0xB800] =	vst v63  }
0xbb: {  	_ =	swait.ge [sflag:s5], $0x800  }
0xbc: {  	[sflag:s5] =	ssyncset.done $0x0  }
0xbd: {  	s12 =	simm.s32 $0x900;
	[sflag:s5] =	ssyncadd.s32 $0xFFFFF800  }
0xbe: {  	[tilespmem:s20], [sflag:$0x3] =	stream.indirect.gather [hbm4b:s4+s17], $0x10, s12, s17, $0xb8;
	[tilespmem:$0xB800] =	vst v63  }
0xbf: {  	_ =	swait.ge [sflag:s6], $0x800  }
0xc0: {  	[sflag:s6] =	ssyncset.done $0x0  }
0xc1: {  	s13 =	simm.s32 $0x2F80;
	[sflag:s6] =	ssyncadd.s32 $0xFFFFF800  }
0xc2: {  	[spmem:s2] =	stream.indirect.scatter.add.f32 [tilespmem:s0], [sflag:$0x10], $0x10, s13, s17, $0xb8;
	[tilespmem:$0xB800] =	vst v63  }
0xc3: {  	_ =	swait.ge [sflag:s15], $0x800  }
0xc4: {  	[sflag:s15] =	ssyncset.done $0x0  }
0xc5: {  	s7 =	simm.s32 $0x980;
	s13 =	simm.s32 $0x1000;
	[sflag:s15] =	ssyncadd.s32 $0xFFFFF800  }
.LBB2_4:
0xc6: {  	[tilespmem:s22], [sflag:$0x4] =	stream.indirect.gather [hbm4b:s4+s17], $0x10, s7, s17, $0xb8;
	[tilespmem:$0xB800] =	vst v63  }
0xc7: {  	s7 =	smov.u32 s13  }
0xc8: {  	p0 =	sne.s32 s13, $0x7000;
	s13 =	sadd.s32 $0x1000, s13;
	_ =	swait.ge [sflag:s23], $0x800  }
0xc9: {  	s7 =	sshra.s32 s7, $0x2;
	[sflag:s23] =	ssyncset.done $0x0  }
0xca: {  	s12 =	sadd.s32 $0x2C00, s7;
	[sflag:s23] =	ssyncadd.s32 $0xFFFFF800  }
0xcb: {  	[spmem:s2] =	stream.indirect.scatter.add.f32 [tilespmem:s16], [sflag:$0x9], $0x10, s12, s17, $0xb8;
	[tilespmem:$0xB800] =	vst v63  }
0xcc: {  	_ =	swait.ge [sflag:s8], $0x800  }
0xcd: {  	[sflag:s8] =	ssyncset.done $0x0  }
0xce: {  	s12 =	sadd.s32 $0x600, s7;
	[sflag:s8] =	ssyncadd.s32 $0xFFFFF800  }
0xcf: {  	[tilespmem:s25], [sflag:$0x5] =	stream.indirect.gather [hbm4b:s4+s17], $0x10, s12, s17, $0xb8;
	[tilespmem:$0xB800] =	vst v63  }
0xd0: {  	_ =	swait.ge [sflag:s26], $0x800  }
0xd1: {  	[sflag:s26] =	ssyncset.done $0x0  }
0xd2: {  	s12 =	sadd.s32 $0x2C80, s7;
	[sflag:s26] =	ssyncadd.s32 $0xFFFFF800  }
0xd3: {  	[spmem:s2] =	stream.indirect.scatter.add.f32 [tilespmem:s18], [sflag:$0xA], $0x10, s12, s17, $0xb8;
	[tilespmem:$0xB800] =	vst v63  }
0xd4: {  	_ =	swait.ge [sflag:s9], $0x800  }
0xd5: {  	[sflag:s9] =	ssyncset.done $0x0  }
0xd6: {  	s12 =	sadd.s32 $0x680, s7;
	[sflag:s9] =	ssyncadd.s32 $0xFFFFF800  }
0xd7: {  	[tilespmem:s30], [sflag:$0x6] =	stream.indirect.gather [hbm4b:s4+s17], $0x10, s12, s17, $0xb8;
	[tilespmem:$0xB800] =	vst v63  }
0xd8: {  	_ =	swait.ge [sflag:s31], $0x800  }
0xd9: {  	[sflag:s31] =	ssyncset.done $0x0  }
0xda: {  	s12 =	sadd.s32 $0x2D00, s7;
	[sflag:s31] =	ssyncadd.s32 $0xFFFFF800  }
0xdb: {  	[spmem:s2] =	stream.indirect.scatter.add.f32 [tilespmem:s20], [sflag:$0xB], $0x10, s12, s17, $0xb8;
	[tilespmem:$0xB800] =	vst v63  }
0xdc: {  	_ =	swait.ge [sflag:s10], $0x800  }
0xdd: {  	[sflag:s10] =	ssyncset.done $0x0  }
0xde: {  	s12 =	sadd.s32 $0x700, s7;
	[sflag:s10] =	ssyncadd.s32 $0xFFFFF800  }
0xdf: {  	[tilespmem:s21], [sflag:$0x7] =	stream.indirect.gather [hbm4b:s4+s17], $0x10, s12, s17, $0xb8;
	[tilespmem:$0xB800] =	vst v63  }
0xe0: {  	_ =	swait.ge [sflag:s24], $0x800  }
0xe1: {  	[sflag:s24] =	ssyncset.done $0x0  }
0xe2: {  	s12 =	sadd.s32 $0x2D80, s7;
	[sflag:s24] =	ssyncadd.s32 $0xFFFFF800  }
0xe3: {  	[spmem:s2] =	stream.indirect.scatter.add.f32 [tilespmem:s22], [sflag:$0xC], $0x10, s12, s17, $0xb8;
	[tilespmem:$0xB800] =	vst v63  }
0xe4: {  	_ =	swait.ge [sflag:s11], $0x800  }
0xe5: {  	[sflag:s11] =	ssyncset.done $0x0  }
0xe6: {  	s12 =	sadd.s32 $0x780, s7;
	[sflag:s11] =	ssyncadd.s32 $0xFFFFF800  }
0xe7: {  	[tilespmem:s0], [sflag:$0x8] =	stream.indirect.gather [hbm4b:s4+s17], $0x10, s12, s17, $0xb8;
	[tilespmem:$0xB800] =	vst v63  }
0xe8: {  	_ =	swait.ge [sflag:s19], $0x800  }
0xe9: {  	[sflag:s19] =	ssyncset.done $0x0  }
0xea: {  	s12 =	sadd.s32 $0x2E00, s7;
	[sflag:s19] =	ssyncadd.s32 $0xFFFFF800  }
0xeb: {  	[spmem:s2] =	stream.indirect.scatter.add.f32 [tilespmem:s25], [sflag:$0xD], $0x10, s12, s17, $0xb8;
	[tilespmem:$0xB800] =	vst v63  }
0xec: {  	_ =	swait.ge [sflag:s29], $0x800  }
0xed: {  	[sflag:s29] =	ssyncset.done $0x0  }
0xee: {  	s12 =	sadd.s32 $0x800, s7;
	[sflag:s29] =	ssyncadd.s32 $0xFFFFF800  }
0xef: {  	[tilespmem:s16], [sflag:$0x1] =	stream.indirect.gather [hbm4b:s4+s17], $0x10, s12, s17, $0xb8;
	[tilespmem:$0xB800] =	vst v63  }
0xf0: {  	_ =	swait.ge [sflag:s1], $0x800  }
0xf1: {  	[sflag:s1] =	ssyncset.done $0x0  }
0xf2: {  	s12 =	sadd.s32 $0x2E80, s7;
	[sflag:s1] =	ssyncadd.s32 $0xFFFFF800  }
0xf3: {  	[spmem:s2] =	stream.indirect.scatter.add.f32 [tilespmem:s30], [sflag:$0xE], $0x10, s12, s17, $0xb8;
	[tilespmem:$0xB800] =	vst v63  }
0xf4: {  	_ =	swait.ge [sflag:s28], $0x800  }
0xf5: {  	[sflag:s28] =	ssyncset.done $0x0  }
0xf6: {  	s12 =	sadd.s32 $0x880, s7;
	[sflag:s28] =	ssyncadd.s32 $0xFFFFF800  }
0xf7: {  	[tilespmem:s18], [sflag:$0x2] =	stream.indirect.gather [hbm4b:s4+s17], $0x10, s12, s17, $0xb8;
	[tilespmem:$0xB800] =	vst v63  }
0xf8: {  	_ =	swait.ge [sflag:s3], $0x800  }
0xf9: {  	[sflag:s3] =	ssyncset.done $0x0  }
0xfa: {  	s12 =	sadd.s32 $0x2F00, s7;
	[sflag:s3] =	ssyncadd.s32 $0xFFFFF800  }
0xfb: {  	[spmem:s2] =	stream.indirect.scatter.add.f32 [tilespmem:s21], [sflag:$0xF], $0x10, s12, s17, $0xb8;
	[tilespmem:$0xB800] =	vst v63  }
0xfc: {  	_ =	swait.ge [sflag:s5], $0x800  }
0xfd: {  	[sflag:s5] =	ssyncset.done $0x0  }
0xfe: {  	s12 =	sadd.s32 $0x900, s7;
	[sflag:s5] =	ssyncadd.s32 $0xFFFFF800  }
0xff: {  	[tilespmem:s20], [sflag:$0x3] =	stream.indirect.gather [hbm4b:s4+s17], $0x10, s12, s17, $0xb8;
	[tilespmem:$0xB800] =	vst v63  }
0x100: {  	_ =	swait.ge [sflag:s6], $0x800  }
0x101: {  	[sflag:s6] =	ssyncset.done $0x0  }
.Ltmp1:
0x102: {  	s12 =	sadd.s32 $0x2F80, s7;
	[sflag:s6] =	ssyncadd.s32 $0xFFFFF800;
	(pc) =	sbr.rel @p0 .LBB2_4-.Ltmp1, $4  }
0x103: {  	[spmem:s2] =	stream.indirect.scatter.add.f32 [tilespmem:s0], [sflag:$0x10], $0x10, s12, s17, $0xb8;
	[tilespmem:$0xB800] =	vst v63  }
0x104: {  	_ =	swait.ge [sflag:s15], $0x800  }
0x105: {  	[sflag:s15] =	ssyncset.done $0x0  }
0x106: {  	s7 =	sadd.s32 $0x980, s7;
	[sflag:s15] =	ssyncadd.s32 $0xFFFFF800  }
0x107: {  	[tilespmem:s22], [sflag:$0x4] =	stream.indirect.gather [hbm4b:s4+s17], $0x10, s7, s17, $0xb8;
	[tilespmem:$0xB800] =	vst v63  }
0x108: {  	_ =	swait.ge [sflag:s23], $0x800  }
0x109: {  	[sflag:s23] =	ssyncset.done $0x0  }
0x10a: {  	s13 =	simm.s32 $0x4C00;
	[sflag:s23] =	ssyncadd.s32 $0xFFFFF800  }
0x10b: {  	[spmem:s2] =	stream.indirect.scatter.add.f32 [tilespmem:s16], [sflag:$0x9], $0x10, s13, s17, $0xb8;
	[tilespmem:$0xB800] =	vst v63  }
0x10c: {  	_ =	swait.ge [sflag:s8], $0x800  }
0x10d: {  	[sflag:s8] =	ssyncset.done $0x0  }
0x10e: {  	s12 =	simm.s32 $0x2600;
	[sflag:s8] =	ssyncadd.s32 $0xFFFFF800  }
0x10f: {  	[tilespmem:s25], [sflag:$0x5] =	stream.indirect.gather [hbm4b:s4+s17], $0x10, s12, s17, $0xb8;
	[tilespmem:$0xB800] =	vst v63  }
0x110: {  	_ =	swait.ge [sflag:s26], $0x800  }
0x111: {  	[sflag:s26] =	ssyncset.done $0x0  }
0x112: {  	s13 =	simm.s32 $0x4C80;
	[sflag:s26] =	ssyncadd.s32 $0xFFFFF800  }
0x113: {  	[spmem:s2] =	stream.indirect.scatter.add.f32 [tilespmem:s18], [sflag:$0xA], $0x10, s13, s17, $0xb8;
	[tilespmem:$0xB800] =	vst v63  }
0x114: {  	_ =	swait.ge [sflag:s9], $0x800  }
0x115: {  	[sflag:s9] =	ssyncset.done $0x0  }
0x116: {  	s12 =	simm.s32 $0x2680;
	[sflag:s9] =	ssyncadd.s32 $0xFFFFF800  }
0x117: {  	[tilespmem:s30], [sflag:$0x6] =	stream.indirect.gather [hbm4b:s4+s17], $0x10, s12, s17, $0xb8;
	[tilespmem:$0xB800] =	vst v63  }
0x118: {  	_ =	swait.ge [sflag:s31], $0x800  }
0x119: {  	[sflag:s31] =	ssyncset.done $0x0  }
0x11a: {  	s13 =	simm.s32 $0x4D00;
	[sflag:s31] =	ssyncadd.s32 $0xFFFFF800  }
0x11b: {  	[spmem:s2] =	stream.indirect.scatter.add.f32 [tilespmem:s20], [sflag:$0xB], $0x10, s13, s17, $0xb8;
	[tilespmem:$0xB800] =	vst v63  }
0x11c: {  	_ =	swait.ge [sflag:s10], $0x800  }
0x11d: {  	[sflag:s10] =	ssyncset.done $0x0  }
0x11e: {  	s12 =	simm.s32 $0x2700;
	[sflag:s10] =	ssyncadd.s32 $0xFFFFF800  }
0x11f: {  	[tilespmem:s21], [sflag:$0x7] =	stream.indirect.gather [hbm4b:s4+s17], $0x10, s12, s17, $0xb8;
	[tilespmem:$0xB800] =	vst v63  }
0x120: {  	_ =	swait.ge [sflag:s24], $0x800  }
0x121: {  	[sflag:s24] =	ssyncset.done $0x0  }
0x122: {  	s13 =	simm.s32 $0x4D80;
	[sflag:s24] =	ssyncadd.s32 $0xFFFFF800  }
0x123: {  	[spmem:s2] =	stream.indirect.scatter.add.f32 [tilespmem:s22], [sflag:$0xC], $0x10, s13, s17, $0xb8;
	[tilespmem:$0xB800] =	vst v63  }
0x124: {  	_ =	swait.ge [sflag:s11], $0x800  }
0x125: {  	[sflag:s11] =	ssyncset.done $0x0  }
0x126: {  	s12 =	simm.s32 $0x2780;
	[sflag:s11] =	ssyncadd.s32 $0xFFFFF800  }
0x127: {  	[tilespmem:s0], [sflag:$0x8] =	stream.indirect.gather [hbm4b:s4+s17], $0x10, s12, s17, $0xb8;
	[tilespmem:$0xB800] =	vst v63  }
0x128: {  	_ =	swait.ge [sflag:s19], $0x800  }
0x129: {  	[sflag:s19] =	ssyncset.done $0x0  }
0x12a: {  	s13 =	simm.s32 $0x4E00;
	[sflag:s19] =	ssyncadd.s32 $0xFFFFF800  }
0x12b: {  	[spmem:s2] =	stream.indirect.scatter.add.f32 [tilespmem:s25], [sflag:$0xD], $0x10, s13, s17, $0xb8;
	[tilespmem:$0xB800] =	vst v63  }
0x12c: {  	_ =	swait.ge [sflag:s29], $0x800  }
0x12d: {  	[sflag:s29] =	ssyncset.done $0x0  }
0x12e: {  	[sflag:s29] =	ssyncadd.s32 $0xFFFFF800  }
0x12f: {  	_ =	swait.ge [sflag:s1], $0x800  }
0x130: {  	[sflag:s1] =	ssyncset.done $0x0  }
0x131: {  	s12 =	simm.s32 $0x4E80;
	[sflag:s1] =	ssyncadd.s32 $0xFFFFF800  }
0x132: {  	[spmem:s2] =	stream.indirect.scatter.add.f32 [tilespmem:s30], [sflag:$0xE], $0x10, s12, s17, $0xb8;
	[tilespmem:$0xB800] =	vst v63  }
0x133: {  	_ =	swait.ge [sflag:s28], $0x800  }
0x134: {  	[sflag:s28] =	ssyncset.done $0x0  }
0x135: {  	[sflag:s28] =	ssyncadd.s32 $0xFFFFF800  }
0x136: {  	_ =	swait.ge [sflag:s3], $0x800  }
0x137: {  	[sflag:s3] =	ssyncset.done $0x0  }
0x138: {  	s13 =	simm.s32 $0x4F00;
	[sflag:s3] =	ssyncadd.s32 $0xFFFFF800  }
0x139: {  	[spmem:s2] =	stream.indirect.scatter.add.f32 [tilespmem:s21], [sflag:$0xF], $0x10, s13, s17, $0xb8;
	[tilespmem:$0xB800] =	vst v63  }
0x13a: {  	_ =	swait.ge [sflag:s5], $0x800  }
0x13b: {  	[sflag:s5] =	ssyncset.done $0x0  }
0x13c: {  	[sflag:s5] =	ssyncadd.s32 $0xFFFFF800  }
0x13d: {  	_ =	swait.ge [sflag:s6], $0x800  }
0x13e: {  	[sflag:s6] =	ssyncset.done $0x0  }
0x13f: {  	s12 =	simm.s32 $0x4F80;
	[sflag:s6] =	ssyncadd.s32 $0xFFFFF800  }
0x140: {  	[spmem:s2] =	stream.indirect.scatter.add.f32 [tilespmem:s0], [sflag:$0x10], $0x10, s12, s17, $0xb8;
	[tilespmem:$0xB800] =	vst v63  }
0x141: {  	_ =	swait.ge [sflag:s15], $0x800  }
0x142: {  	[sflag:s15] =	ssyncset.done $0x0  }
0x143: {  	[sflag:s15] =	ssyncadd.s32 $0xFFFFF800  }
0x144: {  	_ =	swait.ge [sflag:s8], $0x800  }
0x145: {  	[sflag:s8] =	ssyncset.done $0x0  }
0x146: {  	[sflag:s8] =	ssyncadd.s32 $0xFFFFF800  }
0x147: {  	_ =	swait.ge [sflag:s9], $0x800  }
0x148: {  	[sflag:s9] =	ssyncset.done $0x0  }
0x149: {  	[sflag:s9] =	ssyncadd.s32 $0xFFFFF800  }
0x14a: {  	_ =	swait.ge [sflag:s10], $0x800  }
0x14b: {  	[sflag:s10] =	ssyncset.done $0x0  }
0x14c: {  	[sflag:s10] =	ssyncadd.s32 $0xFFFFF800  }
0x14d: {  	_ =	swait.ge [sflag:s11], $0x800  }
0x14e: {  	[sflag:s11] =	ssyncset.done $0x0  }
0x14f: {  	[sflag:s11] =	ssyncadd.s32 $0xFFFFF800  }
0x150: {  	s13 =	stileid.u32;
	[bflag:$0x0] =	sbarrier.arrive $0xFFFF  }
0x151: {  	s7 =	sshll.u32 s13, $0x6;
	s12 =	rddreg [dreg:$0x5]  }
0x152: {  	s7 =	sor.u32 $0x1C11, s7;
	s13 =	rddreg [dreg:$0xa];
	s12 =	sshrl.u32 s12, $0x3  }
0x153: {  	[hbm:s13], [sflag:s7] =	dma.local [spmem:s12], $0x500  }
0x154: {  	_ =	swait.ge [sflag:s14], $0x500  }
0x155: {  	s7 =	rddreg [dreg:$0xc]  }
0x156: {  	s13 =	rddreg [dreg:$0xb];
	s12 =	sadd.s32 $0x1, s7  }
0x157: {  	p0 =	sne.s32 s12, s13  }
.Ltmp2:
0x158: {  	_ = 	snop;
	(pc) =	sbr.rel @p0 .LBB2_1-.Ltmp2, $3  }
0x159: {  	_ =	sdelay $0x1  }
0x15a: {  	[sflag:s14] =	ssyncset.done $0x0  }
0x15b: {  	[sflag:s14] =	ssyncadd.s32 $0xFFFFFB00  }
0x15c: {  	_ =	sfence.sel $0x180000  }
0x15d: {  	[bflag:$0x0] =	sbarrier.arrive $0xFFFF  }
0x15e: {  	_ =	strace $0x9000004D  }
0x15f: {  	s0 =	stileid.u32;
	[bflag:$0x2] =	sbarrier.arrive $0xFFFF  }
0x160: {  	p0 =	sne.s32 s0, $0x0;
	s0 =	rddreg [dreg:$0x2]  }
0x161: {  	s0 =	sadd.s32 @!p0 $0x100000, s0  }
0x162: {  	[sflag:s0] =	ssyncadd.tile.s32 @!p0 $0x1;
	_ =	shalt  }
.Lfunc_end2:
_tile_overlayer_lowered:
.L_overlay_start_2:
0x163: {  	(tag) =	ssettag $0x2  }
0x164: {  	s0 =	rddreg [dreg:$0x0];
	s2 =	stileid.u32  }
0x165: {  	s1 =	rddreg [dreg:$0x1];
	p0 =	sne.s32 s2, $0x0  }
0x166: {  	s3 =	rddreg [dreg:$0x2];
	[bflag:$0x3] =	sbarrier.arrive $0xFFFF;
	s2 =	simm.s32 @!p0 $0x1C11  }
0x167: {  	[timem:s3], [sflag:s2] =	dma.local @!p0 [hbm:s0], s1  }
0x168: {  	s0 =	simm.s32 @!p0 $0x11  }
0x169: {  	_ =	swait.ge @!p0 [sflag:s0], s1  }
0x16a: {  	s1 =	ssub.s32 @!p0 $0x0, s1;
	[sflag:s0] =	ssyncset.done @!p0 $0x0  }
0x16b: {  	[sflag:s0] =	ssyncadd.s32 @!p0 s1  }
0x16c: {  	[bflag:$0x3] =	sbarrier.arrive $0xFFFF  }
0x16d: {  	_ =	shalt  }

// kernel: kernel.8.cloned.1.call-start
scs
__scs_entry_jumppad:
0x0: {  	(pc) =	sbr.rel $0x88, $3  }
0x1: {  	(tag) =	ssettag $0x0;
	lr =	simm.s32 $0x1  }
0x2: {  	[smem:$0x3F9A] =	sst lr;
	_ =	strace $0xD0000000  }
0x3: {  	_ = 	snop  }
0x4: {  	_ = 	snop  }
0x5: {  	_ = 	snop  }
0x6: {  	_ = 	snop  }
0x7: {  	_ = 	snop  }
__scs_overlays_trampoline_lowered:
0x8: {  	[smem:$0x3FA9] =	sst s0  }
0x9: {  	[smem:$0x3FAA] =	sst s1  }
0xa: {  	[smem:$0x3FAB] =	sst s2  }
0xb: {  	[smem:$0x3FAC] =	sst s3  }
0xc: {  	[smem:$0x3FAD] =	sst s4  }
0xd: {  	[smem:$0x3FAE] =	sst s5  }
0xe: {  	[smem:$0x3FAF] =	sst s6  }
0xf: {  	[smem:$0x3FB0] =	sst s7  }
0x10: {  	[smem:$0x3FB1] =	sst s8  }
0x11: {  	[smem:$0x3FB2] =	sst s9;
	s0 =	simm.s32 @!p0 $0x0  }
0x12: {  	s1 =	sld [smem:$0x3F98];
	s0 =	simm.s32 @p0 $0x1  }
0x13: {  	[smem:$0x3FB3] =	sst s0;
	s0 =	simm.s32 @!p1 $0x0  }
0x14: {  	s2 =	sld [smem:$0x3F97];
	s0 =	simm.s32 @p1 $0x1  }
0x15: {  	[smem:$0x3FB4] =	sst s0;
	s0 =	simm.s32 @!p2 $0x0  }
0x16: {  	s3 =	sld [smem:$0x3FDB];
	s0 =	simm.s32 @p2 $0x1  }
0x17: {  	s4 =	simm.s32 $0x1BF5;
	[smem:$0x3FB6] =	sst s0  }
0x18: {  	s0 =	sld [smem:$0x3F99];
	_ =	swait.ge [sflag:s4], $0x0  }
0x19: {  	s7 =	sld [smem:$0x3F9A]  }
0x1a: {  	s8 =	sadd.s32 $0xFFFFE003, lr  }
0x1b: {  	s9 =	sadd.s32 $0xFFFFFEF7, lr;
	s5 =	simm.s32 $0xFFFFFFFF;
	p2 =	slt.u32 s8, $0xFFFFF086  }
0x1c: {  	p1 =	slt.u32 s9, $0xF7A;
	s5 =	simm.s32 @!p2 $0x0  }
0x1d: {  	s5 =	simm.s32 @p1 $0x1;
	p0 =	seq.s32 s7, s2  }
0x1e: {  	s7 =	smul.u32 @!p0 $0xF7A, s2;
	p2 =	seq.s32 @!p0 s5, $0x0  }
0x1f: {  	s9 =	smul.u32 $0xF7A, s1;
	s8 =	simm.s32 @!p0 $0x1BF5;
	p2 =	por !p2, p0  }
0x20: {  	[sflag:s8] =	ssyncset.s32 @!p0 $0xFFFFF086;
	s6 =	sadd.s32 @!p0 s3, s7;
	s7 =	simm.s32 @!p0 $0x108  }
0x21: {  	s3 =	sadd.s32 s3, s9;
	s6 =	sadd.s32 @!p0 $0x88, s6;
	s7 =	simm.s32 @p2 $0x1082  }
0x22: {  	[simem:s7], [sflag:s8] =	dma.local @!p0 [hbm:s6], $0xF7A  }
0x23: {  	s9 =	sor.u32 $0xD0000000, s2;
	s6 =	simm.s32 $0x108;
	_ =	swait.ge @!p0 [sflag:s8], $0x0  }
0x24: {  	s3 =	sadd.s32 $0x88, s3;
	s6 =	simm.s32 @!p1 $0x1082;
	[sflag:s4] =	ssyncset.s32 $0xFFFFF086  }
0x25: {  	[simem:s6], [sflag:s4] =	dma.local [hbm:s3], $0xF7A  }
0x26: {  	[smem:$0x3F9A] =	sst s1;
	(tag) =	ssettag s2;
	_ =	strace s9  }
0x27: {  	s1 =	sld [smem:$0x3FAA]  }
0x28: {  	s2 =	sld [smem:$0x3FAB]  }
0x29: {  	s4 =	sld [smem:$0x3FAD]  }
0x2a: {  	p0 =	seq.s32 s5, $0x0;
	s5 =	sld [smem:$0x3FAE]  }
0x2b: {  	s6 =	sld [smem:$0x3FAF]  }
0x2c: {  	s7 =	sld [smem:$0x3FB0]  }
0x2d: {  	s3 =	simm.s32 $0x108;
	s8 =	sld [smem:$0x3FB1]  }
0x2e: {  	s3 =	simm.s32 @!p0 $0x1082;
	s9 =	sld [smem:$0x3FB2]  }
0x2f: {  	lr =	sadd.s32 s0, s3;
	s0 =	sld [smem:$0x3FA9]  }
0x30: {  	s3 =	sld [smem:$0x3FAC]  }
0x31: {  	[smem:$0x3FB5] =	sst s10  }
0x32: {  	s10 =	sld [smem:$0x3FB3];
	_ =	sdelay $0x3  }
0x33: {  	p0 =	seq.s32 s10, $0x1;
	s10 =	sld [smem:$0x3FB5];
	_ =	sdelay $0x3  }
0x34: {  	[smem:$0x3FB5] =	sst s10  }
0x35: {  	s10 =	sld [smem:$0x3FB4];
	_ =	sdelay $0x3  }
0x36: {  	p1 =	seq.s32 s10, $0x1;
	s10 =	sld [smem:$0x3FB5];
	_ =	sdelay $0x3  }
0x37: {  	[smem:$0x3FB5] =	sst s10  }
0x38: {  	s10 =	sld [smem:$0x3FB6]  }
0x39: {  	_ = 	snop;
	(pc) =	sbr.ind lr, $3  }
0x3a: {  	_ = 	snop  }
0x3b: {  	_ = 	snop  }
0x3c: {  	p2 =	seq.s32 s10, $0x1;
	s10 =	sld [smem:$0x3FB5]  }
0x3d: {  	_ =	shalt  }
0x3e: {  	_ =	shalt  }
0x3f: {  	_ =	shalt  }
0x40: {  	_ =	shalt  }
0x41: {  	_ =	shalt  }
0x42: {  	_ =	shalt  }
0x43: {  	_ =	shalt  }
0x44: {  	_ =	shalt  }
0x45: {  	_ =	shalt  }
0x46: {  	_ =	shalt  }
0x47: {  	_ =	shalt  }
0x48: {  	_ =	shalt  }
0x49: {  	_ =	shalt  }
0x4a: {  	_ =	shalt  }
0x4b: {  	_ =	shalt  }
0x4c: {  	_ =	shalt  }
0x4d: {  	_ =	shalt  }
0x4e: {  	_ =	shalt  }
0x4f: {  	_ =	shalt  }
0x50: {  	_ =	shalt  }
0x51: {  	_ =	shalt  }
0x52: {  	_ =	shalt  }
0x53: {  	_ =	shalt  }
0x54: {  	_ =	shalt  }
0x55: {  	_ =	shalt  }
0x56: {  	_ =	shalt  }
0x57: {  	_ =	shalt  }
0x58: {  	_ =	shalt  }
0x59: {  	_ =	shalt  }
0x5a: {  	_ =	shalt  }
0x5b: {  	_ =	shalt  }
0x5c: {  	_ =	shalt  }
0x5d: {  	_ =	shalt  }
0x5e: {  	_ =	shalt  }
0x5f: {  	_ =	shalt  }
0x60: {  	_ =	shalt  }
0x61: {  	_ =	shalt  }
0x62: {  	_ =	shalt  }
0x63: {  	_ =	shalt  }
0x64: {  	_ =	shalt  }
0x65: {  	_ =	shalt  }
0x66: {  	_ =	shalt  }
0x67: {  	_ =	shalt  }
0x68: {  	_ =	shalt  }
0x69: {  	_ =	shalt  }
0x6a: {  	_ =	shalt  }
0x6b: {  	_ =	shalt  }
0x6c: {  	_ =	shalt  }
0x6d: {  	_ =	shalt  }
0x6e: {  	_ =	shalt  }
0x6f: {  	_ =	shalt  }
0x70: {  	_ =	shalt  }
0x71: {  	_ =	shalt  }
0x72: {  	_ =	shalt  }
0x73: {  	_ =	shalt  }
0x74: {  	_ =	shalt  }
0x75: {  	_ =	shalt  }
0x76: {  	_ =	shalt  }
0x77: {  	_ =	shalt  }
0x78: {  	_ =	shalt  }
0x79: {  	_ =	shalt  }
0x7a: {  	_ =	shalt  }
0x7b: {  	_ =	shalt  }
0x7c: {  	_ =	shalt  }
0x7d: {  	_ =	shalt  }
0x7e: {  	_ =	shalt  }
0x7f: {  	_ =	shalt  }
0x80: {  	_ =	shalt  }
0x81: {  	_ =	shalt  }
0x82: {  	_ =	shalt  }
0x83: {  	_ =	shalt  }
0x84: {  	_ =	shalt  }
0x85: {  	_ =	shalt  }
0x86: {  	_ =	shalt  }
0x87: {  	_ =	shalt  }
.Lfunc_end0:
.L_simem_size_0:
called_computation_lowered:
.L_overlay_start_0:
0x88: {  	s2 =	sld [smem:$0x3FD9]  }
0x89: {  	s3 =	sld [smem:$0x3FFE];
	_ =	sdelay $0x1  }
0x8a: {  	s1 =	srdreg.scid  }
0x8b: {  	s0 =	sand.u32 $0x1, s1  }
0x8c: {  	s16 =	sshll.u32 s0, $0xA;
	s2 =	sadd.s32 s3, s2  }
0x8d: {  	s2 =	sadd.s32 s2, s16  }
0x8e: {  	[smem:$0x3FC1] =	sst s2  }
0x8f: {  	_ = 	snop  }
0x90: {  	(tm) =	ssettm $0x1  }
0x91: {  	s17 =	sld [smem:$0x3FFB];
	_ =	sdelay $0x3  }
0x92: {  	_ =	strace s17  }
0x93: {  	s2 =	sld [smem:$0x3FFC];
	_ =	sdelay $0x3  }
0x94: {  	_ =	strace s2  }
0x95: {  	s2 =	sld [smem:$0x3FFD];
	_ =	sdelay $0x3  }
0x96: {  	_ =	strace s2  }
0x97: {  	_ =	strace $0x8FFFFFFF  }
0x98: {  	s18 =	sld [smem:$0x3FDB];
	_ =	sdelay $0x1  }
0x99: {  	s19 =	simm.s32 $_scs_section_size  }
0x9a: {  	s4 =	simm.s32 $_size__tile_overlayer_lowered;
	s5 =	simm.s32 $_tile_overlayer_lowered  }
0x9b: {  	s22 =	simm.s32 $0x1BFF;
	s21 =	sshll.u32 s5, $0x1;
	s2 =	sadd.s32 s19, s18  }
0x9c: {  	s6 =	simm.s32 $0x0;
	s20 =	sshll.u32 s4, $0x1;
	s4 =	sadd.s32 s21, s2  }
0x9d: {  	[timem:s6], [sflag:s22] =	dma.local [hbm:s4], s20  }
0x9e: {  	_ =	swait.ge [sflag:s22], s20  }
0x9f: {  	s3 =	ssub.s32 $0x0, s20;
	[sflag:s22] =	ssyncset.done $0x0  }
0xa0: {  	[sflag:s22] =	ssyncadd.s32 s3;
	_ =	sdelay $0x1  }
0xa1: {  	s23 =	simm.s32 $0x1B8B  }
0xa2: {  	_ =	swait.ge [sflag:s23], $0x1  }
0xa3: {  	[sflag:s23] =	ssyncset.done $0x0  }
0xa4: {  	s25 =	simm.s32 $0x1B8E;
	s24 =	sld [smem:$0x3FFE];
	[sflag:s23] =	ssyncadd.s32 $0xFFFFFFFF  }
0xa5: {  	s26 =	simm.s32 $execute0_lowered;
	[smem:$0x3FD2] =	sst s25  }
0xa6: {  	s4 =	sshll.u32 s26, $0x1;
	_ =	strace $0x80000046;
	[dreg:$0x1] =	wrdreg $0xFFFFFFFF  }
0xa7: {  	s28 =	simm.s32 $_size_execute0_lowered;
	s2 =	sadd.s32 s2, s4;
	[dreg:$0x0] =	wrdreg $0x0  }
0xa8: {  	s4 =	sshll.u32 s28, $0x1;
	[dreg:$0x2] =	wrdreg s2  }
0xa9: {  	[dreg:$0x3] =	wrdreg s4  }
0xaa: {  	[dreg:$0x4] =	wrdreg $0xC0  }
0xab: {  	_ =	task [dreg:s6], $0x5FFFF  }
0xac: {  	[dreg:$0x1] =	wrdreg $0xFFFFFFFF  }
0xad: {  	[dreg:$0x0] =	wrdreg $0x60  }
0xae: {  	[dreg:$0x2] =	wrdreg s24  }
0xaf: {  	[dreg:$0x3] =	wrdreg $0x9  }
0xb0: {  	_ =	task.clear_ibuf [dreg:s6], $0x4FFFF;
	_ =	strace $0x90000046  }
0xb1: {  	s29 =	simm.s32 $0x9;
	_ =	strace $0x80000048  }
0xb2: {  	_ =	swait.ge [sflag:s29], $0x1  }
0xb3: {  	[sflag:s29] =	ssyncadd.s32 $0xFFFFFFFF  }
0xb4: {  	_ =	strace $0x90000048  }
0xb5: {  	_ =	sfence  }
0xb6: {  	s30 =	sld [smem:$0x0];
	_ =	sdelay $0x2  }
0xb7: {  	s31 =	sshll.u32 s1, $0xD;
	s1 =	sshrl.u32 s1, $0x2  }
0xb8: {  	s3 =	sand.u32 $0x4000, s31;
	s1 =	sadd.s32 s1, s30  }
0xb9: {  	s0 =	sor.u32 s3, s0;
	s1 =	sshll.u32 s1, $0x11  }
0xba: {  	s0 =	sor.u32 s1, s0  }
0xbb: {  	s0 =	sadd.s32 $0x8F2B, s0  }
0xbc: {  	[sflag:s0] =	ssyncadd.remote.s32 $0x1  }
0xbd: {  	_ =	sfence.sel $0xFFFF  }
0xbe: {  	[dreg:$0x0] =	wrdreg $0xFFFFFFFF;
	(pc) =	sbr.abs _section_cstart, $3  }
0xbf: {  	[dreg:$0x1] =	wrdreg $0xFFFFFFFF  }
0xc0: {  	_ =	task.clear_ibuf [dreg:s6], $0x2FFFF;
	_ =	strace $0x9FFFFFFF  }
0xc1: {  	(tm) =	ssettm $0x7FFFFFFF  }
tec
execute0_lowered:
.L_overlay_start_1:
0x0: {  	(tag) =	ssettag $0x1  }
0x1: {  	s1 =	srdreg.scid  }
0x2: {  	s0 =	stileid.u32;
	s5 =	rddreg [dreg:$0x0];
	s7 =	simm.s32 $0x400  }
0x3: {  	s8 =	simm.s32 $0x1;
	s9 =	simm.s32 $0x2800;
	s10 =	simm.s32 $0x0  }
0x4: {  	s3 =	sand.u32 $0x1, s1;
	s29 =	sshrl.u32 s0, $0x2;
	s2 =	sshll.u32 s0, $0x8  }
0x5: {  	s4 =	smul.u32 $0x14000, s29;
	s30 =	sshll.u32 s3, $0x7;
	s2 =	sand.u32 $0x300, s2  }
0x6: {  	s1 =	rddreg [dreg:$0x1];
	s3 =	ssub.s32 $0x2, s3;
	s6 =	sor.u32 s30, s2  }
0x7: {  	s2 =	simm.s32 $0x0;
	s31 =	sshrl.u32 s3, $0x1;
	s4 =	sor.u32 s4, s6  }
0x8: {  	[smem:$0x7FF] =	sst s2;
	s6 =	simm.s32 $0x80;
	s4 =	sshrl.u32 s4, $0x3  }
0x9: {  	_ =	strace $0x80000047;
	s4 =	sadd.s32 s4, s5;
	s5 =	ssub.s32 s3, s31  }
0xa: {  	v0 =	vimm.f32 $0.0e+00;
	v1 =	vimm.f32 $1.000000000e+00;
	s3 =	sadd.s32 $0xC200, s4;
	s4 =	sadd.s32 $0x16200, s4;
	s5 =	smax.u32 s5, $0x1  }
.LBB2_1:
0xb: {  	[tilespmem:s2], [sflag:$0x1] =	stream.strided.gather [hbm4b:s3+s6], $0x2800, s7, s6, $0x38;
	[tilespmem:$0x5000] =	vst v63  }
0xc: {  	_ =	swait.ge [sflag:s8], $0x2800  }
0xd: {  	[sflag:s8] =	ssyncset.done $0x0  }
0xe: {  	s13 =	simm.s32 $0x2840;
	[sflag:s8] =	ssyncadd.s32 $0xFFFFD800  }
0xf: {  	[tilespmem:s13+$0xFFFFFFC0] =	vst v0  }
0x10: {  	[tilespmem:s13+$0x30] =	vst v0  }
0x11: {  	[tilespmem:s13+$0x20] =	vst v0  }
0x12: {  	[tilespmem:s13+$0x10] =	vst v0  }
0x13: {  	[tilespmem:s13+$0x0] =	vst v0  }
0x14: {  	[tilespmem:s13+$0xFFFFFFF0] =	vst v0  }
0x15: {  	s11 =	simm.s32 $0xFFFFFFF8;
	s14 =	simm.s32 $0x0;
	[tilespmem:s13+$0xFFFFFFE0] =	vst v0  }
.LBB2_2:
0x16: {  	s14 =	sadd.s32 $0x8, s14;
	[tilespmem:s13+$0xFFFFFFD0] =	vst v0;
	s13 =	sadd.s32 $0x80, s13;
	s12 =	simm.s32 $0x40  }
0x17: {  	[tilespmem:s13+$0xFFFFFFC0] =	vst v0;
	p0 =	slt.u32 s14, $0x278  }
0x18: {  	[tilespmem:s13+$0x30] =	vst v0  }
.Ltmp0:
0x19: {  	[tilespmem:s13+$0x20] =	vst v0;
	(pc) =	sbr.rel @p0 .LBB2_2-.Ltmp0, $4  }
0x1a: {  	[tilespmem:s13+$0x10] =	vst v0  }
0x1b: {  	[tilespmem:s13+$0x0] =	vst v0  }
0x1c: {  	[tilespmem:s13+$0xFFFFFFF0] =	vst v0  }
0x1d: {  	[tilespmem:s13+$0xFFFFFFE0] =	vst v0  }
0x1e: {  	[tilespmem:s13+$0xFFFFFFD0] =	vst v0  }
.LBB2_4:
0x1f: {  	v2 =	vld [tilespmem:s12+$0xFFFFFFC0];
	_ =	sdelay $0x7  }
0x20: {  	[tilespmem:v2+s9+$0x0] =	vst.idx.add.f32.msk $0xffff, v1  }
0x21: {  	v2 =	vld [tilespmem:s12+$0xFFFFFFD0];
	_ =	sdelay $0x7  }
0x22: {  	[tilespmem:v2+s9+$0x0] =	vst.idx.add.f32.msk $0xffff, v1  }
0x23: {  	v2 =	vld [tilespmem:s12+$0xFFFFFFE0];
	_ =	sdelay $0x7  }
0x24: {  	[tilespmem:v2+s9+$0x0] =	vst.idx.add.f32.msk $0xffff, v1  }
0x25: {  	v2 =	vld [tilespmem:s12+$0xFFFFFFF0];
	_ =	sdelay $0x7  }
0x26: {  	[tilespmem:v2+s9+$0x0] =	vst.idx.add.f32.msk $0xffff, v1  }
0x27: {  	v2 =	vld [tilespmem:s12+$0x0];
	_ =	sdelay $0x7  }
0x28: {  	[tilespmem:v2+s9+$0x0] =	vst.idx.add.f32.msk $0xffff, v1  }
0x29: {  	v2 =	vld [tilespmem:s12+$0x10];
	_ =	sdelay $0x7  }
0x2a: {  	[tilespmem:v2+s9+$0x0] =	vst.idx.add.f32.msk $0xffff, v1  }
0x2b: {  	v2 =	vld [tilespmem:s12+$0x20];
	_ =	sdelay $0x7  }
0x2c: {  	[tilespmem:v2+s9+$0x0] =	vst.idx.add.f32.msk $0xffff, v1  }
0x2d: {  	v2 =	vld [tilespmem:s12+$0x30];
	_ =	sdelay $0x1  }
0x2e: {  	s11 =	sadd.s32 $0x8, s11  }
0x2f: {  	p0 =	slt.u32 s11, $0x278  }
.Ltmp1:
0x30: {  	_ = 	snop;
	(pc) =	sbr.rel @p0 .LBB2_4-.Ltmp1, $2  }
0x31: {  	_ =	sdelay $0x2  }
0x32: {  	s12 =	sadd.s32 $0x80, s12;
	[tilespmem:v2+s9+$0x0] =	vst.idx.add.f32.msk $0xffff, v1  }
0x33: {  	s10 =	sadd.s32 $0x1, s10  }
0x34: {  	p0 =	sne.s32 s10, s5  }
.Ltmp2:
0x35: {  	_ = 	snop;
	(pc) =	sbr.rel @p0 .LBB2_1-.Ltmp2, $4  }
0x36: {  	[hbm4b:s4+s6] =	stream.strided.scatter [tilespmem:s9], [sflag:$0x1], $0x2800, s7, s6, $0x38;
	[tilespmem:$0x5000] =	vst v63  }
0x37: {  	_ =	swait.ge [sflag:s8], $0x2800  }
0x38: {  	[sflag:s8] =	ssyncset.done $0x0  }
0x39: {  	[sflag:s8] =	ssyncadd.s32 $0xFFFFD800  }
0x3a: {  	_ =	sfence.sel $0x180000  }
0x3b: {  	[bflag:$0x0] =	sbarrier.arrive $0xFFFF  }
0x3c: {  	p0 =	sne.s32 s0, $0x0;
	_ =	strace $0x90000047  }
0x3d: {  	s0 =	sadd.s32 @!p0 $0x100000, s1;
	[bflag:$0x2] =	sbarrier.arrive $0xFFFF  }
0x3e: {  	[sflag:s0] =	ssyncadd.tile.s32 @!p0 $0x1;
	_ =	shalt  }
.Lfunc_end2:
_tile_overlayer_lowered:
.L_overlay_start_2:
0x3f: {  	(tag) =	ssettag $0x2  }
0x40: {  	s0 =	rddreg [dreg:$0x0];
	s2 =	stileid.u32  }
0x41: {  	s1 =	rddreg [dreg:$0x1];
	p0 =	sne.s32 s2, $0x0  }
0x42: {  	s3 =	rddreg [dreg:$0x2];
	[bflag:$0x3] =	sbarrier.arrive $0xFFFF;
	s2 =	simm.s32 @!p0 $0x1C01  }
0x43: {  	[timem:s3], [sflag:s2] =	dma.local @!p0 [hbm:s0], s1  }
0x44: {  	s0 =	simm.s32 @!p0 $0x1  }
0x45: {  	_ =	swait.ge @!p0 [sflag:s0], s1  }
0x46: {  	s1 =	ssub.s32 @!p0 $0x0, s1;
	[sflag:s0] =	ssyncset.done @!p0 $0x0  }
0x47: {  	[sflag:s0] =	ssyncadd.s32 @!p0 s1  }
0x48: {  	[bflag:$0x3] =	sbarrier.arrive $0xFFFF  }
0x49: {  	_ =	shalt  }

</sc_bundles>
